<compile_context>
chip_gen: v7x
topology: tpu7x:2x2x1
jax: 0.10.2.dev20260603
libtpu: 0.0.44.dev20260713+nightly
codegen_flags: <defaults>
</compile_context>

<pallas_src>
import functools

import jax
import jax.numpy as jnp
from jax import lax
from jax.experimental import pallas as pl
from jax.experimental.pallas import tpu as pltpu
from jax.experimental.pallas import tpu_sc as plsc

N = 10000
E = 160000
D = 256
EPS = 1e-5

NPH = 4
DQ = D // NPH

NC = 2
NS = 16
B = 128
NCH = 80
EROWS = NS * NCH
EPAD = EROWS * B - E
CAP = NCH * B + 2 * B
NHALF = N // NC
GROW = NHALF
ACCR = NHALF + 8
SLAB = 312
TAIL = NHALF - NS * SLAB
TAIL_OFF = NS * SLAB

RB = 1000
NRB = N // RB


def _ln_body(x_ref, g_ref, b_ref, o_ref):
    xb = x_ref[...]
    mu = jnp.mean(xb, axis=-1, keepdims=True)
    xc = xb - mu
    var = jnp.mean(xc * xc, axis=-1, keepdims=True)
    xn = xc * lax.rsqrt(var + EPS) * g_ref[...] + b_ref[...]
    h = jnp.maximum(xn, 0.0)
    for q in range(NPH):
        o_ref[q] = h[:, q * DQ:(q + 1) * DQ]


_ln_call = pl.pallas_call(
    _ln_body,
    grid=(NRB,),
    in_specs=[
        pl.BlockSpec((RB, D), lambda i: (i, 0)),
        pl.BlockSpec((1, D), lambda i: (0, 0)),
        pl.BlockSpec((1, D), lambda i: (0, 0)),
    ],
    out_specs=pl.BlockSpec((NPH, RB, DQ), lambda i: (0, i, 0)),
    out_shape=jax.ShapeDtypeStruct((NPH, N, DQ), jnp.float32),
)


_mesh = plsc.VectorSubcoreMesh(
    core_axis_name="c", subcore_axis_name="s", num_cores=NC, num_subcores=NS
)


@functools.partial(
    pl.kernel,
    out_type=(
        jax.ShapeDtypeStruct((NPH * N, DQ), jnp.float32),
        jax.ShapeDtypeStruct((N, 16), jnp.float32),
    ),
    mesh=_mesh,
    compiler_params=pltpu.CompilerParams(use_tc_tiling_on_sc=False,
                                         needs_layout_passes=False),
    scratch_types=(
        pltpu.VMEM((NCH, B), jnp.int32),
        pltpu.VMEM((NCH, B), jnp.int32),
        pltpu.VMEM((CAP,), jnp.int32),
        pltpu.VMEM((CAP,), jnp.int32),
        pltpu.VMEM((16,), jnp.int32),
        pltpu.VMEM((2, B, DQ), jnp.float32),
        pltpu.VMEM((B, 16), jnp.float32),
        pltpu.VMEM((SLAB, DQ), jnp.float32),
        pltpu.VMEM((SLAB, DQ), jnp.float32),
        pltpu.VMEM((SLAB, 16), jnp.float32),
        pltpu.VMEM_SHARED((ACCR, DQ), jnp.float32),
        pltpu.VMEM_SHARED((ACCR, 16), jnp.float32),
        pltpu.SemaphoreType.DMA,
        pltpu.SemaphoreType.DMA,
        pltpu.SemaphoreType.DMA,
        pltpu.SemaphoreType.DMA,
        pltpu.SemaphoreType.DMA,
    ),
)
def _sc_aggregate(src_hbm, dst_hbm, hq_hbm, zrows_hbm, zcnt_hbm, ones_hbm,
                  agg_out, cnt_out,
                  srcr_t, dstr_t, srcc_t, dstc_t, mbuf_v, rows_v, ones_v,
                  stage_v, zbuf_v, stagec_v, acc_sh, cnt_sh,
                  sem_g0, sem_g1, sem_s0, sem_s1, sem_c):
    c = lax.axis_index("c")
    s = lax.axis_index("s")
    cbase = c * NHALF
    sem_g = (sem_g0, sem_g1)
    sem_s = (sem_s0, sem_s1)

    pltpu.sync_copy(ones_hbm, ones_v)
    pltpu.sync_copy(src_hbm.at[pl.ds(s * NCH, NCH)], srcr_t)
    pltpu.sync_copy(dst_hbm.at[pl.ds(s * NCH, NCH)], dstr_t)

    def _compact_row(j, mvec):
        for i in range(B // 16):
            sl = pl.ds(i * 16, 16)
            t = dstr_t[j, sl] - cbase
            valid = jnp.logical_and(t >= 0, t < NHALF)
            pos = mvec - 1 + plsc.cumsum(jnp.where(valid, 1, 0))
            plsc.store_scatter(dstc_t, [pos], t, mask=valid)
            plsc.store_scatter(srcc_t, [pos], srcr_t[j, sl], mask=valid)
            mvec = mvec + plsc.all_reduce_population_count(valid)
        return mvec

    mvec = lax.fori_loop(0, NCH, _compact_row,
                         jnp.zeros((16,), jnp.int32))
    mbuf_v[...] = mvec
    m = mbuf_v[pl.ds(0, 16)][0]

    mpad = ((m + 2 * B - 1) // (2 * B)) * (2 * B)
    zeros16 = jnp.zeros((16,), jnp.int32)
    grow16 = zeros16 + GROW

    def _pad(g, carry):
        idx = m + g * 16 + lax.iota(jnp.int32, 16)
        mask = idx < mpad
        plsc.store_scatter(dstc_t, [idx], grow16, mask=mask)
        plsc.store_scatter(srcc_t, [idx], zeros16, mask=mask)
        return carry

    lax.fori_loop(0, 2 * B // 16, _pad, 0)
    npair = mpad // (2 * B)

    def _gather(j, d):
        return pltpu.async_copy(hq_hbm.at[srcc_t.at[pl.ds(j * B, B)]],
                                rows_v.at[d], sem_g[d])

    def _gather_wait(j, d):
        pltpu.make_async_copy(hq_hbm.at[srcc_t.at[pl.ds(j * B, B)]],
                              rows_v.at[d], sem_g[d]).wait()

    def _scat(j, d):
        pltpu.async_copy(rows_v.at[d], acc_sh.at[dstc_t.at[pl.ds(j * B, B)]],
                         sem_s[d], add=True)

    def _scat_wait(j, d):
        pltpu.make_async_copy(rows_v.at[d],
                              acc_sh.at[dstc_t.at[pl.ds(j * B, B)]],
                              sem_s[d]).wait()

    def _cnt(j):
        pltpu.async_copy(ones_v, cnt_sh.at[dstc_t.at[pl.ds(j * B, B)]],
                         sem_c, add=True)

    def _cnt_wait(j):
        pltpu.make_async_copy(ones_v, cnt_sh.at[dstc_t.at[pl.ds(j * B, B)]],
                              sem_c).wait()

    for p in range(NPH):
        if p > 0:
            def _bump(g, carry):
                sl = pl.ds(g * 16, 16)
                srcc_t[sl] = srcc_t[sl] + N
                return carry

            lax.fori_loop(0, CAP // 16, _bump, 0)

        if p == 0:
            pltpu.sync_copy(zrows_hbm, zbuf_v)
        pltpu.sync_copy(zbuf_v, acc_sh.at[pl.ds(s * SLAB, SLAB)])

        @pl.when(s == 0)
        def _():
            pltpu.sync_copy(zbuf_v.at[pl.ds(0, TAIL)],
                            acc_sh.at[pl.ds(TAIL_OFF, TAIL)])

        if p == 0:
            pltpu.sync_copy(zcnt_hbm, stagec_v)
            pltpu.sync_copy(stagec_v, cnt_sh.at[pl.ds(s * SLAB, SLAB)])

            @pl.when(s == 0)
            def _():
                pltpu.sync_copy(stagec_v.at[pl.ds(0, TAIL)],
                                cnt_sh.at[pl.ds(TAIL_OFF, TAIL)])

        plsc.subcore_barrier()

        @pl.when(npair > 0)
        def _():
            _gather(0, 0)

        def _pipe(k, carry):
            a = 2 * k
            b = a + 1

            @pl.when(k > 0)
            def _():
                _scat_wait(a - 1, 1)

            _gather(b, 1)
            _gather_wait(a, 0)
            _scat(a, 0)
            if p == 0:
                @pl.when(k > 3)
                def _():
                    _cnt_wait(a - 8)
                    _cnt_wait(a - 7)

                _cnt(a)
                _cnt(b)

            @pl.when(k < npair - 1)
            def _():
                _scat_wait(a, 0)
                _gather(a + 2, 0)

            _gather_wait(b, 1)
            _scat(b, 1)
            return carry

        lax.fori_loop(0, npair, _pipe, 0)

        @pl.when(npair > 0)
        def _():
            _scat_wait(2 * npair - 2, 0)
            _scat_wait(2 * npair - 1, 1)

        if p == 0:
            def _drain(j, carry):
                _cnt_wait(j)
                return carry

            lax.fori_loop(jnp.maximum(2 * npair - 8, 0), 2 * npair,
                          _drain, 0)

        plsc.subcore_barrier()

        out0 = p * N + cbase
        pltpu.sync_copy(acc_sh.at[pl.ds(s * SLAB, SLAB)], stage_v)
        pltpu.sync_copy(stage_v, agg_out.at[pl.ds(out0 + s * SLAB, SLAB)])

        @pl.when(s == 0)
        def _():
            pltpu.sync_copy(acc_sh.at[pl.ds(TAIL_OFF, TAIL)],
                            stage_v.at[pl.ds(0, TAIL)])
            pltpu.sync_copy(stage_v.at[pl.ds(0, TAIL)],
                            agg_out.at[pl.ds(out0 + TAIL_OFF, TAIL)])

        if p == 0:
            pltpu.sync_copy(cnt_sh.at[pl.ds(s * SLAB, SLAB)], stagec_v)
            pltpu.sync_copy(stagec_v, cnt_out.at[pl.ds(cbase + s * SLAB, SLAB)])

            @pl.when(s == 0)
            def _():
                pltpu.sync_copy(cnt_sh.at[pl.ds(TAIL_OFF, TAIL)],
                                stagec_v.at[pl.ds(0, TAIL)])
                pltpu.sync_copy(stagec_v.at[pl.ds(0, TAIL)],
                                cnt_out.at[pl.ds(cbase + TAIL_OFF, TAIL)])


def _out_body(*refs):
    agg_refs = refs[:NPH]
    c_ref = refs[NPH]
    h_refs = refs[NPH + 1:2 * NPH + 1]
    wl_ref, bl_ref, wr_ref, o_ref = refs[2 * NPH + 1:]
    inv = 1.0 / jnp.maximum(c_ref[:, 0:1], 1.0)
    dn = (((1,), (1,)), ((), ()))
    acc = bl_ref[...] + jnp.zeros((RB, D), jnp.float32)
    for q in range(NPH):
        acc += lax.dot_general(agg_refs[q][...] * inv,
                               wl_ref[:, q * DQ:(q + 1) * DQ], dn,
                               preferred_element_type=jnp.float32)
        acc += lax.dot_general(h_refs[q][...],
                               wr_ref[:, q * DQ:(q + 1) * DQ], dn,
                               preferred_element_type=jnp.float32)
    o_ref[...] = acc


def _group_spec(q):
    return pl.BlockSpec((RB, DQ), lambda i, q=q: (q * NRB + i, 0))


_out_call = pl.pallas_call(
    _out_body,
    grid=(NRB,),
    in_specs=(
        [_group_spec(q) for q in range(NPH)]
        + [pl.BlockSpec((RB, 16), lambda i: (i, 0))]
        + [_group_spec(q) for q in range(NPH)]
        + [
            pl.BlockSpec((D, D), lambda i: (0, 0)),
            pl.BlockSpec((1, D), lambda i: (0, 0)),
            pl.BlockSpec((D, D), lambda i: (0, 0)),
        ]
    ),
    out_specs=pl.BlockSpec((RB, D), lambda i: (i, 0)),
    out_shape=jax.ShapeDtypeStruct((N, D), jnp.float32),
)


def kernel(x, edge_index, gamma, beta, W_l, b_l, W_r):
    hq = _ln_call(x, gamma.reshape(1, D), beta.reshape(1, D))
    hqf = hq.reshape(NPH * N, DQ)
    src = jnp.concatenate(
        [edge_index[0], jnp.zeros((EPAD,), jnp.int32)]).reshape(EROWS, B)
    dst = jnp.concatenate(
        [edge_index[1], jnp.full((EPAD,), N, jnp.int32)]).reshape(EROWS, B)
    zrows = jnp.zeros((SLAB, DQ), jnp.float32)
    zcnt = jnp.zeros((SLAB, 16), jnp.float32)
    ones = jnp.ones((B, 16), jnp.float32)
    agg, cnt = _sc_aggregate(src, dst, hqf, zrows, zcnt, ones)
    args = ([agg] * NPH) + [cnt] + ([hqf] * NPH)
    return _out_call(*args, W_l, b_l.reshape(1, D), W_r)

# --- scband reference (transcript-rebuilt; emitter-appended) ---
"""Pipeline reference for scband-sageconv-block-3848290697221 (READ-ONLY COPY).

The authoritative reference and input builder live on the scoring server;
editing this copy changes nothing except your own understanding.
"""

import jax, jax.numpy as jnp
import numpy as np

N = 10000
E = 160000
D = 256
EPS = 1e-5


def setup_inputs(seed: int = 0) -> dict:
    key = jax.random.key(seed)
    ks = jax.random.split(key, 6)
    x = jax.random.normal(ks[0], (N, D), dtype=jnp.float32)
    edge_index = jax.random.randint(ks[1], (2, E), 0, N, dtype=jnp.int32)
    # LayerNorm affine params (elementwise_affine=True defaults)
    gamma = jnp.ones((D,), dtype=jnp.float32)
    beta = jnp.zeros((D,), dtype=jnp.float32)
    # SAGEConv params: lin_l (neighbor path, carries bias), lin_r (root path, no bias)
    scale = 1.0 / np.sqrt(D)
    W_l = jax.random.normal(ks[2], (D, D), dtype=jnp.float32) * scale
    b_l = jax.random.normal(ks[3], (D,), dtype=jnp.float32) * scale
    W_r = jax.random.normal(ks[4], (D, D), dtype=jnp.float32) * scale
    return {"x": x, "edge_index": edge_index, "gamma": gamma, "beta": beta,
            "W_l": W_l, "b_l": b_l, "W_r": W_r}


def reference(x, edge_index, gamma, beta, W_l, b_l, W_r):
    # LayerNorm over last dim + ReLU
    mu = jnp.mean(x, axis=-1, keepdims=True)
    var = jnp.mean((x - mu) ** 2, axis=-1, keepdims=True)
    xn = (x - mu) / jnp.sqrt(var + EPS) * gamma + beta
    h = jax.nn.relu(xn)
    # SAGEConv with mean aggregation: edge_index[0]=src(j), edge_index[1]=dst(i)
    src = edge_index[0]
    dst = edge_index[1]
    msgs = jnp.take(h, src, axis=0)                              # gather [E, D]
    agg_sum = jax.ops.segment_sum(msgs, dst, num_segments=N)     # scatter-add [N, D]
    cnt = jax.ops.segment_sum(jnp.ones((E, 1), dtype=h.dtype), dst, num_segments=N)
    agg_mean = agg_sum / jnp.clip(cnt, 1.0, None)
    out = agg_mean @ W_l.T + b_l + h @ W_r.T
    return out

if __name__ == "__main__":
    import jax
    _d = setup_inputs()
    print(jax.jit(kernel)(*tuple(_d.values())))

</pallas_src>

<mosaic_0001>
#map = affine_map<(d0, d1) -> (0, 0)>
module attributes {stable_mosaic.version = 14 : i64} {
  func.func @_sc_aggregate(%arg0: i32, %arg1: i32, %arg2: memref<1280x128xi32, #tpu.memory_space<hbm>>, %arg3: memref<1280x128xi32, #tpu.memory_space<hbm>>, %arg4: memref<40000x64xf32, #tpu.memory_space<hbm>>, %arg5: memref<312x64xf32, #tpu.memory_space<hbm>>, %arg6: memref<312x16xf32, #tpu.memory_space<hbm>>, %arg7: memref<128x16xf32, #tpu.memory_space<hbm>>, %arg8: memref<40000x64xf32, #tpu.memory_space<hbm>>, %arg9: memref<10000x16xf32, #tpu.memory_space<hbm>>, %arg10: memref<80x128xi32, #tpu.memory_space<vmem>>, %arg11: memref<80x128xi32, #tpu.memory_space<vmem>>, %arg12: memref<10496xi32, #tpu.memory_space<vmem>>, %arg13: memref<10496xi32, #tpu.memory_space<vmem>>, %arg14: memref<16xi32, #tpu.memory_space<vmem>>, %arg15: memref<2x128x64xf32, #tpu.memory_space<vmem>>, %arg16: memref<128x16xf32, #tpu.memory_space<vmem>>, %arg17: memref<312x64xf32, #tpu.memory_space<vmem>>, %arg18: memref<312x64xf32, #tpu.memory_space<vmem>>, %arg19: memref<312x16xf32, #tpu.memory_space<vmem>>, %arg20: memref<5008x64xf32, #tpu.memory_space<vmem_shared>>, %arg21: memref<5008x16xf32, #tpu.memory_space<vmem_shared>>, %arg22: memref<!tpu.dma_semaphore, #tpu.memory_space<semaphore_mem>>, %arg23: memref<!tpu.dma_semaphore, #tpu.memory_space<semaphore_mem>>, %arg24: memref<!tpu.dma_semaphore, #tpu.memory_space<semaphore_mem>>, %arg25: memref<!tpu.dma_semaphore, #tpu.memory_space<semaphore_mem>>, %arg26: memref<!tpu.dma_semaphore, #tpu.memory_space<semaphore_mem>>) attributes {dimension_semantics = [#tpu.dimension_semantics<core_parallel>, #tpu.dimension_semantics<subcore_parallel>], iteration_bounds = array<i64: 2, 16>, scalar_prefetch = 0 : i64, scratch_operands = 17 : i64, tpu.core_type = #tpu.core_type<sc_vector_subcore>, window_params = [{transform_indices = #map}, {transform_indices = #map}, {transform_indices = #map}, {transform_indices = #map}, {transform_indices = #map}, {transform_indices = #map}, {transform_indices = #map}, {transform_indices = #map}]} {
    %mul3A = arith.constant 5000 : i32
    %mul3A_0 = arith.muli %arg0, %mul3A : i32
    "tpu.region"() ({
      %run_scoped3A = tpu.sem_alloc : memref<!tpu.dma_semaphore, #tpu.memory_space<semaphore_mem>>
      tpu.enqueue_dma source(%arg7 : memref<128x16xf32, #tpu.memory_space<hbm>>) target(%arg16 : memref<128x16xf32, #tpu.memory_space<vmem>>) target_semaphore(%run_scoped3A : memref<!tpu.dma_semaphore, #tpu.memory_space<semaphore_mem>>)
      tpu.wait_dma2 semaphore(%run_scoped3A : memref<!tpu.dma_semaphore, #tpu.memory_space<semaphore_mem>>) src(%arg7 : memref<128x16xf32, #tpu.memory_space<hbm>>) dst(%arg16 : memref<128x16xf32, #tpu.memory_space<vmem>>)
      tpu.yield
    }) : () -> ()
    %mul3A_1 = arith.constant 80 : i32
    %mul3A_2 = arith.muli %arg1, %mul3A_1 : i32
    "tpu.region"() ({
      %run_scoped3A = tpu.sem_alloc : memref<!tpu.dma_semaphore, #tpu.memory_space<semaphore_mem>>
      %dma_start3A = arith.constant 0 : i32
      %dma_start3A_278 = tpu.memref_slice %arg2[%mul3A_2, %dma_start3A] : memref<1280x128xi32, #tpu.memory_space<hbm>> -> memref<80x128xi32, #tpu.memory_space<hbm>>
      %dma_start3A_279 = arith.constant 0 : i32
      %dma_start3A_280 = tpu.memref_slice %arg2[%mul3A_2, %dma_start3A_279] : memref<1280x128xi32, #tpu.memory_space<hbm>> -> memref<80x128xi32, #tpu.memory_space<hbm>>
      tpu.enqueue_dma source(%dma_start3A_280 : memref<80x128xi32, #tpu.memory_space<hbm>>) target(%arg10 : memref<80x128xi32, #tpu.memory_space<vmem>>) target_semaphore(%run_scoped3A : memref<!tpu.dma_semaphore, #tpu.memory_space<semaphore_mem>>)
      %dma_wait3A = arith.constant 0 : i32
      %dma_wait3A_281 = tpu.memref_slice %arg2[%mul3A_2, %dma_wait3A] : memref<1280x128xi32, #tpu.memory_space<hbm>> -> memref<80x128xi32, #tpu.memory_space<hbm>>
      %dma_wait3A_282 = arith.constant 0 : i32
      %dma_wait3A_283 = tpu.memref_slice %arg2[%mul3A_2, %dma_wait3A_282] : memref<1280x128xi32, #tpu.memory_space<hbm>> -> memref<80x128xi32, #tpu.memory_space<hbm>>
      tpu.wait_dma2 semaphore(%run_scoped3A : memref<!tpu.dma_semaphore, #tpu.memory_space<semaphore_mem>>) src(%dma_wait3A_283 : memref<80x128xi32, #tpu.memory_space<hbm>>) dst(%arg10 : memref<80x128xi32, #tpu.memory_space<vmem>>)
      tpu.yield
    }) : () -> ()
    %mul3A_3 = arith.constant 80 : i32
    %mul3A_4 = arith.muli %arg1, %mul3A_3 : i32
    "tpu.region"() ({
      %run_scoped3A = tpu.sem_alloc : memref<!tpu.dma_semaphore, #tpu.memory_space<semaphore_mem>>
      %dma_start3A = arith.constant 0 : i32
      %dma_start3A_278 = tpu.memref_slice %arg3[%mul3A_4, %dma_start3A] : memref<1280x128xi32, #tpu.memory_space<hbm>> -> memref<80x128xi32, #tpu.memory_space<hbm>>
      %dma_start3A_279 = arith.constant 0 : i32
      %dma_start3A_280 = tpu.memref_slice %arg3[%mul3A_4, %dma_start3A_279] : memref<1280x128xi32, #tpu.memory_space<hbm>> -> memref<80x128xi32, #tpu.memory_space<hbm>>
      tpu.enqueue_dma source(%dma_start3A_280 : memref<80x128xi32, #tpu.memory_space<hbm>>) target(%arg11 : memref<80x128xi32, #tpu.memory_space<vmem>>) target_semaphore(%run_scoped3A : memref<!tpu.dma_semaphore, #tpu.memory_space<semaphore_mem>>)
      %dma_wait3A = arith.constant 0 : i32
      %dma_wait3A_281 = tpu.memref_slice %arg3[%mul3A_4, %dma_wait3A] : memref<1280x128xi32, #tpu.memory_space<hbm>> -> memref<80x128xi32, #tpu.memory_space<hbm>>
      %dma_wait3A_282 = arith.constant 0 : i32
      %dma_wait3A_283 = tpu.memref_slice %arg3[%mul3A_4, %dma_wait3A_282] : memref<1280x128xi32, #tpu.memory_space<hbm>> -> memref<80x128xi32, #tpu.memory_space<hbm>>
      tpu.wait_dma2 semaphore(%run_scoped3A : memref<!tpu.dma_semaphore, #tpu.memory_space<semaphore_mem>>) src(%dma_wait3A_283 : memref<80x128xi32, #tpu.memory_space<hbm>>) dst(%arg11 : memref<80x128xi32, #tpu.memory_space<vmem>>)
      tpu.yield
    }) : () -> ()
    %broadcast_in_dim3A = arith.constant 0 : i32
    %broadcast_in_dim3A_5 = vector.broadcast %broadcast_in_dim3A : i32 to vector<16xi32>
    %scan3A = arith.constant 0 : i32
    %scan3A_6 = arith.constant 80 : i32
    %scan3A_7 = arith.addi %scan3A, %scan3A_6 : i32
    %scan3A_8 = arith.constant 1 : i32
    %scan3A_9 = scf.for %scan3A_278 = %scan3A to %scan3A_7 step %scan3A_8 iter_args(%scan3A_279 = %broadcast_in_dim3A_5) -> (vector<16xi32>)  : i32 {
      %get3A_280 = arith.index_cast %scan3A_278 : i32 to index
      %get3A_281 = arith.constant 0 : index
      %get3A_282 = tpu.vector_load %arg11[%get3A_280, %get3A_281] {strides = array<i32>} : memref<80x128xi32, #tpu.memory_space<vmem>>, vector<16xi32>,
      %sub3A_283 = vector.broadcast %mul3A_0 : i32 to vector<16xi32>
      %sub3A_284 = arith.subi %get3A_282, %sub3A_283 : vector<16xi32>
      %ge3A = arith.constant 0 : i32
      %ge3A_285 = vector.broadcast %ge3A : i32 to vector<16xi32>
      %ge3A_286 = arith.cmpi sge, %sub3A_284, %ge3A_285 : vector<16xi32>
      %lt3A = arith.constant 5000 : i32
      %lt3A_287 = vector.broadcast %lt3A : i32 to vector<16xi32>
      %lt3A_288 = arith.cmpi slt, %sub3A_284, %lt3A_287 : vector<16xi32>
      %and3A_289 = arith.andi %ge3A_286, %lt3A_288 : vector<16xi1>
      %sub3A_290 = arith.constant 1 : i32
      %sub3A_291 = vector.broadcast %sub3A_290 : i32 to vector<16xi32>
      %sub3A_292 = arith.subi %scan3A_279, %sub3A_291 : vector<16xi32>
      %jit3A_293 = arith.constant 1 : i32
      %jit3A_294 = arith.constant 0 : i32
      %broadcast_in_dim3A_295 = vector.broadcast %jit3A_293 : i32 to vector<16xi32>
      %broadcast_in_dim3A_296 = vector.broadcast %jit3A_294 : i32 to vector<16xi32>
      %select_n3A_297 = arith.select %and3A_289, %broadcast_in_dim3A_295, %broadcast_in_dim3A_296 : vector<16xi1>, vector<16xi32>
      %broadcast_in_dim3A_298 = arith.constant true
      %broadcast_in_dim3A_299 = vector.broadcast %broadcast_in_dim3A_298 : i1 to vector<16xi1>
      %masked_cumsum3A = tpu.scan <sum>, %select_n3A_297 masked %broadcast_in_dim3A_299 : vector<16xi32>, vector<16xi1> -> vector<16xi32>
      %add3A_300 = arith.addi %sub3A_292, %masked_cumsum3A : vector<16xi32>
      tpu.vector_store_idx %arg13[%add3A_300], %sub3A_284 masked %and3A_289 : memref<10496xi32, #tpu.memory_space<vmem>>[vector<16xi32>], vector<16xi32>, vector<16xi1>
      %get3A_301 = arith.index_cast %scan3A_278 : i32 to index
      %get3A_302 = arith.constant 0 : index
      %get3A_303 = tpu.vector_load %arg10[%get3A_301, %get3A_302] {strides = array<i32>} : memref<80x128xi32, #tpu.memory_space<vmem>>, vector<16xi32>,
      tpu.vector_store_idx %arg12[%add3A_300], %get3A_303 masked %and3A_289 : memref<10496xi32, #tpu.memory_space<vmem>>[vector<16xi32>], vector<16xi32>, vector<16xi1>
      %all_reduce_population_count3A = tpu.all_reduce %and3A_289 {dim = 0 : i64, kind = #tpu.reduction_kind<sum>} : vector<16xi1> -> vector<16xi32>
      %add3A_304 = arith.addi %scan3A_279, %all_reduce_population_count3A : vector<16xi32>
      %get3A_305 = arith.index_cast %scan3A_278 : i32 to index
      %get3A_306 = arith.constant 16 : index
      %get3A_307 = tpu.vector_load %arg11[%get3A_305, %get3A_306] {strides = array<i32>} : memref<80x128xi32, #tpu.memory_space<vmem>>, vector<16xi32>,
      %sub3A_308 = vector.broadcast %mul3A_0 : i32 to vector<16xi32>
      %sub3A_309 = arith.subi %get3A_307, %sub3A_308 : vector<16xi32>
      %ge3A_310 = arith.constant 0 : i32
      %ge3A_311 = vector.broadcast %ge3A_310 : i32 to vector<16xi32>
      %ge3A_312 = arith.cmpi sge, %sub3A_309, %ge3A_311 : vector<16xi32>
      %lt3A_313 = arith.constant 5000 : i32
      %lt3A_314 = vector.broadcast %lt3A_313 : i32 to vector<16xi32>
      %lt3A_315 = arith.cmpi slt, %sub3A_309, %lt3A_314 : vector<16xi32>
      %and3A_316 = arith.andi %ge3A_312, %lt3A_315 : vector<16xi1>
      %sub3A_317 = arith.constant 1 : i32
      %sub3A_318 = vector.broadcast %sub3A_317 : i32 to vector<16xi32>
      %sub3A_319 = arith.subi %add3A_304, %sub3A_318 : vector<16xi32>
      %jit3A_320 = arith.constant 1 : i32
      %jit3A_321 = arith.constant 0 : i32
      %broadcast_in_dim3A_322 = vector.broadcast %jit3A_320 : i32 to vector<16xi32>
      %broadcast_in_dim3A_323 = vector.broadcast %jit3A_321 : i32 to vector<16xi32>
      %select_n3A_324 = arith.select %and3A_316, %broadcast_in_dim3A_322, %broadcast_in_dim3A_323 : vector<16xi1>, vector<16xi32>
      %broadcast_in_dim3A_325 = arith.constant true
      %broadcast_in_dim3A_326 = vector.broadcast %broadcast_in_dim3A_325 : i1 to vector<16xi1>
      %masked_cumsum3A_327 = tpu.scan <sum>, %select_n3A_324 masked %broadcast_in_dim3A_326 : vector<16xi32>, vector<16xi1> -> vector<16xi32>
      %add3A_328 = arith.addi %sub3A_319, %masked_cumsum3A_327 : vector<16xi32>
      tpu.vector_store_idx %arg13[%add3A_328], %sub3A_309 masked %and3A_316 : memref<10496xi32, #tpu.memory_space<vmem>>[vector<16xi32>], vector<16xi32>, vector<16xi1>
      %get3A_329 = arith.index_cast %scan3A_278 : i32 to index
      %get3A_330 = arith.constant 16 : index
      %get3A_331 = tpu.vector_load %arg10[%get3A_329, %get3A_330] {strides = array<i32>} : memref<80x128xi32, #tpu.memory_space<vmem>>, vector<16xi32>,
      tpu.vector_store_idx %arg12[%add3A_328], %get3A_331 masked %and3A_316 : memref<10496xi32, #tpu.memory_space<vmem>>[vector<16xi32>], vector<16xi32>, vector<16xi1>
      %all_reduce_population_count3A_332 = tpu.all_reduce %and3A_316 {dim = 0 : i64, kind = #tpu.reduction_kind<sum>} : vector<16xi1> -> vector<16xi32>
      %add3A_333 = arith.addi %add3A_304, %all_reduce_population_count3A_332 : vector<16xi32>
      %get3A_334 = arith.index_cast %scan3A_278 : i32 to index
      %get3A_335 = arith.constant 32 : index
      %get3A_336 = tpu.vector_load %arg11[%get3A_334, %get3A_335] {strides = array<i32>} : memref<80x128xi32, #tpu.memory_space<vmem>>, vector<16xi32>,
      %sub3A_337 = vector.broadcast %mul3A_0 : i32 to vector<16xi32>
      %sub3A_338 = arith.subi %get3A_336, %sub3A_337 : vector<16xi32>
      %ge3A_339 = arith.constant 0 : i32
      %ge3A_340 = vector.broadcast %ge3A_339 : i32 to vector<16xi32>
      %ge3A_341 = arith.cmpi sge, %sub3A_338, %ge3A_340 : vector<16xi32>
      %lt3A_342 = arith.constant 5000 : i32
      %lt3A_343 = vector.broadcast %lt3A_342 : i32 to vector<16xi32>
      %lt3A_344 = arith.cmpi slt, %sub3A_338, %lt3A_343 : vector<16xi32>
      %and3A_345 = arith.andi %ge3A_341, %lt3A_344 : vector<16xi1>
      %sub3A_346 = arith.constant 1 : i32
      %sub3A_347 = vector.broadcast %sub3A_346 : i32 to vector<16xi32>
      %sub3A_348 = arith.subi %add3A_333, %sub3A_347 : vector<16xi32>
      %jit3A_349 = arith.constant 1 : i32
      %jit3A_350 = arith.constant 0 : i32
      %broadcast_in_dim3A_351 = vector.broadcast %jit3A_349 : i32 to vector<16xi32>
      %broadcast_in_dim3A_352 = vector.broadcast %jit3A_350 : i32 to vector<16xi32>
      %select_n3A_353 = arith.select %and3A_345, %broadcast_in_dim3A_351, %broadcast_in_dim3A_352 : vector<16xi1>, vector<16xi32>
      %broadcast_in_dim3A_354 = arith.constant true
      %broadcast_in_dim3A_355 = vector.broadcast %broadcast_in_dim3A_354 : i1 to vector<16xi1>
      %masked_cumsum3A_356 = tpu.scan <sum>, %select_n3A_353 masked %broadcast_in_dim3A_355 : vector<16xi32>, vector<16xi1> -> vector<16xi32>
      %add3A_357 = arith.addi %sub3A_348, %masked_cumsum3A_356 : vector<16xi32>
      tpu.vector_store_idx %arg13[%add3A_357], %sub3A_338 masked %and3A_345 : memref<10496xi32, #tpu.memory_space<vmem>>[vector<16xi32>], vector<16xi32>, vector<16xi1>
      %get3A_358 = arith.index_cast %scan3A_278 : i32 to index
      %get3A_359 = arith.constant 32 : index
      %get3A_360 = tpu.vector_load %arg10[%get3A_358, %get3A_359] {strides = array<i32>} : memref<80x128xi32, #tpu.memory_space<vmem>>, vector<16xi32>,
      tpu.vector_store_idx %arg12[%add3A_357], %get3A_360 masked %and3A_345 : memref<10496xi32, #tpu.memory_space<vmem>>[vector<16xi32>], vector<16xi32>, vector<16xi1>
      %all_reduce_population_count3A_361 = tpu.all_reduce %and3A_345 {dim = 0 : i64, kind = #tpu.reduction_kind<sum>} : vector<16xi1> -> vector<16xi32>
      %add3A_362 = arith.addi %add3A_333, %all_reduce_population_count3A_361 : vector<16xi32>
      %get3A_363 = arith.index_cast %scan3A_278 : i32 to index
      %get3A_364 = arith.constant 48 : index
      %get3A_365 = tpu.vector_load %arg11[%get3A_363, %get3A_364] {strides = array<i32>} : memref<80x128xi32, #tpu.memory_space<vmem>>, vector<16xi32>,
      %sub3A_366 = vector.broadcast %mul3A_0 : i32 to vector<16xi32>
      %sub3A_367 = arith.subi %get3A_365, %sub3A_366 : vector<16xi32>
      %ge3A_368 = arith.constant 0 : i32
      %ge3A_369 = vector.broadcast %ge3A_368 : i32 to vector<16xi32>
      %ge3A_370 = arith.cmpi sge, %sub3A_367, %ge3A_369 : vector<16xi32>
      %lt3A_371 = arith.constant 5000 : i32
      %lt3A_372 = vector.broadcast %lt3A_371 : i32 to vector<16xi32>
      %lt3A_373 = arith.cmpi slt, %sub3A_367, %lt3A_372 : vector<16xi32>
      %and3A_374 = arith.andi %ge3A_370, %lt3A_373 : vector<16xi1>
      %sub3A_375 = arith.constant 1 : i32
      %sub3A_376 = vector.broadcast %sub3A_375 : i32 to vector<16xi32>
      %sub3A_377 = arith.subi %add3A_362, %sub3A_376 : vector<16xi32>
      %jit3A_378 = arith.constant 1 : i32
      %jit3A_379 = arith.constant 0 : i32
      %broadcast_in_dim3A_380 = vector.broadcast %jit3A_378 : i32 to vector<16xi32>
      %broadcast_in_dim3A_381 = vector.broadcast %jit3A_379 : i32 to vector<16xi32>
      %select_n3A_382 = arith.select %and3A_374, %broadcast_in_dim3A_380, %broadcast_in_dim3A_381 : vector<16xi1>, vector<16xi32>
      %broadcast_in_dim3A_383 = arith.constant true
      %broadcast_in_dim3A_384 = vector.broadcast %broadcast_in_dim3A_383 : i1 to vector<16xi1>
      %masked_cumsum3A_385 = tpu.scan <sum>, %select_n3A_382 masked %broadcast_in_dim3A_384 : vector<16xi32>, vector<16xi1> -> vector<16xi32>
      %add3A_386 = arith.addi %sub3A_377, %masked_cumsum3A_385 : vector<16xi32>
      tpu.vector_store_idx %arg13[%add3A_386], %sub3A_367 masked %and3A_374 : memref<10496xi32, #tpu.memory_space<vmem>>[vector<16xi32>], vector<16xi32>, vector<16xi1>
      %get3A_387 = arith.index_cast %scan3A_278 : i32 to index
      %get3A_388 = arith.constant 48 : index
      %get3A_389 = tpu.vector_load %arg10[%get3A_387, %get3A_388] {strides = array<i32>} : memref<80x128xi32, #tpu.memory_space<vmem>>, vector<16xi32>,
      tpu.vector_store_idx %arg12[%add3A_386], %get3A_389 masked %and3A_374 : memref<10496xi32, #tpu.memory_space<vmem>>[vector<16xi32>], vector<16xi32>, vector<16xi1>
      %all_reduce_population_count3A_390 = tpu.all_reduce %and3A_374 {dim = 0 : i64, kind = #tpu.reduction_kind<sum>} : vector<16xi1> -> vector<16xi32>
      %add3A_391 = arith.addi %add3A_362, %all_reduce_population_count3A_390 : vector<16xi32>
      %get3A_392 = arith.index_cast %scan3A_278 : i32 to index
      %get3A_393 = arith.constant 64 : index
      %get3A_394 = tpu.vector_load %arg11[%get3A_392, %get3A_393] {strides = array<i32>} : memref<80x128xi32, #tpu.memory_space<vmem>>, vector<16xi32>,
      %sub3A_395 = vector.broadcast %mul3A_0 : i32 to vector<16xi32>
      %sub3A_396 = arith.subi %get3A_394, %sub3A_395 : vector<16xi32>
      %ge3A_397 = arith.constant 0 : i32
      %ge3A_398 = vector.broadcast %ge3A_397 : i32 to vector<16xi32>
      %ge3A_399 = arith.cmpi sge, %sub3A_396, %ge3A_398 : vector<16xi32>
      %lt3A_400 = arith.constant 5000 : i32
      %lt3A_401 = vector.broadcast %lt3A_400 : i32 to vector<16xi32>
      %lt3A_402 = arith.cmpi slt, %sub3A_396, %lt3A_401 : vector<16xi32>
      %and3A_403 = arith.andi %ge3A_399, %lt3A_402 : vector<16xi1>
      %sub3A_404 = arith.constant 1 : i32
      %sub3A_405 = vector.broadcast %sub3A_404 : i32 to vector<16xi32>
      %sub3A_406 = arith.subi %add3A_391, %sub3A_405 : vector<16xi32>
      %jit3A_407 = arith.constant 1 : i32
      %jit3A_408 = arith.constant 0 : i32
      %broadcast_in_dim3A_409 = vector.broadcast %jit3A_407 : i32 to vector<16xi32>
      %broadcast_in_dim3A_410 = vector.broadcast %jit3A_408 : i32 to vector<16xi32>
      %select_n3A_411 = arith.select %and3A_403, %broadcast_in_dim3A_409, %broadcast_in_dim3A_410 : vector<16xi1>, vector<16xi32>
      %broadcast_in_dim3A_412 = arith.constant true
      %broadcast_in_dim3A_413 = vector.broadcast %broadcast_in_dim3A_412 : i1 to vector<16xi1>
      %masked_cumsum3A_414 = tpu.scan <sum>, %select_n3A_411 masked %broadcast_in_dim3A_413 : vector<16xi32>, vector<16xi1> -> vector<16xi32>
      %add3A_415 = arith.addi %sub3A_406, %masked_cumsum3A_414 : vector<16xi32>
      tpu.vector_store_idx %arg13[%add3A_415], %sub3A_396 masked %and3A_403 : memref<10496xi32, #tpu.memory_space<vmem>>[vector<16xi32>], vector<16xi32>, vector<16xi1>
      %get3A_416 = arith.index_cast %scan3A_278 : i32 to index
      %get3A_417 = arith.constant 64 : index
      %get3A_418 = tpu.vector_load %arg10[%get3A_416, %get3A_417] {strides = array<i32>} : memref<80x128xi32, #tpu.memory_space<vmem>>, vector<16xi32>,
      tpu.vector_store_idx %arg12[%add3A_415], %get3A_418 masked %and3A_403 : memref<10496xi32, #tpu.memory_space<vmem>>[vector<16xi32>], vector<16xi32>, vector<16xi1>
      %all_reduce_population_count3A_419 = tpu.all_reduce %and3A_403 {dim = 0 : i64, kind = #tpu.reduction_kind<sum>} : vector<16xi1> -> vector<16xi32>
      %add3A_420 = arith.addi %add3A_391, %all_reduce_population_count3A_419 : vector<16xi32>
      %get3A_421 = arith.index_cast %scan3A_278 : i32 to index
      %get3A_422 = arith.constant 80 : index
      %get3A_423 = tpu.vector_load %arg11[%get3A_421, %get3A_422] {strides = array<i32>} : memref<80x128xi32, #tpu.memory_space<vmem>>, vector<16xi32>,
      %sub3A_424 = vector.broadcast %mul3A_0 : i32 to vector<16xi32>
      %sub3A_425 = arith.subi %get3A_423, %sub3A_424 : vector<16xi32>
      %ge3A_426 = arith.constant 0 : i32
      %ge3A_427 = vector.broadcast %ge3A_426 : i32 to vector<16xi32>
      %ge3A_428 = arith.cmpi sge, %sub3A_425, %ge3A_427 : vector<16xi32>
      %lt3A_429 = arith.constant 5000 : i32
      %lt3A_430 = vector.broadcast %lt3A_429 : i32 to vector<16xi32>
      %lt3A_431 = arith.cmpi slt, %sub3A_425, %lt3A_430 : vector<16xi32>
      %and3A_432 = arith.andi %ge3A_428, %lt3A_431 : vector<16xi1>
      %sub3A_433 = arith.constant 1 : i32
      %sub3A_434 = vector.broadcast %sub3A_433 : i32 to vector<16xi32>
      %sub3A_435 = arith.subi %add3A_420, %sub3A_434 : vector<16xi32>
      %jit3A_436 = arith.constant 1 : i32
      %jit3A_437 = arith.constant 0 : i32
      %broadcast_in_dim3A_438 = vector.broadcast %jit3A_436 : i32 to vector<16xi32>
      %broadcast_in_dim3A_439 = vector.broadcast %jit3A_437 : i32 to vector<16xi32>
      %select_n3A_440 = arith.select %and3A_432, %broadcast_in_dim3A_438, %broadcast_in_dim3A_439 : vector<16xi1>, vector<16xi32>
      %broadcast_in_dim3A_441 = arith.constant true
      %broadcast_in_dim3A_442 = vector.broadcast %broadcast_in_dim3A_441 : i1 to vector<16xi1>
      %masked_cumsum3A_443 = tpu.scan <sum>, %select_n3A_440 masked %broadcast_in_dim3A_442 : vector<16xi32>, vector<16xi1> -> vector<16xi32>
      %add3A_444 = arith.addi %sub3A_435, %masked_cumsum3A_443 : vector<16xi32>
      tpu.vector_store_idx %arg13[%add3A_444], %sub3A_425 masked %and3A_432 : memref<10496xi32, #tpu.memory_space<vmem>>[vector<16xi32>], vector<16xi32>, vector<16xi1>
      %get3A_445 = arith.index_cast %scan3A_278 : i32 to index
      %get3A_446 = arith.constant 80 : index
      %get3A_447 = tpu.vector_load %arg10[%get3A_445, %get3A_446] {strides = array<i32>} : memref<80x128xi32, #tpu.memory_space<vmem>>, vector<16xi32>,
      tpu.vector_store_idx %arg12[%add3A_444], %get3A_447 masked %and3A_432 : memref<10496xi32, #tpu.memory_space<vmem>>[vector<16xi32>], vector<16xi32>, vector<16xi1>
      %all_reduce_population_count3A_448 = tpu.all_reduce %and3A_432 {dim = 0 : i64, kind = #tpu.reduction_kind<sum>} : vector<16xi1> -> vector<16xi32>
      %add3A_449 = arith.addi %add3A_420, %all_reduce_population_count3A_448 : vector<16xi32>
      %get3A_450 = arith.index_cast %scan3A_278 : i32 to index
      %get3A_451 = arith.constant 96 : index
      %get3A_452 = tpu.vector_load %arg11[%get3A_450, %get3A_451] {strides = array<i32>} : memref<80x128xi32, #tpu.memory_space<vmem>>, vector<16xi32>,
      %sub3A_453 = vector.broadcast %mul3A_0 : i32 to vector<16xi32>
      %sub3A_454 = arith.subi %get3A_452, %sub3A_453 : vector<16xi32>
      %ge3A_455 = arith.constant 0 : i32
      %ge3A_456 = vector.broadcast %ge3A_455 : i32 to vector<16xi32>
      %ge3A_457 = arith.cmpi sge, %sub3A_454, %ge3A_456 : vector<16xi32>
      %lt3A_458 = arith.constant 5000 : i32
      %lt3A_459 = vector.broadcast %lt3A_458 : i32 to vector<16xi32>
      %lt3A_460 = arith.cmpi slt, %sub3A_454, %lt3A_459 : vector<16xi32>
      %and3A_461 = arith.andi %ge3A_457, %lt3A_460 : vector<16xi1>
      %sub3A_462 = arith.constant 1 : i32
      %sub3A_463 = vector.broadcast %sub3A_462 : i32 to vector<16xi32>
      %sub3A_464 = arith.subi %add3A_449, %sub3A_463 : vector<16xi32>
      %jit3A_465 = arith.constant 1 : i32
      %jit3A_466 = arith.constant 0 : i32
      %broadcast_in_dim3A_467 = vector.broadcast %jit3A_465 : i32 to vector<16xi32>
      %broadcast_in_dim3A_468 = vector.broadcast %jit3A_466 : i32 to vector<16xi32>
      %select_n3A_469 = arith.select %and3A_461, %broadcast_in_dim3A_467, %broadcast_in_dim3A_468 : vector<16xi1>, vector<16xi32>
      %broadcast_in_dim3A_470 = arith.constant true
      %broadcast_in_dim3A_471 = vector.broadcast %broadcast_in_dim3A_470 : i1 to vector<16xi1>
      %masked_cumsum3A_472 = tpu.scan <sum>, %select_n3A_469 masked %broadcast_in_dim3A_471 : vector<16xi32>, vector<16xi1> -> vector<16xi32>
      %add3A_473 = arith.addi %sub3A_464, %masked_cumsum3A_472 : vector<16xi32>
      tpu.vector_store_idx %arg13[%add3A_473], %sub3A_454 masked %and3A_461 : memref<10496xi32, #tpu.memory_space<vmem>>[vector<16xi32>], vector<16xi32>, vector<16xi1>
      %get3A_474 = arith.index_cast %scan3A_278 : i32 to index
      %get3A_475 = arith.constant 96 : index
      %get3A_476 = tpu.vector_load %arg10[%get3A_474, %get3A_475] {strides = array<i32>} : memref<80x128xi32, #tpu.memory_space<vmem>>, vector<16xi32>,
      tpu.vector_store_idx %arg12[%add3A_473], %get3A_476 masked %and3A_461 : memref<10496xi32, #tpu.memory_space<vmem>>[vector<16xi32>], vector<16xi32>, vector<16xi1>
      %all_reduce_population_count3A_477 = tpu.all_reduce %and3A_461 {dim = 0 : i64, kind = #tpu.reduction_kind<sum>} : vector<16xi1> -> vector<16xi32>
      %add3A_478 = arith.addi %add3A_449, %all_reduce_population_count3A_477 : vector<16xi32>
      %get3A_479 = arith.index_cast %scan3A_278 : i32 to index
      %get3A_480 = arith.constant 112 : index
      %get3A_481 = tpu.vector_load %arg11[%get3A_479, %get3A_480] {strides = array<i32>} : memref<80x128xi32, #tpu.memory_space<vmem>>, vector<16xi32>,
      %sub3A_482 = vector.broadcast %mul3A_0 : i32 to vector<16xi32>
      %sub3A_483 = arith.subi %get3A_481, %sub3A_482 : vector<16xi32>
      %ge3A_484 = arith.constant 0 : i32
      %ge3A_485 = vector.broadcast %ge3A_484 : i32 to vector<16xi32>
      %ge3A_486 = arith.cmpi sge, %sub3A_483, %ge3A_485 : vector<16xi32>
      %lt3A_487 = arith.constant 5000 : i32
      %lt3A_488 = vector.broadcast %lt3A_487 : i32 to vector<16xi32>
      %lt3A_489 = arith.cmpi slt, %sub3A_483, %lt3A_488 : vector<16xi32>
      %and3A_490 = arith.andi %ge3A_486, %lt3A_489 : vector<16xi1>
      %sub3A_491 = arith.constant 1 : i32
      %sub3A_492 = vector.broadcast %sub3A_491 : i32 to vector<16xi32>
      %sub3A_493 = arith.subi %add3A_478, %sub3A_492 : vector<16xi32>
      %jit3A_494 = arith.constant 1 : i32
      %jit3A_495 = arith.constant 0 : i32
      %broadcast_in_dim3A_496 = vector.broadcast %jit3A_494 : i32 to vector<16xi32>
      %broadcast_in_dim3A_497 = vector.broadcast %jit3A_495 : i32 to vector<16xi32>
      %select_n3A_498 = arith.select %and3A_490, %broadcast_in_dim3A_496, %broadcast_in_dim3A_497 : vector<16xi1>, vector<16xi32>
      %broadcast_in_dim3A_499 = arith.constant true
      %broadcast_in_dim3A_500 = vector.broadcast %broadcast_in_dim3A_499 : i1 to vector<16xi1>
      %masked_cumsum3A_501 = tpu.scan <sum>, %select_n3A_498 masked %broadcast_in_dim3A_500 : vector<16xi32>, vector<16xi1> -> vector<16xi32>
      %add3A_502 = arith.addi %sub3A_493, %masked_cumsum3A_501 : vector<16xi32>
      tpu.vector_store_idx %arg13[%add3A_502], %sub3A_483 masked %and3A_490 : memref<10496xi32, #tpu.memory_space<vmem>>[vector<16xi32>], vector<16xi32>, vector<16xi1>
      %get3A_503 = arith.index_cast %scan3A_278 : i32 to index
      %get3A_504 = arith.constant 112 : index
      %get3A_505 = tpu.vector_load %arg10[%get3A_503, %get3A_504] {strides = array<i32>} : memref<80x128xi32, #tpu.memory_space<vmem>>, vector<16xi32>,
      tpu.vector_store_idx %arg12[%add3A_502], %get3A_505 masked %and3A_490 : memref<10496xi32, #tpu.memory_space<vmem>>[vector<16xi32>], vector<16xi32>, vector<16xi1>
      %all_reduce_population_count3A_506 = tpu.all_reduce %and3A_490 {dim = 0 : i64, kind = #tpu.reduction_kind<sum>} : vector<16xi1> -> vector<16xi32>
      %add3A_507 = arith.addi %add3A_478, %all_reduce_population_count3A_506 : vector<16xi32>
      scf.yield %add3A_507 : vector<16xi32>
    }
    %scan3A_10 = arith.constant 80 : i32
    %swap3A = arith.constant 0 : index
    %swap3A_11 = tpu.vector_load %arg14[%swap3A] {strides = array<i32>} : memref<16xi32, #tpu.memory_space<vmem>>, vector<16xi32>,
    tpu.vector_store %arg14[%swap3A], %scan3A_9 {strides = array<i32>} : memref<16xi32, #tpu.memory_space<vmem>>, vector<16xi32>,
    %get3A = arith.constant 0 : index
    %get3A_12 = tpu.vector_load %arg14[%get3A] {strides = array<i32>} : memref<16xi32, #tpu.memory_space<vmem>>, vector<16xi32>,
    %slice3A = vector.extract_strided_slice %get3A_12 {offsets = [0], sizes = [1], strides = [1]} : vector<16xi32> to vector<1xi32>
    %squeeze3A = vector.extract %slice3A[0] : i32 from vector<1xi32>
    %add3A = arith.constant 256 : i32
    %add3A_13 = arith.addi %squeeze3A, %add3A : i32
    %sub3A = arith.constant 1 : i32
    %sub3A_14 = arith.subi %add3A_13, %sub3A : i32
    %jit3A = arith.constant 256 : i32
    %div3A = arith.divsi %sub3A_14, %jit3A : i32
    %sign3A = arith.constant 0 : i32
    %sign3A_15 = arith.cmpi sgt, %sub3A_14, %sign3A : i32
    %sign3A_16 = arith.extui %sign3A_15 : i1 to i32
    %sign3A_17 = arith.constant 0 : i32
    %sign3A_18 = arith.cmpi slt, %sub3A_14, %sign3A_17 : i32
    %sign3A_19 = arith.extui %sign3A_18 : i1 to i32
    %sign3A_20 = arith.subi %sign3A_16, %sign3A_19 : i32
    %sign3A_21 = arith.constant 0 : i32
    %sign3A_22 = arith.cmpi sgt, %jit3A, %sign3A_21 : i32
    %sign3A_23 = arith.extui %sign3A_22 : i1 to i32
    %sign3A_24 = arith.constant 0 : i32
    %sign3A_25 = arith.cmpi slt, %jit3A, %sign3A_24 : i32
    %sign3A_26 = arith.extui %sign3A_25 : i1 to i32
    %sign3A_27 = arith.subi %sign3A_23, %sign3A_26 : i32
    %ne3A = arith.cmpi ne, %sign3A_20, %sign3A_27 : i32
    %rem3A = arith.remsi %sub3A_14, %jit3A : i32
    %ne3A_28 = arith.constant 0 : i32
    %ne3A_29 = arith.cmpi ne, %rem3A, %ne3A_28 : i32
    %and3A = arith.andi %ne3A, %ne3A_29 : i1
    %sub3A_30 = arith.constant 1 : i32
    %sub3A_31 = arith.subi %div3A, %sub3A_30 : i32
    %select_n3A = arith.select %and3A, %sub3A_31, %div3A : i32
    %mul3A_32 = arith.constant 256 : i32
    %mul3A_33 = arith.muli %select_n3A, %mul3A_32 : i32
    %broadcast_in_dim3A_34 = arith.constant 0 : i32
    %broadcast_in_dim3A_35 = vector.broadcast %broadcast_in_dim3A_34 : i32 to vector<16xi32>
    %add3A_36 = arith.constant 5000 : i32
    %add3A_37 = vector.broadcast %add3A_36 : i32 to vector<16xi32>
    %add3A_38 = arith.addi %broadcast_in_dim3A_35, %add3A_37 : vector<16xi32>
    %scan3A_39 = arith.constant 0 : i32
    %scan3A_40 = arith.constant 0 : i32
    %scan3A_41 = arith.constant 16 : i32
    %scan3A_42 = arith.addi %scan3A_40, %scan3A_41 : i32
    %scan3A_43 = arith.constant 1 : i32
    scf.for %scan3A_278 = %scan3A_40 to %scan3A_42 step %scan3A_43  : i32 {
      %mul3A_279 = arith.constant 16 : i32
      %mul3A_280 = arith.muli %scan3A_278, %mul3A_279 : i32
      %add3A_281 = arith.addi %squeeze3A, %mul3A_280 : i32
      %iota3A = tpu.iota {dimensions = array<i32: 0>} : vector<16xi32>
      %add3A_282 = vector.broadcast %add3A_281 : i32 to vector<16xi32>
      %add3A_283 = arith.addi %add3A_282, %iota3A : vector<16xi32>
      %lt3A = vector.broadcast %mul3A_33 : i32 to vector<16xi32>
      %lt3A_284 = arith.cmpi slt, %add3A_283, %lt3A : vector<16xi32>
      tpu.vector_store_idx %arg13[%add3A_283], %add3A_38 masked %lt3A_284 : memref<10496xi32, #tpu.memory_space<vmem>>[vector<16xi32>], vector<16xi32>, vector<16xi1>
      tpu.vector_store_idx %arg12[%add3A_283], %broadcast_in_dim3A_35 masked %lt3A_284 : memref<10496xi32, #tpu.memory_space<vmem>>[vector<16xi32>], vector<16xi32>, vector<16xi1>
    }
    %scan3A_44 = arith.constant 16 : i32
    %jit3A_45 = arith.constant 256 : i32
    %div3A_46 = arith.divsi %mul3A_33, %jit3A_45 : i32
    %sign3A_47 = arith.constant 0 : i32
    %sign3A_48 = arith.cmpi sgt, %mul3A_33, %sign3A_47 : i32
    %sign3A_49 = arith.extui %sign3A_48 : i1 to i32
    %sign3A_50 = arith.constant 0 : i32
    %sign3A_51 = arith.cmpi slt, %mul3A_33, %sign3A_50 : i32
    %sign3A_52 = arith.extui %sign3A_51 : i1 to i32
    %sign3A_53 = arith.subi %sign3A_49, %sign3A_52 : i32
    %sign3A_54 = arith.constant 0 : i32
    %sign3A_55 = arith.cmpi sgt, %jit3A_45, %sign3A_54 : i32
    %sign3A_56 = arith.extui %sign3A_55 : i1 to i32
    %sign3A_57 = arith.constant 0 : i32
    %sign3A_58 = arith.cmpi slt, %jit3A_45, %sign3A_57 : i32
    %sign3A_59 = arith.extui %sign3A_58 : i1 to i32
    %sign3A_60 = arith.subi %sign3A_56, %sign3A_59 : i32
    %ne3A_61 = arith.cmpi ne, %sign3A_53, %sign3A_60 : i32
    %rem3A_62 = arith.remsi %mul3A_33, %jit3A_45 : i32
    %ne3A_63 = arith.constant 0 : i32
    %ne3A_64 = arith.cmpi ne, %rem3A_62, %ne3A_63 : i32
    %and3A_65 = arith.andi %ne3A_61, %ne3A_64 : i1
    %sub3A_66 = arith.constant 1 : i32
    %sub3A_67 = arith.subi %div3A_46, %sub3A_66 : i32
    %select_n3A_68 = arith.select %and3A_65, %sub3A_67, %div3A_46 : i32
    "tpu.region"() ({
      %run_scoped3A = tpu.sem_alloc : memref<!tpu.dma_semaphore, #tpu.memory_space<semaphore_mem>>
      tpu.enqueue_dma source(%arg5 : memref<312x64xf32, #tpu.memory_space<hbm>>) target(%arg18 : memref<312x64xf32, #tpu.memory_space<vmem>>) target_semaphore(%run_scoped3A : memref<!tpu.dma_semaphore, #tpu.memory_space<semaphore_mem>>)
      tpu.wait_dma2 semaphore(%run_scoped3A : memref<!tpu.dma_semaphore, #tpu.memory_space<semaphore_mem>>) src(%arg5 : memref<312x64xf32, #tpu.memory_space<hbm>>) dst(%arg18 : memref<312x64xf32, #tpu.memory_space<vmem>>)
      tpu.yield
    }) : () -> ()
    %mul3A_69 = arith.constant 312 : i32
    %mul3A_70 = arith.muli %arg1, %mul3A_69 : i32
    "tpu.region"() ({
      %run_scoped3A = tpu.sem_alloc : memref<!tpu.dma_semaphore, #tpu.memory_space<semaphore_mem>>
      %dma_start3A = arith.constant 0 : i32
      %dma_start3A_278 = tpu.memref_slice %arg20[%mul3A_70, %dma_start3A] : memref<5008x64xf32, #tpu.memory_space<vmem_shared>> -> memref<312x64xf32, #tpu.memory_space<vmem_shared>>
      %dma_start3A_279 = arith.constant 0 : i32
      %dma_start3A_280 = tpu.memref_slice %arg20[%mul3A_70, %dma_start3A_279] : memref<5008x64xf32, #tpu.memory_space<vmem_shared>> -> memref<312x64xf32, #tpu.memory_space<vmem_shared>>
      tpu.enqueue_dma source(%arg18 : memref<312x64xf32, #tpu.memory_space<vmem>>) target(%dma_start3A_280 : memref<312x64xf32, #tpu.memory_space<vmem_shared>>) target_semaphore(%run_scoped3A : memref<!tpu.dma_semaphore, #tpu.memory_space<semaphore_mem>>)
      %dma_wait3A = arith.constant 0 : i32
      %dma_wait3A_281 = tpu.memref_slice %arg20[%mul3A_70, %dma_wait3A] : memref<5008x64xf32, #tpu.memory_space<vmem_shared>> -> memref<312x64xf32, #tpu.memory_space<vmem_shared>>
      %dma_wait3A_282 = arith.constant 0 : i32
      %dma_wait3A_283 = tpu.memref_slice %arg20[%mul3A_70, %dma_wait3A_282] : memref<5008x64xf32, #tpu.memory_space<vmem_shared>> -> memref<312x64xf32, #tpu.memory_space<vmem_shared>>
      tpu.wait_dma2 semaphore(%run_scoped3A : memref<!tpu.dma_semaphore, #tpu.memory_space<semaphore_mem>>) src(%arg18 : memref<312x64xf32, #tpu.memory_space<vmem>>) dst(%dma_wait3A_283 : memref<312x64xf32, #tpu.memory_space<vmem_shared>>)
      tpu.yield
    }) : () -> ()
    %eq3A = arith.constant 0 : i32
    %eq3A_71 = arith.cmpi eq, %arg1, %eq3A : i32
    %convert_element_type3A = arith.extui %eq3A_71 : i1 to i32
    %cond3A = arith.constant 0 : i32
    %cond3A_72 = arith.cmpi ne, %convert_element_type3A, %cond3A : i32
    scf.if %cond3A_72 {
      "tpu.region"() ({
        %run_scoped3A = tpu.sem_alloc : memref<!tpu.dma_semaphore, #tpu.memory_space<semaphore_mem>>
        %dma_start3A = arith.constant 0 : i32
        %dma_start3A_278 = arith.constant 0 : i32
        %dma_start3A_279 = tpu.memref_slice %arg18[%dma_start3A, %dma_start3A_278] : memref<312x64xf32, #tpu.memory_space<vmem>> -> memref<8x64xf32, #tpu.memory_space<vmem>>
        %dma_start3A_280 = arith.constant 4992 : i32
        %dma_start3A_281 = arith.constant 0 : i32
        %dma_start3A_282 = tpu.memref_slice %arg20[%dma_start3A_280, %dma_start3A_281] : memref<5008x64xf32, #tpu.memory_space<vmem_shared>> -> memref<8x64xf32, #tpu.memory_space<vmem_shared>>
        %dma_start3A_283 = arith.constant 4992 : i32
        %dma_start3A_284 = arith.constant 0 : i32
        %dma_start3A_285 = tpu.memref_slice %arg20[%dma_start3A_283, %dma_start3A_284] : memref<5008x64xf32, #tpu.memory_space<vmem_shared>> -> memref<8x64xf32, #tpu.memory_space<vmem_shared>>
        %dma_start3A_286 = arith.constant 0 : i32
        %dma_start3A_287 = arith.constant 0 : i32
        %dma_start3A_288 = tpu.memref_slice %arg18[%dma_start3A_286, %dma_start3A_287] : memref<312x64xf32, #tpu.memory_space<vmem>> -> memref<8x64xf32, #tpu.memory_space<vmem>>
        tpu.enqueue_dma source(%dma_start3A_288 : memref<8x64xf32, #tpu.memory_space<vmem>>) target(%dma_start3A_285 : memref<8x64xf32, #tpu.memory_space<vmem_shared>>) target_semaphore(%run_scoped3A : memref<!tpu.dma_semaphore, #tpu.memory_space<semaphore_mem>>)
        %dma_wait3A = arith.constant 0 : i32
        %dma_wait3A_289 = arith.constant 0 : i32
        %dma_wait3A_290 = tpu.memref_slice %arg18[%dma_wait3A, %dma_wait3A_289] : memref<312x64xf32, #tpu.memory_space<vmem>> -> memref<8x64xf32, #tpu.memory_space<vmem>>
        %dma_wait3A_291 = arith.constant 4992 : i32
        %dma_wait3A_292 = arith.constant 0 : i32
        %dma_wait3A_293 = tpu.memref_slice %arg20[%dma_wait3A_291, %dma_wait3A_292] : memref<5008x64xf32, #tpu.memory_space<vmem_shared>> -> memref<8x64xf32, #tpu.memory_space<vmem_shared>>
        %dma_wait3A_294 = arith.constant 4992 : i32
        %dma_wait3A_295 = arith.constant 0 : i32
        %dma_wait3A_296 = tpu.memref_slice %arg20[%dma_wait3A_294, %dma_wait3A_295] : memref<5008x64xf32, #tpu.memory_space<vmem_shared>> -> memref<8x64xf32, #tpu.memory_space<vmem_shared>>
        %dma_wait3A_297 = arith.constant 0 : i32
        %dma_wait3A_298 = arith.constant 0 : i32
        %dma_wait3A_299 = tpu.memref_slice %arg18[%dma_wait3A_297, %dma_wait3A_298] : memref<312x64xf32, #tpu.memory_space<vmem>> -> memref<8x64xf32, #tpu.memory_space<vmem>>
        tpu.wait_dma2 semaphore(%run_scoped3A : memref<!tpu.dma_semaphore, #tpu.memory_space<semaphore_mem>>) src(%dma_wait3A_299 : memref<8x64xf32, #tpu.memory_space<vmem>>) dst(%dma_wait3A_296 : memref<8x64xf32, #tpu.memory_space<vmem_shared>>)
        tpu.yield
      }) : () -> ()
    } else {
    }
    "tpu.region"() ({
      %run_scoped3A = tpu.sem_alloc : memref<!tpu.dma_semaphore, #tpu.memory_space<semaphore_mem>>
      tpu.enqueue_dma source(%arg6 : memref<312x16xf32, #tpu.memory_space<hbm>>) target(%arg19 : memref<312x16xf32, #tpu.memory_space<vmem>>) target_semaphore(%run_scoped3A : memref<!tpu.dma_semaphore, #tpu.memory_space<semaphore_mem>>)
      tpu.wait_dma2 semaphore(%run_scoped3A : memref<!tpu.dma_semaphore, #tpu.memory_space<semaphore_mem>>) src(%arg6 : memref<312x16xf32, #tpu.memory_space<hbm>>) dst(%arg19 : memref<312x16xf32, #tpu.memory_space<vmem>>)
      tpu.yield
    }) : () -> ()
    %mul3A_73 = arith.constant 312 : i32
    %mul3A_74 = arith.muli %arg1, %mul3A_73 : i32
    "tpu.region"() ({
      %run_scoped3A = tpu.sem_alloc : memref<!tpu.dma_semaphore, #tpu.memory_space<semaphore_mem>>
      %dma_start3A = arith.constant 0 : i32
      %dma_start3A_278 = tpu.memref_slice %arg21[%mul3A_74, %dma_start3A] : memref<5008x16xf32, #tpu.memory_space<vmem_shared>> -> memref<312x16xf32, #tpu.memory_space<vmem_shared>>
      %dma_start3A_279 = arith.constant 0 : i32
      %dma_start3A_280 = tpu.memref_slice %arg21[%mul3A_74, %dma_start3A_279] : memref<5008x16xf32, #tpu.memory_space<vmem_shared>> -> memref<312x16xf32, #tpu.memory_space<vmem_shared>>
      tpu.enqueue_dma source(%arg19 : memref<312x16xf32, #tpu.memory_space<vmem>>) target(%dma_start3A_280 : memref<312x16xf32, #tpu.memory_space<vmem_shared>>) target_semaphore(%run_scoped3A : memref<!tpu.dma_semaphore, #tpu.memory_space<semaphore_mem>>)
      %dma_wait3A = arith.constant 0 : i32
      %dma_wait3A_281 = tpu.memref_slice %arg21[%mul3A_74, %dma_wait3A] : memref<5008x16xf32, #tpu.memory_space<vmem_shared>> -> memref<312x16xf32, #tpu.memory_space<vmem_shared>>
      %dma_wait3A_282 = arith.constant 0 : i32
      %dma_wait3A_283 = tpu.memref_slice %arg21[%mul3A_74, %dma_wait3A_282] : memref<5008x16xf32, #tpu.memory_space<vmem_shared>> -> memref<312x16xf32, #tpu.memory_space<vmem_shared>>
      tpu.wait_dma2 semaphore(%run_scoped3A : memref<!tpu.dma_semaphore, #tpu.memory_space<semaphore_mem>>) src(%arg19 : memref<312x16xf32, #tpu.memory_space<vmem>>) dst(%dma_wait3A_283 : memref<312x16xf32, #tpu.memory_space<vmem_shared>>)
      tpu.yield
    }) : () -> ()
    %eq3A_75 = arith.constant 0 : i32
    %eq3A_76 = arith.cmpi eq, %arg1, %eq3A_75 : i32
    %convert_element_type3A_77 = arith.extui %eq3A_76 : i1 to i32
    %cond3A_78 = arith.constant 0 : i32
    %cond3A_79 = arith.cmpi ne, %convert_element_type3A_77, %cond3A_78 : i32
    scf.if %cond3A_79 {
      "tpu.region"() ({
        %run_scoped3A = tpu.sem_alloc : memref<!tpu.dma_semaphore, #tpu.memory_space<semaphore_mem>>
        %dma_start3A = arith.constant 0 : i32
        %dma_start3A_278 = arith.constant 0 : i32
        %dma_start3A_279 = tpu.memref_slice %arg19[%dma_start3A, %dma_start3A_278] : memref<312x16xf32, #tpu.memory_space<vmem>> -> memref<8x16xf32, #tpu.memory_space<vmem>>
        %dma_start3A_280 = arith.constant 4992 : i32
        %dma_start3A_281 = arith.constant 0 : i32
        %dma_start3A_282 = tpu.memref_slice %arg21[%dma_start3A_280, %dma_start3A_281] : memref<5008x16xf32, #tpu.memory_space<vmem_shared>> -> memref<8x16xf32, #tpu.memory_space<vmem_shared>>
        %dma_start3A_283 = arith.constant 4992 : i32
        %dma_start3A_284 = arith.constant 0 : i32
        %dma_start3A_285 = tpu.memref_slice %arg21[%dma_start3A_283, %dma_start3A_284] : memref<5008x16xf32, #tpu.memory_space<vmem_shared>> -> memref<8x16xf32, #tpu.memory_space<vmem_shared>>
        %dma_start3A_286 = arith.constant 0 : i32
        %dma_start3A_287 = arith.constant 0 : i32
        %dma_start3A_288 = tpu.memref_slice %arg19[%dma_start3A_286, %dma_start3A_287] : memref<312x16xf32, #tpu.memory_space<vmem>> -> memref<8x16xf32, #tpu.memory_space<vmem>>
        tpu.enqueue_dma source(%dma_start3A_288 : memref<8x16xf32, #tpu.memory_space<vmem>>) target(%dma_start3A_285 : memref<8x16xf32, #tpu.memory_space<vmem_shared>>) target_semaphore(%run_scoped3A : memref<!tpu.dma_semaphore, #tpu.memory_space<semaphore_mem>>)
        %dma_wait3A = arith.constant 0 : i32
        %dma_wait3A_289 = arith.constant 0 : i32
        %dma_wait3A_290 = tpu.memref_slice %arg19[%dma_wait3A, %dma_wait3A_289] : memref<312x16xf32, #tpu.memory_space<vmem>> -> memref<8x16xf32, #tpu.memory_space<vmem>>
        %dma_wait3A_291 = arith.constant 4992 : i32
        %dma_wait3A_292 = arith.constant 0 : i32
        %dma_wait3A_293 = tpu.memref_slice %arg21[%dma_wait3A_291, %dma_wait3A_292] : memref<5008x16xf32, #tpu.memory_space<vmem_shared>> -> memref<8x16xf32, #tpu.memory_space<vmem_shared>>
        %dma_wait3A_294 = arith.constant 4992 : i32
        %dma_wait3A_295 = arith.constant 0 : i32
        %dma_wait3A_296 = tpu.memref_slice %arg21[%dma_wait3A_294, %dma_wait3A_295] : memref<5008x16xf32, #tpu.memory_space<vmem_shared>> -> memref<8x16xf32, #tpu.memory_space<vmem_shared>>
        %dma_wait3A_297 = arith.constant 0 : i32
        %dma_wait3A_298 = arith.constant 0 : i32
        %dma_wait3A_299 = tpu.memref_slice %arg19[%dma_wait3A_297, %dma_wait3A_298] : memref<312x16xf32, #tpu.memory_space<vmem>> -> memref<8x16xf32, #tpu.memory_space<vmem>>
        tpu.wait_dma2 semaphore(%run_scoped3A : memref<!tpu.dma_semaphore, #tpu.memory_space<semaphore_mem>>) src(%dma_wait3A_299 : memref<8x16xf32, #tpu.memory_space<vmem>>) dst(%dma_wait3A_296 : memref<8x16xf32, #tpu.memory_space<vmem_shared>>)
        tpu.yield
      }) : () -> ()
    } else {
    }
    %barrier3A = arith.constant 0 : index
    tpu.barrier barrier_id(%barrier3A)
    %gt3A = arith.constant 0 : i32
    %gt3A_80 = arith.cmpi sgt, %select_n3A_68, %gt3A : i32
    %convert_element_type3A_81 = arith.extui %gt3A_80 : i1 to i32
    %cond3A_82 = arith.constant 0 : i32
    %cond3A_83 = arith.cmpi ne, %convert_element_type3A_81, %cond3A_82 : i32
    scf.if %cond3A_83 {
      %dma_start3A = arith.constant 0 : i32
      %dma_start3A_278 = arith.constant 0 : i32
      %dma_start3A_279 = arith.constant 0 : i32
      %dma_start3A_280 = tpu.memref_slice %arg15[%dma_start3A, %dma_start3A_278, %dma_start3A_279] : memref<2x128x64xf32, #tpu.memory_space<vmem>> -> memref<1x128x64xf32, #tpu.memory_space<vmem>>
      %dma_start3A_281 = tpu.memref_squeeze %dma_start3A_280 : memref<1x128x64xf32, #tpu.memory_space<vmem>> -> memref<128x64xf32, #tpu.memory_space<vmem>>
      %dma_start3A_282 = arith.constant 0 : i32
      %dma_start3A_283 = tpu.memref_slice %arg12[%dma_start3A_282] : memref<10496xi32, #tpu.memory_space<vmem>> -> memref<128xi32, #tpu.memory_space<vmem>>
      %dma_start3A_284 = arith.constant 0 : i32
      %dma_start3A_285 = arith.constant 0 : i32
      %dma_start3A_286 = tpu.memref_slice %arg4[%dma_start3A_284, %dma_start3A_285] : memref<40000x64xf32, #tpu.memory_space<hbm>> -> memref<40000x64xf32, #tpu.memory_space<hbm>>
      tpu.enqueue_indirect_dma source(%dma_start3A_286 : memref<40000x64xf32, #tpu.memory_space<hbm>>) target(%dma_start3A_281 : memref<128x64xf32, #tpu.memory_space<vmem>>) offsets(%dma_start3A_283 : memref<128xi32, #tpu.memory_space<vmem>>) semaphore(%arg22 : memref<!tpu.dma_semaphore, #tpu.memory_space<semaphore_mem>>)
    } else {
    }
    %while3A = arith.constant 0 : i32
    %while3A_84 = arith.constant 0 : i32
    %while3A_85 = arith.subi %select_n3A_68, %while3A_84 : i32
    %while3A_86 = arith.addi %while3A_84, %while3A_85 : i32
    %while3A_87 = arith.constant 1 : i32
    %while3A_88 = arith.divsi %while3A_85, %while3A_87 : i32
    %while3A_89 = arith.muli %while3A_88, %while3A_87 : i32
    %while3A_90 = arith.addi %while3A_84, %while3A_89 : i32
    %while3A_91 = arith.constant 1 : i32
    scf.for %while3A_278 = %while3A_84 to %while3A_90 step %while3A_91  : i32 {
      %mul3A_279 = arith.constant 2 : i32
      %mul3A_280 = arith.muli %mul3A_279, %while3A_278 : i32
      %add3A_281 = arith.constant 1 : i32
      %add3A_282 = arith.addi %mul3A_280, %add3A_281 : i32
      %gt3A_283 = arith.constant 0 : i32
      %gt3A_284 = arith.cmpi sgt, %while3A_278, %gt3A_283 : i32
      %convert_element_type3A_285 = arith.extui %gt3A_284 : i1 to i32
      %cond3A_286 = arith.constant 0 : i32
      %cond3A_287 = arith.cmpi ne, %convert_element_type3A_285, %cond3A_286 : i32
      scf.if %cond3A_287 {
        %sub3A_363 = arith.constant 1 : i32
        %sub3A_364 = arith.subi %mul3A_280, %sub3A_363 : i32
        %mul3A_365 = arith.constant 128 : i32
        %mul3A_366 = arith.muli %sub3A_364, %mul3A_365 : i32
        %dma_wait3A_367 = arith.constant 1 : i32
        %dma_wait3A_368 = arith.constant 0 : i32
        %dma_wait3A_369 = arith.constant 0 : i32
        %dma_wait3A_370 = tpu.memref_slice %arg15[%dma_wait3A_367, %dma_wait3A_368, %dma_wait3A_369] : memref<2x128x64xf32, #tpu.memory_space<vmem>> -> memref<1x128x64xf32, #tpu.memory_space<vmem>>
        %dma_wait3A_371 = tpu.memref_squeeze %dma_wait3A_370 : memref<1x128x64xf32, #tpu.memory_space<vmem>> -> memref<128x64xf32, #tpu.memory_space<vmem>>
        %dma_wait3A_372 = tpu.memref_slice %arg13[%mul3A_366] : memref<10496xi32, #tpu.memory_space<vmem>> -> memref<128xi32, #tpu.memory_space<vmem>>
        %dma_wait3A_373 = arith.constant 0 : i32
        %dma_wait3A_374 = arith.constant 0 : i32
        %dma_wait3A_375 = tpu.memref_slice %arg20[%dma_wait3A_373, %dma_wait3A_374] : memref<5008x64xf32, #tpu.memory_space<vmem_shared>> -> memref<5008x64xf32, #tpu.memory_space<vmem_shared>>
        tpu.wait_indirect_dma semaphore(%arg25 : memref<!tpu.dma_semaphore, #tpu.memory_space<semaphore_mem>>) src(%dma_wait3A_371 : memref<128x64xf32, #tpu.memory_space<vmem>>) dst(%dma_wait3A_375 : memref<5008x64xf32, #tpu.memory_space<vmem_shared>>)
      } else {
      }
      %mul3A_288 = arith.constant 128 : i32
      %mul3A_289 = arith.muli %add3A_282, %mul3A_288 : i32
      %dma_start3A = arith.constant 1 : i32
      %dma_start3A_290 = arith.constant 0 : i32
      %dma_start3A_291 = arith.constant 0 : i32
      %dma_start3A_292 = tpu.memref_slice %arg15[%dma_start3A, %dma_start3A_290, %dma_start3A_291] : memref<2x128x64xf32, #tpu.memory_space<vmem>> -> memref<1x128x64xf32, #tpu.memory_space<vmem>>
      %dma_start3A_293 = tpu.memref_squeeze %dma_start3A_292 : memref<1x128x64xf32, #tpu.memory_space<vmem>> -> memref<128x64xf32, #tpu.memory_space<vmem>>
      %dma_start3A_294 = tpu.memref_slice %arg12[%mul3A_289] : memref<10496xi32, #tpu.memory_space<vmem>> -> memref<128xi32, #tpu.memory_space<vmem>>
      %dma_start3A_295 = arith.constant 0 : i32
      %dma_start3A_296 = arith.constant 0 : i32
      %dma_start3A_297 = tpu.memref_slice %arg4[%dma_start3A_295, %dma_start3A_296] : memref<40000x64xf32, #tpu.memory_space<hbm>> -> memref<40000x64xf32, #tpu.memory_space<hbm>>
      tpu.enqueue_indirect_dma source(%dma_start3A_297 : memref<40000x64xf32, #tpu.memory_space<hbm>>) target(%dma_start3A_293 : memref<128x64xf32, #tpu.memory_space<vmem>>) offsets(%dma_start3A_294 : memref<128xi32, #tpu.memory_space<vmem>>) semaphore(%arg23 : memref<!tpu.dma_semaphore, #tpu.memory_space<semaphore_mem>>)
      %mul3A_298 = arith.constant 128 : i32
      %mul3A_299 = arith.muli %mul3A_280, %mul3A_298 : i32
      %dma_wait3A = arith.constant 0 : i32
      %dma_wait3A_300 = arith.constant 0 : i32
      %dma_wait3A_301 = arith.constant 0 : i32
      %dma_wait3A_302 = tpu.memref_slice %arg15[%dma_wait3A, %dma_wait3A_300, %dma_wait3A_301] : memref<2x128x64xf32, #tpu.memory_space<vmem>> -> memref<1x128x64xf32, #tpu.memory_space<vmem>>
      %dma_wait3A_303 = tpu.memref_squeeze %dma_wait3A_302 : memref<1x128x64xf32, #tpu.memory_space<vmem>> -> memref<128x64xf32, #tpu.memory_space<vmem>>
      %dma_wait3A_304 = tpu.memref_slice %arg12[%mul3A_299] : memref<10496xi32, #tpu.memory_space<vmem>> -> memref<128xi32, #tpu.memory_space<vmem>>
      %dma_wait3A_305 = arith.constant 0 : i32
      %dma_wait3A_306 = arith.constant 0 : i32
      %dma_wait3A_307 = tpu.memref_slice %arg4[%dma_wait3A_305, %dma_wait3A_306] : memref<40000x64xf32, #tpu.memory_space<hbm>> -> memref<40000x64xf32, #tpu.memory_space<hbm>>
      tpu.wait_indirect_dma semaphore(%arg22 : memref<!tpu.dma_semaphore, #tpu.memory_space<semaphore_mem>>) src(%dma_wait3A_307 : memref<40000x64xf32, #tpu.memory_space<hbm>>) dst(%dma_wait3A_303 : memref<128x64xf32, #tpu.memory_space<vmem>>)
      %mul3A_308 = arith.constant 128 : i32
      %mul3A_309 = arith.muli %mul3A_280, %mul3A_308 : i32
      %dma_start3A_310 = arith.constant 0 : i32
      %dma_start3A_311 = arith.constant 0 : i32
      %dma_start3A_312 = arith.constant 0 : i32
      %dma_start3A_313 = tpu.memref_slice %arg15[%dma_start3A_310, %dma_start3A_311, %dma_start3A_312] : memref<2x128x64xf32, #tpu.memory_space<vmem>> -> memref<1x128x64xf32, #tpu.memory_space<vmem>>
      %dma_start3A_314 = tpu.memref_squeeze %dma_start3A_313 : memref<1x128x64xf32, #tpu.memory_space<vmem>> -> memref<128x64xf32, #tpu.memory_space<vmem>>
      %dma_start3A_315 = tpu.memref_slice %arg13[%mul3A_309] : memref<10496xi32, #tpu.memory_space<vmem>> -> memref<128xi32, #tpu.memory_space<vmem>>
      %dma_start3A_316 = arith.constant 0 : i32
      %dma_start3A_317 = arith.constant 0 : i32
      %dma_start3A_318 = tpu.memref_slice %arg20[%dma_start3A_316, %dma_start3A_317] : memref<5008x64xf32, #tpu.memory_space<vmem_shared>> -> memref<5008x64xf32, #tpu.memory_space<vmem_shared>>
      tpu.enqueue_indirect_dma source(%dma_start3A_314 : memref<128x64xf32, #tpu.memory_space<vmem>>) target(%dma_start3A_318 : memref<5008x64xf32, #tpu.memory_space<vmem_shared>>) offsets(%dma_start3A_315 : memref<128xi32, #tpu.memory_space<vmem>>) semaphore(%arg24 : memref<!tpu.dma_semaphore, #tpu.memory_space<semaphore_mem>>) {add = true}
      %gt3A_319 = arith.constant 3 : i32
      %gt3A_320 = arith.cmpi sgt, %while3A_278, %gt3A_319 : i32
      %convert_element_type3A_321 = arith.extui %gt3A_320 : i1 to i32
      %cond3A_322 = arith.constant 0 : i32
      %cond3A_323 = arith.cmpi ne, %convert_element_type3A_321, %cond3A_322 : i32
      scf.if %cond3A_323 {
        %sub3A_363 = arith.constant 8 : i32
        %sub3A_364 = arith.subi %mul3A_280, %sub3A_363 : i32
        %mul3A_365 = arith.constant 128 : i32
        %mul3A_366 = arith.muli %sub3A_364, %mul3A_365 : i32
        %dma_wait3A_367 = tpu.memref_slice %arg13[%mul3A_366] : memref<10496xi32, #tpu.memory_space<vmem>> -> memref<128xi32, #tpu.memory_space<vmem>>
        %dma_wait3A_368 = arith.constant 0 : i32
        %dma_wait3A_369 = arith.constant 0 : i32
        %dma_wait3A_370 = tpu.memref_slice %arg21[%dma_wait3A_368, %dma_wait3A_369] : memref<5008x16xf32, #tpu.memory_space<vmem_shared>> -> memref<5008x16xf32, #tpu.memory_space<vmem_shared>>
        tpu.wait_indirect_dma semaphore(%arg26 : memref<!tpu.dma_semaphore, #tpu.memory_space<semaphore_mem>>) src(%arg16 : memref<128x16xf32, #tpu.memory_space<vmem>>) dst(%dma_wait3A_370 : memref<5008x16xf32, #tpu.memory_space<vmem_shared>>)
        %sub3A_371 = arith.constant 7 : i32
        %sub3A_372 = arith.subi %mul3A_280, %sub3A_371 : i32
        %mul3A_373 = arith.constant 128 : i32
        %mul3A_374 = arith.muli %sub3A_372, %mul3A_373 : i32
        %dma_wait3A_375 = tpu.memref_slice %arg13[%mul3A_374] : memref<10496xi32, #tpu.memory_space<vmem>> -> memref<128xi32, #tpu.memory_space<vmem>>
        %dma_wait3A_376 = arith.constant 0 : i32
        %dma_wait3A_377 = arith.constant 0 : i32
        %dma_wait3A_378 = tpu.memref_slice %arg21[%dma_wait3A_376, %dma_wait3A_377] : memref<5008x16xf32, #tpu.memory_space<vmem_shared>> -> memref<5008x16xf32, #tpu.memory_space<vmem_shared>>
        tpu.wait_indirect_dma semaphore(%arg26 : memref<!tpu.dma_semaphore, #tpu.memory_space<semaphore_mem>>) src(%arg16 : memref<128x16xf32, #tpu.memory_space<vmem>>) dst(%dma_wait3A_378 : memref<5008x16xf32, #tpu.memory_space<vmem_shared>>)
      } else {
      }
      %mul3A_324 = arith.constant 128 : i32
      %mul3A_325 = arith.muli %mul3A_280, %mul3A_324 : i32
      %dma_start3A_326 = tpu.memref_slice %arg13[%mul3A_325] : memref<10496xi32, #tpu.memory_space<vmem>> -> memref<128xi32, #tpu.memory_space<vmem>>
      %dma_start3A_327 = arith.constant 0 : i32
      %dma_start3A_328 = arith.constant 0 : i32
      %dma_start3A_329 = tpu.memref_slice %arg21[%dma_start3A_327, %dma_start3A_328] : memref<5008x16xf32, #tpu.memory_space<vmem_shared>> -> memref<5008x16xf32, #tpu.memory_space<vmem_shared>>
      tpu.enqueue_indirect_dma source(%arg16 : memref<128x16xf32, #tpu.memory_space<vmem>>) target(%dma_start3A_329 : memref<5008x16xf32, #tpu.memory_space<vmem_shared>>) offsets(%dma_start3A_326 : memref<128xi32, #tpu.memory_space<vmem>>) semaphore(%arg26 : memref<!tpu.dma_semaphore, #tpu.memory_space<semaphore_mem>>) {add = true}
      %mul3A_330 = arith.constant 128 : i32
      %mul3A_331 = arith.muli %add3A_282, %mul3A_330 : i32
      %dma_start3A_332 = tpu.memref_slice %arg13[%mul3A_331] : memref<10496xi32, #tpu.memory_space<vmem>> -> memref<128xi32, #tpu.memory_space<vmem>>
      %dma_start3A_333 = arith.constant 0 : i32
      %dma_start3A_334 = arith.constant 0 : i32
      %dma_start3A_335 = tpu.memref_slice %arg21[%dma_start3A_333, %dma_start3A_334] : memref<5008x16xf32, #tpu.memory_space<vmem_shared>> -> memref<5008x16xf32, #tpu.memory_space<vmem_shared>>
      tpu.enqueue_indirect_dma source(%arg16 : memref<128x16xf32, #tpu.memory_space<vmem>>) target(%dma_start3A_335 : memref<5008x16xf32, #tpu.memory_space<vmem_shared>>) offsets(%dma_start3A_332 : memref<128xi32, #tpu.memory_space<vmem>>) semaphore(%arg26 : memref<!tpu.dma_semaphore, #tpu.memory_space<semaphore_mem>>) {add = true}
      %sub3A_336 = arith.constant 1 : i32
      %sub3A_337 = arith.subi %select_n3A_68, %sub3A_336 : i32
      %lt3A = arith.cmpi slt, %while3A_278, %sub3A_337 : i32
      %convert_element_type3A_338 = arith.extui %lt3A : i1 to i32
      %cond3A_339 = arith.constant 0 : i32
      %cond3A_340 = arith.cmpi ne, %convert_element_type3A_338, %cond3A_339 : i32
      scf.if %cond3A_340 {
        %mul3A_363 = arith.constant 128 : i32
        %mul3A_364 = arith.muli %mul3A_280, %mul3A_363 : i32
        %dma_wait3A_365 = arith.constant 0 : i32
        %dma_wait3A_366 = arith.constant 0 : i32
        %dma_wait3A_367 = arith.constant 0 : i32
        %dma_wait3A_368 = tpu.memref_slice %arg15[%dma_wait3A_365, %dma_wait3A_366, %dma_wait3A_367] : memref<2x128x64xf32, #tpu.memory_space<vmem>> -> memref<1x128x64xf32, #tpu.memory_space<vmem>>
        %dma_wait3A_369 = tpu.memref_squeeze %dma_wait3A_368 : memref<1x128x64xf32, #tpu.memory_space<vmem>> -> memref<128x64xf32, #tpu.memory_space<vmem>>
        %dma_wait3A_370 = tpu.memref_slice %arg13[%mul3A_364] : memref<10496xi32, #tpu.memory_space<vmem>> -> memref<128xi32, #tpu.memory_space<vmem>>
        %dma_wait3A_371 = arith.constant 0 : i32
        %dma_wait3A_372 = arith.constant 0 : i32
        %dma_wait3A_373 = tpu.memref_slice %arg20[%dma_wait3A_371, %dma_wait3A_372] : memref<5008x64xf32, #tpu.memory_space<vmem_shared>> -> memref<5008x64xf32, #tpu.memory_space<vmem_shared>>
        tpu.wait_indirect_dma semaphore(%arg24 : memref<!tpu.dma_semaphore, #tpu.memory_space<semaphore_mem>>) src(%dma_wait3A_369 : memref<128x64xf32, #tpu.memory_space<vmem>>) dst(%dma_wait3A_373 : memref<5008x64xf32, #tpu.memory_space<vmem_shared>>)
        %add3A_374 = arith.constant 2 : i32
        %add3A_375 = arith.addi %mul3A_280, %add3A_374 : i32
        %mul3A_376 = arith.constant 128 : i32
        %mul3A_377 = arith.muli %add3A_375, %mul3A_376 : i32
        %dma_start3A_378 = arith.constant 0 : i32
        %dma_start3A_379 = arith.constant 0 : i32
        %dma_start3A_380 = arith.constant 0 : i32
        %dma_start3A_381 = tpu.memref_slice %arg15[%dma_start3A_378, %dma_start3A_379, %dma_start3A_380] : memref<2x128x64xf32, #tpu.memory_space<vmem>> -> memref<1x128x64xf32, #tpu.memory_space<vmem>>
        %dma_start3A_382 = tpu.memref_squeeze %dma_start3A_381 : memref<1x128x64xf32, #tpu.memory_space<vmem>> -> memref<128x64xf32, #tpu.memory_space<vmem>>
        %dma_start3A_383 = tpu.memref_slice %arg12[%mul3A_377] : memref<10496xi32, #tpu.memory_space<vmem>> -> memref<128xi32, #tpu.memory_space<vmem>>
        %dma_start3A_384 = arith.constant 0 : i32
        %dma_start3A_385 = arith.constant 0 : i32
        %dma_start3A_386 = tpu.memref_slice %arg4[%dma_start3A_384, %dma_start3A_385] : memref<40000x64xf32, #tpu.memory_space<hbm>> -> memref<40000x64xf32, #tpu.memory_space<hbm>>
        tpu.enqueue_indirect_dma source(%dma_start3A_386 : memref<40000x64xf32, #tpu.memory_space<hbm>>) target(%dma_start3A_382 : memref<128x64xf32, #tpu.memory_space<vmem>>) offsets(%dma_start3A_383 : memref<128xi32, #tpu.memory_space<vmem>>) semaphore(%arg22 : memref<!tpu.dma_semaphore, #tpu.memory_space<semaphore_mem>>)
      } else {
      }
      %mul3A_341 = arith.constant 128 : i32
      %mul3A_342 = arith.muli %add3A_282, %mul3A_341 : i32
      %dma_wait3A_343 = arith.constant 1 : i32
      %dma_wait3A_344 = arith.constant 0 : i32
      %dma_wait3A_345 = arith.constant 0 : i32
      %dma_wait3A_346 = tpu.memref_slice %arg15[%dma_wait3A_343, %dma_wait3A_344, %dma_wait3A_345] : memref<2x128x64xf32, #tpu.memory_space<vmem>> -> memref<1x128x64xf32, #tpu.memory_space<vmem>>
      %dma_wait3A_347 = tpu.memref_squeeze %dma_wait3A_346 : memref<1x128x64xf32, #tpu.memory_space<vmem>> -> memref<128x64xf32, #tpu.memory_space<vmem>>
      %dma_wait3A_348 = tpu.memref_slice %arg12[%mul3A_342] : memref<10496xi32, #tpu.memory_space<vmem>> -> memref<128xi32, #tpu.memory_space<vmem>>
      %dma_wait3A_349 = arith.constant 0 : i32
      %dma_wait3A_350 = arith.constant 0 : i32
      %dma_wait3A_351 = tpu.memref_slice %arg4[%dma_wait3A_349, %dma_wait3A_350] : memref<40000x64xf32, #tpu.memory_space<hbm>> -> memref<40000x64xf32, #tpu.memory_space<hbm>>
      tpu.wait_indirect_dma semaphore(%arg23 : memref<!tpu.dma_semaphore, #tpu.memory_space<semaphore_mem>>) src(%dma_wait3A_351 : memref<40000x64xf32, #tpu.memory_space<hbm>>) dst(%dma_wait3A_347 : memref<128x64xf32, #tpu.memory_space<vmem>>)
      %mul3A_352 = arith.constant 128 : i32
      %mul3A_353 = arith.muli %add3A_282, %mul3A_352 : i32
      %dma_start3A_354 = arith.constant 1 : i32
      %dma_start3A_355 = arith.constant 0 : i32
      %dma_start3A_356 = arith.constant 0 : i32
      %dma_start3A_357 = tpu.memref_slice %arg15[%dma_start3A_354, %dma_start3A_355, %dma_start3A_356] : memref<2x128x64xf32, #tpu.memory_space<vmem>> -> memref<1x128x64xf32, #tpu.memory_space<vmem>>
      %dma_start3A_358 = tpu.memref_squeeze %dma_start3A_357 : memref<1x128x64xf32, #tpu.memory_space<vmem>> -> memref<128x64xf32, #tpu.memory_space<vmem>>
      %dma_start3A_359 = tpu.memref_slice %arg13[%mul3A_353] : memref<10496xi32, #tpu.memory_space<vmem>> -> memref<128xi32, #tpu.memory_space<vmem>>
      %dma_start3A_360 = arith.constant 0 : i32
      %dma_start3A_361 = arith.constant 0 : i32
      %dma_start3A_362 = tpu.memref_slice %arg20[%dma_start3A_360, %dma_start3A_361] : memref<5008x64xf32, #tpu.memory_space<vmem_shared>> -> memref<5008x64xf32, #tpu.memory_space<vmem_shared>>
      tpu.enqueue_indirect_dma source(%dma_start3A_358 : memref<128x64xf32, #tpu.memory_space<vmem>>) target(%dma_start3A_362 : memref<5008x64xf32, #tpu.memory_space<vmem_shared>>) offsets(%dma_start3A_359 : memref<128xi32, #tpu.memory_space<vmem>>) semaphore(%arg25 : memref<!tpu.dma_semaphore, #tpu.memory_space<semaphore_mem>>) {add = true}
    }
    %while3A_92 = arith.constant 1 : i32
    scf.for %while3A_278 = %while3A_90 to %while3A_86 step %while3A_92  : i32 {
      %mul3A_279 = arith.constant 2 : i32
      %mul3A_280 = arith.muli %mul3A_279, %while3A_278 : i32
      %add3A_281 = arith.constant 1 : i32
      %add3A_282 = arith.addi %mul3A_280, %add3A_281 : i32
      %gt3A_283 = arith.constant 0 : i32
      %gt3A_284 = arith.cmpi sgt, %while3A_278, %gt3A_283 : i32
      %convert_element_type3A_285 = arith.extui %gt3A_284 : i1 to i32
      %cond3A_286 = arith.constant 0 : i32
      %cond3A_287 = arith.cmpi ne, %convert_element_type3A_285, %cond3A_286 : i32
      scf.if %cond3A_287 {
        %sub3A_363 = arith.constant 1 : i32
        %sub3A_364 = arith.subi %mul3A_280, %sub3A_363 : i32
        %mul3A_365 = arith.constant 128 : i32
        %mul3A_366 = arith.muli %sub3A_364, %mul3A_365 : i32
        %dma_wait3A_367 = arith.constant 1 : i32
        %dma_wait3A_368 = arith.constant 0 : i32
        %dma_wait3A_369 = arith.constant 0 : i32
        %dma_wait3A_370 = tpu.memref_slice %arg15[%dma_wait3A_367, %dma_wait3A_368, %dma_wait3A_369] : memref<2x128x64xf32, #tpu.memory_space<vmem>> -> memref<1x128x64xf32, #tpu.memory_space<vmem>>
        %dma_wait3A_371 = tpu.memref_squeeze %dma_wait3A_370 : memref<1x128x64xf32, #tpu.memory_space<vmem>> -> memref<128x64xf32, #tpu.memory_space<vmem>>
        %dma_wait3A_372 = tpu.memref_slice %arg13[%mul3A_366] : memref<10496xi32, #tpu.memory_space<vmem>> -> memref<128xi32, #tpu.memory_space<vmem>>
        %dma_wait3A_373 = arith.constant 0 : i32
        %dma_wait3A_374 = arith.constant 0 : i32
        %dma_wait3A_375 = tpu.memref_slice %arg20[%dma_wait3A_373, %dma_wait3A_374] : memref<5008x64xf32, #tpu.memory_space<vmem_shared>> -> memref<5008x64xf32, #tpu.memory_space<vmem_shared>>
        tpu.wait_indirect_dma semaphore(%arg25 : memref<!tpu.dma_semaphore, #tpu.memory_space<semaphore_mem>>) src(%dma_wait3A_371 : memref<128x64xf32, #tpu.memory_space<vmem>>) dst(%dma_wait3A_375 : memref<5008x64xf32, #tpu.memory_space<vmem_shared>>)
      } else {
      }
      %mul3A_288 = arith.constant 128 : i32
      %mul3A_289 = arith.muli %add3A_282, %mul3A_288 : i32
      %dma_start3A = arith.constant 1 : i32
      %dma_start3A_290 = arith.constant 0 : i32
      %dma_start3A_291 = arith.constant 0 : i32
      %dma_start3A_292 = tpu.memref_slice %arg15[%dma_start3A, %dma_start3A_290, %dma_start3A_291] : memref<2x128x64xf32, #tpu.memory_space<vmem>> -> memref<1x128x64xf32, #tpu.memory_space<vmem>>
      %dma_start3A_293 = tpu.memref_squeeze %dma_start3A_292 : memref<1x128x64xf32, #tpu.memory_space<vmem>> -> memref<128x64xf32, #tpu.memory_space<vmem>>
      %dma_start3A_294 = tpu.memref_slice %arg12[%mul3A_289] : memref<10496xi32, #tpu.memory_space<vmem>> -> memref<128xi32, #tpu.memory_space<vmem>>
      %dma_start3A_295 = arith.constant 0 : i32
      %dma_start3A_296 = arith.constant 0 : i32
      %dma_start3A_297 = tpu.memref_slice %arg4[%dma_start3A_295, %dma_start3A_296] : memref<40000x64xf32, #tpu.memory_space<hbm>> -> memref<40000x64xf32, #tpu.memory_space<hbm>>
      tpu.enqueue_indirect_dma source(%dma_start3A_297 : memref<40000x64xf32, #tpu.memory_space<hbm>>) target(%dma_start3A_293 : memref<128x64xf32, #tpu.memory_space<vmem>>) offsets(%dma_start3A_294 : memref<128xi32, #tpu.memory_space<vmem>>) semaphore(%arg23 : memref<!tpu.dma_semaphore, #tpu.memory_space<semaphore_mem>>)
      %mul3A_298 = arith.constant 128 : i32
      %mul3A_299 = arith.muli %mul3A_280, %mul3A_298 : i32
      %dma_wait3A = arith.constant 0 : i32
      %dma_wait3A_300 = arith.constant 0 : i32
      %dma_wait3A_301 = arith.constant 0 : i32
      %dma_wait3A_302 = tpu.memref_slice %arg15[%dma_wait3A, %dma_wait3A_300, %dma_wait3A_301] : memref<2x128x64xf32, #tpu.memory_space<vmem>> -> memref<1x128x64xf32, #tpu.memory_space<vmem>>
      %dma_wait3A_303 = tpu.memref_squeeze %dma_wait3A_302 : memref<1x128x64xf32, #tpu.memory_space<vmem>> -> memref<128x64xf32, #tpu.memory_space<vmem>>
      %dma_wait3A_304 = tpu.memref_slice %arg12[%mul3A_299] : memref<10496xi32, #tpu.memory_space<vmem>> -> memref<128xi32, #tpu.memory_space<vmem>>
      %dma_wait3A_305 = arith.constant 0 : i32
      %dma_wait3A_306 = arith.constant 0 : i32
      %dma_wait3A_307 = tpu.memref_slice %arg4[%dma_wait3A_305, %dma_wait3A_306] : memref<40000x64xf32, #tpu.memory_space<hbm>> -> memref<40000x64xf32, #tpu.memory_space<hbm>>
      tpu.wait_indirect_dma semaphore(%arg22 : memref<!tpu.dma_semaphore, #tpu.memory_space<semaphore_mem>>) src(%dma_wait3A_307 : memref<40000x64xf32, #tpu.memory_space<hbm>>) dst(%dma_wait3A_303 : memref<128x64xf32, #tpu.memory_space<vmem>>)
      %mul3A_308 = arith.constant 128 : i32
      %mul3A_309 = arith.muli %mul3A_280, %mul3A_308 : i32
      %dma_start3A_310 = arith.constant 0 : i32
      %dma_start3A_311 = arith.constant 0 : i32
      %dma_start3A_312 = arith.constant 0 : i32
      %dma_start3A_313 = tpu.memref_slice %arg15[%dma_start3A_310, %dma_start3A_311, %dma_start3A_312] : memref<2x128x64xf32, #tpu.memory_space<vmem>> -> memref<1x128x64xf32, #tpu.memory_space<vmem>>
      %dma_start3A_314 = tpu.memref_squeeze %dma_start3A_313 : memref<1x128x64xf32, #tpu.memory_space<vmem>> -> memref<128x64xf32, #tpu.memory_space<vmem>>
      %dma_start3A_315 = tpu.memref_slice %arg13[%mul3A_309] : memref<10496xi32, #tpu.memory_space<vmem>> -> memref<128xi32, #tpu.memory_space<vmem>>
      %dma_start3A_316 = arith.constant 0 : i32
      %dma_start3A_317 = arith.constant 0 : i32
      %dma_start3A_318 = tpu.memref_slice %arg20[%dma_start3A_316, %dma_start3A_317] : memref<5008x64xf32, #tpu.memory_space<vmem_shared>> -> memref<5008x64xf32, #tpu.memory_space<vmem_shared>>
      tpu.enqueue_indirect_dma source(%dma_start3A_314 : memref<128x64xf32, #tpu.memory_space<vmem>>) target(%dma_start3A_318 : memref<5008x64xf32, #tpu.memory_space<vmem_shared>>) offsets(%dma_start3A_315 : memref<128xi32, #tpu.memory_space<vmem>>) semaphore(%arg24 : memref<!tpu.dma_semaphore, #tpu.memory_space<semaphore_mem>>) {add = true}
      %gt3A_319 = arith.constant 3 : i32
      %gt3A_320 = arith.cmpi sgt, %while3A_278, %gt3A_319 : i32
      %convert_element_type3A_321 = arith.extui %gt3A_320 : i1 to i32
      %cond3A_322 = arith.constant 0 : i32
      %cond3A_323 = arith.cmpi ne, %convert_element_type3A_321, %cond3A_322 : i32
      scf.if %cond3A_323 {
        %sub3A_363 = arith.constant 8 : i32
        %sub3A_364 = arith.subi %mul3A_280, %sub3A_363 : i32
        %mul3A_365 = arith.constant 128 : i32
        %mul3A_366 = arith.muli %sub3A_364, %mul3A_365 : i32
        %dma_wait3A_367 = tpu.memref_slice %arg13[%mul3A_366] : memref<10496xi32, #tpu.memory_space<vmem>> -> memref<128xi32, #tpu.memory_space<vmem>>
        %dma_wait3A_368 = arith.constant 0 : i32
        %dma_wait3A_369 = arith.constant 0 : i32
        %dma_wait3A_370 = tpu.memref_slice %arg21[%dma_wait3A_368, %dma_wait3A_369] : memref<5008x16xf32, #tpu.memory_space<vmem_shared>> -> memref<5008x16xf32, #tpu.memory_space<vmem_shared>>
        tpu.wait_indirect_dma semaphore(%arg26 : memref<!tpu.dma_semaphore, #tpu.memory_space<semaphore_mem>>) src(%arg16 : memref<128x16xf32, #tpu.memory_space<vmem>>) dst(%dma_wait3A_370 : memref<5008x16xf32, #tpu.memory_space<vmem_shared>>)
        %sub3A_371 = arith.constant 7 : i32
        %sub3A_372 = arith.subi %mul3A_280, %sub3A_371 : i32
        %mul3A_373 = arith.constant 128 : i32
        %mul3A_374 = arith.muli %sub3A_372, %mul3A_373 : i32
        %dma_wait3A_375 = tpu.memref_slice %arg13[%mul3A_374] : memref<10496xi32, #tpu.memory_space<vmem>> -> memref<128xi32, #tpu.memory_space<vmem>>
        %dma_wait3A_376 = arith.constant 0 : i32
        %dma_wait3A_377 = arith.constant 0 : i32
        %dma_wait3A_378 = tpu.memref_slice %arg21[%dma_wait3A_376, %dma_wait3A_377] : memref<5008x16xf32, #tpu.memory_space<vmem_shared>> -> memref<5008x16xf32, #tpu.memory_space<vmem_shared>>
        tpu.wait_indirect_dma semaphore(%arg26 : memref<!tpu.dma_semaphore, #tpu.memory_space<semaphore_mem>>) src(%arg16 : memref<128x16xf32, #tpu.memory_space<vmem>>) dst(%dma_wait3A_378 : memref<5008x16xf32, #tpu.memory_space<vmem_shared>>)
      } else {
      }
      %mul3A_324 = arith.constant 128 : i32
      %mul3A_325 = arith.muli %mul3A_280, %mul3A_324 : i32
      %dma_start3A_326 = tpu.memref_slice %arg13[%mul3A_325] : memref<10496xi32, #tpu.memory_space<vmem>> -> memref<128xi32, #tpu.memory_space<vmem>>
      %dma_start3A_327 = arith.constant 0 : i32
      %dma_start3A_328 = arith.constant 0 : i32
      %dma_start3A_329 = tpu.memref_slice %arg21[%dma_start3A_327, %dma_start3A_328] : memref<5008x16xf32, #tpu.memory_space<vmem_shared>> -> memref<5008x16xf32, #tpu.memory_space<vmem_shared>>
      tpu.enqueue_indirect_dma source(%arg16 : memref<128x16xf32, #tpu.memory_space<vmem>>) target(%dma_start3A_329 : memref<5008x16xf32, #tpu.memory_space<vmem_shared>>) offsets(%dma_start3A_326 : memref<128xi32, #tpu.memory_space<vmem>>) semaphore(%arg26 : memref<!tpu.dma_semaphore, #tpu.memory_space<semaphore_mem>>) {add = true}
      %mul3A_330 = arith.constant 128 : i32
      %mul3A_331 = arith.muli %add3A_282, %mul3A_330 : i32
      %dma_start3A_332 = tpu.memref_slice %arg13[%mul3A_331] : memref<10496xi32, #tpu.memory_space<vmem>> -> memref<128xi32, #tpu.memory_space<vmem>>
      %dma_start3A_333 = arith.constant 0 : i32
      %dma_start3A_334 = arith.constant 0 : i32
      %dma_start3A_335 = tpu.memref_slice %arg21[%dma_start3A_333, %dma_start3A_334] : memref<5008x16xf32, #tpu.memory_space<vmem_shared>> -> memref<5008x16xf32, #tpu.memory_space<vmem_shared>>
      tpu.enqueue_indirect_dma source(%arg16 : memref<128x16xf32, #tpu.memory_space<vmem>>) target(%dma_start3A_335 : memref<5008x16xf32, #tpu.memory_space<vmem_shared>>) offsets(%dma_start3A_332 : memref<128xi32, #tpu.memory_space<vmem>>) semaphore(%arg26 : memref<!tpu.dma_semaphore, #tpu.memory_space<semaphore_mem>>) {add = true}
      %sub3A_336 = arith.constant 1 : i32
      %sub3A_337 = arith.subi %select_n3A_68, %sub3A_336 : i32
      %lt3A = arith.cmpi slt, %while3A_278, %sub3A_337 : i32
      %convert_element_type3A_338 = arith.extui %lt3A : i1 to i32
      %cond3A_339 = arith.constant 0 : i32
      %cond3A_340 = arith.cmpi ne, %convert_element_type3A_338, %cond3A_339 : i32
      scf.if %cond3A_340 {
        %mul3A_363 = arith.constant 128 : i32
        %mul3A_364 = arith.muli %mul3A_280, %mul3A_363 : i32
        %dma_wait3A_365 = arith.constant 0 : i32
        %dma_wait3A_366 = arith.constant 0 : i32
        %dma_wait3A_367 = arith.constant 0 : i32
        %dma_wait3A_368 = tpu.memref_slice %arg15[%dma_wait3A_365, %dma_wait3A_366, %dma_wait3A_367] : memref<2x128x64xf32, #tpu.memory_space<vmem>> -> memref<1x128x64xf32, #tpu.memory_space<vmem>>
        %dma_wait3A_369 = tpu.memref_squeeze %dma_wait3A_368 : memref<1x128x64xf32, #tpu.memory_space<vmem>> -> memref<128x64xf32, #tpu.memory_space<vmem>>
        %dma_wait3A_370 = tpu.memref_slice %arg13[%mul3A_364] : memref<10496xi32, #tpu.memory_space<vmem>> -> memref<128xi32, #tpu.memory_space<vmem>>
        %dma_wait3A_371 = arith.constant 0 : i32
        %dma_wait3A_372 = arith.constant 0 : i32
        %dma_wait3A_373 = tpu.memref_slice %arg20[%dma_wait3A_371, %dma_wait3A_372] : memref<5008x64xf32, #tpu.memory_space<vmem_shared>> -> memref<5008x64xf32, #tpu.memory_space<vmem_shared>>
        tpu.wait_indirect_dma semaphore(%arg24 : memref<!tpu.dma_semaphore, #tpu.memory_space<semaphore_mem>>) src(%dma_wait3A_369 : memref<128x64xf32, #tpu.memory_space<vmem>>) dst(%dma_wait3A_373 : memref<5008x64xf32, #tpu.memory_space<vmem_shared>>)
        %add3A_374 = arith.constant 2 : i32
        %add3A_375 = arith.addi %mul3A_280, %add3A_374 : i32
        %mul3A_376 = arith.constant 128 : i32
        %mul3A_377 = arith.muli %add3A_375, %mul3A_376 : i32
        %dma_start3A_378 = arith.constant 0 : i32
        %dma_start3A_379 = arith.constant 0 : i32
        %dma_start3A_380 = arith.constant 0 : i32
        %dma_start3A_381 = tpu.memref_slice %arg15[%dma_start3A_378, %dma_start3A_379, %dma_start3A_380] : memref<2x128x64xf32, #tpu.memory_space<vmem>> -> memref<1x128x64xf32, #tpu.memory_space<vmem>>
        %dma_start3A_382 = tpu.memref_squeeze %dma_start3A_381 : memref<1x128x64xf32, #tpu.memory_space<vmem>> -> memref<128x64xf32, #tpu.memory_space<vmem>>
        %dma_start3A_383 = tpu.memref_slice %arg12[%mul3A_377] : memref<10496xi32, #tpu.memory_space<vmem>> -> memref<128xi32, #tpu.memory_space<vmem>>
        %dma_start3A_384 = arith.constant 0 : i32
        %dma_start3A_385 = arith.constant 0 : i32
        %dma_start3A_386 = tpu.memref_slice %arg4[%dma_start3A_384, %dma_start3A_385] : memref<40000x64xf32, #tpu.memory_space<hbm>> -> memref<40000x64xf32, #tpu.memory_space<hbm>>
        tpu.enqueue_indirect_dma source(%dma_start3A_386 : memref<40000x64xf32, #tpu.memory_space<hbm>>) target(%dma_start3A_382 : memref<128x64xf32, #tpu.memory_space<vmem>>) offsets(%dma_start3A_383 : memref<128xi32, #tpu.memory_space<vmem>>) semaphore(%arg22 : memref<!tpu.dma_semaphore, #tpu.memory_space<semaphore_mem>>)
      } else {
      }
      %mul3A_341 = arith.constant 128 : i32
      %mul3A_342 = arith.muli %add3A_282, %mul3A_341 : i32
      %dma_wait3A_343 = arith.constant 1 : i32
      %dma_wait3A_344 = arith.constant 0 : i32
      %dma_wait3A_345 = arith.constant 0 : i32
      %dma_wait3A_346 = tpu.memref_slice %arg15[%dma_wait3A_343, %dma_wait3A_344, %dma_wait3A_345] : memref<2x128x64xf32, #tpu.memory_space<vmem>> -> memref<1x128x64xf32, #tpu.memory_space<vmem>>
      %dma_wait3A_347 = tpu.memref_squeeze %dma_wait3A_346 : memref<1x128x64xf32, #tpu.memory_space<vmem>> -> memref<128x64xf32, #tpu.memory_space<vmem>>
      %dma_wait3A_348 = tpu.memref_slice %arg12[%mul3A_342] : memref<10496xi32, #tpu.memory_space<vmem>> -> memref<128xi32, #tpu.memory_space<vmem>>
      %dma_wait3A_349 = arith.constant 0 : i32
      %dma_wait3A_350 = arith.constant 0 : i32
      %dma_wait3A_351 = tpu.memref_slice %arg4[%dma_wait3A_349, %dma_wait3A_350] : memref<40000x64xf32, #tpu.memory_space<hbm>> -> memref<40000x64xf32, #tpu.memory_space<hbm>>
      tpu.wait_indirect_dma semaphore(%arg23 : memref<!tpu.dma_semaphore, #tpu.memory_space<semaphore_mem>>) src(%dma_wait3A_351 : memref<40000x64xf32, #tpu.memory_space<hbm>>) dst(%dma_wait3A_347 : memref<128x64xf32, #tpu.memory_space<vmem>>)
      %mul3A_352 = arith.constant 128 : i32
      %mul3A_353 = arith.muli %add3A_282, %mul3A_352 : i32
      %dma_start3A_354 = arith.constant 1 : i32
      %dma_start3A_355 = arith.constant 0 : i32
      %dma_start3A_356 = arith.constant 0 : i32
      %dma_start3A_357 = tpu.memref_slice %arg15[%dma_start3A_354, %dma_start3A_355, %dma_start3A_356] : memref<2x128x64xf32, #tpu.memory_space<vmem>> -> memref<1x128x64xf32, #tpu.memory_space<vmem>>
      %dma_start3A_358 = tpu.memref_squeeze %dma_start3A_357 : memref<1x128x64xf32, #tpu.memory_space<vmem>> -> memref<128x64xf32, #tpu.memory_space<vmem>>
      %dma_start3A_359 = tpu.memref_slice %arg13[%mul3A_353] : memref<10496xi32, #tpu.memory_space<vmem>> -> memref<128xi32, #tpu.memory_space<vmem>>
      %dma_start3A_360 = arith.constant 0 : i32
      %dma_start3A_361 = arith.constant 0 : i32
      %dma_start3A_362 = tpu.memref_slice %arg20[%dma_start3A_360, %dma_start3A_361] : memref<5008x64xf32, #tpu.memory_space<vmem_shared>> -> memref<5008x64xf32, #tpu.memory_space<vmem_shared>>
      tpu.enqueue_indirect_dma source(%dma_start3A_358 : memref<128x64xf32, #tpu.memory_space<vmem>>) target(%dma_start3A_362 : memref<5008x64xf32, #tpu.memory_space<vmem_shared>>) offsets(%dma_start3A_359 : memref<128xi32, #tpu.memory_space<vmem>>) semaphore(%arg25 : memref<!tpu.dma_semaphore, #tpu.memory_space<semaphore_mem>>) {add = true}
    }
    %gt3A_93 = arith.constant 0 : i32
    %gt3A_94 = arith.cmpi sgt, %select_n3A_68, %gt3A_93 : i32
    %convert_element_type3A_95 = arith.extui %gt3A_94 : i1 to i32
    %cond3A_96 = arith.constant 0 : i32
    %cond3A_97 = arith.cmpi ne, %convert_element_type3A_95, %cond3A_96 : i32
    scf.if %cond3A_97 {
      %mul3A_278 = arith.constant 2 : i32
      %mul3A_279 = arith.muli %mul3A_278, %select_n3A_68 : i32
      %sub3A_280 = arith.constant 2 : i32
      %sub3A_281 = arith.subi %mul3A_279, %sub3A_280 : i32
      %mul3A_282 = arith.constant 128 : i32
      %mul3A_283 = arith.muli %sub3A_281, %mul3A_282 : i32
      %dma_wait3A = arith.constant 0 : i32
      %dma_wait3A_284 = arith.constant 0 : i32
      %dma_wait3A_285 = arith.constant 0 : i32
      %dma_wait3A_286 = tpu.memref_slice %arg15[%dma_wait3A, %dma_wait3A_284, %dma_wait3A_285] : memref<2x128x64xf32, #tpu.memory_space<vmem>> -> memref<1x128x64xf32, #tpu.memory_space<vmem>>
      %dma_wait3A_287 = tpu.memref_squeeze %dma_wait3A_286 : memref<1x128x64xf32, #tpu.memory_space<vmem>> -> memref<128x64xf32, #tpu.memory_space<vmem>>
      %dma_wait3A_288 = tpu.memref_slice %arg13[%mul3A_283] : memref<10496xi32, #tpu.memory_space<vmem>> -> memref<128xi32, #tpu.memory_space<vmem>>
      %dma_wait3A_289 = arith.constant 0 : i32
      %dma_wait3A_290 = arith.constant 0 : i32
      %dma_wait3A_291 = tpu.memref_slice %arg20[%dma_wait3A_289, %dma_wait3A_290] : memref<5008x64xf32, #tpu.memory_space<vmem_shared>> -> memref<5008x64xf32, #tpu.memory_space<vmem_shared>>
      tpu.wait_indirect_dma semaphore(%arg24 : memref<!tpu.dma_semaphore, #tpu.memory_space<semaphore_mem>>) src(%dma_wait3A_287 : memref<128x64xf32, #tpu.memory_space<vmem>>) dst(%dma_wait3A_291 : memref<5008x64xf32, #tpu.memory_space<vmem_shared>>)
      %mul3A_292 = arith.constant 2 : i32
      %mul3A_293 = arith.muli %mul3A_292, %select_n3A_68 : i32
      %sub3A_294 = arith.constant 1 : i32
      %sub3A_295 = arith.subi %mul3A_293, %sub3A_294 : i32
      %mul3A_296 = arith.constant 128 : i32
      %mul3A_297 = arith.muli %sub3A_295, %mul3A_296 : i32
      %dma_wait3A_298 = arith.constant 1 : i32
      %dma_wait3A_299 = arith.constant 0 : i32
      %dma_wait3A_300 = arith.constant 0 : i32
      %dma_wait3A_301 = tpu.memref_slice %arg15[%dma_wait3A_298, %dma_wait3A_299, %dma_wait3A_300] : memref<2x128x64xf32, #tpu.memory_space<vmem>> -> memref<1x128x64xf32, #tpu.memory_space<vmem>>
      %dma_wait3A_302 = tpu.memref_squeeze %dma_wait3A_301 : memref<1x128x64xf32, #tpu.memory_space<vmem>> -> memref<128x64xf32, #tpu.memory_space<vmem>>
      %dma_wait3A_303 = tpu.memref_slice %arg13[%mul3A_297] : memref<10496xi32, #tpu.memory_space<vmem>> -> memref<128xi32, #tpu.memory_space<vmem>>
      %dma_wait3A_304 = arith.constant 0 : i32
      %dma_wait3A_305 = arith.constant 0 : i32
      %dma_wait3A_306 = tpu.memref_slice %arg20[%dma_wait3A_304, %dma_wait3A_305] : memref<5008x64xf32, #tpu.memory_space<vmem_shared>> -> memref<5008x64xf32, #tpu.memory_space<vmem_shared>>
      tpu.wait_indirect_dma semaphore(%arg25 : memref<!tpu.dma_semaphore, #tpu.memory_space<semaphore_mem>>) src(%dma_wait3A_302 : memref<128x64xf32, #tpu.memory_space<vmem>>) dst(%dma_wait3A_306 : memref<5008x64xf32, #tpu.memory_space<vmem_shared>>)
    } else {
    }
    %mul3A_98 = arith.constant 2 : i32
    %mul3A_99 = arith.muli %mul3A_98, %select_n3A_68 : i32
    %sub3A_100 = arith.constant 8 : i32
    %sub3A_101 = arith.subi %mul3A_99, %sub3A_100 : i32
    %max3A = arith.constant 0 : i32
    %max3A_102 = arith.maxsi %sub3A_101, %max3A : i32
    %mul3A_103 = arith.constant 2 : i32
    %mul3A_104 = arith.muli %mul3A_103, %select_n3A_68 : i32
    %while3A_105 = arith.constant 0 : i32
    %while3A_106 = arith.subi %mul3A_104, %max3A_102 : i32
    %while3A_107 = arith.addi %max3A_102, %while3A_106 : i32
    %while3A_108 = arith.constant 1 : i32
    %while3A_109 = arith.divsi %while3A_106, %while3A_108 : i32
    %while3A_110 = arith.muli %while3A_109, %while3A_108 : i32
    %while3A_111 = arith.addi %max3A_102, %while3A_110 : i32
    %while3A_112 = arith.constant 1 : i32
    scf.for %while3A_278 = %max3A_102 to %while3A_111 step %while3A_112  : i32 {
      %mul3A_279 = arith.constant 128 : i32
      %mul3A_280 = arith.muli %while3A_278, %mul3A_279 : i32
      %dma_wait3A = tpu.memref_slice %arg13[%mul3A_280] : memref<10496xi32, #tpu.memory_space<vmem>> -> memref<128xi32, #tpu.memory_space<vmem>>
      %dma_wait3A_281 = arith.constant 0 : i32
      %dma_wait3A_282 = arith.constant 0 : i32
      %dma_wait3A_283 = tpu.memref_slice %arg21[%dma_wait3A_281, %dma_wait3A_282] : memref<5008x16xf32, #tpu.memory_space<vmem_shared>> -> memref<5008x16xf32, #tpu.memory_space<vmem_shared>>
      tpu.wait_indirect_dma semaphore(%arg26 : memref<!tpu.dma_semaphore, #tpu.memory_space<semaphore_mem>>) src(%arg16 : memref<128x16xf32, #tpu.memory_space<vmem>>) dst(%dma_wait3A_283 : memref<5008x16xf32, #tpu.memory_space<vmem_shared>>)
    }
    %while3A_113 = arith.constant 1 : i32
    scf.for %while3A_278 = %while3A_111 to %while3A_107 step %while3A_113  : i32 {
      %mul3A_279 = arith.constant 128 : i32
      %mul3A_280 = arith.muli %while3A_278, %mul3A_279 : i32
      %dma_wait3A = tpu.memref_slice %arg13[%mul3A_280] : memref<10496xi32, #tpu.memory_space<vmem>> -> memref<128xi32, #tpu.memory_space<vmem>>
      %dma_wait3A_281 = arith.constant 0 : i32
      %dma_wait3A_282 = arith.constant 0 : i32
      %dma_wait3A_283 = tpu.memref_slice %arg21[%dma_wait3A_281, %dma_wait3A_282] : memref<5008x16xf32, #tpu.memory_space<vmem_shared>> -> memref<5008x16xf32, #tpu.memory_space<vmem_shared>>
      tpu.wait_indirect_dma semaphore(%arg26 : memref<!tpu.dma_semaphore, #tpu.memory_space<semaphore_mem>>) src(%arg16 : memref<128x16xf32, #tpu.memory_space<vmem>>) dst(%dma_wait3A_283 : memref<5008x16xf32, #tpu.memory_space<vmem_shared>>)
    }
    %barrier3A_114 = arith.constant 0 : index
    tpu.barrier barrier_id(%barrier3A_114)
    %add3A_115 = arith.constant 0 : i32
    %add3A_116 = arith.addi %add3A_115, %mul3A_0 : i32
    %mul3A_117 = arith.constant 312 : i32
    %mul3A_118 = arith.muli %arg1, %mul3A_117 : i32
    "tpu.region"() ({
      %run_scoped3A = tpu.sem_alloc : memref<!tpu.dma_semaphore, #tpu.memory_space<semaphore_mem>>
      %dma_start3A = arith.constant 0 : i32
      %dma_start3A_278 = tpu.memref_slice %arg20[%mul3A_118, %dma_start3A] : memref<5008x64xf32, #tpu.memory_space<vmem_shared>> -> memref<312x64xf32, #tpu.memory_space<vmem_shared>>
      %dma_start3A_279 = arith.constant 0 : i32
      %dma_start3A_280 = tpu.memref_slice %arg20[%mul3A_118, %dma_start3A_279] : memref<5008x64xf32, #tpu.memory_space<vmem_shared>> -> memref<312x64xf32, #tpu.memory_space<vmem_shared>>
      tpu.enqueue_dma source(%dma_start3A_280 : memref<312x64xf32, #tpu.memory_space<vmem_shared>>) target(%arg17 : memref<312x64xf32, #tpu.memory_space<vmem>>) target_semaphore(%run_scoped3A : memref<!tpu.dma_semaphore, #tpu.memory_space<semaphore_mem>>)
      %dma_wait3A = arith.constant 0 : i32
      %dma_wait3A_281 = tpu.memref_slice %arg20[%mul3A_118, %dma_wait3A] : memref<5008x64xf32, #tpu.memory_space<vmem_shared>> -> memref<312x64xf32, #tpu.memory_space<vmem_shared>>
      %dma_wait3A_282 = arith.constant 0 : i32
      %dma_wait3A_283 = tpu.memref_slice %arg20[%mul3A_118, %dma_wait3A_282] : memref<5008x64xf32, #tpu.memory_space<vmem_shared>> -> memref<312x64xf32, #tpu.memory_space<vmem_shared>>
      tpu.wait_dma2 semaphore(%run_scoped3A : memref<!tpu.dma_semaphore, #tpu.memory_space<semaphore_mem>>) src(%dma_wait3A_283 : memref<312x64xf32, #tpu.memory_space<vmem_shared>>) dst(%arg17 : memref<312x64xf32, #tpu.memory_space<vmem>>)
      tpu.yield
    }) : () -> ()
    %mul3A_119 = arith.constant 312 : i32
    %mul3A_120 = arith.muli %arg1, %mul3A_119 : i32
    %add3A_121 = arith.addi %add3A_116, %mul3A_120 : i32
    "tpu.region"() ({
      %run_scoped3A = tpu.sem_alloc : memref<!tpu.dma_semaphore, #tpu.memory_space<semaphore_mem>>
      %dma_start3A = arith.constant 0 : i32
      %dma_start3A_278 = tpu.memref_slice %arg8[%add3A_121, %dma_start3A] : memref<40000x64xf32, #tpu.memory_space<hbm>> -> memref<312x64xf32, #tpu.memory_space<hbm>>
      %dma_start3A_279 = arith.constant 0 : i32
      %dma_start3A_280 = tpu.memref_slice %arg8[%add3A_121, %dma_start3A_279] : memref<40000x64xf32, #tpu.memory_space<hbm>> -> memref<312x64xf32, #tpu.memory_space<hbm>>
      tpu.enqueue_dma source(%arg17 : memref<312x64xf32, #tpu.memory_space<vmem>>) target(%dma_start3A_280 : memref<312x64xf32, #tpu.memory_space<hbm>>) target_semaphore(%run_scoped3A : memref<!tpu.dma_semaphore, #tpu.memory_space<semaphore_mem>>)
      %dma_wait3A = arith.constant 0 : i32
      %dma_wait3A_281 = tpu.memref_slice %arg8[%add3A_121, %dma_wait3A] : memref<40000x64xf32, #tpu.memory_space<hbm>> -> memref<312x64xf32, #tpu.memory_space<hbm>>
      %dma_wait3A_282 = arith.constant 0 : i32
      %dma_wait3A_283 = tpu.memref_slice %arg8[%add3A_121, %dma_wait3A_282] : memref<40000x64xf32, #tpu.memory_space<hbm>> -> memref<312x64xf32, #tpu.memory_space<hbm>>
      tpu.wait_dma2 semaphore(%run_scoped3A : memref<!tpu.dma_semaphore, #tpu.memory_space<semaphore_mem>>) src(%arg17 : memref<312x64xf32, #tpu.memory_space<vmem>>) dst(%dma_wait3A_283 : memref<312x64xf32, #tpu.memory_space<hbm>>)
      tpu.yield
    }) : () -> ()
    %eq3A_122 = arith.constant 0 : i32
    %eq3A_123 = arith.cmpi eq, %arg1, %eq3A_122 : i32
    %convert_element_type3A_124 = arith.extui %eq3A_123 : i1 to i32
    %cond3A_125 = arith.constant 0 : i32
    %cond3A_126 = arith.cmpi ne, %convert_element_type3A_124, %cond3A_125 : i32
    scf.if %cond3A_126 {
      "tpu.region"() ({
        %run_scoped3A = tpu.sem_alloc : memref<!tpu.dma_semaphore, #tpu.memory_space<semaphore_mem>>
        %dma_start3A = arith.constant 0 : i32
        %dma_start3A_280 = arith.constant 0 : i32
        %dma_start3A_281 = tpu.memref_slice %arg17[%dma_start3A, %dma_start3A_280] : memref<312x64xf32, #tpu.memory_space<vmem>> -> memref<8x64xf32, #tpu.memory_space<vmem>>
        %dma_start3A_282 = arith.constant 4992 : i32
        %dma_start3A_283 = arith.constant 0 : i32
        %dma_start3A_284 = tpu.memref_slice %arg20[%dma_start3A_282, %dma_start3A_283] : memref<5008x64xf32, #tpu.memory_space<vmem_shared>> -> memref<8x64xf32, #tpu.memory_space<vmem_shared>>
        %dma_start3A_285 = arith.constant 0 : i32
        %dma_start3A_286 = arith.constant 0 : i32
        %dma_start3A_287 = tpu.memref_slice %arg17[%dma_start3A_285, %dma_start3A_286] : memref<312x64xf32, #tpu.memory_space<vmem>> -> memref<8x64xf32, #tpu.memory_space<vmem>>
        %dma_start3A_288 = arith.constant 4992 : i32
        %dma_start3A_289 = arith.constant 0 : i32
        %dma_start3A_290 = tpu.memref_slice %arg20[%dma_start3A_288, %dma_start3A_289] : memref<5008x64xf32, #tpu.memory_space<vmem_shared>> -> memref<8x64xf32, #tpu.memory_space<vmem_shared>>
        tpu.enqueue_dma source(%dma_start3A_290 : memref<8x64xf32, #tpu.memory_space<vmem_shared>>) target(%dma_start3A_287 : memref<8x64xf32, #tpu.memory_space<vmem>>) target_semaphore(%run_scoped3A : memref<!tpu.dma_semaphore, #tpu.memory_space<semaphore_mem>>)
        %dma_wait3A = arith.constant 0 : i32
        %dma_wait3A_291 = arith.constant 0 : i32
        %dma_wait3A_292 = tpu.memref_slice %arg17[%dma_wait3A, %dma_wait3A_291] : memref<312x64xf32, #tpu.memory_space<vmem>> -> memref<8x64xf32, #tpu.memory_space<vmem>>
        %dma_wait3A_293 = arith.constant 4992 : i32
        %dma_wait3A_294 = arith.constant 0 : i32
        %dma_wait3A_295 = tpu.memref_slice %arg20[%dma_wait3A_293, %dma_wait3A_294] : memref<5008x64xf32, #tpu.memory_space<vmem_shared>> -> memref<8x64xf32, #tpu.memory_space<vmem_shared>>
        %dma_wait3A_296 = arith.constant 0 : i32
        %dma_wait3A_297 = arith.constant 0 : i32
        %dma_wait3A_298 = tpu.memref_slice %arg17[%dma_wait3A_296, %dma_wait3A_297] : memref<312x64xf32, #tpu.memory_space<vmem>> -> memref<8x64xf32, #tpu.memory_space<vmem>>
        %dma_wait3A_299 = arith.constant 4992 : i32
        %dma_wait3A_300 = arith.constant 0 : i32
        %dma_wait3A_301 = tpu.memref_slice %arg20[%dma_wait3A_299, %dma_wait3A_300] : memref<5008x64xf32, #tpu.memory_space<vmem_shared>> -> memref<8x64xf32, #tpu.memory_space<vmem_shared>>
        tpu.wait_dma2 semaphore(%run_scoped3A : memref<!tpu.dma_semaphore, #tpu.memory_space<semaphore_mem>>) src(%dma_wait3A_301 : memref<8x64xf32, #tpu.memory_space<vmem_shared>>) dst(%dma_wait3A_298 : memref<8x64xf32, #tpu.memory_space<vmem>>)
        tpu.yield
      }) : () -> ()
      %add3A_278 = arith.constant 4992 : i32
      %add3A_279 = arith.addi %add3A_116, %add3A_278 : i32
      "tpu.region"() ({
        %run_scoped3A = tpu.sem_alloc : memref<!tpu.dma_semaphore, #tpu.memory_space<semaphore_mem>>
        %dma_start3A = arith.constant 0 : i32
        %dma_start3A_280 = arith.constant 0 : i32
        %dma_start3A_281 = tpu.memref_slice %arg17[%dma_start3A, %dma_start3A_280] : memref<312x64xf32, #tpu.memory_space<vmem>> -> memref<8x64xf32, #tpu.memory_space<vmem>>
        %dma_start3A_282 = arith.constant 0 : i32
        %dma_start3A_283 = tpu.memref_slice %arg8[%add3A_279, %dma_start3A_282] : memref<40000x64xf32, #tpu.memory_space<hbm>> -> memref<8x64xf32, #tpu.memory_space<hbm>>
        %dma_start3A_284 = arith.constant 0 : i32
        %dma_start3A_285 = tpu.memref_slice %arg8[%add3A_279, %dma_start3A_284] : memref<40000x64xf32, #tpu.memory_space<hbm>> -> memref<8x64xf32, #tpu.memory_space<hbm>>
        %dma_start3A_286 = arith.constant 0 : i32
        %dma_start3A_287 = arith.constant 0 : i32
        %dma_start3A_288 = tpu.memref_slice %arg17[%dma_start3A_286, %dma_start3A_287] : memref<312x64xf32, #tpu.memory_space<vmem>> -> memref<8x64xf32, #tpu.memory_space<vmem>>
        tpu.enqueue_dma source(%dma_start3A_288 : memref<8x64xf32, #tpu.memory_space<vmem>>) target(%dma_start3A_285 : memref<8x64xf32, #tpu.memory_space<hbm>>) target_semaphore(%run_scoped3A : memref<!tpu.dma_semaphore, #tpu.memory_space<semaphore_mem>>)
        %dma_wait3A = arith.constant 0 : i32
        %dma_wait3A_289 = arith.constant 0 : i32
        %dma_wait3A_290 = tpu.memref_slice %arg17[%dma_wait3A, %dma_wait3A_289] : memref<312x64xf32, #tpu.memory_space<vmem>> -> memref<8x64xf32, #tpu.memory_space<vmem>>
        %dma_wait3A_291 = arith.constant 0 : i32
        %dma_wait3A_292 = tpu.memref_slice %arg8[%add3A_279, %dma_wait3A_291] : memref<40000x64xf32, #tpu.memory_space<hbm>> -> memref<8x64xf32, #tpu.memory_space<hbm>>
        %dma_wait3A_293 = arith.constant 0 : i32
        %dma_wait3A_294 = tpu.memref_slice %arg8[%add3A_279, %dma_wait3A_293] : memref<40000x64xf32, #tpu.memory_space<hbm>> -> memref<8x64xf32, #tpu.memory_space<hbm>>
        %dma_wait3A_295 = arith.constant 0 : i32
        %dma_wait3A_296 = arith.constant 0 : i32
        %dma_wait3A_297 = tpu.memref_slice %arg17[%dma_wait3A_295, %dma_wait3A_296] : memref<312x64xf32, #tpu.memory_space<vmem>> -> memref<8x64xf32, #tpu.memory_space<vmem>>
        tpu.wait_dma2 semaphore(%run_scoped3A : memref<!tpu.dma_semaphore, #tpu.memory_space<semaphore_mem>>) src(%dma_wait3A_297 : memref<8x64xf32, #tpu.memory_space<vmem>>) dst(%dma_wait3A_294 : memref<8x64xf32, #tpu.memory_space<hbm>>)
        tpu.yield
      }) : () -> ()
    } else {
    }
    %mul3A_127 = arith.constant 312 : i32
    %mul3A_128 = arith.muli %arg1, %mul3A_127 : i32
    "tpu.region"() ({
      %run_scoped3A = tpu.sem_alloc : memref<!tpu.dma_semaphore, #tpu.memory_space<semaphore_mem>>
      %dma_start3A = arith.constant 0 : i32
      %dma_start3A_278 = tpu.memref_slice %arg21[%mul3A_128, %dma_start3A] : memref<5008x16xf32, #tpu.memory_space<vmem_shared>> -> memref<312x16xf32, #tpu.memory_space<vmem_shared>>
      %dma_start3A_279 = arith.constant 0 : i32
      %dma_start3A_280 = tpu.memref_slice %arg21[%mul3A_128, %dma_start3A_279] : memref<5008x16xf32, #tpu.memory_space<vmem_shared>> -> memref<312x16xf32, #tpu.memory_space<vmem_shared>>
      tpu.enqueue_dma source(%dma_start3A_280 : memref<312x16xf32, #tpu.memory_space<vmem_shared>>) target(%arg19 : memref<312x16xf32, #tpu.memory_space<vmem>>) target_semaphore(%run_scoped3A : memref<!tpu.dma_semaphore, #tpu.memory_space<semaphore_mem>>)
      %dma_wait3A = arith.constant 0 : i32
      %dma_wait3A_281 = tpu.memref_slice %arg21[%mul3A_128, %dma_wait3A] : memref<5008x16xf32, #tpu.memory_space<vmem_shared>> -> memref<312x16xf32, #tpu.memory_space<vmem_shared>>
      %dma_wait3A_282 = arith.constant 0 : i32
      %dma_wait3A_283 = tpu.memref_slice %arg21[%mul3A_128, %dma_wait3A_282] : memref<5008x16xf32, #tpu.memory_space<vmem_shared>> -> memref<312x16xf32, #tpu.memory_space<vmem_shared>>
      tpu.wait_dma2 semaphore(%run_scoped3A : memref<!tpu.dma_semaphore, #tpu.memory_space<semaphore_mem>>) src(%dma_wait3A_283 : memref<312x16xf32, #tpu.memory_space<vmem_shared>>) dst(%arg19 : memref<312x16xf32, #tpu.memory_space<vmem>>)
      tpu.yield
    }) : () -> ()
    %mul3A_129 = arith.constant 312 : i32
    %mul3A_130 = arith.muli %arg1, %mul3A_129 : i32
    %add3A_131 = arith.addi %mul3A_0, %mul3A_130 : i32
    "tpu.region"() ({
      %run_scoped3A = tpu.sem_alloc : memref<!tpu.dma_semaphore, #tpu.memory_space<semaphore_mem>>
      %dma_start3A = arith.constant 0 : i32
      %dma_start3A_278 = tpu.memref_slice %arg9[%add3A_131, %dma_start3A] : memref<10000x16xf32, #tpu.memory_space<hbm>> -> memref<312x16xf32, #tpu.memory_space<hbm>>
      %dma_start3A_279 = arith.constant 0 : i32
      %dma_start3A_280 = tpu.memref_slice %arg9[%add3A_131, %dma_start3A_279] : memref<10000x16xf32, #tpu.memory_space<hbm>> -> memref<312x16xf32, #tpu.memory_space<hbm>>
      tpu.enqueue_dma source(%arg19 : memref<312x16xf32, #tpu.memory_space<vmem>>) target(%dma_start3A_280 : memref<312x16xf32, #tpu.memory_space<hbm>>) target_semaphore(%run_scoped3A : memref<!tpu.dma_semaphore, #tpu.memory_space<semaphore_mem>>)
      %dma_wait3A = arith.constant 0 : i32
      %dma_wait3A_281 = tpu.memref_slice %arg9[%add3A_131, %dma_wait3A] : memref<10000x16xf32, #tpu.memory_space<hbm>> -> memref<312x16xf32, #tpu.memory_space<hbm>>
      %dma_wait3A_282 = arith.constant 0 : i32
      %dma_wait3A_283 = tpu.memref_slice %arg9[%add3A_131, %dma_wait3A_282] : memref<10000x16xf32, #tpu.memory_space<hbm>> -> memref<312x16xf32, #tpu.memory_space<hbm>>
      tpu.wait_dma2 semaphore(%run_scoped3A : memref<!tpu.dma_semaphore, #tpu.memory_space<semaphore_mem>>) src(%arg19 : memref<312x16xf32, #tpu.memory_space<vmem>>) dst(%dma_wait3A_283 : memref<312x16xf32, #tpu.memory_space<hbm>>)
      tpu.yield
    }) : () -> ()
    %eq3A_132 = arith.constant 0 : i32
    %eq3A_133 = arith.cmpi eq, %arg1, %eq3A_132 : i32
    %convert_element_type3A_134 = arith.extui %eq3A_133 : i1 to i32
    %cond3A_135 = arith.constant 0 : i32
    %cond3A_136 = arith.cmpi ne, %convert_element_type3A_134, %cond3A_135 : i32
    scf.if %cond3A_136 {
      "tpu.region"() ({
        %run_scoped3A = tpu.sem_alloc : memref<!tpu.dma_semaphore, #tpu.memory_space<semaphore_mem>>
        %dma_start3A = arith.constant 0 : i32
        %dma_start3A_280 = arith.constant 0 : i32
        %dma_start3A_281 = tpu.memref_slice %arg19[%dma_start3A, %dma_start3A_280] : memref<312x16xf32, #tpu.memory_space<vmem>> -> memref<8x16xf32, #tpu.memory_space<vmem>>
        %dma_start3A_282 = arith.constant 4992 : i32
        %dma_start3A_283 = arith.constant 0 : i32
        %dma_start3A_284 = tpu.memref_slice %arg21[%dma_start3A_282, %dma_start3A_283] : memref<5008x16xf32, #tpu.memory_space<vmem_shared>> -> memref<8x16xf32, #tpu.memory_space<vmem_shared>>
        %dma_start3A_285 = arith.constant 0 : i32
        %dma_start3A_286 = arith.constant 0 : i32
        %dma_start3A_287 = tpu.memref_slice %arg19[%dma_start3A_285, %dma_start3A_286] : memref<312x16xf32, #tpu.memory_space<vmem>> -> memref<8x16xf32, #tpu.memory_space<vmem>>
        %dma_start3A_288 = arith.constant 4992 : i32
        %dma_start3A_289 = arith.constant 0 : i32
        %dma_start3A_290 = tpu.memref_slice %arg21[%dma_start3A_288, %dma_start3A_289] : memref<5008x16xf32, #tpu.memory_space<vmem_shared>> -> memref<8x16xf32, #tpu.memory_space<vmem_shared>>
        tpu.enqueue_dma source(%dma_start3A_290 : memref<8x16xf32, #tpu.memory_space<vmem_shared>>) target(%dma_start3A_287 : memref<8x16xf32, #tpu.memory_space<vmem>>) target_semaphore(%run_scoped3A : memref<!tpu.dma_semaphore, #tpu.memory_space<semaphore_mem>>)
        %dma_wait3A = arith.constant 0 : i32
        %dma_wait3A_291 = arith.constant 0 : i32
        %dma_wait3A_292 = tpu.memref_slice %arg19[%dma_wait3A, %dma_wait3A_291] : memref<312x16xf32, #tpu.memory_space<vmem>> -> memref<8x16xf32, #tpu.memory_space<vmem>>
        %dma_wait3A_293 = arith.constant 4992 : i32
        %dma_wait3A_294 = arith.constant 0 : i32
        %dma_wait3A_295 = tpu.memref_slice %arg21[%dma_wait3A_293, %dma_wait3A_294] : memref<5008x16xf32, #tpu.memory_space<vmem_shared>> -> memref<8x16xf32, #tpu.memory_space<vmem_shared>>
        %dma_wait3A_296 = arith.constant 0 : i32
        %dma_wait3A_297 = arith.constant 0 : i32
        %dma_wait3A_298 = tpu.memref_slice %arg19[%dma_wait3A_296, %dma_wait3A_297] : memref<312x16xf32, #tpu.memory_space<vmem>> -> memref<8x16xf32, #tpu.memory_space<vmem>>
        %dma_wait3A_299 = arith.constant 4992 : i32
        %dma_wait3A_300 = arith.constant 0 : i32
        %dma_wait3A_301 = tpu.memref_slice %arg21[%dma_wait3A_299, %dma_wait3A_300] : memref<5008x16xf32, #tpu.memory_space<vmem_shared>> -> memref<8x16xf32, #tpu.memory_space<vmem_shared>>
        tpu.wait_dma2 semaphore(%run_scoped3A : memref<!tpu.dma_semaphore, #tpu.memory_space<semaphore_mem>>) src(%dma_wait3A_301 : memref<8x16xf32, #tpu.memory_space<vmem_shared>>) dst(%dma_wait3A_298 : memref<8x16xf32, #tpu.memory_space<vmem>>)
        tpu.yield
      }) : () -> ()
      %add3A_278 = arith.constant 4992 : i32
      %add3A_279 = arith.addi %mul3A_0, %add3A_278 : i32
      "tpu.region"() ({
        %run_scoped3A = tpu.sem_alloc : memref<!tpu.dma_semaphore, #tpu.memory_space<semaphore_mem>>
        %dma_start3A = arith.constant 0 : i32
        %dma_start3A_280 = arith.constant 0 : i32
        %dma_start3A_281 = tpu.memref_slice %arg19[%dma_start3A, %dma_start3A_280] : memref<312x16xf32, #tpu.memory_space<vmem>> -> memref<8x16xf32, #tpu.memory_space<vmem>>
        %dma_start3A_282 = arith.constant 0 : i32
        %dma_start3A_283 = tpu.memref_slice %arg9[%add3A_279, %dma_start3A_282] : memref<10000x16xf32, #tpu.memory_space<hbm>> -> memref<8x16xf32, #tpu.memory_space<hbm>>
        %dma_start3A_284 = arith.constant 0 : i32
        %dma_start3A_285 = tpu.memref_slice %arg9[%add3A_279, %dma_start3A_284] : memref<10000x16xf32, #tpu.memory_space<hbm>> -> memref<8x16xf32, #tpu.memory_space<hbm>>
        %dma_start3A_286 = arith.constant 0 : i32
        %dma_start3A_287 = arith.constant 0 : i32
        %dma_start3A_288 = tpu.memref_slice %arg19[%dma_start3A_286, %dma_start3A_287] : memref<312x16xf32, #tpu.memory_space<vmem>> -> memref<8x16xf32, #tpu.memory_space<vmem>>
        tpu.enqueue_dma source(%dma_start3A_288 : memref<8x16xf32, #tpu.memory_space<vmem>>) target(%dma_start3A_285 : memref<8x16xf32, #tpu.memory_space<hbm>>) target_semaphore(%run_scoped3A : memref<!tpu.dma_semaphore, #tpu.memory_space<semaphore_mem>>)
        %dma_wait3A = arith.constant 0 : i32
        %dma_wait3A_289 = arith.constant 0 : i32
        %dma_wait3A_290 = tpu.memref_slice %arg19[%dma_wait3A, %dma_wait3A_289] : memref<312x16xf32, #tpu.memory_space<vmem>> -> memref<8x16xf32, #tpu.memory_space<vmem>>
        %dma_wait3A_291 = arith.constant 0 : i32
        %dma_wait3A_292 = tpu.memref_slice %arg9[%add3A_279, %dma_wait3A_291] : memref<10000x16xf32, #tpu.memory_space<hbm>> -> memref<8x16xf32, #tpu.memory_space<hbm>>
        %dma_wait3A_293 = arith.constant 0 : i32
        %dma_wait3A_294 = tpu.memref_slice %arg9[%add3A_279, %dma_wait3A_293] : memref<10000x16xf32, #tpu.memory_space<hbm>> -> memref<8x16xf32, #tpu.memory_space<hbm>>
        %dma_wait3A_295 = arith.constant 0 : i32
        %dma_wait3A_296 = arith.constant 0 : i32
        %dma_wait3A_297 = tpu.memref_slice %arg19[%dma_wait3A_295, %dma_wait3A_296] : memref<312x16xf32, #tpu.memory_space<vmem>> -> memref<8x16xf32, #tpu.memory_space<vmem>>
        tpu.wait_dma2 semaphore(%run_scoped3A : memref<!tpu.dma_semaphore, #tpu.memory_space<semaphore_mem>>) src(%dma_wait3A_297 : memref<8x16xf32, #tpu.memory_space<vmem>>) dst(%dma_wait3A_294 : memref<8x16xf32, #tpu.memory_space<hbm>>)
        tpu.yield
      }) : () -> ()
    } else {
    }
    %scan3A_137 = arith.constant 0 : i32
    %scan3A_138 = arith.constant 0 : i32
    %scan3A_139 = arith.constant 656 : i32
    %scan3A_140 = arith.addi %scan3A_138, %scan3A_139 : i32
    %scan3A_141 = arith.constant 1 : i32
    scf.for %scan3A_278 = %scan3A_138 to %scan3A_140 step %scan3A_141  : i32 {
      %mul3A_279 = arith.constant 16 : i32
      %mul3A_280 = arith.muli %scan3A_278, %mul3A_279 : i32
      %get3A_281 = arith.index_cast %mul3A_280 : i32 to index
      %get3A_282 = tpu.vector_load %arg12[%get3A_281] {strides = array<i32>} : memref<10496xi32, #tpu.memory_space<vmem>>, vector<16xi32>,
      %add3A_283 = arith.constant 10000 : i32
      %add3A_284 = vector.broadcast %add3A_283 : i32 to vector<16xi32>
      %add3A_285 = arith.addi %get3A_282, %add3A_284 : vector<16xi32>
      %swap3A_286 = arith.index_cast %mul3A_280 : i32 to index
      %swap3A_287 = tpu.vector_load %arg12[%swap3A_286] {strides = array<i32>} : memref<10496xi32, #tpu.memory_space<vmem>>, vector<16xi32>,
      tpu.vector_store %arg12[%swap3A_286], %add3A_285 {strides = array<i32>} : memref<10496xi32, #tpu.memory_space<vmem>>, vector<16xi32>,
    }
    %scan3A_142 = arith.constant 656 : i32
    %mul3A_143 = arith.constant 312 : i32
    %mul3A_144 = arith.muli %arg1, %mul3A_143 : i32
    "tpu.region"() ({
      %run_scoped3A = tpu.sem_alloc : memref<!tpu.dma_semaphore, #tpu.memory_space<semaphore_mem>>
      %dma_start3A = arith.constant 0 : i32
      %dma_start3A_278 = tpu.memref_slice %arg20[%mul3A_144, %dma_start3A] : memref<5008x64xf32, #tpu.memory_space<vmem_shared>> -> memref<312x64xf32, #tpu.memory_space<vmem_shared>>
      %dma_start3A_279 = arith.constant 0 : i32
      %dma_start3A_280 = tpu.memref_slice %arg20[%mul3A_144, %dma_start3A_279] : memref<5008x64xf32, #tpu.memory_space<vmem_shared>> -> memref<312x64xf32, #tpu.memory_space<vmem_shared>>
      tpu.enqueue_dma source(%arg18 : memref<312x64xf32, #tpu.memory_space<vmem>>) target(%dma_start3A_280 : memref<312x64xf32, #tpu.memory_space<vmem_shared>>) target_semaphore(%run_scoped3A : memref<!tpu.dma_semaphore, #tpu.memory_space<semaphore_mem>>)
      %dma_wait3A = arith.constant 0 : i32
      %dma_wait3A_281 = tpu.memref_slice %arg20[%mul3A_144, %dma_wait3A] : memref<5008x64xf32, #tpu.memory_space<vmem_shared>> -> memref<312x64xf32, #tpu.memory_space<vmem_shared>>
      %dma_wait3A_282 = arith.constant 0 : i32
      %dma_wait3A_283 = tpu.memref_slice %arg20[%mul3A_144, %dma_wait3A_282] : memref<5008x64xf32, #tpu.memory_space<vmem_shared>> -> memref<312x64xf32, #tpu.memory_space<vmem_shared>>
      tpu.wait_dma2 semaphore(%run_scoped3A : memref<!tpu.dma_semaphore, #tpu.memory_space<semaphore_mem>>) src(%arg18 : memref<312x64xf32, #tpu.memory_space<vmem>>) dst(%dma_wait3A_283 : memref<312x64xf32, #tpu.memory_space<vmem_shared>>)
      tpu.yield
    }) : () -> ()
    %eq3A_145 = arith.constant 0 : i32
    %eq3A_146 = arith.cmpi eq, %arg1, %eq3A_145 : i32
    %convert_element_type3A_147 = arith.extui %eq3A_146 : i1 to i32
    %cond3A_148 = arith.constant 0 : i32
    %cond3A_149 = arith.cmpi ne, %convert_element_type3A_147, %cond3A_148 : i32
    scf.if %cond3A_149 {
      "tpu.region"() ({
        %run_scoped3A = tpu.sem_alloc : memref<!tpu.dma_semaphore, #tpu.memory_space<semaphore_mem>>
        %dma_start3A = arith.constant 0 : i32
        %dma_start3A_278 = arith.constant 0 : i32
        %dma_start3A_279 = tpu.memref_slice %arg18[%dma_start3A, %dma_start3A_278] : memref<312x64xf32, #tpu.memory_space<vmem>> -> memref<8x64xf32, #tpu.memory_space<vmem>>
        %dma_start3A_280 = arith.constant 4992 : i32
        %dma_start3A_281 = arith.constant 0 : i32
        %dma_start3A_282 = tpu.memref_slice %arg20[%dma_start3A_280, %dma_start3A_281] : memref<5008x64xf32, #tpu.memory_space<vmem_shared>> -> memref<8x64xf32, #tpu.memory_space<vmem_shared>>
        %dma_start3A_283 = arith.constant 4992 : i32
        %dma_start3A_284 = arith.constant 0 : i32
        %dma_start3A_285 = tpu.memref_slice %arg20[%dma_start3A_283, %dma_start3A_284] : memref<5008x64xf32, #tpu.memory_space<vmem_shared>> -> memref<8x64xf32, #tpu.memory_space<vmem_shared>>
        %dma_start3A_286 = arith.constant 0 : i32
        %dma_start3A_287 = arith.constant 0 : i32
        %dma_start3A_288 = tpu.memref_slice %arg18[%dma_start3A_286, %dma_start3A_287] : memref<312x64xf32, #tpu.memory_space<vmem>> -> memref<8x64xf32, #tpu.memory_space<vmem>>
        tpu.enqueue_dma source(%dma_start3A_288 : memref<8x64xf32, #tpu.memory_space<vmem>>) target(%dma_start3A_285 : memref<8x64xf32, #tpu.memory_space<vmem_shared>>) target_semaphore(%run_scoped3A : memref<!tpu.dma_semaphore, #tpu.memory_space<semaphore_mem>>)
        %dma_wait3A = arith.constant 0 : i32
        %dma_wait3A_289 = arith.constant 0 : i32
        %dma_wait3A_290 = tpu.memref_slice %arg18[%dma_wait3A, %dma_wait3A_289] : memref<312x64xf32, #tpu.memory_space<vmem>> -> memref<8x64xf32, #tpu.memory_space<vmem>>
        %dma_wait3A_291 = arith.constant 4992 : i32
        %dma_wait3A_292 = arith.constant 0 : i32
        %dma_wait3A_293 = tpu.memref_slice %arg20[%dma_wait3A_291, %dma_wait3A_292] : memref<5008x64xf32, #tpu.memory_space<vmem_shared>> -> memref<8x64xf32, #tpu.memory_space<vmem_shared>>
        %dma_wait3A_294 = arith.constant 4992 : i32
        %dma_wait3A_295 = arith.constant 0 : i32
        %dma_wait3A_296 = tpu.memref_slice %arg20[%dma_wait3A_294, %dma_wait3A_295] : memref<5008x64xf32, #tpu.memory_space<vmem_shared>> -> memref<8x64xf32, #tpu.memory_space<vmem_shared>>
        %dma_wait3A_297 = arith.constant 0 : i32
        %dma_wait3A_298 = arith.constant 0 : i32
        %dma_wait3A_299 = tpu.memref_slice %arg18[%dma_wait3A_297, %dma_wait3A_298] : memref<312x64xf32, #tpu.memory_space<vmem>> -> memref<8x64xf32, #tpu.memory_space<vmem>>
        tpu.wait_dma2 semaphore(%run_scoped3A : memref<!tpu.dma_semaphore, #tpu.memory_space<semaphore_mem>>) src(%dma_wait3A_299 : memref<8x64xf32, #tpu.memory_space<vmem>>) dst(%dma_wait3A_296 : memref<8x64xf32, #tpu.memory_space<vmem_shared>>)
        tpu.yield
      }) : () -> ()
    } else {
    }
    %barrier3A_150 = arith.constant 0 : index
    tpu.barrier barrier_id(%barrier3A_150)
    %gt3A_151 = arith.constant 0 : i32
    %gt3A_152 = arith.cmpi sgt, %select_n3A_68, %gt3A_151 : i32
    %convert_element_type3A_153 = arith.extui %gt3A_152 : i1 to i32
    %cond3A_154 = arith.constant 0 : i32
    %cond3A_155 = arith.cmpi ne, %convert_element_type3A_153, %cond3A_154 : i32
    scf.if %cond3A_155 {
      %dma_start3A = arith.constant 0 : i32
      %dma_start3A_278 = arith.constant 0 : i32
      %dma_start3A_279 = arith.constant 0 : i32
      %dma_start3A_280 = tpu.memref_slice %arg15[%dma_start3A, %dma_start3A_278, %dma_start3A_279] : memref<2x128x64xf32, #tpu.memory_space<vmem>> -> memref<1x128x64xf32, #tpu.memory_space<vmem>>
      %dma_start3A_281 = tpu.memref_squeeze %dma_start3A_280 : memref<1x128x64xf32, #tpu.memory_space<vmem>> -> memref<128x64xf32, #tpu.memory_space<vmem>>
      %dma_start3A_282 = arith.constant 0 : i32
      %dma_start3A_283 = tpu.memref_slice %arg12[%dma_start3A_282] : memref<10496xi32, #tpu.memory_space<vmem>> -> memref<128xi32, #tpu.memory_space<vmem>>
      %dma_start3A_284 = arith.constant 0 : i32
      %dma_start3A_285 = arith.constant 0 : i32
      %dma_start3A_286 = tpu.memref_slice %arg4[%dma_start3A_284, %dma_start3A_285] : memref<40000x64xf32, #tpu.memory_space<hbm>> -> memref<40000x64xf32, #tpu.memory_space<hbm>>
      tpu.enqueue_indirect_dma source(%dma_start3A_286 : memref<40000x64xf32, #tpu.memory_space<hbm>>) target(%dma_start3A_281 : memref<128x64xf32, #tpu.memory_space<vmem>>) offsets(%dma_start3A_283 : memref<128xi32, #tpu.memory_space<vmem>>) semaphore(%arg22 : memref<!tpu.dma_semaphore, #tpu.memory_space<semaphore_mem>>)
    } else {
    }
    %while3A_156 = arith.constant 0 : i32
    %while3A_157 = arith.constant 0 : i32
    %while3A_158 = arith.subi %select_n3A_68, %while3A_157 : i32
    %while3A_159 = arith.addi %while3A_157, %while3A_158 : i32
    %while3A_160 = arith.constant 1 : i32
    %while3A_161 = arith.divsi %while3A_158, %while3A_160 : i32
    %while3A_162 = arith.muli %while3A_161, %while3A_160 : i32
    %while3A_163 = arith.addi %while3A_157, %while3A_162 : i32
    %while3A_164 = arith.constant 1 : i32
    scf.for %while3A_278 = %while3A_157 to %while3A_163 step %while3A_164  : i32 {
      %mul3A_279 = arith.constant 2 : i32
      %mul3A_280 = arith.muli %mul3A_279, %while3A_278 : i32
      %add3A_281 = arith.constant 1 : i32
      %add3A_282 = arith.addi %mul3A_280, %add3A_281 : i32
      %gt3A_283 = arith.constant 0 : i32
      %gt3A_284 = arith.cmpi sgt, %while3A_278, %gt3A_283 : i32
      %convert_element_type3A_285 = arith.extui %gt3A_284 : i1 to i32
      %cond3A_286 = arith.constant 0 : i32
      %cond3A_287 = arith.cmpi ne, %convert_element_type3A_285, %cond3A_286 : i32
      scf.if %cond3A_287 {
        %sub3A_346 = arith.constant 1 : i32
        %sub3A_347 = arith.subi %mul3A_280, %sub3A_346 : i32
        %mul3A_348 = arith.constant 128 : i32
        %mul3A_349 = arith.muli %sub3A_347, %mul3A_348 : i32
        %dma_wait3A_350 = arith.constant 1 : i32
        %dma_wait3A_351 = arith.constant 0 : i32
        %dma_wait3A_352 = arith.constant 0 : i32
        %dma_wait3A_353 = tpu.memref_slice %arg15[%dma_wait3A_350, %dma_wait3A_351, %dma_wait3A_352] : memref<2x128x64xf32, #tpu.memory_space<vmem>> -> memref<1x128x64xf32, #tpu.memory_space<vmem>>
        %dma_wait3A_354 = tpu.memref_squeeze %dma_wait3A_353 : memref<1x128x64xf32, #tpu.memory_space<vmem>> -> memref<128x64xf32, #tpu.memory_space<vmem>>
        %dma_wait3A_355 = tpu.memref_slice %arg13[%mul3A_349] : memref<10496xi32, #tpu.memory_space<vmem>> -> memref<128xi32, #tpu.memory_space<vmem>>
        %dma_wait3A_356 = arith.constant 0 : i32
        %dma_wait3A_357 = arith.constant 0 : i32
        %dma_wait3A_358 = tpu.memref_slice %arg20[%dma_wait3A_356, %dma_wait3A_357] : memref<5008x64xf32, #tpu.memory_space<vmem_shared>> -> memref<5008x64xf32, #tpu.memory_space<vmem_shared>>
        tpu.wait_indirect_dma semaphore(%arg25 : memref<!tpu.dma_semaphore, #tpu.memory_space<semaphore_mem>>) src(%dma_wait3A_354 : memref<128x64xf32, #tpu.memory_space<vmem>>) dst(%dma_wait3A_358 : memref<5008x64xf32, #tpu.memory_space<vmem_shared>>)
      } else {
      }
      %mul3A_288 = arith.constant 128 : i32
      %mul3A_289 = arith.muli %add3A_282, %mul3A_288 : i32
      %dma_start3A = arith.constant 1 : i32
      %dma_start3A_290 = arith.constant 0 : i32
      %dma_start3A_291 = arith.constant 0 : i32
      %dma_start3A_292 = tpu.memref_slice %arg15[%dma_start3A, %dma_start3A_290, %dma_start3A_291] : memref<2x128x64xf32, #tpu.memory_space<vmem>> -> memref<1x128x64xf32, #tpu.memory_space<vmem>>
      %dma_start3A_293 = tpu.memref_squeeze %dma_start3A_292 : memref<1x128x64xf32, #tpu.memory_space<vmem>> -> memref<128x64xf32, #tpu.memory_space<vmem>>
      %dma_start3A_294 = tpu.memref_slice %arg12[%mul3A_289] : memref<10496xi32, #tpu.memory_space<vmem>> -> memref<128xi32, #tpu.memory_space<vmem>>
      %dma_start3A_295 = arith.constant 0 : i32
      %dma_start3A_296 = arith.constant 0 : i32
      %dma_start3A_297 = tpu.memref_slice %arg4[%dma_start3A_295, %dma_start3A_296] : memref<40000x64xf32, #tpu.memory_space<hbm>> -> memref<40000x64xf32, #tpu.memory_space<hbm>>
      tpu.enqueue_indirect_dma source(%dma_start3A_297 : memref<40000x64xf32, #tpu.memory_space<hbm>>) target(%dma_start3A_293 : memref<128x64xf32, #tpu.memory_space<vmem>>) offsets(%dma_start3A_294 : memref<128xi32, #tpu.memory_space<vmem>>) semaphore(%arg23 : memref<!tpu.dma_semaphore, #tpu.memory_space<semaphore_mem>>)
      %mul3A_298 = arith.constant 128 : i32
      %mul3A_299 = arith.muli %mul3A_280, %mul3A_298 : i32
      %dma_wait3A = arith.constant 0 : i32
      %dma_wait3A_300 = arith.constant 0 : i32
      %dma_wait3A_301 = arith.constant 0 : i32
      %dma_wait3A_302 = tpu.memref_slice %arg15[%dma_wait3A, %dma_wait3A_300, %dma_wait3A_301] : memref<2x128x64xf32, #tpu.memory_space<vmem>> -> memref<1x128x64xf32, #tpu.memory_space<vmem>>
      %dma_wait3A_303 = tpu.memref_squeeze %dma_wait3A_302 : memref<1x128x64xf32, #tpu.memory_space<vmem>> -> memref<128x64xf32, #tpu.memory_space<vmem>>
      %dma_wait3A_304 = tpu.memref_slice %arg12[%mul3A_299] : memref<10496xi32, #tpu.memory_space<vmem>> -> memref<128xi32, #tpu.memory_space<vmem>>
      %dma_wait3A_305 = arith.constant 0 : i32
      %dma_wait3A_306 = arith.constant 0 : i32
      %dma_wait3A_307 = tpu.memref_slice %arg4[%dma_wait3A_305, %dma_wait3A_306] : memref<40000x64xf32, #tpu.memory_space<hbm>> -> memref<40000x64xf32, #tpu.memory_space<hbm>>
      tpu.wait_indirect_dma semaphore(%arg22 : memref<!tpu.dma_semaphore, #tpu.memory_space<semaphore_mem>>) src(%dma_wait3A_307 : memref<40000x64xf32, #tpu.memory_space<hbm>>) dst(%dma_wait3A_303 : memref<128x64xf32, #tpu.memory_space<vmem>>)
      %mul3A_308 = arith.constant 128 : i32
      %mul3A_309 = arith.muli %mul3A_280, %mul3A_308 : i32
      %dma_start3A_310 = arith.constant 0 : i32
      %dma_start3A_311 = arith.constant 0 : i32
      %dma_start3A_312 = arith.constant 0 : i32
      %dma_start3A_313 = tpu.memref_slice %arg15[%dma_start3A_310, %dma_start3A_311, %dma_start3A_312] : memref<2x128x64xf32, #tpu.memory_space<vmem>> -> memref<1x128x64xf32, #tpu.memory_space<vmem>>
      %dma_start3A_314 = tpu.memref_squeeze %dma_start3A_313 : memref<1x128x64xf32, #tpu.memory_space<vmem>> -> memref<128x64xf32, #tpu.memory_space<vmem>>
      %dma_start3A_315 = tpu.memref_slice %arg13[%mul3A_309] : memref<10496xi32, #tpu.memory_space<vmem>> -> memref<128xi32, #tpu.memory_space<vmem>>
      %dma_start3A_316 = arith.constant 0 : i32
      %dma_start3A_317 = arith.constant 0 : i32
      %dma_start3A_318 = tpu.memref_slice %arg20[%dma_start3A_316, %dma_start3A_317] : memref<5008x64xf32, #tpu.memory_space<vmem_shared>> -> memref<5008x64xf32, #tpu.memory_space<vmem_shared>>
      tpu.enqueue_indirect_dma source(%dma_start3A_314 : memref<128x64xf32, #tpu.memory_space<vmem>>) target(%dma_start3A_318 : memref<5008x64xf32, #tpu.memory_space<vmem_shared>>) offsets(%dma_start3A_315 : memref<128xi32, #tpu.memory_space<vmem>>) semaphore(%arg24 : memref<!tpu.dma_semaphore, #tpu.memory_space<semaphore_mem>>) {add = true}
      %sub3A_319 = arith.constant 1 : i32
      %sub3A_320 = arith.subi %select_n3A_68, %sub3A_319 : i32
      %lt3A = arith.cmpi slt, %while3A_278, %sub3A_320 : i32
      %convert_element_type3A_321 = arith.extui %lt3A : i1 to i32
      %cond3A_322 = arith.constant 0 : i32
      %cond3A_323 = arith.cmpi ne, %convert_element_type3A_321, %cond3A_322 : i32
      scf.if %cond3A_323 {
        %mul3A_346 = arith.constant 128 : i32
        %mul3A_347 = arith.muli %mul3A_280, %mul3A_346 : i32
        %dma_wait3A_348 = arith.constant 0 : i32
        %dma_wait3A_349 = arith.constant 0 : i32
        %dma_wait3A_350 = arith.constant 0 : i32
        %dma_wait3A_351 = tpu.memref_slice %arg15[%dma_wait3A_348, %dma_wait3A_349, %dma_wait3A_350] : memref<2x128x64xf32, #tpu.memory_space<vmem>> -> memref<1x128x64xf32, #tpu.memory_space<vmem>>
        %dma_wait3A_352 = tpu.memref_squeeze %dma_wait3A_351 : memref<1x128x64xf32, #tpu.memory_space<vmem>> -> memref<128x64xf32, #tpu.memory_space<vmem>>
        %dma_wait3A_353 = tpu.memref_slice %arg13[%mul3A_347] : memref<10496xi32, #tpu.memory_space<vmem>> -> memref<128xi32, #tpu.memory_space<vmem>>
        %dma_wait3A_354 = arith.constant 0 : i32
        %dma_wait3A_355 = arith.constant 0 : i32
        %dma_wait3A_356 = tpu.memref_slice %arg20[%dma_wait3A_354, %dma_wait3A_355] : memref<5008x64xf32, #tpu.memory_space<vmem_shared>> -> memref<5008x64xf32, #tpu.memory_space<vmem_shared>>
        tpu.wait_indirect_dma semaphore(%arg24 : memref<!tpu.dma_semaphore, #tpu.memory_space<semaphore_mem>>) src(%dma_wait3A_352 : memref<128x64xf32, #tpu.memory_space<vmem>>) dst(%dma_wait3A_356 : memref<5008x64xf32, #tpu.memory_space<vmem_shared>>)
        %add3A_357 = arith.constant 2 : i32
        %add3A_358 = arith.addi %mul3A_280, %add3A_357 : i32
        %mul3A_359 = arith.constant 128 : i32
        %mul3A_360 = arith.muli %add3A_358, %mul3A_359 : i32
        %dma_start3A_361 = arith.constant 0 : i32
        %dma_start3A_362 = arith.constant 0 : i32
        %dma_start3A_363 = arith.constant 0 : i32
        %dma_start3A_364 = tpu.memref_slice %arg15[%dma_start3A_361, %dma_start3A_362, %dma_start3A_363] : memref<2x128x64xf32, #tpu.memory_space<vmem>> -> memref<1x128x64xf32, #tpu.memory_space<vmem>>
        %dma_start3A_365 = tpu.memref_squeeze %dma_start3A_364 : memref<1x128x64xf32, #tpu.memory_space<vmem>> -> memref<128x64xf32, #tpu.memory_space<vmem>>
        %dma_start3A_366 = tpu.memref_slice %arg12[%mul3A_360] : memref<10496xi32, #tpu.memory_space<vmem>> -> memref<128xi32, #tpu.memory_space<vmem>>
        %dma_start3A_367 = arith.constant 0 : i32
        %dma_start3A_368 = arith.constant 0 : i32
        %dma_start3A_369 = tpu.memref_slice %arg4[%dma_start3A_367, %dma_start3A_368] : memref<40000x64xf32, #tpu.memory_space<hbm>> -> memref<40000x64xf32, #tpu.memory_space<hbm>>
        tpu.enqueue_indirect_dma source(%dma_start3A_369 : memref<40000x64xf32, #tpu.memory_space<hbm>>) target(%dma_start3A_365 : memref<128x64xf32, #tpu.memory_space<vmem>>) offsets(%dma_start3A_366 : memref<128xi32, #tpu.memory_space<vmem>>) semaphore(%arg22 : memref<!tpu.dma_semaphore, #tpu.memory_space<semaphore_mem>>)
      } else {
      }
      %mul3A_324 = arith.constant 128 : i32
      %mul3A_325 = arith.muli %add3A_282, %mul3A_324 : i32
      %dma_wait3A_326 = arith.constant 1 : i32
      %dma_wait3A_327 = arith.constant 0 : i32
      %dma_wait3A_328 = arith.constant 0 : i32
      %dma_wait3A_329 = tpu.memref_slice %arg15[%dma_wait3A_326, %dma_wait3A_327, %dma_wait3A_328] : memref<2x128x64xf32, #tpu.memory_space<vmem>> -> memref<1x128x64xf32, #tpu.memory_space<vmem>>
      %dma_wait3A_330 = tpu.memref_squeeze %dma_wait3A_329 : memref<1x128x64xf32, #tpu.memory_space<vmem>> -> memref<128x64xf32, #tpu.memory_space<vmem>>
      %dma_wait3A_331 = tpu.memref_slice %arg12[%mul3A_325] : memref<10496xi32, #tpu.memory_space<vmem>> -> memref<128xi32, #tpu.memory_space<vmem>>
      %dma_wait3A_332 = arith.constant 0 : i32
      %dma_wait3A_333 = arith.constant 0 : i32
      %dma_wait3A_334 = tpu.memref_slice %arg4[%dma_wait3A_332, %dma_wait3A_333] : memref<40000x64xf32, #tpu.memory_space<hbm>> -> memref<40000x64xf32, #tpu.memory_space<hbm>>
      tpu.wait_indirect_dma semaphore(%arg23 : memref<!tpu.dma_semaphore, #tpu.memory_space<semaphore_mem>>) src(%dma_wait3A_334 : memref<40000x64xf32, #tpu.memory_space<hbm>>) dst(%dma_wait3A_330 : memref<128x64xf32, #tpu.memory_space<vmem>>)
      %mul3A_335 = arith.constant 128 : i32
      %mul3A_336 = arith.muli %add3A_282, %mul3A_335 : i32
      %dma_start3A_337 = arith.constant 1 : i32
      %dma_start3A_338 = arith.constant 0 : i32
      %dma_start3A_339 = arith.constant 0 : i32
      %dma_start3A_340 = tpu.memref_slice %arg15[%dma_start3A_337, %dma_start3A_338, %dma_start3A_339] : memref<2x128x64xf32, #tpu.memory_space<vmem>> -> memref<1x128x64xf32, #tpu.memory_space<vmem>>
      %dma_start3A_341 = tpu.memref_squeeze %dma_start3A_340 : memref<1x128x64xf32, #tpu.memory_space<vmem>> -> memref<128x64xf32, #tpu.memory_space<vmem>>
      %dma_start3A_342 = tpu.memref_slice %arg13[%mul3A_336] : memref<10496xi32, #tpu.memory_space<vmem>> -> memref<128xi32, #tpu.memory_space<vmem>>
      %dma_start3A_343 = arith.constant 0 : i32
      %dma_start3A_344 = arith.constant 0 : i32
      %dma_start3A_345 = tpu.memref_slice %arg20[%dma_start3A_343, %dma_start3A_344] : memref<5008x64xf32, #tpu.memory_space<vmem_shared>> -> memref<5008x64xf32, #tpu.memory_space<vmem_shared>>
      tpu.enqueue_indirect_dma source(%dma_start3A_341 : memref<128x64xf32, #tpu.memory_space<vmem>>) target(%dma_start3A_345 : memref<5008x64xf32, #tpu.memory_space<vmem_shared>>) offsets(%dma_start3A_342 : memref<128xi32, #tpu.memory_space<vmem>>) semaphore(%arg25 : memref<!tpu.dma_semaphore, #tpu.memory_space<semaphore_mem>>) {add = true}
    }
    %while3A_165 = arith.constant 1 : i32
    scf.for %while3A_278 = %while3A_163 to %while3A_159 step %while3A_165  : i32 {
      %mul3A_279 = arith.constant 2 : i32
      %mul3A_280 = arith.muli %mul3A_279, %while3A_278 : i32
      %add3A_281 = arith.constant 1 : i32
      %add3A_282 = arith.addi %mul3A_280, %add3A_281 : i32
      %gt3A_283 = arith.constant 0 : i32
      %gt3A_284 = arith.cmpi sgt, %while3A_278, %gt3A_283 : i32
      %convert_element_type3A_285 = arith.extui %gt3A_284 : i1 to i32
      %cond3A_286 = arith.constant 0 : i32
      %cond3A_287 = arith.cmpi ne, %convert_element_type3A_285, %cond3A_286 : i32
      scf.if %cond3A_287 {
        %sub3A_346 = arith.constant 1 : i32
        %sub3A_347 = arith.subi %mul3A_280, %sub3A_346 : i32
        %mul3A_348 = arith.constant 128 : i32
        %mul3A_349 = arith.muli %sub3A_347, %mul3A_348 : i32
        %dma_wait3A_350 = arith.constant 1 : i32
        %dma_wait3A_351 = arith.constant 0 : i32
        %dma_wait3A_352 = arith.constant 0 : i32
        %dma_wait3A_353 = tpu.memref_slice %arg15[%dma_wait3A_350, %dma_wait3A_351, %dma_wait3A_352] : memref<2x128x64xf32, #tpu.memory_space<vmem>> -> memref<1x128x64xf32, #tpu.memory_space<vmem>>
        %dma_wait3A_354 = tpu.memref_squeeze %dma_wait3A_353 : memref<1x128x64xf32, #tpu.memory_space<vmem>> -> memref<128x64xf32, #tpu.memory_space<vmem>>
        %dma_wait3A_355 = tpu.memref_slice %arg13[%mul3A_349] : memref<10496xi32, #tpu.memory_space<vmem>> -> memref<128xi32, #tpu.memory_space<vmem>>
        %dma_wait3A_356 = arith.constant 0 : i32
        %dma_wait3A_357 = arith.constant 0 : i32
        %dma_wait3A_358 = tpu.memref_slice %arg20[%dma_wait3A_356, %dma_wait3A_357] : memref<5008x64xf32, #tpu.memory_space<vmem_shared>> -> memref<5008x64xf32, #tpu.memory_space<vmem_shared>>
        tpu.wait_indirect_dma semaphore(%arg25 : memref<!tpu.dma_semaphore, #tpu.memory_space<semaphore_mem>>) src(%dma_wait3A_354 : memref<128x64xf32, #tpu.memory_space<vmem>>) dst(%dma_wait3A_358 : memref<5008x64xf32, #tpu.memory_space<vmem_shared>>)
      } else {
      }
      %mul3A_288 = arith.constant 128 : i32
      %mul3A_289 = arith.muli %add3A_282, %mul3A_288 : i32
      %dma_start3A = arith.constant 1 : i32
      %dma_start3A_290 = arith.constant 0 : i32
      %dma_start3A_291 = arith.constant 0 : i32
      %dma_start3A_292 = tpu.memref_slice %arg15[%dma_start3A, %dma_start3A_290, %dma_start3A_291] : memref<2x128x64xf32, #tpu.memory_space<vmem>> -> memref<1x128x64xf32, #tpu.memory_space<vmem>>
      %dma_start3A_293 = tpu.memref_squeeze %dma_start3A_292 : memref<1x128x64xf32, #tpu.memory_space<vmem>> -> memref<128x64xf32, #tpu.memory_space<vmem>>
      %dma_start3A_294 = tpu.memref_slice %arg12[%mul3A_289] : memref<10496xi32, #tpu.memory_space<vmem>> -> memref<128xi32, #tpu.memory_space<vmem>>
      %dma_start3A_295 = arith.constant 0 : i32
      %dma_start3A_296 = arith.constant 0 : i32
      %dma_start3A_297 = tpu.memref_slice %arg4[%dma_start3A_295, %dma_start3A_296] : memref<40000x64xf32, #tpu.memory_space<hbm>> -> memref<40000x64xf32, #tpu.memory_space<hbm>>
      tpu.enqueue_indirect_dma source(%dma_start3A_297 : memref<40000x64xf32, #tpu.memory_space<hbm>>) target(%dma_start3A_293 : memref<128x64xf32, #tpu.memory_space<vmem>>) offsets(%dma_start3A_294 : memref<128xi32, #tpu.memory_space<vmem>>) semaphore(%arg23 : memref<!tpu.dma_semaphore, #tpu.memory_space<semaphore_mem>>)
      %mul3A_298 = arith.constant 128 : i32
      %mul3A_299 = arith.muli %mul3A_280, %mul3A_298 : i32
      %dma_wait3A = arith.constant 0 : i32
      %dma_wait3A_300 = arith.constant 0 : i32
      %dma_wait3A_301 = arith.constant 0 : i32
      %dma_wait3A_302 = tpu.memref_slice %arg15[%dma_wait3A, %dma_wait3A_300, %dma_wait3A_301] : memref<2x128x64xf32, #tpu.memory_space<vmem>> -> memref<1x128x64xf32, #tpu.memory_space<vmem>>
      %dma_wait3A_303 = tpu.memref_squeeze %dma_wait3A_302 : memref<1x128x64xf32, #tpu.memory_space<vmem>> -> memref<128x64xf32, #tpu.memory_space<vmem>>
      %dma_wait3A_304 = tpu.memref_slice %arg12[%mul3A_299] : memref<10496xi32, #tpu.memory_space<vmem>> -> memref<128xi32, #tpu.memory_space<vmem>>
      %dma_wait3A_305 = arith.constant 0 : i32
      %dma_wait3A_306 = arith.constant 0 : i32
      %dma_wait3A_307 = tpu.memref_slice %arg4[%dma_wait3A_305, %dma_wait3A_306] : memref<40000x64xf32, #tpu.memory_space<hbm>> -> memref<40000x64xf32, #tpu.memory_space<hbm>>
      tpu.wait_indirect_dma semaphore(%arg22 : memref<!tpu.dma_semaphore, #tpu.memory_space<semaphore_mem>>) src(%dma_wait3A_307 : memref<40000x64xf32, #tpu.memory_space<hbm>>) dst(%dma_wait3A_303 : memref<128x64xf32, #tpu.memory_space<vmem>>)
      %mul3A_308 = arith.constant 128 : i32
      %mul3A_309 = arith.muli %mul3A_280, %mul3A_308 : i32
      %dma_start3A_310 = arith.constant 0 : i32
      %dma_start3A_311 = arith.constant 0 : i32
      %dma_start3A_312 = arith.constant 0 : i32
      %dma_start3A_313 = tpu.memref_slice %arg15[%dma_start3A_310, %dma_start3A_311, %dma_start3A_312] : memref<2x128x64xf32, #tpu.memory_space<vmem>> -> memref<1x128x64xf32, #tpu.memory_space<vmem>>
      %dma_start3A_314 = tpu.memref_squeeze %dma_start3A_313 : memref<1x128x64xf32, #tpu.memory_space<vmem>> -> memref<128x64xf32, #tpu.memory_space<vmem>>
      %dma_start3A_315 = tpu.memref_slice %arg13[%mul3A_309] : memref<10496xi32, #tpu.memory_space<vmem>> -> memref<128xi32, #tpu.memory_space<vmem>>
      %dma_start3A_316 = arith.constant 0 : i32
      %dma_start3A_317 = arith.constant 0 : i32
      %dma_start3A_318 = tpu.memref_slice %arg20[%dma_start3A_316, %dma_start3A_317] : memref<5008x64xf32, #tpu.memory_space<vmem_shared>> -> memref<5008x64xf32, #tpu.memory_space<vmem_shared>>
      tpu.enqueue_indirect_dma source(%dma_start3A_314 : memref<128x64xf32, #tpu.memory_space<vmem>>) target(%dma_start3A_318 : memref<5008x64xf32, #tpu.memory_space<vmem_shared>>) offsets(%dma_start3A_315 : memref<128xi32, #tpu.memory_space<vmem>>) semaphore(%arg24 : memref<!tpu.dma_semaphore, #tpu.memory_space<semaphore_mem>>) {add = true}
      %sub3A_319 = arith.constant 1 : i32
      %sub3A_320 = arith.subi %select_n3A_68, %sub3A_319 : i32
      %lt3A = arith.cmpi slt, %while3A_278, %sub3A_320 : i32
      %convert_element_type3A_321 = arith.extui %lt3A : i1 to i32
      %cond3A_322 = arith.constant 0 : i32
      %cond3A_323 = arith.cmpi ne, %convert_element_type3A_321, %cond3A_322 : i32
      scf.if %cond3A_323 {
        %mul3A_346 = arith.constant 128 : i32
        %mul3A_347 = arith.muli %mul3A_280, %mul3A_346 : i32
        %dma_wait3A_348 = arith.constant 0 : i32
        %dma_wait3A_349 = arith.constant 0 : i32
        %dma_wait3A_350 = arith.constant 0 : i32
        %dma_wait3A_351 = tpu.memref_slice %arg15[%dma_wait3A_348, %dma_wait3A_349, %dma_wait3A_350] : memref<2x128x64xf32, #tpu.memory_space<vmem>> -> memref<1x128x64xf32, #tpu.memory_space<vmem>>
        %dma_wait3A_352 = tpu.memref_squeeze %dma_wait3A_351 : memref<1x128x64xf32, #tpu.memory_space<vmem>> -> memref<128x64xf32, #tpu.memory_space<vmem>>
        %dma_wait3A_353 = tpu.memref_slice %arg13[%mul3A_347] : memref<10496xi32, #tpu.memory_space<vmem>> -> memref<128xi32, #tpu.memory_space<vmem>>
        %dma_wait3A_354 = arith.constant 0 : i32
        %dma_wait3A_355 = arith.constant 0 : i32
        %dma_wait3A_356 = tpu.memref_slice %arg20[%dma_wait3A_354, %dma_wait3A_355] : memref<5008x64xf32, #tpu.memory_space<vmem_shared>> -> memref<5008x64xf32, #tpu.memory_space<vmem_shared>>
        tpu.wait_indirect_dma semaphore(%arg24 : memref<!tpu.dma_semaphore, #tpu.memory_space<semaphore_mem>>) src(%dma_wait3A_352 : memref<128x64xf32, #tpu.memory_space<vmem>>) dst(%dma_wait3A_356 : memref<5008x64xf32, #tpu.memory_space<vmem_shared>>)
        %add3A_357 = arith.constant 2 : i32
        %add3A_358 = arith.addi %mul3A_280, %add3A_357 : i32
        %mul3A_359 = arith.constant 128 : i32
        %mul3A_360 = arith.muli %add3A_358, %mul3A_359 : i32
        %dma_start3A_361 = arith.constant 0 : i32
        %dma_start3A_362 = arith.constant 0 : i32
        %dma_start3A_363 = arith.constant 0 : i32
        %dma_start3A_364 = tpu.memref_slice %arg15[%dma_start3A_361, %dma_start3A_362, %dma_start3A_363] : memref<2x128x64xf32, #tpu.memory_space<vmem>> -> memref<1x128x64xf32, #tpu.memory_space<vmem>>
        %dma_start3A_365 = tpu.memref_squeeze %dma_start3A_364 : memref<1x128x64xf32, #tpu.memory_space<vmem>> -> memref<128x64xf32, #tpu.memory_space<vmem>>
        %dma_start3A_366 = tpu.memref_slice %arg12[%mul3A_360] : memref<10496xi32, #tpu.memory_space<vmem>> -> memref<128xi32, #tpu.memory_space<vmem>>
        %dma_start3A_367 = arith.constant 0 : i32
        %dma_start3A_368 = arith.constant 0 : i32
        %dma_start3A_369 = tpu.memref_slice %arg4[%dma_start3A_367, %dma_start3A_368] : memref<40000x64xf32, #tpu.memory_space<hbm>> -> memref<40000x64xf32, #tpu.memory_space<hbm>>
        tpu.enqueue_indirect_dma source(%dma_start3A_369 : memref<40000x64xf32, #tpu.memory_space<hbm>>) target(%dma_start3A_365 : memref<128x64xf32, #tpu.memory_space<vmem>>) offsets(%dma_start3A_366 : memref<128xi32, #tpu.memory_space<vmem>>) semaphore(%arg22 : memref<!tpu.dma_semaphore, #tpu.memory_space<semaphore_mem>>)
      } else {
      }
      %mul3A_324 = arith.constant 128 : i32
      %mul3A_325 = arith.muli %add3A_282, %mul3A_324 : i32
      %dma_wait3A_326 = arith.constant 1 : i32
      %dma_wait3A_327 = arith.constant 0 : i32
      %dma_wait3A_328 = arith.constant 0 : i32
      %dma_wait3A_329 = tpu.memref_slice %arg15[%dma_wait3A_326, %dma_wait3A_327, %dma_wait3A_328] : memref<2x128x64xf32, #tpu.memory_space<vmem>> -> memref<1x128x64xf32, #tpu.memory_space<vmem>>
      %dma_wait3A_330 = tpu.memref_squeeze %dma_wait3A_329 : memref<1x128x64xf32, #tpu.memory_space<vmem>> -> memref<128x64xf32, #tpu.memory_space<vmem>>
      %dma_wait3A_331 = tpu.memref_slice %arg12[%mul3A_325] : memref<10496xi32, #tpu.memory_space<vmem>> -> memref<128xi32, #tpu.memory_space<vmem>>
      %dma_wait3A_332 = arith.constant 0 : i32
      %dma_wait3A_333 = arith.constant 0 : i32
      %dma_wait3A_334 = tpu.memref_slice %arg4[%dma_wait3A_332, %dma_wait3A_333] : memref<40000x64xf32, #tpu.memory_space<hbm>> -> memref<40000x64xf32, #tpu.memory_space<hbm>>
      tpu.wait_indirect_dma semaphore(%arg23 : memref<!tpu.dma_semaphore, #tpu.memory_space<semaphore_mem>>) src(%dma_wait3A_334 : memref<40000x64xf32, #tpu.memory_space<hbm>>) dst(%dma_wait3A_330 : memref<128x64xf32, #tpu.memory_space<vmem>>)
      %mul3A_335 = arith.constant 128 : i32
      %mul3A_336 = arith.muli %add3A_282, %mul3A_335 : i32
      %dma_start3A_337 = arith.constant 1 : i32
      %dma_start3A_338 = arith.constant 0 : i32
      %dma_start3A_339 = arith.constant 0 : i32
      %dma_start3A_340 = tpu.memref_slice %arg15[%dma_start3A_337, %dma_start3A_338, %dma_start3A_339] : memref<2x128x64xf32, #tpu.memory_space<vmem>> -> memref<1x128x64xf32, #tpu.memory_space<vmem>>
      %dma_start3A_341 = tpu.memref_squeeze %dma_start3A_340 : memref<1x128x64xf32, #tpu.memory_space<vmem>> -> memref<128x64xf32, #tpu.memory_space<vmem>>
      %dma_start3A_342 = tpu.memref_slice %arg13[%mul3A_336] : memref<10496xi32, #tpu.memory_space<vmem>> -> memref<128xi32, #tpu.memory_space<vmem>>
      %dma_start3A_343 = arith.constant 0 : i32
      %dma_start3A_344 = arith.constant 0 : i32
      %dma_start3A_345 = tpu.memref_slice %arg20[%dma_start3A_343, %dma_start3A_344] : memref<5008x64xf32, #tpu.memory_space<vmem_shared>> -> memref<5008x64xf32, #tpu.memory_space<vmem_shared>>
      tpu.enqueue_indirect_dma source(%dma_start3A_341 : memref<128x64xf32, #tpu.memory_space<vmem>>) target(%dma_start3A_345 : memref<5008x64xf32, #tpu.memory_space<vmem_shared>>) offsets(%dma_start3A_342 : memref<128xi32, #tpu.memory_space<vmem>>) semaphore(%arg25 : memref<!tpu.dma_semaphore, #tpu.memory_space<semaphore_mem>>) {add = true}
    }
    %gt3A_166 = arith.constant 0 : i32
    %gt3A_167 = arith.cmpi sgt, %select_n3A_68, %gt3A_166 : i32
    %convert_element_type3A_168 = arith.extui %gt3A_167 : i1 to i32
    %cond3A_169 = arith.constant 0 : i32
    %cond3A_170 = arith.cmpi ne, %convert_element_type3A_168, %cond3A_169 : i32
    scf.if %cond3A_170 {
      %mul3A_278 = arith.constant 2 : i32
      %mul3A_279 = arith.muli %mul3A_278, %select_n3A_68 : i32
      %sub3A_280 = arith.constant 2 : i32
      %sub3A_281 = arith.subi %mul3A_279, %sub3A_280 : i32
      %mul3A_282 = arith.constant 128 : i32
      %mul3A_283 = arith.muli %sub3A_281, %mul3A_282 : i32
      %dma_wait3A = arith.constant 0 : i32
      %dma_wait3A_284 = arith.constant 0 : i32
      %dma_wait3A_285 = arith.constant 0 : i32
      %dma_wait3A_286 = tpu.memref_slice %arg15[%dma_wait3A, %dma_wait3A_284, %dma_wait3A_285] : memref<2x128x64xf32, #tpu.memory_space<vmem>> -> memref<1x128x64xf32, #tpu.memory_space<vmem>>
      %dma_wait3A_287 = tpu.memref_squeeze %dma_wait3A_286 : memref<1x128x64xf32, #tpu.memory_space<vmem>> -> memref<128x64xf32, #tpu.memory_space<vmem>>
      %dma_wait3A_288 = tpu.memref_slice %arg13[%mul3A_283] : memref<10496xi32, #tpu.memory_space<vmem>> -> memref<128xi32, #tpu.memory_space<vmem>>
      %dma_wait3A_289 = arith.constant 0 : i32
      %dma_wait3A_290 = arith.constant 0 : i32
      %dma_wait3A_291 = tpu.memref_slice %arg20[%dma_wait3A_289, %dma_wait3A_290] : memref<5008x64xf32, #tpu.memory_space<vmem_shared>> -> memref<5008x64xf32, #tpu.memory_space<vmem_shared>>
      tpu.wait_indirect_dma semaphore(%arg24 : memref<!tpu.dma_semaphore, #tpu.memory_space<semaphore_mem>>) src(%dma_wait3A_287 : memref<128x64xf32, #tpu.memory_space<vmem>>) dst(%dma_wait3A_291 : memref<5008x64xf32, #tpu.memory_space<vmem_shared>>)
      %mul3A_292 = arith.constant 2 : i32
      %mul3A_293 = arith.muli %mul3A_292, %select_n3A_68 : i32
      %sub3A_294 = arith.constant 1 : i32
      %sub3A_295 = arith.subi %mul3A_293, %sub3A_294 : i32
      %mul3A_296 = arith.constant 128 : i32
      %mul3A_297 = arith.muli %sub3A_295, %mul3A_296 : i32
      %dma_wait3A_298 = arith.constant 1 : i32
      %dma_wait3A_299 = arith.constant 0 : i32
      %dma_wait3A_300 = arith.constant 0 : i32
      %dma_wait3A_301 = tpu.memref_slice %arg15[%dma_wait3A_298, %dma_wait3A_299, %dma_wait3A_300] : memref<2x128x64xf32, #tpu.memory_space<vmem>> -> memref<1x128x64xf32, #tpu.memory_space<vmem>>
      %dma_wait3A_302 = tpu.memref_squeeze %dma_wait3A_301 : memref<1x128x64xf32, #tpu.memory_space<vmem>> -> memref<128x64xf32, #tpu.memory_space<vmem>>
      %dma_wait3A_303 = tpu.memref_slice %arg13[%mul3A_297] : memref<10496xi32, #tpu.memory_space<vmem>> -> memref<128xi32, #tpu.memory_space<vmem>>
      %dma_wait3A_304 = arith.constant 0 : i32
      %dma_wait3A_305 = arith.constant 0 : i32
      %dma_wait3A_306 = tpu.memref_slice %arg20[%dma_wait3A_304, %dma_wait3A_305] : memref<5008x64xf32, #tpu.memory_space<vmem_shared>> -> memref<5008x64xf32, #tpu.memory_space<vmem_shared>>
      tpu.wait_indirect_dma semaphore(%arg25 : memref<!tpu.dma_semaphore, #tpu.memory_space<semaphore_mem>>) src(%dma_wait3A_302 : memref<128x64xf32, #tpu.memory_space<vmem>>) dst(%dma_wait3A_306 : memref<5008x64xf32, #tpu.memory_space<vmem_shared>>)
    } else {
    }
    %barrier3A_171 = arith.constant 0 : index
    tpu.barrier barrier_id(%barrier3A_171)
    %add3A_172 = arith.constant 10000 : i32
    %add3A_173 = arith.addi %add3A_172, %mul3A_0 : i32
    %mul3A_174 = arith.constant 312 : i32
    %mul3A_175 = arith.muli %arg1, %mul3A_174 : i32
    "tpu.region"() ({
      %run_scoped3A = tpu.sem_alloc : memref<!tpu.dma_semaphore, #tpu.memory_space<semaphore_mem>>
      %dma_start3A = arith.constant 0 : i32
      %dma_start3A_278 = tpu.memref_slice %arg20[%mul3A_175, %dma_start3A] : memref<5008x64xf32, #tpu.memory_space<vmem_shared>> -> memref<312x64xf32, #tpu.memory_space<vmem_shared>>
      %dma_start3A_279 = arith.constant 0 : i32
      %dma_start3A_280 = tpu.memref_slice %arg20[%mul3A_175, %dma_start3A_279] : memref<5008x64xf32, #tpu.memory_space<vmem_shared>> -> memref<312x64xf32, #tpu.memory_space<vmem_shared>>
      tpu.enqueue_dma source(%dma_start3A_280 : memref<312x64xf32, #tpu.memory_space<vmem_shared>>) target(%arg17 : memref<312x64xf32, #tpu.memory_space<vmem>>) target_semaphore(%run_scoped3A : memref<!tpu.dma_semaphore, #tpu.memory_space<semaphore_mem>>)
      %dma_wait3A = arith.constant 0 : i32
      %dma_wait3A_281 = tpu.memref_slice %arg20[%mul3A_175, %dma_wait3A] : memref<5008x64xf32, #tpu.memory_space<vmem_shared>> -> memref<312x64xf32, #tpu.memory_space<vmem_shared>>
      %dma_wait3A_282 = arith.constant 0 : i32
      %dma_wait3A_283 = tpu.memref_slice %arg20[%mul3A_175, %dma_wait3A_282] : memref<5008x64xf32, #tpu.memory_space<vmem_shared>> -> memref<312x64xf32, #tpu.memory_space<vmem_shared>>
      tpu.wait_dma2 semaphore(%run_scoped3A : memref<!tpu.dma_semaphore, #tpu.memory_space<semaphore_mem>>) src(%dma_wait3A_283 : memref<312x64xf32, #tpu.memory_space<vmem_shared>>) dst(%arg17 : memref<312x64xf32, #tpu.memory_space<vmem>>)
      tpu.yield
    }) : () -> ()
    %mul3A_176 = arith.constant 312 : i32
    %mul3A_177 = arith.muli %arg1, %mul3A_176 : i32
    %add3A_178 = arith.addi %add3A_173, %mul3A_177 : i32
    "tpu.region"() ({
      %run_scoped3A = tpu.sem_alloc : memref<!tpu.dma_semaphore, #tpu.memory_space<semaphore_mem>>
      %dma_start3A = arith.constant 0 : i32
      %dma_start3A_278 = tpu.memref_slice %arg8[%add3A_178, %dma_start3A] : memref<40000x64xf32, #tpu.memory_space<hbm>> -> memref<312x64xf32, #tpu.memory_space<hbm>>
      %dma_start3A_279 = arith.constant 0 : i32
      %dma_start3A_280 = tpu.memref_slice %arg8[%add3A_178, %dma_start3A_279] : memref<40000x64xf32, #tpu.memory_space<hbm>> -> memref<312x64xf32, #tpu.memory_space<hbm>>
      tpu.enqueue_dma source(%arg17 : memref<312x64xf32, #tpu.memory_space<vmem>>) target(%dma_start3A_280 : memref<312x64xf32, #tpu.memory_space<hbm>>) target_semaphore(%run_scoped3A : memref<!tpu.dma_semaphore, #tpu.memory_space<semaphore_mem>>)
      %dma_wait3A = arith.constant 0 : i32
      %dma_wait3A_281 = tpu.memref_slice %arg8[%add3A_178, %dma_wait3A] : memref<40000x64xf32, #tpu.memory_space<hbm>> -> memref<312x64xf32, #tpu.memory_space<hbm>>
      %dma_wait3A_282 = arith.constant 0 : i32
      %dma_wait3A_283 = tpu.memref_slice %arg8[%add3A_178, %dma_wait3A_282] : memref<40000x64xf32, #tpu.memory_space<hbm>> -> memref<312x64xf32, #tpu.memory_space<hbm>>
      tpu.wait_dma2 semaphore(%run_scoped3A : memref<!tpu.dma_semaphore, #tpu.memory_space<semaphore_mem>>) src(%arg17 : memref<312x64xf32, #tpu.memory_space<vmem>>) dst(%dma_wait3A_283 : memref<312x64xf32, #tpu.memory_space<hbm>>)
      tpu.yield
    }) : () -> ()
    %eq3A_179 = arith.constant 0 : i32
    %eq3A_180 = arith.cmpi eq, %arg1, %eq3A_179 : i32
    %convert_element_type3A_181 = arith.extui %eq3A_180 : i1 to i32
    %cond3A_182 = arith.constant 0 : i32
    %cond3A_183 = arith.cmpi ne, %convert_element_type3A_181, %cond3A_182 : i32
    scf.if %cond3A_183 {
      "tpu.region"() ({
        %run_scoped3A = tpu.sem_alloc : memref<!tpu.dma_semaphore, #tpu.memory_space<semaphore_mem>>
        %dma_start3A = arith.constant 0 : i32
        %dma_start3A_280 = arith.constant 0 : i32
        %dma_start3A_281 = tpu.memref_slice %arg17[%dma_start3A, %dma_start3A_280] : memref<312x64xf32, #tpu.memory_space<vmem>> -> memref<8x64xf32, #tpu.memory_space<vmem>>
        %dma_start3A_282 = arith.constant 4992 : i32
        %dma_start3A_283 = arith.constant 0 : i32
        %dma_start3A_284 = tpu.memref_slice %arg20[%dma_start3A_282, %dma_start3A_283] : memref<5008x64xf32, #tpu.memory_space<vmem_shared>> -> memref<8x64xf32, #tpu.memory_space<vmem_shared>>
        %dma_start3A_285 = arith.constant 0 : i32
        %dma_start3A_286 = arith.constant 0 : i32
        %dma_start3A_287 = tpu.memref_slice %arg17[%dma_start3A_285, %dma_start3A_286] : memref<312x64xf32, #tpu.memory_space<vmem>> -> memref<8x64xf32, #tpu.memory_space<vmem>>
        %dma_start3A_288 = arith.constant 4992 : i32
        %dma_start3A_289 = arith.constant 0 : i32
        %dma_start3A_290 = tpu.memref_slice %arg20[%dma_start3A_288, %dma_start3A_289] : memref<5008x64xf32, #tpu.memory_space<vmem_shared>> -> memref<8x64xf32, #tpu.memory_space<vmem_shared>>
        tpu.enqueue_dma source(%dma_start3A_290 : memref<8x64xf32, #tpu.memory_space<vmem_shared>>) target(%dma_start3A_287 : memref<8x64xf32, #tpu.memory_space<vmem>>) target_semaphore(%run_scoped3A : memref<!tpu.dma_semaphore, #tpu.memory_space<semaphore_mem>>)
        %dma_wait3A = arith.constant 0 : i32
        %dma_wait3A_291 = arith.constant 0 : i32
        %dma_wait3A_292 = tpu.memref_slice %arg17[%dma_wait3A, %dma_wait3A_291] : memref<312x64xf32, #tpu.memory_space<vmem>> -> memref<8x64xf32, #tpu.memory_space<vmem>>
        %dma_wait3A_293 = arith.constant 4992 : i32
        %dma_wait3A_294 = arith.constant 0 : i32
        %dma_wait3A_295 = tpu.memref_slice %arg20[%dma_wait3A_293, %dma_wait3A_294] : memref<5008x64xf32, #tpu.memory_space<vmem_shared>> -> memref<8x64xf32, #tpu.memory_space<vmem_shared>>
        %dma_wait3A_296 = arith.constant 0 : i32
        %dma_wait3A_297 = arith.constant 0 : i32
        %dma_wait3A_298 = tpu.memref_slice %arg17[%dma_wait3A_296, %dma_wait3A_297] : memref<312x64xf32, #tpu.memory_space<vmem>> -> memref<8x64xf32, #tpu.memory_space<vmem>>
        %dma_wait3A_299 = arith.constant 4992 : i32
        %dma_wait3A_300 = arith.constant 0 : i32
        %dma_wait3A_301 = tpu.memref_slice %arg20[%dma_wait3A_299, %dma_wait3A_300] : memref<5008x64xf32, #tpu.memory_space<vmem_shared>> -> memref<8x64xf32, #tpu.memory_space<vmem_shared>>
        tpu.wait_dma2 semaphore(%run_scoped3A : memref<!tpu.dma_semaphore, #tpu.memory_space<semaphore_mem>>) src(%dma_wait3A_301 : memref<8x64xf32, #tpu.memory_space<vmem_shared>>) dst(%dma_wait3A_298 : memref<8x64xf32, #tpu.memory_space<vmem>>)
        tpu.yield
      }) : () -> ()
      %add3A_278 = arith.constant 4992 : i32
      %add3A_279 = arith.addi %add3A_173, %add3A_278 : i32
      "tpu.region"() ({
        %run_scoped3A = tpu.sem_alloc : memref<!tpu.dma_semaphore, #tpu.memory_space<semaphore_mem>>
        %dma_start3A = arith.constant 0 : i32
        %dma_start3A_280 = arith.constant 0 : i32
        %dma_start3A_281 = tpu.memref_slice %arg17[%dma_start3A, %dma_start3A_280] : memref<312x64xf32, #tpu.memory_space<vmem>> -> memref<8x64xf32, #tpu.memory_space<vmem>>
        %dma_start3A_282 = arith.constant 0 : i32
        %dma_start3A_283 = tpu.memref_slice %arg8[%add3A_279, %dma_start3A_282] : memref<40000x64xf32, #tpu.memory_space<hbm>> -> memref<8x64xf32, #tpu.memory_space<hbm>>
        %dma_start3A_284 = arith.constant 0 : i32
        %dma_start3A_285 = tpu.memref_slice %arg8[%add3A_279, %dma_start3A_284] : memref<40000x64xf32, #tpu.memory_space<hbm>> -> memref<8x64xf32, #tpu.memory_space<hbm>>
        %dma_start3A_286 = arith.constant 0 : i32
        %dma_start3A_287 = arith.constant 0 : i32
        %dma_start3A_288 = tpu.memref_slice %arg17[%dma_start3A_286, %dma_start3A_287] : memref<312x64xf32, #tpu.memory_space<vmem>> -> memref<8x64xf32, #tpu.memory_space<vmem>>
        tpu.enqueue_dma source(%dma_start3A_288 : memref<8x64xf32, #tpu.memory_space<vmem>>) target(%dma_start3A_285 : memref<8x64xf32, #tpu.memory_space<hbm>>) target_semaphore(%run_scoped3A : memref<!tpu.dma_semaphore, #tpu.memory_space<semaphore_mem>>)
        %dma_wait3A = arith.constant 0 : i32
        %dma_wait3A_289 = arith.constant 0 : i32
        %dma_wait3A_290 = tpu.memref_slice %arg17[%dma_wait3A, %dma_wait3A_289] : memref<312x64xf32, #tpu.memory_space<vmem>> -> memref<8x64xf32, #tpu.memory_space<vmem>>
        %dma_wait3A_291 = arith.constant 0 : i32
        %dma_wait3A_292 = tpu.memref_slice %arg8[%add3A_279, %dma_wait3A_291] : memref<40000x64xf32, #tpu.memory_space<hbm>> -> memref<8x64xf32, #tpu.memory_space<hbm>>
        %dma_wait3A_293 = arith.constant 0 : i32
        %dma_wait3A_294 = tpu.memref_slice %arg8[%add3A_279, %dma_wait3A_293] : memref<40000x64xf32, #tpu.memory_space<hbm>> -> memref<8x64xf32, #tpu.memory_space<hbm>>
        %dma_wait3A_295 = arith.constant 0 : i32
        %dma_wait3A_296 = arith.constant 0 : i32
        %dma_wait3A_297 = tpu.memref_slice %arg17[%dma_wait3A_295, %dma_wait3A_296] : memref<312x64xf32, #tpu.memory_space<vmem>> -> memref<8x64xf32, #tpu.memory_space<vmem>>
        tpu.wait_dma2 semaphore(%run_scoped3A : memref<!tpu.dma_semaphore, #tpu.memory_space<semaphore_mem>>) src(%dma_wait3A_297 : memref<8x64xf32, #tpu.memory_space<vmem>>) dst(%dma_wait3A_294 : memref<8x64xf32, #tpu.memory_space<hbm>>)
        tpu.yield
      }) : () -> ()
    } else {
    }
    %scan3A_184 = arith.constant 0 : i32
    %scan3A_185 = arith.constant 0 : i32
    %scan3A_186 = arith.constant 656 : i32
    %scan3A_187 = arith.addi %scan3A_185, %scan3A_186 : i32
    %scan3A_188 = arith.constant 1 : i32
    scf.for %scan3A_278 = %scan3A_185 to %scan3A_187 step %scan3A_188  : i32 {
      %mul3A_279 = arith.constant 16 : i32
      %mul3A_280 = arith.muli %scan3A_278, %mul3A_279 : i32
      %get3A_281 = arith.index_cast %mul3A_280 : i32 to index
      %get3A_282 = tpu.vector_load %arg12[%get3A_281] {strides = array<i32>} : memref<10496xi32, #tpu.memory_space<vmem>>, vector<16xi32>,
      %add3A_283 = arith.constant 10000 : i32
      %add3A_284 = vector.broadcast %add3A_283 : i32 to vector<16xi32>
      %add3A_285 = arith.addi %get3A_282, %add3A_284 : vector<16xi32>
      %swap3A_286 = arith.index_cast %mul3A_280 : i32 to index
      %swap3A_287 = tpu.vector_load %arg12[%swap3A_286] {strides = array<i32>} : memref<10496xi32, #tpu.memory_space<vmem>>, vector<16xi32>,
      tpu.vector_store %arg12[%swap3A_286], %add3A_285 {strides = array<i32>} : memref<10496xi32, #tpu.memory_space<vmem>>, vector<16xi32>,
    }
    %scan3A_189 = arith.constant 656 : i32
    %mul3A_190 = arith.constant 312 : i32
    %mul3A_191 = arith.muli %arg1, %mul3A_190 : i32
    "tpu.region"() ({
      %run_scoped3A = tpu.sem_alloc : memref<!tpu.dma_semaphore, #tpu.memory_space<semaphore_mem>>
      %dma_start3A = arith.constant 0 : i32
      %dma_start3A_278 = tpu.memref_slice %arg20[%mul3A_191, %dma_start3A] : memref<5008x64xf32, #tpu.memory_space<vmem_shared>> -> memref<312x64xf32, #tpu.memory_space<vmem_shared>>
      %dma_start3A_279 = arith.constant 0 : i32
      %dma_start3A_280 = tpu.memref_slice %arg20[%mul3A_191, %dma_start3A_279] : memref<5008x64xf32, #tpu.memory_space<vmem_shared>> -> memref<312x64xf32, #tpu.memory_space<vmem_shared>>
      tpu.enqueue_dma source(%arg18 : memref<312x64xf32, #tpu.memory_space<vmem>>) target(%dma_start3A_280 : memref<312x64xf32, #tpu.memory_space<vmem_shared>>) target_semaphore(%run_scoped3A : memref<!tpu.dma_semaphore, #tpu.memory_space<semaphore_mem>>)
      %dma_wait3A = arith.constant 0 : i32
      %dma_wait3A_281 = tpu.memref_slice %arg20[%mul3A_191, %dma_wait3A] : memref<5008x64xf32, #tpu.memory_space<vmem_shared>> -> memref<312x64xf32, #tpu.memory_space<vmem_shared>>
      %dma_wait3A_282 = arith.constant 0 : i32
      %dma_wait3A_283 = tpu.memref_slice %arg20[%mul3A_191, %dma_wait3A_282] : memref<5008x64xf32, #tpu.memory_space<vmem_shared>> -> memref<312x64xf32, #tpu.memory_space<vmem_shared>>
      tpu.wait_dma2 semaphore(%run_scoped3A : memref<!tpu.dma_semaphore, #tpu.memory_space<semaphore_mem>>) src(%arg18 : memref<312x64xf32, #tpu.memory_space<vmem>>) dst(%dma_wait3A_283 : memref<312x64xf32, #tpu.memory_space<vmem_shared>>)
      tpu.yield
    }) : () -> ()
    %eq3A_192 = arith.constant 0 : i32
    %eq3A_193 = arith.cmpi eq, %arg1, %eq3A_192 : i32
    %convert_element_type3A_194 = arith.extui %eq3A_193 : i1 to i32
    %cond3A_195 = arith.constant 0 : i32
    %cond3A_196 = arith.cmpi ne, %convert_element_type3A_194, %cond3A_195 : i32
    scf.if %cond3A_196 {
      "tpu.region"() ({
        %run_scoped3A = tpu.sem_alloc : memref<!tpu.dma_semaphore, #tpu.memory_space<semaphore_mem>>
        %dma_start3A = arith.constant 0 : i32
        %dma_start3A_278 = arith.constant 0 : i32
        %dma_start3A_279 = tpu.memref_slice %arg18[%dma_start3A, %dma_start3A_278] : memref<312x64xf32, #tpu.memory_space<vmem>> -> memref<8x64xf32, #tpu.memory_space<vmem>>
        %dma_start3A_280 = arith.constant 4992 : i32
        %dma_start3A_281 = arith.constant 0 : i32
        %dma_start3A_282 = tpu.memref_slice %arg20[%dma_start3A_280, %dma_start3A_281] : memref<5008x64xf32, #tpu.memory_space<vmem_shared>> -> memref<8x64xf32, #tpu.memory_space<vmem_shared>>
        %dma_start3A_283 = arith.constant 4992 : i32
        %dma_start3A_284 = arith.constant 0 : i32
        %dma_start3A_285 = tpu.memref_slice %arg20[%dma_start3A_283, %dma_start3A_284] : memref<5008x64xf32, #tpu.memory_space<vmem_shared>> -> memref<8x64xf32, #tpu.memory_space<vmem_shared>>
        %dma_start3A_286 = arith.constant 0 : i32
        %dma_start3A_287 = arith.constant 0 : i32
        %dma_start3A_288 = tpu.memref_slice %arg18[%dma_start3A_286, %dma_start3A_287] : memref<312x64xf32, #tpu.memory_space<vmem>> -> memref<8x64xf32, #tpu.memory_space<vmem>>
        tpu.enqueue_dma source(%dma_start3A_288 : memref<8x64xf32, #tpu.memory_space<vmem>>) target(%dma_start3A_285 : memref<8x64xf32, #tpu.memory_space<vmem_shared>>) target_semaphore(%run_scoped3A : memref<!tpu.dma_semaphore, #tpu.memory_space<semaphore_mem>>)
        %dma_wait3A = arith.constant 0 : i32
        %dma_wait3A_289 = arith.constant 0 : i32
        %dma_wait3A_290 = tpu.memref_slice %arg18[%dma_wait3A, %dma_wait3A_289] : memref<312x64xf32, #tpu.memory_space<vmem>> -> memref<8x64xf32, #tpu.memory_space<vmem>>
        %dma_wait3A_291 = arith.constant 4992 : i32
        %dma_wait3A_292 = arith.constant 0 : i32
        %dma_wait3A_293 = tpu.memref_slice %arg20[%dma_wait3A_291, %dma_wait3A_292] : memref<5008x64xf32, #tpu.memory_space<vmem_shared>> -> memref<8x64xf32, #tpu.memory_space<vmem_shared>>
        %dma_wait3A_294 = arith.constant 4992 : i32
        %dma_wait3A_295 = arith.constant 0 : i32
        %dma_wait3A_296 = tpu.memref_slice %arg20[%dma_wait3A_294, %dma_wait3A_295] : memref<5008x64xf32, #tpu.memory_space<vmem_shared>> -> memref<8x64xf32, #tpu.memory_space<vmem_shared>>
        %dma_wait3A_297 = arith.constant 0 : i32
        %dma_wait3A_298 = arith.constant 0 : i32
        %dma_wait3A_299 = tpu.memref_slice %arg18[%dma_wait3A_297, %dma_wait3A_298] : memref<312x64xf32, #tpu.memory_space<vmem>> -> memref<8x64xf32, #tpu.memory_space<vmem>>
        tpu.wait_dma2 semaphore(%run_scoped3A : memref<!tpu.dma_semaphore, #tpu.memory_space<semaphore_mem>>) src(%dma_wait3A_299 : memref<8x64xf32, #tpu.memory_space<vmem>>) dst(%dma_wait3A_296 : memref<8x64xf32, #tpu.memory_space<vmem_shared>>)
        tpu.yield
      }) : () -> ()
    } else {
    }
    %barrier3A_197 = arith.constant 0 : index
    tpu.barrier barrier_id(%barrier3A_197)
    %gt3A_198 = arith.constant 0 : i32
    %gt3A_199 = arith.cmpi sgt, %select_n3A_68, %gt3A_198 : i32
    %convert_element_type3A_200 = arith.extui %gt3A_199 : i1 to i32
    %cond3A_201 = arith.constant 0 : i32
    %cond3A_202 = arith.cmpi ne, %convert_element_type3A_200, %cond3A_201 : i32
    scf.if %cond3A_202 {
      %dma_start3A = arith.constant 0 : i32
      %dma_start3A_278 = arith.constant 0 : i32
      %dma_start3A_279 = arith.constant 0 : i32
      %dma_start3A_280 = tpu.memref_slice %arg15[%dma_start3A, %dma_start3A_278, %dma_start3A_279] : memref<2x128x64xf32, #tpu.memory_space<vmem>> -> memref<1x128x64xf32, #tpu.memory_space<vmem>>
      %dma_start3A_281 = tpu.memref_squeeze %dma_start3A_280 : memref<1x128x64xf32, #tpu.memory_space<vmem>> -> memref<128x64xf32, #tpu.memory_space<vmem>>
      %dma_start3A_282 = arith.constant 0 : i32
      %dma_start3A_283 = tpu.memref_slice %arg12[%dma_start3A_282] : memref<10496xi32, #tpu.memory_space<vmem>> -> memref<128xi32, #tpu.memory_space<vmem>>
      %dma_start3A_284 = arith.constant 0 : i32
      %dma_start3A_285 = arith.constant 0 : i32
      %dma_start3A_286 = tpu.memref_slice %arg4[%dma_start3A_284, %dma_start3A_285] : memref<40000x64xf32, #tpu.memory_space<hbm>> -> memref<40000x64xf32, #tpu.memory_space<hbm>>
      tpu.enqueue_indirect_dma source(%dma_start3A_286 : memref<40000x64xf32, #tpu.memory_space<hbm>>) target(%dma_start3A_281 : memref<128x64xf32, #tpu.memory_space<vmem>>) offsets(%dma_start3A_283 : memref<128xi32, #tpu.memory_space<vmem>>) semaphore(%arg22 : memref<!tpu.dma_semaphore, #tpu.memory_space<semaphore_mem>>)
    } else {
    }
    %while3A_203 = arith.constant 0 : i32
    %while3A_204 = arith.constant 0 : i32
    %while3A_205 = arith.subi %select_n3A_68, %while3A_204 : i32
    %while3A_206 = arith.addi %while3A_204, %while3A_205 : i32
    %while3A_207 = arith.constant 1 : i32
    %while3A_208 = arith.divsi %while3A_205, %while3A_207 : i32
    %while3A_209 = arith.muli %while3A_208, %while3A_207 : i32
    %while3A_210 = arith.addi %while3A_204, %while3A_209 : i32
    %while3A_211 = arith.constant 1 : i32
    scf.for %while3A_278 = %while3A_204 to %while3A_210 step %while3A_211  : i32 {
      %mul3A_279 = arith.constant 2 : i32
      %mul3A_280 = arith.muli %mul3A_279, %while3A_278 : i32
      %add3A_281 = arith.constant 1 : i32
      %add3A_282 = arith.addi %mul3A_280, %add3A_281 : i32
      %gt3A_283 = arith.constant 0 : i32
      %gt3A_284 = arith.cmpi sgt, %while3A_278, %gt3A_283 : i32
      %convert_element_type3A_285 = arith.extui %gt3A_284 : i1 to i32
      %cond3A_286 = arith.constant 0 : i32
      %cond3A_287 = arith.cmpi ne, %convert_element_type3A_285, %cond3A_286 : i32
      scf.if %cond3A_287 {
        %sub3A_346 = arith.constant 1 : i32
        %sub3A_347 = arith.subi %mul3A_280, %sub3A_346 : i32
        %mul3A_348 = arith.constant 128 : i32
        %mul3A_349 = arith.muli %sub3A_347, %mul3A_348 : i32
        %dma_wait3A_350 = arith.constant 1 : i32
        %dma_wait3A_351 = arith.constant 0 : i32
        %dma_wait3A_352 = arith.constant 0 : i32
        %dma_wait3A_353 = tpu.memref_slice %arg15[%dma_wait3A_350, %dma_wait3A_351, %dma_wait3A_352] : memref<2x128x64xf32, #tpu.memory_space<vmem>> -> memref<1x128x64xf32, #tpu.memory_space<vmem>>
        %dma_wait3A_354 = tpu.memref_squeeze %dma_wait3A_353 : memref<1x128x64xf32, #tpu.memory_space<vmem>> -> memref<128x64xf32, #tpu.memory_space<vmem>>
        %dma_wait3A_355 = tpu.memref_slice %arg13[%mul3A_349] : memref<10496xi32, #tpu.memory_space<vmem>> -> memref<128xi32, #tpu.memory_space<vmem>>
        %dma_wait3A_356 = arith.constant 0 : i32
        %dma_wait3A_357 = arith.constant 0 : i32
        %dma_wait3A_358 = tpu.memref_slice %arg20[%dma_wait3A_356, %dma_wait3A_357] : memref<5008x64xf32, #tpu.memory_space<vmem_shared>> -> memref<5008x64xf32, #tpu.memory_space<vmem_shared>>
        tpu.wait_indirect_dma semaphore(%arg25 : memref<!tpu.dma_semaphore, #tpu.memory_space<semaphore_mem>>) src(%dma_wait3A_354 : memref<128x64xf32, #tpu.memory_space<vmem>>) dst(%dma_wait3A_358 : memref<5008x64xf32, #tpu.memory_space<vmem_shared>>)
      } else {
      }
      %mul3A_288 = arith.constant 128 : i32
      %mul3A_289 = arith.muli %add3A_282, %mul3A_288 : i32
      %dma_start3A = arith.constant 1 : i32
      %dma_start3A_290 = arith.constant 0 : i32
      %dma_start3A_291 = arith.constant 0 : i32
      %dma_start3A_292 = tpu.memref_slice %arg15[%dma_start3A, %dma_start3A_290, %dma_start3A_291] : memref<2x128x64xf32, #tpu.memory_space<vmem>> -> memref<1x128x64xf32, #tpu.memory_space<vmem>>
      %dma_start3A_293 = tpu.memref_squeeze %dma_start3A_292 : memref<1x128x64xf32, #tpu.memory_space<vmem>> -> memref<128x64xf32, #tpu.memory_space<vmem>>
      %dma_start3A_294 = tpu.memref_slice %arg12[%mul3A_289] : memref<10496xi32, #tpu.memory_space<vmem>> -> memref<128xi32, #tpu.memory_space<vmem>>
      %dma_start3A_295 = arith.constant 0 : i32
      %dma_start3A_296 = arith.constant 0 : i32
      %dma_start3A_297 = tpu.memref_slice %arg4[%dma_start3A_295, %dma_start3A_296] : memref<40000x64xf32, #tpu.memory_space<hbm>> -> memref<40000x64xf32, #tpu.memory_space<hbm>>
      tpu.enqueue_indirect_dma source(%dma_start3A_297 : memref<40000x64xf32, #tpu.memory_space<hbm>>) target(%dma_start3A_293 : memref<128x64xf32, #tpu.memory_space<vmem>>) offsets(%dma_start3A_294 : memref<128xi32, #tpu.memory_space<vmem>>) semaphore(%arg23 : memref<!tpu.dma_semaphore, #tpu.memory_space<semaphore_mem>>)
      %mul3A_298 = arith.constant 128 : i32
      %mul3A_299 = arith.muli %mul3A_280, %mul3A_298 : i32
      %dma_wait3A = arith.constant 0 : i32
      %dma_wait3A_300 = arith.constant 0 : i32
      %dma_wait3A_301 = arith.constant 0 : i32
      %dma_wait3A_302 = tpu.memref_slice %arg15[%dma_wait3A, %dma_wait3A_300, %dma_wait3A_301] : memref<2x128x64xf32, #tpu.memory_space<vmem>> -> memref<1x128x64xf32, #tpu.memory_space<vmem>>
      %dma_wait3A_303 = tpu.memref_squeeze %dma_wait3A_302 : memref<1x128x64xf32, #tpu.memory_space<vmem>> -> memref<128x64xf32, #tpu.memory_space<vmem>>
      %dma_wait3A_304 = tpu.memref_slice %arg12[%mul3A_299] : memref<10496xi32, #tpu.memory_space<vmem>> -> memref<128xi32, #tpu.memory_space<vmem>>
      %dma_wait3A_305 = arith.constant 0 : i32
      %dma_wait3A_306 = arith.constant 0 : i32
      %dma_wait3A_307 = tpu.memref_slice %arg4[%dma_wait3A_305, %dma_wait3A_306] : memref<40000x64xf32, #tpu.memory_space<hbm>> -> memref<40000x64xf32, #tpu.memory_space<hbm>>
      tpu.wait_indirect_dma semaphore(%arg22 : memref<!tpu.dma_semaphore, #tpu.memory_space<semaphore_mem>>) src(%dma_wait3A_307 : memref<40000x64xf32, #tpu.memory_space<hbm>>) dst(%dma_wait3A_303 : memref<128x64xf32, #tpu.memory_space<vmem>>)
      %mul3A_308 = arith.constant 128 : i32
      %mul3A_309 = arith.muli %mul3A_280, %mul3A_308 : i32
      %dma_start3A_310 = arith.constant 0 : i32
      %dma_start3A_311 = arith.constant 0 : i32
      %dma_start3A_312 = arith.constant 0 : i32
      %dma_start3A_313 = tpu.memref_slice %arg15[%dma_start3A_310, %dma_start3A_311, %dma_start3A_312] : memref<2x128x64xf32, #tpu.memory_space<vmem>> -> memref<1x128x64xf32, #tpu.memory_space<vmem>>
      %dma_start3A_314 = tpu.memref_squeeze %dma_start3A_313 : memref<1x128x64xf32, #tpu.memory_space<vmem>> -> memref<128x64xf32, #tpu.memory_space<vmem>>
      %dma_start3A_315 = tpu.memref_slice %arg13[%mul3A_309] : memref<10496xi32, #tpu.memory_space<vmem>> -> memref<128xi32, #tpu.memory_space<vmem>>
      %dma_start3A_316 = arith.constant 0 : i32
      %dma_start3A_317 = arith.constant 0 : i32
      %dma_start3A_318 = tpu.memref_slice %arg20[%dma_start3A_316, %dma_start3A_317] : memref<5008x64xf32, #tpu.memory_space<vmem_shared>> -> memref<5008x64xf32, #tpu.memory_space<vmem_shared>>
      tpu.enqueue_indirect_dma source(%dma_start3A_314 : memref<128x64xf32, #tpu.memory_space<vmem>>) target(%dma_start3A_318 : memref<5008x64xf32, #tpu.memory_space<vmem_shared>>) offsets(%dma_start3A_315 : memref<128xi32, #tpu.memory_space<vmem>>) semaphore(%arg24 : memref<!tpu.dma_semaphore, #tpu.memory_space<semaphore_mem>>) {add = true}
      %sub3A_319 = arith.constant 1 : i32
      %sub3A_320 = arith.subi %select_n3A_68, %sub3A_319 : i32
      %lt3A = arith.cmpi slt, %while3A_278, %sub3A_320 : i32
      %convert_element_type3A_321 = arith.extui %lt3A : i1 to i32
      %cond3A_322 = arith.constant 0 : i32
      %cond3A_323 = arith.cmpi ne, %convert_element_type3A_321, %cond3A_322 : i32
      scf.if %cond3A_323 {
        %mul3A_346 = arith.constant 128 : i32
        %mul3A_347 = arith.muli %mul3A_280, %mul3A_346 : i32
        %dma_wait3A_348 = arith.constant 0 : i32
        %dma_wait3A_349 = arith.constant 0 : i32
        %dma_wait3A_350 = arith.constant 0 : i32
        %dma_wait3A_351 = tpu.memref_slice %arg15[%dma_wait3A_348, %dma_wait3A_349, %dma_wait3A_350] : memref<2x128x64xf32, #tpu.memory_space<vmem>> -> memref<1x128x64xf32, #tpu.memory_space<vmem>>
        %dma_wait3A_352 = tpu.memref_squeeze %dma_wait3A_351 : memref<1x128x64xf32, #tpu.memory_space<vmem>> -> memref<128x64xf32, #tpu.memory_space<vmem>>
        %dma_wait3A_353 = tpu.memref_slice %arg13[%mul3A_347] : memref<10496xi32, #tpu.memory_space<vmem>> -> memref<128xi32, #tpu.memory_space<vmem>>
        %dma_wait3A_354 = arith.constant 0 : i32
        %dma_wait3A_355 = arith.constant 0 : i32
        %dma_wait3A_356 = tpu.memref_slice %arg20[%dma_wait3A_354, %dma_wait3A_355] : memref<5008x64xf32, #tpu.memory_space<vmem_shared>> -> memref<5008x64xf32, #tpu.memory_space<vmem_shared>>
        tpu.wait_indirect_dma semaphore(%arg24 : memref<!tpu.dma_semaphore, #tpu.memory_space<semaphore_mem>>) src(%dma_wait3A_352 : memref<128x64xf32, #tpu.memory_space<vmem>>) dst(%dma_wait3A_356 : memref<5008x64xf32, #tpu.memory_space<vmem_shared>>)
        %add3A_357 = arith.constant 2 : i32
        %add3A_358 = arith.addi %mul3A_280, %add3A_357 : i32
        %mul3A_359 = arith.constant 128 : i32
        %mul3A_360 = arith.muli %add3A_358, %mul3A_359 : i32
        %dma_start3A_361 = arith.constant 0 : i32
        %dma_start3A_362 = arith.constant 0 : i32
        %dma_start3A_363 = arith.constant 0 : i32
        %dma_start3A_364 = tpu.memref_slice %arg15[%dma_start3A_361, %dma_start3A_362, %dma_start3A_363] : memref<2x128x64xf32, #tpu.memory_space<vmem>> -> memref<1x128x64xf32, #tpu.memory_space<vmem>>
        %dma_start3A_365 = tpu.memref_squeeze %dma_start3A_364 : memref<1x128x64xf32, #tpu.memory_space<vmem>> -> memref<128x64xf32, #tpu.memory_space<vmem>>
        %dma_start3A_366 = tpu.memref_slice %arg12[%mul3A_360] : memref<10496xi32, #tpu.memory_space<vmem>> -> memref<128xi32, #tpu.memory_space<vmem>>
        %dma_start3A_367 = arith.constant 0 : i32
        %dma_start3A_368 = arith.constant 0 : i32
        %dma_start3A_369 = tpu.memref_slice %arg4[%dma_start3A_367, %dma_start3A_368] : memref<40000x64xf32, #tpu.memory_space<hbm>> -> memref<40000x64xf32, #tpu.memory_space<hbm>>
        tpu.enqueue_indirect_dma source(%dma_start3A_369 : memref<40000x64xf32, #tpu.memory_space<hbm>>) target(%dma_start3A_365 : memref<128x64xf32, #tpu.memory_space<vmem>>) offsets(%dma_start3A_366 : memref<128xi32, #tpu.memory_space<vmem>>) semaphore(%arg22 : memref<!tpu.dma_semaphore, #tpu.memory_space<semaphore_mem>>)
      } else {
      }
      %mul3A_324 = arith.constant 128 : i32
      %mul3A_325 = arith.muli %add3A_282, %mul3A_324 : i32
      %dma_wait3A_326 = arith.constant 1 : i32
      %dma_wait3A_327 = arith.constant 0 : i32
      %dma_wait3A_328 = arith.constant 0 : i32
      %dma_wait3A_329 = tpu.memref_slice %arg15[%dma_wait3A_326, %dma_wait3A_327, %dma_wait3A_328] : memref<2x128x64xf32, #tpu.memory_space<vmem>> -> memref<1x128x64xf32, #tpu.memory_space<vmem>>
      %dma_wait3A_330 = tpu.memref_squeeze %dma_wait3A_329 : memref<1x128x64xf32, #tpu.memory_space<vmem>> -> memref<128x64xf32, #tpu.memory_space<vmem>>
      %dma_wait3A_331 = tpu.memref_slice %arg12[%mul3A_325] : memref<10496xi32, #tpu.memory_space<vmem>> -> memref<128xi32, #tpu.memory_space<vmem>>
      %dma_wait3A_332 = arith.constant 0 : i32
      %dma_wait3A_333 = arith.constant 0 : i32
      %dma_wait3A_334 = tpu.memref_slice %arg4[%dma_wait3A_332, %dma_wait3A_333] : memref<40000x64xf32, #tpu.memory_space<hbm>> -> memref<40000x64xf32, #tpu.memory_space<hbm>>
      tpu.wait_indirect_dma semaphore(%arg23 : memref<!tpu.dma_semaphore, #tpu.memory_space<semaphore_mem>>) src(%dma_wait3A_334 : memref<40000x64xf32, #tpu.memory_space<hbm>>) dst(%dma_wait3A_330 : memref<128x64xf32, #tpu.memory_space<vmem>>)
      %mul3A_335 = arith.constant 128 : i32
      %mul3A_336 = arith.muli %add3A_282, %mul3A_335 : i32
      %dma_start3A_337 = arith.constant 1 : i32
      %dma_start3A_338 = arith.constant 0 : i32
      %dma_start3A_339 = arith.constant 0 : i32
      %dma_start3A_340 = tpu.memref_slice %arg15[%dma_start3A_337, %dma_start3A_338, %dma_start3A_339] : memref<2x128x64xf32, #tpu.memory_space<vmem>> -> memref<1x128x64xf32, #tpu.memory_space<vmem>>
      %dma_start3A_341 = tpu.memref_squeeze %dma_start3A_340 : memref<1x128x64xf32, #tpu.memory_space<vmem>> -> memref<128x64xf32, #tpu.memory_space<vmem>>
      %dma_start3A_342 = tpu.memref_slice %arg13[%mul3A_336] : memref<10496xi32, #tpu.memory_space<vmem>> -> memref<128xi32, #tpu.memory_space<vmem>>
      %dma_start3A_343 = arith.constant 0 : i32
      %dma_start3A_344 = arith.constant 0 : i32
      %dma_start3A_345 = tpu.memref_slice %arg20[%dma_start3A_343, %dma_start3A_344] : memref<5008x64xf32, #tpu.memory_space<vmem_shared>> -> memref<5008x64xf32, #tpu.memory_space<vmem_shared>>
      tpu.enqueue_indirect_dma source(%dma_start3A_341 : memref<128x64xf32, #tpu.memory_space<vmem>>) target(%dma_start3A_345 : memref<5008x64xf32, #tpu.memory_space<vmem_shared>>) offsets(%dma_start3A_342 : memref<128xi32, #tpu.memory_space<vmem>>) semaphore(%arg25 : memref<!tpu.dma_semaphore, #tpu.memory_space<semaphore_mem>>) {add = true}
    }
    %while3A_212 = arith.constant 1 : i32
    scf.for %while3A_278 = %while3A_210 to %while3A_206 step %while3A_212  : i32 {
      %mul3A_279 = arith.constant 2 : i32
      %mul3A_280 = arith.muli %mul3A_279, %while3A_278 : i32
      %add3A_281 = arith.constant 1 : i32
      %add3A_282 = arith.addi %mul3A_280, %add3A_281 : i32
      %gt3A_283 = arith.constant 0 : i32
      %gt3A_284 = arith.cmpi sgt, %while3A_278, %gt3A_283 : i32
      %convert_element_type3A_285 = arith.extui %gt3A_284 : i1 to i32
      %cond3A_286 = arith.constant 0 : i32
      %cond3A_287 = arith.cmpi ne, %convert_element_type3A_285, %cond3A_286 : i32
      scf.if %cond3A_287 {
        %sub3A_346 = arith.constant 1 : i32
        %sub3A_347 = arith.subi %mul3A_280, %sub3A_346 : i32
        %mul3A_348 = arith.constant 128 : i32
        %mul3A_349 = arith.muli %sub3A_347, %mul3A_348 : i32
        %dma_wait3A_350 = arith.constant 1 : i32
        %dma_wait3A_351 = arith.constant 0 : i32
        %dma_wait3A_352 = arith.constant 0 : i32
        %dma_wait3A_353 = tpu.memref_slice %arg15[%dma_wait3A_350, %dma_wait3A_351, %dma_wait3A_352] : memref<2x128x64xf32, #tpu.memory_space<vmem>> -> memref<1x128x64xf32, #tpu.memory_space<vmem>>
        %dma_wait3A_354 = tpu.memref_squeeze %dma_wait3A_353 : memref<1x128x64xf32, #tpu.memory_space<vmem>> -> memref<128x64xf32, #tpu.memory_space<vmem>>
        %dma_wait3A_355 = tpu.memref_slice %arg13[%mul3A_349] : memref<10496xi32, #tpu.memory_space<vmem>> -> memref<128xi32, #tpu.memory_space<vmem>>
        %dma_wait3A_356 = arith.constant 0 : i32
        %dma_wait3A_357 = arith.constant 0 : i32
        %dma_wait3A_358 = tpu.memref_slice %arg20[%dma_wait3A_356, %dma_wait3A_357] : memref<5008x64xf32, #tpu.memory_space<vmem_shared>> -> memref<5008x64xf32, #tpu.memory_space<vmem_shared>>
        tpu.wait_indirect_dma semaphore(%arg25 : memref<!tpu.dma_semaphore, #tpu.memory_space<semaphore_mem>>) src(%dma_wait3A_354 : memref<128x64xf32, #tpu.memory_space<vmem>>) dst(%dma_wait3A_358 : memref<5008x64xf32, #tpu.memory_space<vmem_shared>>)
      } else {
      }
      %mul3A_288 = arith.constant 128 : i32
      %mul3A_289 = arith.muli %add3A_282, %mul3A_288 : i32
      %dma_start3A = arith.constant 1 : i32
      %dma_start3A_290 = arith.constant 0 : i32
      %dma_start3A_291 = arith.constant 0 : i32
      %dma_start3A_292 = tpu.memref_slice %arg15[%dma_start3A, %dma_start3A_290, %dma_start3A_291] : memref<2x128x64xf32, #tpu.memory_space<vmem>> -> memref<1x128x64xf32, #tpu.memory_space<vmem>>
      %dma_start3A_293 = tpu.memref_squeeze %dma_start3A_292 : memref<1x128x64xf32, #tpu.memory_space<vmem>> -> memref<128x64xf32, #tpu.memory_space<vmem>>
      %dma_start3A_294 = tpu.memref_slice %arg12[%mul3A_289] : memref<10496xi32, #tpu.memory_space<vmem>> -> memref<128xi32, #tpu.memory_space<vmem>>
      %dma_start3A_295 = arith.constant 0 : i32
      %dma_start3A_296 = arith.constant 0 : i32
      %dma_start3A_297 = tpu.memref_slice %arg4[%dma_start3A_295, %dma_start3A_296] : memref<40000x64xf32, #tpu.memory_space<hbm>> -> memref<40000x64xf32, #tpu.memory_space<hbm>>
      tpu.enqueue_indirect_dma source(%dma_start3A_297 : memref<40000x64xf32, #tpu.memory_space<hbm>>) target(%dma_start3A_293 : memref<128x64xf32, #tpu.memory_space<vmem>>) offsets(%dma_start3A_294 : memref<128xi32, #tpu.memory_space<vmem>>) semaphore(%arg23 : memref<!tpu.dma_semaphore, #tpu.memory_space<semaphore_mem>>)
      %mul3A_298 = arith.constant 128 : i32
      %mul3A_299 = arith.muli %mul3A_280, %mul3A_298 : i32
      %dma_wait3A = arith.constant 0 : i32
      %dma_wait3A_300 = arith.constant 0 : i32
      %dma_wait3A_301 = arith.constant 0 : i32
      %dma_wait3A_302 = tpu.memref_slice %arg15[%dma_wait3A, %dma_wait3A_300, %dma_wait3A_301] : memref<2x128x64xf32, #tpu.memory_space<vmem>> -> memref<1x128x64xf32, #tpu.memory_space<vmem>>
      %dma_wait3A_303 = tpu.memref_squeeze %dma_wait3A_302 : memref<1x128x64xf32, #tpu.memory_space<vmem>> -> memref<128x64xf32, #tpu.memory_space<vmem>>
      %dma_wait3A_304 = tpu.memref_slice %arg12[%mul3A_299] : memref<10496xi32, #tpu.memory_space<vmem>> -> memref<128xi32, #tpu.memory_space<vmem>>
      %dma_wait3A_305 = arith.constant 0 : i32
      %dma_wait3A_306 = arith.constant 0 : i32
      %dma_wait3A_307 = tpu.memref_slice %arg4[%dma_wait3A_305, %dma_wait3A_306] : memref<40000x64xf32, #tpu.memory_space<hbm>> -> memref<40000x64xf32, #tpu.memory_space<hbm>>
      tpu.wait_indirect_dma semaphore(%arg22 : memref<!tpu.dma_semaphore, #tpu.memory_space<semaphore_mem>>) src(%dma_wait3A_307 : memref<40000x64xf32, #tpu.memory_space<hbm>>) dst(%dma_wait3A_303 : memref<128x64xf32, #tpu.memory_space<vmem>>)
      %mul3A_308 = arith.constant 128 : i32
      %mul3A_309 = arith.muli %mul3A_280, %mul3A_308 : i32
      %dma_start3A_310 = arith.constant 0 : i32
      %dma_start3A_311 = arith.constant 0 : i32
      %dma_start3A_312 = arith.constant 0 : i32
      %dma_start3A_313 = tpu.memref_slice %arg15[%dma_start3A_310, %dma_start3A_311, %dma_start3A_312] : memref<2x128x64xf32, #tpu.memory_space<vmem>> -> memref<1x128x64xf32, #tpu.memory_space<vmem>>
      %dma_start3A_314 = tpu.memref_squeeze %dma_start3A_313 : memref<1x128x64xf32, #tpu.memory_space<vmem>> -> memref<128x64xf32, #tpu.memory_space<vmem>>
      %dma_start3A_315 = tpu.memref_slice %arg13[%mul3A_309] : memref<10496xi32, #tpu.memory_space<vmem>> -> memref<128xi32, #tpu.memory_space<vmem>>
      %dma_start3A_316 = arith.constant 0 : i32
      %dma_start3A_317 = arith.constant 0 : i32
      %dma_start3A_318 = tpu.memref_slice %arg20[%dma_start3A_316, %dma_start3A_317] : memref<5008x64xf32, #tpu.memory_space<vmem_shared>> -> memref<5008x64xf32, #tpu.memory_space<vmem_shared>>
      tpu.enqueue_indirect_dma source(%dma_start3A_314 : memref<128x64xf32, #tpu.memory_space<vmem>>) target(%dma_start3A_318 : memref<5008x64xf32, #tpu.memory_space<vmem_shared>>) offsets(%dma_start3A_315 : memref<128xi32, #tpu.memory_space<vmem>>) semaphore(%arg24 : memref<!tpu.dma_semaphore, #tpu.memory_space<semaphore_mem>>) {add = true}
      %sub3A_319 = arith.constant 1 : i32
      %sub3A_320 = arith.subi %select_n3A_68, %sub3A_319 : i32
      %lt3A = arith.cmpi slt, %while3A_278, %sub3A_320 : i32
      %convert_element_type3A_321 = arith.extui %lt3A : i1 to i32
      %cond3A_322 = arith.constant 0 : i32
      %cond3A_323 = arith.cmpi ne, %convert_element_type3A_321, %cond3A_322 : i32
      scf.if %cond3A_323 {
        %mul3A_346 = arith.constant 128 : i32
        %mul3A_347 = arith.muli %mul3A_280, %mul3A_346 : i32
        %dma_wait3A_348 = arith.constant 0 : i32
        %dma_wait3A_349 = arith.constant 0 : i32
        %dma_wait3A_350 = arith.constant 0 : i32
        %dma_wait3A_351 = tpu.memref_slice %arg15[%dma_wait3A_348, %dma_wait3A_349, %dma_wait3A_350] : memref<2x128x64xf32, #tpu.memory_space<vmem>> -> memref<1x128x64xf32, #tpu.memory_space<vmem>>
        %dma_wait3A_352 = tpu.memref_squeeze %dma_wait3A_351 : memref<1x128x64xf32, #tpu.memory_space<vmem>> -> memref<128x64xf32, #tpu.memory_space<vmem>>
        %dma_wait3A_353 = tpu.memref_slice %arg13[%mul3A_347] : memref<10496xi32, #tpu.memory_space<vmem>> -> memref<128xi32, #tpu.memory_space<vmem>>
        %dma_wait3A_354 = arith.constant 0 : i32
        %dma_wait3A_355 = arith.constant 0 : i32
        %dma_wait3A_356 = tpu.memref_slice %arg20[%dma_wait3A_354, %dma_wait3A_355] : memref<5008x64xf32, #tpu.memory_space<vmem_shared>> -> memref<5008x64xf32, #tpu.memory_space<vmem_shared>>
        tpu.wait_indirect_dma semaphore(%arg24 : memref<!tpu.dma_semaphore, #tpu.memory_space<semaphore_mem>>) src(%dma_wait3A_352 : memref<128x64xf32, #tpu.memory_space<vmem>>) dst(%dma_wait3A_356 : memref<5008x64xf32, #tpu.memory_space<vmem_shared>>)
        %add3A_357 = arith.constant 2 : i32
        %add3A_358 = arith.addi %mul3A_280, %add3A_357 : i32
        %mul3A_359 = arith.constant 128 : i32
        %mul3A_360 = arith.muli %add3A_358, %mul3A_359 : i32
        %dma_start3A_361 = arith.constant 0 : i32
        %dma_start3A_362 = arith.constant 0 : i32
        %dma_start3A_363 = arith.constant 0 : i32
        %dma_start3A_364 = tpu.memref_slice %arg15[%dma_start3A_361, %dma_start3A_362, %dma_start3A_363] : memref<2x128x64xf32, #tpu.memory_space<vmem>> -> memref<1x128x64xf32, #tpu.memory_space<vmem>>
        %dma_start3A_365 = tpu.memref_squeeze %dma_start3A_364 : memref<1x128x64xf32, #tpu.memory_space<vmem>> -> memref<128x64xf32, #tpu.memory_space<vmem>>
        %dma_start3A_366 = tpu.memref_slice %arg12[%mul3A_360] : memref<10496xi32, #tpu.memory_space<vmem>> -> memref<128xi32, #tpu.memory_space<vmem>>
        %dma_start3A_367 = arith.constant 0 : i32
        %dma_start3A_368 = arith.constant 0 : i32
        %dma_start3A_369 = tpu.memref_slice %arg4[%dma_start3A_367, %dma_start3A_368] : memref<40000x64xf32, #tpu.memory_space<hbm>> -> memref<40000x64xf32, #tpu.memory_space<hbm>>
        tpu.enqueue_indirect_dma source(%dma_start3A_369 : memref<40000x64xf32, #tpu.memory_space<hbm>>) target(%dma_start3A_365 : memref<128x64xf32, #tpu.memory_space<vmem>>) offsets(%dma_start3A_366 : memref<128xi32, #tpu.memory_space<vmem>>) semaphore(%arg22 : memref<!tpu.dma_semaphore, #tpu.memory_space<semaphore_mem>>)
      } else {
      }
      %mul3A_324 = arith.constant 128 : i32
      %mul3A_325 = arith.muli %add3A_282, %mul3A_324 : i32
      %dma_wait3A_326 = arith.constant 1 : i32
      %dma_wait3A_327 = arith.constant 0 : i32
      %dma_wait3A_328 = arith.constant 0 : i32
      %dma_wait3A_329 = tpu.memref_slice %arg15[%dma_wait3A_326, %dma_wait3A_327, %dma_wait3A_328] : memref<2x128x64xf32, #tpu.memory_space<vmem>> -> memref<1x128x64xf32, #tpu.memory_space<vmem>>
      %dma_wait3A_330 = tpu.memref_squeeze %dma_wait3A_329 : memref<1x128x64xf32, #tpu.memory_space<vmem>> -> memref<128x64xf32, #tpu.memory_space<vmem>>
      %dma_wait3A_331 = tpu.memref_slice %arg12[%mul3A_325] : memref<10496xi32, #tpu.memory_space<vmem>> -> memref<128xi32, #tpu.memory_space<vmem>>
      %dma_wait3A_332 = arith.constant 0 : i32
      %dma_wait3A_333 = arith.constant 0 : i32
      %dma_wait3A_334 = tpu.memref_slice %arg4[%dma_wait3A_332, %dma_wait3A_333] : memref<40000x64xf32, #tpu.memory_space<hbm>> -> memref<40000x64xf32, #tpu.memory_space<hbm>>
      tpu.wait_indirect_dma semaphore(%arg23 : memref<!tpu.dma_semaphore, #tpu.memory_space<semaphore_mem>>) src(%dma_wait3A_334 : memref<40000x64xf32, #tpu.memory_space<hbm>>) dst(%dma_wait3A_330 : memref<128x64xf32, #tpu.memory_space<vmem>>)
      %mul3A_335 = arith.constant 128 : i32
      %mul3A_336 = arith.muli %add3A_282, %mul3A_335 : i32
      %dma_start3A_337 = arith.constant 1 : i32
      %dma_start3A_338 = arith.constant 0 : i32
      %dma_start3A_339 = arith.constant 0 : i32
      %dma_start3A_340 = tpu.memref_slice %arg15[%dma_start3A_337, %dma_start3A_338, %dma_start3A_339] : memref<2x128x64xf32, #tpu.memory_space<vmem>> -> memref<1x128x64xf32, #tpu.memory_space<vmem>>
      %dma_start3A_341 = tpu.memref_squeeze %dma_start3A_340 : memref<1x128x64xf32, #tpu.memory_space<vmem>> -> memref<128x64xf32, #tpu.memory_space<vmem>>
      %dma_start3A_342 = tpu.memref_slice %arg13[%mul3A_336] : memref<10496xi32, #tpu.memory_space<vmem>> -> memref<128xi32, #tpu.memory_space<vmem>>
      %dma_start3A_343 = arith.constant 0 : i32
      %dma_start3A_344 = arith.constant 0 : i32
      %dma_start3A_345 = tpu.memref_slice %arg20[%dma_start3A_343, %dma_start3A_344] : memref<5008x64xf32, #tpu.memory_space<vmem_shared>> -> memref<5008x64xf32, #tpu.memory_space<vmem_shared>>
      tpu.enqueue_indirect_dma source(%dma_start3A_341 : memref<128x64xf32, #tpu.memory_space<vmem>>) target(%dma_start3A_345 : memref<5008x64xf32, #tpu.memory_space<vmem_shared>>) offsets(%dma_start3A_342 : memref<128xi32, #tpu.memory_space<vmem>>) semaphore(%arg25 : memref<!tpu.dma_semaphore, #tpu.memory_space<semaphore_mem>>) {add = true}
    }
    %gt3A_213 = arith.constant 0 : i32
    %gt3A_214 = arith.cmpi sgt, %select_n3A_68, %gt3A_213 : i32
    %convert_element_type3A_215 = arith.extui %gt3A_214 : i1 to i32
    %cond3A_216 = arith.constant 0 : i32
    %cond3A_217 = arith.cmpi ne, %convert_element_type3A_215, %cond3A_216 : i32
    scf.if %cond3A_217 {
      %mul3A_278 = arith.constant 2 : i32
      %mul3A_279 = arith.muli %mul3A_278, %select_n3A_68 : i32
      %sub3A_280 = arith.constant 2 : i32
      %sub3A_281 = arith.subi %mul3A_279, %sub3A_280 : i32
      %mul3A_282 = arith.constant 128 : i32
      %mul3A_283 = arith.muli %sub3A_281, %mul3A_282 : i32
      %dma_wait3A = arith.constant 0 : i32
      %dma_wait3A_284 = arith.constant 0 : i32
      %dma_wait3A_285 = arith.constant 0 : i32
      %dma_wait3A_286 = tpu.memref_slice %arg15[%dma_wait3A, %dma_wait3A_284, %dma_wait3A_285] : memref<2x128x64xf32, #tpu.memory_space<vmem>> -> memref<1x128x64xf32, #tpu.memory_space<vmem>>
      %dma_wait3A_287 = tpu.memref_squeeze %dma_wait3A_286 : memref<1x128x64xf32, #tpu.memory_space<vmem>> -> memref<128x64xf32, #tpu.memory_space<vmem>>
      %dma_wait3A_288 = tpu.memref_slice %arg13[%mul3A_283] : memref<10496xi32, #tpu.memory_space<vmem>> -> memref<128xi32, #tpu.memory_space<vmem>>
      %dma_wait3A_289 = arith.constant 0 : i32
      %dma_wait3A_290 = arith.constant 0 : i32
      %dma_wait3A_291 = tpu.memref_slice %arg20[%dma_wait3A_289, %dma_wait3A_290] : memref<5008x64xf32, #tpu.memory_space<vmem_shared>> -> memref<5008x64xf32, #tpu.memory_space<vmem_shared>>
      tpu.wait_indirect_dma semaphore(%arg24 : memref<!tpu.dma_semaphore, #tpu.memory_space<semaphore_mem>>) src(%dma_wait3A_287 : memref<128x64xf32, #tpu.memory_space<vmem>>) dst(%dma_wait3A_291 : memref<5008x64xf32, #tpu.memory_space<vmem_shared>>)
      %mul3A_292 = arith.constant 2 : i32
      %mul3A_293 = arith.muli %mul3A_292, %select_n3A_68 : i32
      %sub3A_294 = arith.constant 1 : i32
      %sub3A_295 = arith.subi %mul3A_293, %sub3A_294 : i32
      %mul3A_296 = arith.constant 128 : i32
      %mul3A_297 = arith.muli %sub3A_295, %mul3A_296 : i32
      %dma_wait3A_298 = arith.constant 1 : i32
      %dma_wait3A_299 = arith.constant 0 : i32
      %dma_wait3A_300 = arith.constant 0 : i32
      %dma_wait3A_301 = tpu.memref_slice %arg15[%dma_wait3A_298, %dma_wait3A_299, %dma_wait3A_300] : memref<2x128x64xf32, #tpu.memory_space<vmem>> -> memref<1x128x64xf32, #tpu.memory_space<vmem>>
      %dma_wait3A_302 = tpu.memref_squeeze %dma_wait3A_301 : memref<1x128x64xf32, #tpu.memory_space<vmem>> -> memref<128x64xf32, #tpu.memory_space<vmem>>
      %dma_wait3A_303 = tpu.memref_slice %arg13[%mul3A_297] : memref<10496xi32, #tpu.memory_space<vmem>> -> memref<128xi32, #tpu.memory_space<vmem>>
      %dma_wait3A_304 = arith.constant 0 : i32
      %dma_wait3A_305 = arith.constant 0 : i32
      %dma_wait3A_306 = tpu.memref_slice %arg20[%dma_wait3A_304, %dma_wait3A_305] : memref<5008x64xf32, #tpu.memory_space<vmem_shared>> -> memref<5008x64xf32, #tpu.memory_space<vmem_shared>>
      tpu.wait_indirect_dma semaphore(%arg25 : memref<!tpu.dma_semaphore, #tpu.memory_space<semaphore_mem>>) src(%dma_wait3A_302 : memref<128x64xf32, #tpu.memory_space<vmem>>) dst(%dma_wait3A_306 : memref<5008x64xf32, #tpu.memory_space<vmem_shared>>)
    } else {
    }
    %barrier3A_218 = arith.constant 0 : index
    tpu.barrier barrier_id(%barrier3A_218)
    %add3A_219 = arith.constant 20000 : i32
    %add3A_220 = arith.addi %add3A_219, %mul3A_0 : i32
    %mul3A_221 = arith.constant 312 : i32
    %mul3A_222 = arith.muli %arg1, %mul3A_221 : i32
    "tpu.region"() ({
      %run_scoped3A = tpu.sem_alloc : memref<!tpu.dma_semaphore, #tpu.memory_space<semaphore_mem>>
      %dma_start3A = arith.constant 0 : i32
      %dma_start3A_278 = tpu.memref_slice %arg20[%mul3A_222, %dma_start3A] : memref<5008x64xf32, #tpu.memory_space<vmem_shared>> -> memref<312x64xf32, #tpu.memory_space<vmem_shared>>
      %dma_start3A_279 = arith.constant 0 : i32
      %dma_start3A_280 = tpu.memref_slice %arg20[%mul3A_222, %dma_start3A_279] : memref<5008x64xf32, #tpu.memory_space<vmem_shared>> -> memref<312x64xf32, #tpu.memory_space<vmem_shared>>
      tpu.enqueue_dma source(%dma_start3A_280 : memref<312x64xf32, #tpu.memory_space<vmem_shared>>) target(%arg17 : memref<312x64xf32, #tpu.memory_space<vmem>>) target_semaphore(%run_scoped3A : memref<!tpu.dma_semaphore, #tpu.memory_space<semaphore_mem>>)
      %dma_wait3A = arith.constant 0 : i32
      %dma_wait3A_281 = tpu.memref_slice %arg20[%mul3A_222, %dma_wait3A] : memref<5008x64xf32, #tpu.memory_space<vmem_shared>> -> memref<312x64xf32, #tpu.memory_space<vmem_shared>>
      %dma_wait3A_282 = arith.constant 0 : i32
      %dma_wait3A_283 = tpu.memref_slice %arg20[%mul3A_222, %dma_wait3A_282] : memref<5008x64xf32, #tpu.memory_space<vmem_shared>> -> memref<312x64xf32, #tpu.memory_space<vmem_shared>>
      tpu.wait_dma2 semaphore(%run_scoped3A : memref<!tpu.dma_semaphore, #tpu.memory_space<semaphore_mem>>) src(%dma_wait3A_283 : memref<312x64xf32, #tpu.memory_space<vmem_shared>>) dst(%arg17 : memref<312x64xf32, #tpu.memory_space<vmem>>)
      tpu.yield
    }) : () -> ()
    %mul3A_223 = arith.constant 312 : i32
    %mul3A_224 = arith.muli %arg1, %mul3A_223 : i32
    %add3A_225 = arith.addi %add3A_220, %mul3A_224 : i32
    "tpu.region"() ({
      %run_scoped3A = tpu.sem_alloc : memref<!tpu.dma_semaphore, #tpu.memory_space<semaphore_mem>>
      %dma_start3A = arith.constant 0 : i32
      %dma_start3A_278 = tpu.memref_slice %arg8[%add3A_225, %dma_start3A] : memref<40000x64xf32, #tpu.memory_space<hbm>> -> memref<312x64xf32, #tpu.memory_space<hbm>>
      %dma_start3A_279 = arith.constant 0 : i32
      %dma_start3A_280 = tpu.memref_slice %arg8[%add3A_225, %dma_start3A_279] : memref<40000x64xf32, #tpu.memory_space<hbm>> -> memref<312x64xf32, #tpu.memory_space<hbm>>
      tpu.enqueue_dma source(%arg17 : memref<312x64xf32, #tpu.memory_space<vmem>>) target(%dma_start3A_280 : memref<312x64xf32, #tpu.memory_space<hbm>>) target_semaphore(%run_scoped3A : memref<!tpu.dma_semaphore, #tpu.memory_space<semaphore_mem>>)
      %dma_wait3A = arith.constant 0 : i32
      %dma_wait3A_281 = tpu.memref_slice %arg8[%add3A_225, %dma_wait3A] : memref<40000x64xf32, #tpu.memory_space<hbm>> -> memref<312x64xf32, #tpu.memory_space<hbm>>
      %dma_wait3A_282 = arith.constant 0 : i32
      %dma_wait3A_283 = tpu.memref_slice %arg8[%add3A_225, %dma_wait3A_282] : memref<40000x64xf32, #tpu.memory_space<hbm>> -> memref<312x64xf32, #tpu.memory_space<hbm>>
      tpu.wait_dma2 semaphore(%run_scoped3A : memref<!tpu.dma_semaphore, #tpu.memory_space<semaphore_mem>>) src(%arg17 : memref<312x64xf32, #tpu.memory_space<vmem>>) dst(%dma_wait3A_283 : memref<312x64xf32, #tpu.memory_space<hbm>>)
      tpu.yield
    }) : () -> ()
    %eq3A_226 = arith.constant 0 : i32
    %eq3A_227 = arith.cmpi eq, %arg1, %eq3A_226 : i32
    %convert_element_type3A_228 = arith.extui %eq3A_227 : i1 to i32
    %cond3A_229 = arith.constant 0 : i32
    %cond3A_230 = arith.cmpi ne, %convert_element_type3A_228, %cond3A_229 : i32
    scf.if %cond3A_230 {
      "tpu.region"() ({
        %run_scoped3A = tpu.sem_alloc : memref<!tpu.dma_semaphore, #tpu.memory_space<semaphore_mem>>
        %dma_start3A = arith.constant 0 : i32
        %dma_start3A_280 = arith.constant 0 : i32
        %dma_start3A_281 = tpu.memref_slice %arg17[%dma_start3A, %dma_start3A_280] : memref<312x64xf32, #tpu.memory_space<vmem>> -> memref<8x64xf32, #tpu.memory_space<vmem>>
        %dma_start3A_282 = arith.constant 4992 : i32
        %dma_start3A_283 = arith.constant 0 : i32
        %dma_start3A_284 = tpu.memref_slice %arg20[%dma_start3A_282, %dma_start3A_283] : memref<5008x64xf32, #tpu.memory_space<vmem_shared>> -> memref<8x64xf32, #tpu.memory_space<vmem_shared>>
        %dma_start3A_285 = arith.constant 0 : i32
        %dma_start3A_286 = arith.constant 0 : i32
        %dma_start3A_287 = tpu.memref_slice %arg17[%dma_start3A_285, %dma_start3A_286] : memref<312x64xf32, #tpu.memory_space<vmem>> -> memref<8x64xf32, #tpu.memory_space<vmem>>
        %dma_start3A_288 = arith.constant 4992 : i32
        %dma_start3A_289 = arith.constant 0 : i32
        %dma_start3A_290 = tpu.memref_slice %arg20[%dma_start3A_288, %dma_start3A_289] : memref<5008x64xf32, #tpu.memory_space<vmem_shared>> -> memref<8x64xf32, #tpu.memory_space<vmem_shared>>
        tpu.enqueue_dma source(%dma_start3A_290 : memref<8x64xf32, #tpu.memory_space<vmem_shared>>) target(%dma_start3A_287 : memref<8x64xf32, #tpu.memory_space<vmem>>) target_semaphore(%run_scoped3A : memref<!tpu.dma_semaphore, #tpu.memory_space<semaphore_mem>>)
        %dma_wait3A = arith.constant 0 : i32
        %dma_wait3A_291 = arith.constant 0 : i32
        %dma_wait3A_292 = tpu.memref_slice %arg17[%dma_wait3A, %dma_wait3A_291] : memref<312x64xf32, #tpu.memory_space<vmem>> -> memref<8x64xf32, #tpu.memory_space<vmem>>
        %dma_wait3A_293 = arith.constant 4992 : i32
        %dma_wait3A_294 = arith.constant 0 : i32
        %dma_wait3A_295 = tpu.memref_slice %arg20[%dma_wait3A_293, %dma_wait3A_294] : memref<5008x64xf32, #tpu.memory_space<vmem_shared>> -> memref<8x64xf32, #tpu.memory_space<vmem_shared>>
        %dma_wait3A_296 = arith.constant 0 : i32
        %dma_wait3A_297 = arith.constant 0 : i32
        %dma_wait3A_298 = tpu.memref_slice %arg17[%dma_wait3A_296, %dma_wait3A_297] : memref<312x64xf32, #tpu.memory_space<vmem>> -> memref<8x64xf32, #tpu.memory_space<vmem>>
        %dma_wait3A_299 = arith.constant 4992 : i32
        %dma_wait3A_300 = arith.constant 0 : i32
        %dma_wait3A_301 = tpu.memref_slice %arg20[%dma_wait3A_299, %dma_wait3A_300] : memref<5008x64xf32, #tpu.memory_space<vmem_shared>> -> memref<8x64xf32, #tpu.memory_space<vmem_shared>>
        tpu.wait_dma2 semaphore(%run_scoped3A : memref<!tpu.dma_semaphore, #tpu.memory_space<semaphore_mem>>) src(%dma_wait3A_301 : memref<8x64xf32, #tpu.memory_space<vmem_shared>>) dst(%dma_wait3A_298 : memref<8x64xf32, #tpu.memory_space<vmem>>)
        tpu.yield
      }) : () -> ()
      %add3A_278 = arith.constant 4992 : i32
      %add3A_279 = arith.addi %add3A_220, %add3A_278 : i32
      "tpu.region"() ({
        %run_scoped3A = tpu.sem_alloc : memref<!tpu.dma_semaphore, #tpu.memory_space<semaphore_mem>>
        %dma_start3A = arith.constant 0 : i32
        %dma_start3A_280 = arith.constant 0 : i32
        %dma_start3A_281 = tpu.memref_slice %arg17[%dma_start3A, %dma_start3A_280] : memref<312x64xf32, #tpu.memory_space<vmem>> -> memref<8x64xf32, #tpu.memory_space<vmem>>
        %dma_start3A_282 = arith.constant 0 : i32
        %dma_start3A_283 = tpu.memref_slice %arg8[%add3A_279, %dma_start3A_282] : memref<40000x64xf32, #tpu.memory_space<hbm>> -> memref<8x64xf32, #tpu.memory_space<hbm>>
        %dma_start3A_284 = arith.constant 0 : i32
        %dma_start3A_285 = tpu.memref_slice %arg8[%add3A_279, %dma_start3A_284] : memref<40000x64xf32, #tpu.memory_space<hbm>> -> memref<8x64xf32, #tpu.memory_space<hbm>>
        %dma_start3A_286 = arith.constant 0 : i32
        %dma_start3A_287 = arith.constant 0 : i32
        %dma_start3A_288 = tpu.memref_slice %arg17[%dma_start3A_286, %dma_start3A_287] : memref<312x64xf32, #tpu.memory_space<vmem>> -> memref<8x64xf32, #tpu.memory_space<vmem>>
        tpu.enqueue_dma source(%dma_start3A_288 : memref<8x64xf32, #tpu.memory_space<vmem>>) target(%dma_start3A_285 : memref<8x64xf32, #tpu.memory_space<hbm>>) target_semaphore(%run_scoped3A : memref<!tpu.dma_semaphore, #tpu.memory_space<semaphore_mem>>)
        %dma_wait3A = arith.constant 0 : i32
        %dma_wait3A_289 = arith.constant 0 : i32
        %dma_wait3A_290 = tpu.memref_slice %arg17[%dma_wait3A, %dma_wait3A_289] : memref<312x64xf32, #tpu.memory_space<vmem>> -> memref<8x64xf32, #tpu.memory_space<vmem>>
        %dma_wait3A_291 = arith.constant 0 : i32
        %dma_wait3A_292 = tpu.memref_slice %arg8[%add3A_279, %dma_wait3A_291] : memref<40000x64xf32, #tpu.memory_space<hbm>> -> memref<8x64xf32, #tpu.memory_space<hbm>>
        %dma_wait3A_293 = arith.constant 0 : i32
        %dma_wait3A_294 = tpu.memref_slice %arg8[%add3A_279, %dma_wait3A_293] : memref<40000x64xf32, #tpu.memory_space<hbm>> -> memref<8x64xf32, #tpu.memory_space<hbm>>
        %dma_wait3A_295 = arith.constant 0 : i32
        %dma_wait3A_296 = arith.constant 0 : i32
        %dma_wait3A_297 = tpu.memref_slice %arg17[%dma_wait3A_295, %dma_wait3A_296] : memref<312x64xf32, #tpu.memory_space<vmem>> -> memref<8x64xf32, #tpu.memory_space<vmem>>
        tpu.wait_dma2 semaphore(%run_scoped3A : memref<!tpu.dma_semaphore, #tpu.memory_space<semaphore_mem>>) src(%dma_wait3A_297 : memref<8x64xf32, #tpu.memory_space<vmem>>) dst(%dma_wait3A_294 : memref<8x64xf32, #tpu.memory_space<hbm>>)
        tpu.yield
      }) : () -> ()
    } else {
    }
    %scan3A_231 = arith.constant 0 : i32
    %scan3A_232 = arith.constant 0 : i32
    %scan3A_233 = arith.constant 656 : i32
    %scan3A_234 = arith.addi %scan3A_232, %scan3A_233 : i32
    %scan3A_235 = arith.constant 1 : i32
    scf.for %scan3A_278 = %scan3A_232 to %scan3A_234 step %scan3A_235  : i32 {
      %mul3A_279 = arith.constant 16 : i32
      %mul3A_280 = arith.muli %scan3A_278, %mul3A_279 : i32
      %get3A_281 = arith.index_cast %mul3A_280 : i32 to index
      %get3A_282 = tpu.vector_load %arg12[%get3A_281] {strides = array<i32>} : memref<10496xi32, #tpu.memory_space<vmem>>, vector<16xi32>,
      %add3A_283 = arith.constant 10000 : i32
      %add3A_284 = vector.broadcast %add3A_283 : i32 to vector<16xi32>
      %add3A_285 = arith.addi %get3A_282, %add3A_284 : vector<16xi32>
      %swap3A_286 = arith.index_cast %mul3A_280 : i32 to index
      %swap3A_287 = tpu.vector_load %arg12[%swap3A_286] {strides = array<i32>} : memref<10496xi32, #tpu.memory_space<vmem>>, vector<16xi32>,
      tpu.vector_store %arg12[%swap3A_286], %add3A_285 {strides = array<i32>} : memref<10496xi32, #tpu.memory_space<vmem>>, vector<16xi32>,
    }
    %scan3A_236 = arith.constant 656 : i32
    %mul3A_237 = arith.constant 312 : i32
    %mul3A_238 = arith.muli %arg1, %mul3A_237 : i32
    "tpu.region"() ({
      %run_scoped3A = tpu.sem_alloc : memref<!tpu.dma_semaphore, #tpu.memory_space<semaphore_mem>>
      %dma_start3A = arith.constant 0 : i32
      %dma_start3A_278 = tpu.memref_slice %arg20[%mul3A_238, %dma_start3A] : memref<5008x64xf32, #tpu.memory_space<vmem_shared>> -> memref<312x64xf32, #tpu.memory_space<vmem_shared>>
      %dma_start3A_279 = arith.constant 0 : i32
      %dma_start3A_280 = tpu.memref_slice %arg20[%mul3A_238, %dma_start3A_279] : memref<5008x64xf32, #tpu.memory_space<vmem_shared>> -> memref<312x64xf32, #tpu.memory_space<vmem_shared>>
      tpu.enqueue_dma source(%arg18 : memref<312x64xf32, #tpu.memory_space<vmem>>) target(%dma_start3A_280 : memref<312x64xf32, #tpu.memory_space<vmem_shared>>) target_semaphore(%run_scoped3A : memref<!tpu.dma_semaphore, #tpu.memory_space<semaphore_mem>>)
      %dma_wait3A = arith.constant 0 : i32
      %dma_wait3A_281 = tpu.memref_slice %arg20[%mul3A_238, %dma_wait3A] : memref<5008x64xf32, #tpu.memory_space<vmem_shared>> -> memref<312x64xf32, #tpu.memory_space<vmem_shared>>
      %dma_wait3A_282 = arith.constant 0 : i32
      %dma_wait3A_283 = tpu.memref_slice %arg20[%mul3A_238, %dma_wait3A_282] : memref<5008x64xf32, #tpu.memory_space<vmem_shared>> -> memref<312x64xf32, #tpu.memory_space<vmem_shared>>
      tpu.wait_dma2 semaphore(%run_scoped3A : memref<!tpu.dma_semaphore, #tpu.memory_space<semaphore_mem>>) src(%arg18 : memref<312x64xf32, #tpu.memory_space<vmem>>) dst(%dma_wait3A_283 : memref<312x64xf32, #tpu.memory_space<vmem_shared>>)
      tpu.yield
    }) : () -> ()
    %eq3A_239 = arith.constant 0 : i32
    %eq3A_240 = arith.cmpi eq, %arg1, %eq3A_239 : i32
    %convert_element_type3A_241 = arith.extui %eq3A_240 : i1 to i32
    %cond3A_242 = arith.constant 0 : i32
    %cond3A_243 = arith.cmpi ne, %convert_element_type3A_241, %cond3A_242 : i32
    scf.if %cond3A_243 {
      "tpu.region"() ({
        %run_scoped3A = tpu.sem_alloc : memref<!tpu.dma_semaphore, #tpu.memory_space<semaphore_mem>>
        %dma_start3A = arith.constant 0 : i32
        %dma_start3A_278 = arith.constant 0 : i32
        %dma_start3A_279 = tpu.memref_slice %arg18[%dma_start3A, %dma_start3A_278] : memref<312x64xf32, #tpu.memory_space<vmem>> -> memref<8x64xf32, #tpu.memory_space<vmem>>
        %dma_start3A_280 = arith.constant 4992 : i32
        %dma_start3A_281 = arith.constant 0 : i32
        %dma_start3A_282 = tpu.memref_slice %arg20[%dma_start3A_280, %dma_start3A_281] : memref<5008x64xf32, #tpu.memory_space<vmem_shared>> -> memref<8x64xf32, #tpu.memory_space<vmem_shared>>
        %dma_start3A_283 = arith.constant 4992 : i32
        %dma_start3A_284 = arith.constant 0 : i32
        %dma_start3A_285 = tpu.memref_slice %arg20[%dma_start3A_283, %dma_start3A_284] : memref<5008x64xf32, #tpu.memory_space<vmem_shared>> -> memref<8x64xf32, #tpu.memory_space<vmem_shared>>
        %dma_start3A_286 = arith.constant 0 : i32
        %dma_start3A_287 = arith.constant 0 : i32
        %dma_start3A_288 = tpu.memref_slice %arg18[%dma_start3A_286, %dma_start3A_287] : memref<312x64xf32, #tpu.memory_space<vmem>> -> memref<8x64xf32, #tpu.memory_space<vmem>>
        tpu.enqueue_dma source(%dma_start3A_288 : memref<8x64xf32, #tpu.memory_space<vmem>>) target(%dma_start3A_285 : memref<8x64xf32, #tpu.memory_space<vmem_shared>>) target_semaphore(%run_scoped3A : memref<!tpu.dma_semaphore, #tpu.memory_space<semaphore_mem>>)
        %dma_wait3A = arith.constant 0 : i32
        %dma_wait3A_289 = arith.constant 0 : i32
        %dma_wait3A_290 = tpu.memref_slice %arg18[%dma_wait3A, %dma_wait3A_289] : memref<312x64xf32, #tpu.memory_space<vmem>> -> memref<8x64xf32, #tpu.memory_space<vmem>>
        %dma_wait3A_291 = arith.constant 4992 : i32
        %dma_wait3A_292 = arith.constant 0 : i32
        %dma_wait3A_293 = tpu.memref_slice %arg20[%dma_wait3A_291, %dma_wait3A_292] : memref<5008x64xf32, #tpu.memory_space<vmem_shared>> -> memref<8x64xf32, #tpu.memory_space<vmem_shared>>
        %dma_wait3A_294 = arith.constant 4992 : i32
        %dma_wait3A_295 = arith.constant 0 : i32
        %dma_wait3A_296 = tpu.memref_slice %arg20[%dma_wait3A_294, %dma_wait3A_295] : memref<5008x64xf32, #tpu.memory_space<vmem_shared>> -> memref<8x64xf32, #tpu.memory_space<vmem_shared>>
        %dma_wait3A_297 = arith.constant 0 : i32
        %dma_wait3A_298 = arith.constant 0 : i32
        %dma_wait3A_299 = tpu.memref_slice %arg18[%dma_wait3A_297, %dma_wait3A_298] : memref<312x64xf32, #tpu.memory_space<vmem>> -> memref<8x64xf32, #tpu.memory_space<vmem>>
        tpu.wait_dma2 semaphore(%run_scoped3A : memref<!tpu.dma_semaphore, #tpu.memory_space<semaphore_mem>>) src(%dma_wait3A_299 : memref<8x64xf32, #tpu.memory_space<vmem>>) dst(%dma_wait3A_296 : memref<8x64xf32, #tpu.memory_space<vmem_shared>>)
        tpu.yield
      }) : () -> ()
    } else {
    }
    %barrier3A_244 = arith.constant 0 : index
    tpu.barrier barrier_id(%barrier3A_244)
    %gt3A_245 = arith.constant 0 : i32
    %gt3A_246 = arith.cmpi sgt, %select_n3A_68, %gt3A_245 : i32
    %convert_element_type3A_247 = arith.extui %gt3A_246 : i1 to i32
    %cond3A_248 = arith.constant 0 : i32
    %cond3A_249 = arith.cmpi ne, %convert_element_type3A_247, %cond3A_248 : i32
    scf.if %cond3A_249 {
      %dma_start3A = arith.constant 0 : i32
      %dma_start3A_278 = arith.constant 0 : i32
      %dma_start3A_279 = arith.constant 0 : i32
      %dma_start3A_280 = tpu.memref_slice %arg15[%dma_start3A, %dma_start3A_278, %dma_start3A_279] : memref<2x128x64xf32, #tpu.memory_space<vmem>> -> memref<1x128x64xf32, #tpu.memory_space<vmem>>
      %dma_start3A_281 = tpu.memref_squeeze %dma_start3A_280 : memref<1x128x64xf32, #tpu.memory_space<vmem>> -> memref<128x64xf32, #tpu.memory_space<vmem>>
      %dma_start3A_282 = arith.constant 0 : i32
      %dma_start3A_283 = tpu.memref_slice %arg12[%dma_start3A_282] : memref<10496xi32, #tpu.memory_space<vmem>> -> memref<128xi32, #tpu.memory_space<vmem>>
      %dma_start3A_284 = arith.constant 0 : i32
      %dma_start3A_285 = arith.constant 0 : i32
      %dma_start3A_286 = tpu.memref_slice %arg4[%dma_start3A_284, %dma_start3A_285] : memref<40000x64xf32, #tpu.memory_space<hbm>> -> memref<40000x64xf32, #tpu.memory_space<hbm>>
      tpu.enqueue_indirect_dma source(%dma_start3A_286 : memref<40000x64xf32, #tpu.memory_space<hbm>>) target(%dma_start3A_281 : memref<128x64xf32, #tpu.memory_space<vmem>>) offsets(%dma_start3A_283 : memref<128xi32, #tpu.memory_space<vmem>>) semaphore(%arg22 : memref<!tpu.dma_semaphore, #tpu.memory_space<semaphore_mem>>)
    } else {
    }
    %while3A_250 = arith.constant 0 : i32
    %while3A_251 = arith.constant 0 : i32
    %while3A_252 = arith.subi %select_n3A_68, %while3A_251 : i32
    %while3A_253 = arith.addi %while3A_251, %while3A_252 : i32
    %while3A_254 = arith.constant 1 : i32
    %while3A_255 = arith.divsi %while3A_252, %while3A_254 : i32
    %while3A_256 = arith.muli %while3A_255, %while3A_254 : i32
    %while3A_257 = arith.addi %while3A_251, %while3A_256 : i32
    %while3A_258 = arith.constant 1 : i32
    scf.for %while3A_278 = %while3A_251 to %while3A_257 step %while3A_258  : i32 {
      %mul3A_279 = arith.constant 2 : i32
      %mul3A_280 = arith.muli %mul3A_279, %while3A_278 : i32
      %add3A_281 = arith.constant 1 : i32
      %add3A_282 = arith.addi %mul3A_280, %add3A_281 : i32
      %gt3A_283 = arith.constant 0 : i32
      %gt3A_284 = arith.cmpi sgt, %while3A_278, %gt3A_283 : i32
      %convert_element_type3A_285 = arith.extui %gt3A_284 : i1 to i32
      %cond3A_286 = arith.constant 0 : i32
      %cond3A_287 = arith.cmpi ne, %convert_element_type3A_285, %cond3A_286 : i32
      scf.if %cond3A_287 {
        %sub3A_346 = arith.constant 1 : i32
        %sub3A_347 = arith.subi %mul3A_280, %sub3A_346 : i32
        %mul3A_348 = arith.constant 128 : i32
        %mul3A_349 = arith.muli %sub3A_347, %mul3A_348 : i32
        %dma_wait3A_350 = arith.constant 1 : i32
        %dma_wait3A_351 = arith.constant 0 : i32
        %dma_wait3A_352 = arith.constant 0 : i32
        %dma_wait3A_353 = tpu.memref_slice %arg15[%dma_wait3A_350, %dma_wait3A_351, %dma_wait3A_352] : memref<2x128x64xf32, #tpu.memory_space<vmem>> -> memref<1x128x64xf32, #tpu.memory_space<vmem>>
        %dma_wait3A_354 = tpu.memref_squeeze %dma_wait3A_353 : memref<1x128x64xf32, #tpu.memory_space<vmem>> -> memref<128x64xf32, #tpu.memory_space<vmem>>
        %dma_wait3A_355 = tpu.memref_slice %arg13[%mul3A_349] : memref<10496xi32, #tpu.memory_space<vmem>> -> memref<128xi32, #tpu.memory_space<vmem>>
        %dma_wait3A_356 = arith.constant 0 : i32
        %dma_wait3A_357 = arith.constant 0 : i32
        %dma_wait3A_358 = tpu.memref_slice %arg20[%dma_wait3A_356, %dma_wait3A_357] : memref<5008x64xf32, #tpu.memory_space<vmem_shared>> -> memref<5008x64xf32, #tpu.memory_space<vmem_shared>>
        tpu.wait_indirect_dma semaphore(%arg25 : memref<!tpu.dma_semaphore, #tpu.memory_space<semaphore_mem>>) src(%dma_wait3A_354 : memref<128x64xf32, #tpu.memory_space<vmem>>) dst(%dma_wait3A_358 : memref<5008x64xf32, #tpu.memory_space<vmem_shared>>)
      } else {
      }
      %mul3A_288 = arith.constant 128 : i32
      %mul3A_289 = arith.muli %add3A_282, %mul3A_288 : i32
      %dma_start3A = arith.constant 1 : i32
      %dma_start3A_290 = arith.constant 0 : i32
      %dma_start3A_291 = arith.constant 0 : i32
      %dma_start3A_292 = tpu.memref_slice %arg15[%dma_start3A, %dma_start3A_290, %dma_start3A_291] : memref<2x128x64xf32, #tpu.memory_space<vmem>> -> memref<1x128x64xf32, #tpu.memory_space<vmem>>
      %dma_start3A_293 = tpu.memref_squeeze %dma_start3A_292 : memref<1x128x64xf32, #tpu.memory_space<vmem>> -> memref<128x64xf32, #tpu.memory_space<vmem>>
      %dma_start3A_294 = tpu.memref_slice %arg12[%mul3A_289] : memref<10496xi32, #tpu.memory_space<vmem>> -> memref<128xi32, #tpu.memory_space<vmem>>
      %dma_start3A_295 = arith.constant 0 : i32
      %dma_start3A_296 = arith.constant 0 : i32
      %dma_start3A_297 = tpu.memref_slice %arg4[%dma_start3A_295, %dma_start3A_296] : memref<40000x64xf32, #tpu.memory_space<hbm>> -> memref<40000x64xf32, #tpu.memory_space<hbm>>
      tpu.enqueue_indirect_dma source(%dma_start3A_297 : memref<40000x64xf32, #tpu.memory_space<hbm>>) target(%dma_start3A_293 : memref<128x64xf32, #tpu.memory_space<vmem>>) offsets(%dma_start3A_294 : memref<128xi32, #tpu.memory_space<vmem>>) semaphore(%arg23 : memref<!tpu.dma_semaphore, #tpu.memory_space<semaphore_mem>>)
      %mul3A_298 = arith.constant 128 : i32
      %mul3A_299 = arith.muli %mul3A_280, %mul3A_298 : i32
      %dma_wait3A = arith.constant 0 : i32
      %dma_wait3A_300 = arith.constant 0 : i32
      %dma_wait3A_301 = arith.constant 0 : i32
      %dma_wait3A_302 = tpu.memref_slice %arg15[%dma_wait3A, %dma_wait3A_300, %dma_wait3A_301] : memref<2x128x64xf32, #tpu.memory_space<vmem>> -> memref<1x128x64xf32, #tpu.memory_space<vmem>>
      %dma_wait3A_303 = tpu.memref_squeeze %dma_wait3A_302 : memref<1x128x64xf32, #tpu.memory_space<vmem>> -> memref<128x64xf32, #tpu.memory_space<vmem>>
      %dma_wait3A_304 = tpu.memref_slice %arg12[%mul3A_299] : memref<10496xi32, #tpu.memory_space<vmem>> -> memref<128xi32, #tpu.memory_space<vmem>>
      %dma_wait3A_305 = arith.constant 0 : i32
      %dma_wait3A_306 = arith.constant 0 : i32
      %dma_wait3A_307 = tpu.memref_slice %arg4[%dma_wait3A_305, %dma_wait3A_306] : memref<40000x64xf32, #tpu.memory_space<hbm>> -> memref<40000x64xf32, #tpu.memory_space<hbm>>
      tpu.wait_indirect_dma semaphore(%arg22 : memref<!tpu.dma_semaphore, #tpu.memory_space<semaphore_mem>>) src(%dma_wait3A_307 : memref<40000x64xf32, #tpu.memory_space<hbm>>) dst(%dma_wait3A_303 : memref<128x64xf32, #tpu.memory_space<vmem>>)
      %mul3A_308 = arith.constant 128 : i32
      %mul3A_309 = arith.muli %mul3A_280, %mul3A_308 : i32
      %dma_start3A_310 = arith.constant 0 : i32
      %dma_start3A_311 = arith.constant 0 : i32
      %dma_start3A_312 = arith.constant 0 : i32
      %dma_start3A_313 = tpu.memref_slice %arg15[%dma_start3A_310, %dma_start3A_311, %dma_start3A_312] : memref<2x128x64xf32, #tpu.memory_space<vmem>> -> memref<1x128x64xf32, #tpu.memory_space<vmem>>
      %dma_start3A_314 = tpu.memref_squeeze %dma_start3A_313 : memref<1x128x64xf32, #tpu.memory_space<vmem>> -> memref<128x64xf32, #tpu.memory_space<vmem>>
      %dma_start3A_315 = tpu.memref_slice %arg13[%mul3A_309] : memref<10496xi32, #tpu.memory_space<vmem>> -> memref<128xi32, #tpu.memory_space<vmem>>
      %dma_start3A_316 = arith.constant 0 : i32
      %dma_start3A_317 = arith.constant 0 : i32
      %dma_start3A_318 = tpu.memref_slice %arg20[%dma_start3A_316, %dma_start3A_317] : memref<5008x64xf32, #tpu.memory_space<vmem_shared>> -> memref<5008x64xf32, #tpu.memory_space<vmem_shared>>
      tpu.enqueue_indirect_dma source(%dma_start3A_314 : memref<128x64xf32, #tpu.memory_space<vmem>>) target(%dma_start3A_318 : memref<5008x64xf32, #tpu.memory_space<vmem_shared>>) offsets(%dma_start3A_315 : memref<128xi32, #tpu.memory_space<vmem>>) semaphore(%arg24 : memref<!tpu.dma_semaphore, #tpu.memory_space<semaphore_mem>>) {add = true}
      %sub3A_319 = arith.constant 1 : i32
      %sub3A_320 = arith.subi %select_n3A_68, %sub3A_319 : i32
      %lt3A = arith.cmpi slt, %while3A_278, %sub3A_320 : i32
      %convert_element_type3A_321 = arith.extui %lt3A : i1 to i32
      %cond3A_322 = arith.constant 0 : i32
      %cond3A_323 = arith.cmpi ne, %convert_element_type3A_321, %cond3A_322 : i32
      scf.if %cond3A_323 {
        %mul3A_346 = arith.constant 128 : i32
        %mul3A_347 = arith.muli %mul3A_280, %mul3A_346 : i32
        %dma_wait3A_348 = arith.constant 0 : i32
        %dma_wait3A_349 = arith.constant 0 : i32
        %dma_wait3A_350 = arith.constant 0 : i32
        %dma_wait3A_351 = tpu.memref_slice %arg15[%dma_wait3A_348, %dma_wait3A_349, %dma_wait3A_350] : memref<2x128x64xf32, #tpu.memory_space<vmem>> -> memref<1x128x64xf32, #tpu.memory_space<vmem>>
        %dma_wait3A_352 = tpu.memref_squeeze %dma_wait3A_351 : memref<1x128x64xf32, #tpu.memory_space<vmem>> -> memref<128x64xf32, #tpu.memory_space<vmem>>
        %dma_wait3A_353 = tpu.memref_slice %arg13[%mul3A_347] : memref<10496xi32, #tpu.memory_space<vmem>> -> memref<128xi32, #tpu.memory_space<vmem>>
        %dma_wait3A_354 = arith.constant 0 : i32
        %dma_wait3A_355 = arith.constant 0 : i32
        %dma_wait3A_356 = tpu.memref_slice %arg20[%dma_wait3A_354, %dma_wait3A_355] : memref<5008x64xf32, #tpu.memory_space<vmem_shared>> -> memref<5008x64xf32, #tpu.memory_space<vmem_shared>>
        tpu.wait_indirect_dma semaphore(%arg24 : memref<!tpu.dma_semaphore, #tpu.memory_space<semaphore_mem>>) src(%dma_wait3A_352 : memref<128x64xf32, #tpu.memory_space<vmem>>) dst(%dma_wait3A_356 : memref<5008x64xf32, #tpu.memory_space<vmem_shared>>)
        %add3A_357 = arith.constant 2 : i32
        %add3A_358 = arith.addi %mul3A_280, %add3A_357 : i32
        %mul3A_359 = arith.constant 128 : i32
        %mul3A_360 = arith.muli %add3A_358, %mul3A_359 : i32
        %dma_start3A_361 = arith.constant 0 : i32
        %dma_start3A_362 = arith.constant 0 : i32
        %dma_start3A_363 = arith.constant 0 : i32
        %dma_start3A_364 = tpu.memref_slice %arg15[%dma_start3A_361, %dma_start3A_362, %dma_start3A_363] : memref<2x128x64xf32, #tpu.memory_space<vmem>> -> memref<1x128x64xf32, #tpu.memory_space<vmem>>
        %dma_start3A_365 = tpu.memref_squeeze %dma_start3A_364 : memref<1x128x64xf32, #tpu.memory_space<vmem>> -> memref<128x64xf32, #tpu.memory_space<vmem>>
        %dma_start3A_366 = tpu.memref_slice %arg12[%mul3A_360] : memref<10496xi32, #tpu.memory_space<vmem>> -> memref<128xi32, #tpu.memory_space<vmem>>
        %dma_start3A_367 = arith.constant 0 : i32
        %dma_start3A_368 = arith.constant 0 : i32
        %dma_start3A_369 = tpu.memref_slice %arg4[%dma_start3A_367, %dma_start3A_368] : memref<40000x64xf32, #tpu.memory_space<hbm>> -> memref<40000x64xf32, #tpu.memory_space<hbm>>
        tpu.enqueue_indirect_dma source(%dma_start3A_369 : memref<40000x64xf32, #tpu.memory_space<hbm>>) target(%dma_start3A_365 : memref<128x64xf32, #tpu.memory_space<vmem>>) offsets(%dma_start3A_366 : memref<128xi32, #tpu.memory_space<vmem>>) semaphore(%arg22 : memref<!tpu.dma_semaphore, #tpu.memory_space<semaphore_mem>>)
      } else {
      }
      %mul3A_324 = arith.constant 128 : i32
      %mul3A_325 = arith.muli %add3A_282, %mul3A_324 : i32
      %dma_wait3A_326 = arith.constant 1 : i32
      %dma_wait3A_327 = arith.constant 0 : i32
      %dma_wait3A_328 = arith.constant 0 : i32
      %dma_wait3A_329 = tpu.memref_slice %arg15[%dma_wait3A_326, %dma_wait3A_327, %dma_wait3A_328] : memref<2x128x64xf32, #tpu.memory_space<vmem>> -> memref<1x128x64xf32, #tpu.memory_space<vmem>>
      %dma_wait3A_330 = tpu.memref_squeeze %dma_wait3A_329 : memref<1x128x64xf32, #tpu.memory_space<vmem>> -> memref<128x64xf32, #tpu.memory_space<vmem>>
      %dma_wait3A_331 = tpu.memref_slice %arg12[%mul3A_325] : memref<10496xi32, #tpu.memory_space<vmem>> -> memref<128xi32, #tpu.memory_space<vmem>>
      %dma_wait3A_332 = arith.constant 0 : i32
      %dma_wait3A_333 = arith.constant 0 : i32
      %dma_wait3A_334 = tpu.memref_slice %arg4[%dma_wait3A_332, %dma_wait3A_333] : memref<40000x64xf32, #tpu.memory_space<hbm>> -> memref<40000x64xf32, #tpu.memory_space<hbm>>
      tpu.wait_indirect_dma semaphore(%arg23 : memref<!tpu.dma_semaphore, #tpu.memory_space<semaphore_mem>>) src(%dma_wait3A_334 : memref<40000x64xf32, #tpu.memory_space<hbm>>) dst(%dma_wait3A_330 : memref<128x64xf32, #tpu.memory_space<vmem>>)
      %mul3A_335 = arith.constant 128 : i32
      %mul3A_336 = arith.muli %add3A_282, %mul3A_335 : i32
      %dma_start3A_337 = arith.constant 1 : i32
      %dma_start3A_338 = arith.constant 0 : i32
      %dma_start3A_339 = arith.constant 0 : i32
      %dma_start3A_340 = tpu.memref_slice %arg15[%dma_start3A_337, %dma_start3A_338, %dma_start3A_339] : memref<2x128x64xf32, #tpu.memory_space<vmem>> -> memref<1x128x64xf32, #tpu.memory_space<vmem>>
      %dma_start3A_341 = tpu.memref_squeeze %dma_start3A_340 : memref<1x128x64xf32, #tpu.memory_space<vmem>> -> memref<128x64xf32, #tpu.memory_space<vmem>>
      %dma_start3A_342 = tpu.memref_slice %arg13[%mul3A_336] : memref<10496xi32, #tpu.memory_space<vmem>> -> memref<128xi32, #tpu.memory_space<vmem>>
      %dma_start3A_343 = arith.constant 0 : i32
      %dma_start3A_344 = arith.constant 0 : i32
      %dma_start3A_345 = tpu.memref_slice %arg20[%dma_start3A_343, %dma_start3A_344] : memref<5008x64xf32, #tpu.memory_space<vmem_shared>> -> memref<5008x64xf32, #tpu.memory_space<vmem_shared>>
      tpu.enqueue_indirect_dma source(%dma_start3A_341 : memref<128x64xf32, #tpu.memory_space<vmem>>) target(%dma_start3A_345 : memref<5008x64xf32, #tpu.memory_space<vmem_shared>>) offsets(%dma_start3A_342 : memref<128xi32, #tpu.memory_space<vmem>>) semaphore(%arg25 : memref<!tpu.dma_semaphore, #tpu.memory_space<semaphore_mem>>) {add = true}
    }
    %while3A_259 = arith.constant 1 : i32
    scf.for %while3A_278 = %while3A_257 to %while3A_253 step %while3A_259  : i32 {
      %mul3A_279 = arith.constant 2 : i32
      %mul3A_280 = arith.muli %mul3A_279, %while3A_278 : i32
      %add3A_281 = arith.constant 1 : i32
      %add3A_282 = arith.addi %mul3A_280, %add3A_281 : i32
      %gt3A_283 = arith.constant 0 : i32
      %gt3A_284 = arith.cmpi sgt, %while3A_278, %gt3A_283 : i32
      %convert_element_type3A_285 = arith.extui %gt3A_284 : i1 to i32
      %cond3A_286 = arith.constant 0 : i32
      %cond3A_287 = arith.cmpi ne, %convert_element_type3A_285, %cond3A_286 : i32
      scf.if %cond3A_287 {
        %sub3A_346 = arith.constant 1 : i32
        %sub3A_347 = arith.subi %mul3A_280, %sub3A_346 : i32
        %mul3A_348 = arith.constant 128 : i32
        %mul3A_349 = arith.muli %sub3A_347, %mul3A_348 : i32
        %dma_wait3A_350 = arith.constant 1 : i32
        %dma_wait3A_351 = arith.constant 0 : i32
        %dma_wait3A_352 = arith.constant 0 : i32
        %dma_wait3A_353 = tpu.memref_slice %arg15[%dma_wait3A_350, %dma_wait3A_351, %dma_wait3A_352] : memref<2x128x64xf32, #tpu.memory_space<vmem>> -> memref<1x128x64xf32, #tpu.memory_space<vmem>>
        %dma_wait3A_354 = tpu.memref_squeeze %dma_wait3A_353 : memref<1x128x64xf32, #tpu.memory_space<vmem>> -> memref<128x64xf32, #tpu.memory_space<vmem>>
        %dma_wait3A_355 = tpu.memref_slice %arg13[%mul3A_349] : memref<10496xi32, #tpu.memory_space<vmem>> -> memref<128xi32, #tpu.memory_space<vmem>>
        %dma_wait3A_356 = arith.constant 0 : i32
        %dma_wait3A_357 = arith.constant 0 : i32
        %dma_wait3A_358 = tpu.memref_slice %arg20[%dma_wait3A_356, %dma_wait3A_357] : memref<5008x64xf32, #tpu.memory_space<vmem_shared>> -> memref<5008x64xf32, #tpu.memory_space<vmem_shared>>
        tpu.wait_indirect_dma semaphore(%arg25 : memref<!tpu.dma_semaphore, #tpu.memory_space<semaphore_mem>>) src(%dma_wait3A_354 : memref<128x64xf32, #tpu.memory_space<vmem>>) dst(%dma_wait3A_358 : memref<5008x64xf32, #tpu.memory_space<vmem_shared>>)
      } else {
      }
      %mul3A_288 = arith.constant 128 : i32
      %mul3A_289 = arith.muli %add3A_282, %mul3A_288 : i32
      %dma_start3A = arith.constant 1 : i32
      %dma_start3A_290 = arith.constant 0 : i32
      %dma_start3A_291 = arith.constant 0 : i32
      %dma_start3A_292 = tpu.memref_slice %arg15[%dma_start3A, %dma_start3A_290, %dma_start3A_291] : memref<2x128x64xf32, #tpu.memory_space<vmem>> -> memref<1x128x64xf32, #tpu.memory_space<vmem>>
      %dma_start3A_293 = tpu.memref_squeeze %dma_start3A_292 : memref<1x128x64xf32, #tpu.memory_space<vmem>> -> memref<128x64xf32, #tpu.memory_space<vmem>>
      %dma_start3A_294 = tpu.memref_slice %arg12[%mul3A_289] : memref<10496xi32, #tpu.memory_space<vmem>> -> memref<128xi32, #tpu.memory_space<vmem>>
      %dma_start3A_295 = arith.constant 0 : i32
      %dma_start3A_296 = arith.constant 0 : i32
      %dma_start3A_297 = tpu.memref_slice %arg4[%dma_start3A_295, %dma_start3A_296] : memref<40000x64xf32, #tpu.memory_space<hbm>> -> memref<40000x64xf32, #tpu.memory_space<hbm>>
      tpu.enqueue_indirect_dma source(%dma_start3A_297 : memref<40000x64xf32, #tpu.memory_space<hbm>>) target(%dma_start3A_293 : memref<128x64xf32, #tpu.memory_space<vmem>>) offsets(%dma_start3A_294 : memref<128xi32, #tpu.memory_space<vmem>>) semaphore(%arg23 : memref<!tpu.dma_semaphore, #tpu.memory_space<semaphore_mem>>)
      %mul3A_298 = arith.constant 128 : i32
      %mul3A_299 = arith.muli %mul3A_280, %mul3A_298 : i32
      %dma_wait3A = arith.constant 0 : i32
      %dma_wait3A_300 = arith.constant 0 : i32
      %dma_wait3A_301 = arith.constant 0 : i32
      %dma_wait3A_302 = tpu.memref_slice %arg15[%dma_wait3A, %dma_wait3A_300, %dma_wait3A_301] : memref<2x128x64xf32, #tpu.memory_space<vmem>> -> memref<1x128x64xf32, #tpu.memory_space<vmem>>
      %dma_wait3A_303 = tpu.memref_squeeze %dma_wait3A_302 : memref<1x128x64xf32, #tpu.memory_space<vmem>> -> memref<128x64xf32, #tpu.memory_space<vmem>>
      %dma_wait3A_304 = tpu.memref_slice %arg12[%mul3A_299] : memref<10496xi32, #tpu.memory_space<vmem>> -> memref<128xi32, #tpu.memory_space<vmem>>
      %dma_wait3A_305 = arith.constant 0 : i32
      %dma_wait3A_306 = arith.constant 0 : i32
      %dma_wait3A_307 = tpu.memref_slice %arg4[%dma_wait3A_305, %dma_wait3A_306] : memref<40000x64xf32, #tpu.memory_space<hbm>> -> memref<40000x64xf32, #tpu.memory_space<hbm>>
      tpu.wait_indirect_dma semaphore(%arg22 : memref<!tpu.dma_semaphore, #tpu.memory_space<semaphore_mem>>) src(%dma_wait3A_307 : memref<40000x64xf32, #tpu.memory_space<hbm>>) dst(%dma_wait3A_303 : memref<128x64xf32, #tpu.memory_space<vmem>>)
      %mul3A_308 = arith.constant 128 : i32
      %mul3A_309 = arith.muli %mul3A_280, %mul3A_308 : i32
      %dma_start3A_310 = arith.constant 0 : i32
      %dma_start3A_311 = arith.constant 0 : i32
      %dma_start3A_312 = arith.constant 0 : i32
      %dma_start3A_313 = tpu.memref_slice %arg15[%dma_start3A_310, %dma_start3A_311, %dma_start3A_312] : memref<2x128x64xf32, #tpu.memory_space<vmem>> -> memref<1x128x64xf32, #tpu.memory_space<vmem>>
      %dma_start3A_314 = tpu.memref_squeeze %dma_start3A_313 : memref<1x128x64xf32, #tpu.memory_space<vmem>> -> memref<128x64xf32, #tpu.memory_space<vmem>>
      %dma_start3A_315 = tpu.memref_slice %arg13[%mul3A_309] : memref<10496xi32, #tpu.memory_space<vmem>> -> memref<128xi32, #tpu.memory_space<vmem>>
      %dma_start3A_316 = arith.constant 0 : i32
      %dma_start3A_317 = arith.constant 0 : i32
      %dma_start3A_318 = tpu.memref_slice %arg20[%dma_start3A_316, %dma_start3A_317] : memref<5008x64xf32, #tpu.memory_space<vmem_shared>> -> memref<5008x64xf32, #tpu.memory_space<vmem_shared>>
      tpu.enqueue_indirect_dma source(%dma_start3A_314 : memref<128x64xf32, #tpu.memory_space<vmem>>) target(%dma_start3A_318 : memref<5008x64xf32, #tpu.memory_space<vmem_shared>>) offsets(%dma_start3A_315 : memref<128xi32, #tpu.memory_space<vmem>>) semaphore(%arg24 : memref<!tpu.dma_semaphore, #tpu.memory_space<semaphore_mem>>) {add = true}
      %sub3A_319 = arith.constant 1 : i32
      %sub3A_320 = arith.subi %select_n3A_68, %sub3A_319 : i32
      %lt3A = arith.cmpi slt, %while3A_278, %sub3A_320 : i32
      %convert_element_type3A_321 = arith.extui %lt3A : i1 to i32
      %cond3A_322 = arith.constant 0 : i32
      %cond3A_323 = arith.cmpi ne, %convert_element_type3A_321, %cond3A_322 : i32
      scf.if %cond3A_323 {
        %mul3A_346 = arith.constant 128 : i32
        %mul3A_347 = arith.muli %mul3A_280, %mul3A_346 : i32
        %dma_wait3A_348 = arith.constant 0 : i32
        %dma_wait3A_349 = arith.constant 0 : i32
        %dma_wait3A_350 = arith.constant 0 : i32
        %dma_wait3A_351 = tpu.memref_slice %arg15[%dma_wait3A_348, %dma_wait3A_349, %dma_wait3A_350] : memref<2x128x64xf32, #tpu.memory_space<vmem>> -> memref<1x128x64xf32, #tpu.memory_space<vmem>>
        %dma_wait3A_352 = tpu.memref_squeeze %dma_wait3A_351 : memref<1x128x64xf32, #tpu.memory_space<vmem>> -> memref<128x64xf32, #tpu.memory_space<vmem>>
        %dma_wait3A_353 = tpu.memref_slice %arg13[%mul3A_347] : memref<10496xi32, #tpu.memory_space<vmem>> -> memref<128xi32, #tpu.memory_space<vmem>>
        %dma_wait3A_354 = arith.constant 0 : i32
        %dma_wait3A_355 = arith.constant 0 : i32
        %dma_wait3A_356 = tpu.memref_slice %arg20[%dma_wait3A_354, %dma_wait3A_355] : memref<5008x64xf32, #tpu.memory_space<vmem_shared>> -> memref<5008x64xf32, #tpu.memory_space<vmem_shared>>
        tpu.wait_indirect_dma semaphore(%arg24 : memref<!tpu.dma_semaphore, #tpu.memory_space<semaphore_mem>>) src(%dma_wait3A_352 : memref<128x64xf32, #tpu.memory_space<vmem>>) dst(%dma_wait3A_356 : memref<5008x64xf32, #tpu.memory_space<vmem_shared>>)
        %add3A_357 = arith.constant 2 : i32
        %add3A_358 = arith.addi %mul3A_280, %add3A_357 : i32
        %mul3A_359 = arith.constant 128 : i32
        %mul3A_360 = arith.muli %add3A_358, %mul3A_359 : i32
        %dma_start3A_361 = arith.constant 0 : i32
        %dma_start3A_362 = arith.constant 0 : i32
        %dma_start3A_363 = arith.constant 0 : i32
        %dma_start3A_364 = tpu.memref_slice %arg15[%dma_start3A_361, %dma_start3A_362, %dma_start3A_363] : memref<2x128x64xf32, #tpu.memory_space<vmem>> -> memref<1x128x64xf32, #tpu.memory_space<vmem>>
        %dma_start3A_365 = tpu.memref_squeeze %dma_start3A_364 : memref<1x128x64xf32, #tpu.memory_space<vmem>> -> memref<128x64xf32, #tpu.memory_space<vmem>>
        %dma_start3A_366 = tpu.memref_slice %arg12[%mul3A_360] : memref<10496xi32, #tpu.memory_space<vmem>> -> memref<128xi32, #tpu.memory_space<vmem>>
        %dma_start3A_367 = arith.constant 0 : i32
        %dma_start3A_368 = arith.constant 0 : i32
        %dma_start3A_369 = tpu.memref_slice %arg4[%dma_start3A_367, %dma_start3A_368] : memref<40000x64xf32, #tpu.memory_space<hbm>> -> memref<40000x64xf32, #tpu.memory_space<hbm>>
        tpu.enqueue_indirect_dma source(%dma_start3A_369 : memref<40000x64xf32, #tpu.memory_space<hbm>>) target(%dma_start3A_365 : memref<128x64xf32, #tpu.memory_space<vmem>>) offsets(%dma_start3A_366 : memref<128xi32, #tpu.memory_space<vmem>>) semaphore(%arg22 : memref<!tpu.dma_semaphore, #tpu.memory_space<semaphore_mem>>)
      } else {
      }
      %mul3A_324 = arith.constant 128 : i32
      %mul3A_325 = arith.muli %add3A_282, %mul3A_324 : i32
      %dma_wait3A_326 = arith.constant 1 : i32
      %dma_wait3A_327 = arith.constant 0 : i32
      %dma_wait3A_328 = arith.constant 0 : i32
      %dma_wait3A_329 = tpu.memref_slice %arg15[%dma_wait3A_326, %dma_wait3A_327, %dma_wait3A_328] : memref<2x128x64xf32, #tpu.memory_space<vmem>> -> memref<1x128x64xf32, #tpu.memory_space<vmem>>
      %dma_wait3A_330 = tpu.memref_squeeze %dma_wait3A_329 : memref<1x128x64xf32, #tpu.memory_space<vmem>> -> memref<128x64xf32, #tpu.memory_space<vmem>>
      %dma_wait3A_331 = tpu.memref_slice %arg12[%mul3A_325] : memref<10496xi32, #tpu.memory_space<vmem>> -> memref<128xi32, #tpu.memory_space<vmem>>
      %dma_wait3A_332 = arith.constant 0 : i32
      %dma_wait3A_333 = arith.constant 0 : i32
      %dma_wait3A_334 = tpu.memref_slice %arg4[%dma_wait3A_332, %dma_wait3A_333] : memref<40000x64xf32, #tpu.memory_space<hbm>> -> memref<40000x64xf32, #tpu.memory_space<hbm>>
      tpu.wait_indirect_dma semaphore(%arg23 : memref<!tpu.dma_semaphore, #tpu.memory_space<semaphore_mem>>) src(%dma_wait3A_334 : memref<40000x64xf32, #tpu.memory_space<hbm>>) dst(%dma_wait3A_330 : memref<128x64xf32, #tpu.memory_space<vmem>>)
      %mul3A_335 = arith.constant 128 : i32
      %mul3A_336 = arith.muli %add3A_282, %mul3A_335 : i32
      %dma_start3A_337 = arith.constant 1 : i32
      %dma_start3A_338 = arith.constant 0 : i32
      %dma_start3A_339 = arith.constant 0 : i32
      %dma_start3A_340 = tpu.memref_slice %arg15[%dma_start3A_337, %dma_start3A_338, %dma_start3A_339] : memref<2x128x64xf32, #tpu.memory_space<vmem>> -> memref<1x128x64xf32, #tpu.memory_space<vmem>>
      %dma_start3A_341 = tpu.memref_squeeze %dma_start3A_340 : memref<1x128x64xf32, #tpu.memory_space<vmem>> -> memref<128x64xf32, #tpu.memory_space<vmem>>
      %dma_start3A_342 = tpu.memref_slice %arg13[%mul3A_336] : memref<10496xi32, #tpu.memory_space<vmem>> -> memref<128xi32, #tpu.memory_space<vmem>>
      %dma_start3A_343 = arith.constant 0 : i32
      %dma_start3A_344 = arith.constant 0 : i32
      %dma_start3A_345 = tpu.memref_slice %arg20[%dma_start3A_343, %dma_start3A_344] : memref<5008x64xf32, #tpu.memory_space<vmem_shared>> -> memref<5008x64xf32, #tpu.memory_space<vmem_shared>>
      tpu.enqueue_indirect_dma source(%dma_start3A_341 : memref<128x64xf32, #tpu.memory_space<vmem>>) target(%dma_start3A_345 : memref<5008x64xf32, #tpu.memory_space<vmem_shared>>) offsets(%dma_start3A_342 : memref<128xi32, #tpu.memory_space<vmem>>) semaphore(%arg25 : memref<!tpu.dma_semaphore, #tpu.memory_space<semaphore_mem>>) {add = true}
    }
    %gt3A_260 = arith.constant 0 : i32
    %gt3A_261 = arith.cmpi sgt, %select_n3A_68, %gt3A_260 : i32
    %convert_element_type3A_262 = arith.extui %gt3A_261 : i1 to i32
    %cond3A_263 = arith.constant 0 : i32
    %cond3A_264 = arith.cmpi ne, %convert_element_type3A_262, %cond3A_263 : i32
    scf.if %cond3A_264 {
      %mul3A_278 = arith.constant 2 : i32
      %mul3A_279 = arith.muli %mul3A_278, %select_n3A_68 : i32
      %sub3A_280 = arith.constant 2 : i32
      %sub3A_281 = arith.subi %mul3A_279, %sub3A_280 : i32
      %mul3A_282 = arith.constant 128 : i32
      %mul3A_283 = arith.muli %sub3A_281, %mul3A_282 : i32
      %dma_wait3A = arith.constant 0 : i32
      %dma_wait3A_284 = arith.constant 0 : i32
      %dma_wait3A_285 = arith.constant 0 : i32
      %dma_wait3A_286 = tpu.memref_slice %arg15[%dma_wait3A, %dma_wait3A_284, %dma_wait3A_285] : memref<2x128x64xf32, #tpu.memory_space<vmem>> -> memref<1x128x64xf32, #tpu.memory_space<vmem>>
      %dma_wait3A_287 = tpu.memref_squeeze %dma_wait3A_286 : memref<1x128x64xf32, #tpu.memory_space<vmem>> -> memref<128x64xf32, #tpu.memory_space<vmem>>
      %dma_wait3A_288 = tpu.memref_slice %arg13[%mul3A_283] : memref<10496xi32, #tpu.memory_space<vmem>> -> memref<128xi32, #tpu.memory_space<vmem>>
      %dma_wait3A_289 = arith.constant 0 : i32
      %dma_wait3A_290 = arith.constant 0 : i32
      %dma_wait3A_291 = tpu.memref_slice %arg20[%dma_wait3A_289, %dma_wait3A_290] : memref<5008x64xf32, #tpu.memory_space<vmem_shared>> -> memref<5008x64xf32, #tpu.memory_space<vmem_shared>>
      tpu.wait_indirect_dma semaphore(%arg24 : memref<!tpu.dma_semaphore, #tpu.memory_space<semaphore_mem>>) src(%dma_wait3A_287 : memref<128x64xf32, #tpu.memory_space<vmem>>) dst(%dma_wait3A_291 : memref<5008x64xf32, #tpu.memory_space<vmem_shared>>)
      %mul3A_292 = arith.constant 2 : i32
      %mul3A_293 = arith.muli %mul3A_292, %select_n3A_68 : i32
      %sub3A_294 = arith.constant 1 : i32
      %sub3A_295 = arith.subi %mul3A_293, %sub3A_294 : i32
      %mul3A_296 = arith.constant 128 : i32
      %mul3A_297 = arith.muli %sub3A_295, %mul3A_296 : i32
      %dma_wait3A_298 = arith.constant 1 : i32
      %dma_wait3A_299 = arith.constant 0 : i32
      %dma_wait3A_300 = arith.constant 0 : i32
      %dma_wait3A_301 = tpu.memref_slice %arg15[%dma_wait3A_298, %dma_wait3A_299, %dma_wait3A_300] : memref<2x128x64xf32, #tpu.memory_space<vmem>> -> memref<1x128x64xf32, #tpu.memory_space<vmem>>
      %dma_wait3A_302 = tpu.memref_squeeze %dma_wait3A_301 : memref<1x128x64xf32, #tpu.memory_space<vmem>> -> memref<128x64xf32, #tpu.memory_space<vmem>>
      %dma_wait3A_303 = tpu.memref_slice %arg13[%mul3A_297] : memref<10496xi32, #tpu.memory_space<vmem>> -> memref<128xi32, #tpu.memory_space<vmem>>
      %dma_wait3A_304 = arith.constant 0 : i32
      %dma_wait3A_305 = arith.constant 0 : i32
      %dma_wait3A_306 = tpu.memref_slice %arg20[%dma_wait3A_304, %dma_wait3A_305] : memref<5008x64xf32, #tpu.memory_space<vmem_shared>> -> memref<5008x64xf32, #tpu.memory_space<vmem_shared>>
      tpu.wait_indirect_dma semaphore(%arg25 : memref<!tpu.dma_semaphore, #tpu.memory_space<semaphore_mem>>) src(%dma_wait3A_302 : memref<128x64xf32, #tpu.memory_space<vmem>>) dst(%dma_wait3A_306 : memref<5008x64xf32, #tpu.memory_space<vmem_shared>>)
    } else {
    }
    %barrier3A_265 = arith.constant 0 : index
    tpu.barrier barrier_id(%barrier3A_265)
    %add3A_266 = arith.constant 30000 : i32
    %add3A_267 = arith.addi %add3A_266, %mul3A_0 : i32
    %mul3A_268 = arith.constant 312 : i32
    %mul3A_269 = arith.muli %arg1, %mul3A_268 : i32
    "tpu.region"() ({
      %run_scoped3A = tpu.sem_alloc : memref<!tpu.dma_semaphore, #tpu.memory_space<semaphore_mem>>
      %dma_start3A = arith.constant 0 : i32
      %dma_start3A_278 = tpu.memref_slice %arg20[%mul3A_269, %dma_start3A] : memref<5008x64xf32, #tpu.memory_space<vmem_shared>> -> memref<312x64xf32, #tpu.memory_space<vmem_shared>>
      %dma_start3A_279 = arith.constant 0 : i32
      %dma_start3A_280 = tpu.memref_slice %arg20[%mul3A_269, %dma_start3A_279] : memref<5008x64xf32, #tpu.memory_space<vmem_shared>> -> memref<312x64xf32, #tpu.memory_space<vmem_shared>>
      tpu.enqueue_dma source(%dma_start3A_280 : memref<312x64xf32, #tpu.memory_space<vmem_shared>>) target(%arg17 : memref<312x64xf32, #tpu.memory_space<vmem>>) target_semaphore(%run_scoped3A : memref<!tpu.dma_semaphore, #tpu.memory_space<semaphore_mem>>)
      %dma_wait3A = arith.constant 0 : i32
      %dma_wait3A_281 = tpu.memref_slice %arg20[%mul3A_269, %dma_wait3A] : memref<5008x64xf32, #tpu.memory_space<vmem_shared>> -> memref<312x64xf32, #tpu.memory_space<vmem_shared>>
      %dma_wait3A_282 = arith.constant 0 : i32
      %dma_wait3A_283 = tpu.memref_slice %arg20[%mul3A_269, %dma_wait3A_282] : memref<5008x64xf32, #tpu.memory_space<vmem_shared>> -> memref<312x64xf32, #tpu.memory_space<vmem_shared>>
      tpu.wait_dma2 semaphore(%run_scoped3A : memref<!tpu.dma_semaphore, #tpu.memory_space<semaphore_mem>>) src(%dma_wait3A_283 : memref<312x64xf32, #tpu.memory_space<vmem_shared>>) dst(%arg17 : memref<312x64xf32, #tpu.memory_space<vmem>>)
      tpu.yield
    }) : () -> ()
    %mul3A_270 = arith.constant 312 : i32
    %mul3A_271 = arith.muli %arg1, %mul3A_270 : i32
    %add3A_272 = arith.addi %add3A_267, %mul3A_271 : i32
    "tpu.region"() ({
      %run_scoped3A = tpu.sem_alloc : memref<!tpu.dma_semaphore, #tpu.memory_space<semaphore_mem>>
      %dma_start3A = arith.constant 0 : i32
      %dma_start3A_278 = tpu.memref_slice %arg8[%add3A_272, %dma_start3A] : memref<40000x64xf32, #tpu.memory_space<hbm>> -> memref<312x64xf32, #tpu.memory_space<hbm>>
      %dma_start3A_279 = arith.constant 0 : i32
      %dma_start3A_280 = tpu.memref_slice %arg8[%add3A_272, %dma_start3A_279] : memref<40000x64xf32, #tpu.memory_space<hbm>> -> memref<312x64xf32, #tpu.memory_space<hbm>>
      tpu.enqueue_dma source(%arg17 : memref<312x64xf32, #tpu.memory_space<vmem>>) target(%dma_start3A_280 : memref<312x64xf32, #tpu.memory_space<hbm>>) target_semaphore(%run_scoped3A : memref<!tpu.dma_semaphore, #tpu.memory_space<semaphore_mem>>)
      %dma_wait3A = arith.constant 0 : i32
      %dma_wait3A_281 = tpu.memref_slice %arg8[%add3A_272, %dma_wait3A] : memref<40000x64xf32, #tpu.memory_space<hbm>> -> memref<312x64xf32, #tpu.memory_space<hbm>>
      %dma_wait3A_282 = arith.constant 0 : i32
      %dma_wait3A_283 = tpu.memref_slice %arg8[%add3A_272, %dma_wait3A_282] : memref<40000x64xf32, #tpu.memory_space<hbm>> -> memref<312x64xf32, #tpu.memory_space<hbm>>
      tpu.wait_dma2 semaphore(%run_scoped3A : memref<!tpu.dma_semaphore, #tpu.memory_space<semaphore_mem>>) src(%arg17 : memref<312x64xf32, #tpu.memory_space<vmem>>) dst(%dma_wait3A_283 : memref<312x64xf32, #tpu.memory_space<hbm>>)
      tpu.yield
    }) : () -> ()
    %eq3A_273 = arith.constant 0 : i32
    %eq3A_274 = arith.cmpi eq, %arg1, %eq3A_273 : i32
    %convert_element_type3A_275 = arith.extui %eq3A_274 : i1 to i32
    %cond3A_276 = arith.constant 0 : i32
    %cond3A_277 = arith.cmpi ne, %convert_element_type3A_275, %cond3A_276 : i32
    scf.if %cond3A_277 {
      "tpu.region"() ({
        %run_scoped3A = tpu.sem_alloc : memref<!tpu.dma_semaphore, #tpu.memory_space<semaphore_mem>>
        %dma_start3A = arith.constant 0 : i32
        %dma_start3A_280 = arith.constant 0 : i32
        %dma_start3A_281 = tpu.memref_slice %arg17[%dma_start3A, %dma_start3A_280] : memref<312x64xf32, #tpu.memory_space<vmem>> -> memref<8x64xf32, #tpu.memory_space<vmem>>
        %dma_start3A_282 = arith.constant 4992 : i32
        %dma_start3A_283 = arith.constant 0 : i32
        %dma_start3A_284 = tpu.memref_slice %arg20[%dma_start3A_282, %dma_start3A_283] : memref<5008x64xf32, #tpu.memory_space<vmem_shared>> -> memref<8x64xf32, #tpu.memory_space<vmem_shared>>
        %dma_start3A_285 = arith.constant 0 : i32
        %dma_start3A_286 = arith.constant 0 : i32
        %dma_start3A_287 = tpu.memref_slice %arg17[%dma_start3A_285, %dma_start3A_286] : memref<312x64xf32, #tpu.memory_space<vmem>> -> memref<8x64xf32, #tpu.memory_space<vmem>>
        %dma_start3A_288 = arith.constant 4992 : i32
        %dma_start3A_289 = arith.constant 0 : i32
        %dma_start3A_290 = tpu.memref_slice %arg20[%dma_start3A_288, %dma_start3A_289] : memref<5008x64xf32, #tpu.memory_space<vmem_shared>> -> memref<8x64xf32, #tpu.memory_space<vmem_shared>>
        tpu.enqueue_dma source(%dma_start3A_290 : memref<8x64xf32, #tpu.memory_space<vmem_shared>>) target(%dma_start3A_287 : memref<8x64xf32, #tpu.memory_space<vmem>>) target_semaphore(%run_scoped3A : memref<!tpu.dma_semaphore, #tpu.memory_space<semaphore_mem>>)
        %dma_wait3A = arith.constant 0 : i32
        %dma_wait3A_291 = arith.constant 0 : i32
        %dma_wait3A_292 = tpu.memref_slice %arg17[%dma_wait3A, %dma_wait3A_291] : memref<312x64xf32, #tpu.memory_space<vmem>> -> memref<8x64xf32, #tpu.memory_space<vmem>>
        %dma_wait3A_293 = arith.constant 4992 : i32
        %dma_wait3A_294 = arith.constant 0 : i32
        %dma_wait3A_295 = tpu.memref_slice %arg20[%dma_wait3A_293, %dma_wait3A_294] : memref<5008x64xf32, #tpu.memory_space<vmem_shared>> -> memref<8x64xf32, #tpu.memory_space<vmem_shared>>
        %dma_wait3A_296 = arith.constant 0 : i32
        %dma_wait3A_297 = arith.constant 0 : i32
        %dma_wait3A_298 = tpu.memref_slice %arg17[%dma_wait3A_296, %dma_wait3A_297] : memref<312x64xf32, #tpu.memory_space<vmem>> -> memref<8x64xf32, #tpu.memory_space<vmem>>
        %dma_wait3A_299 = arith.constant 4992 : i32
        %dma_wait3A_300 = arith.constant 0 : i32
        %dma_wait3A_301 = tpu.memref_slice %arg20[%dma_wait3A_299, %dma_wait3A_300] : memref<5008x64xf32, #tpu.memory_space<vmem_shared>> -> memref<8x64xf32, #tpu.memory_space<vmem_shared>>
        tpu.wait_dma2 semaphore(%run_scoped3A : memref<!tpu.dma_semaphore, #tpu.memory_space<semaphore_mem>>) src(%dma_wait3A_301 : memref<8x64xf32, #tpu.memory_space<vmem_shared>>) dst(%dma_wait3A_298 : memref<8x64xf32, #tpu.memory_space<vmem>>)
        tpu.yield
      }) : () -> ()
      %add3A_278 = arith.constant 4992 : i32
      %add3A_279 = arith.addi %add3A_267, %add3A_278 : i32
      "tpu.region"() ({
        %run_scoped3A = tpu.sem_alloc : memref<!tpu.dma_semaphore, #tpu.memory_space<semaphore_mem>>
        %dma_start3A = arith.constant 0 : i32
        %dma_start3A_280 = arith.constant 0 : i32
        %dma_start3A_281 = tpu.memref_slice %arg17[%dma_start3A, %dma_start3A_280] : memref<312x64xf32, #tpu.memory_space<vmem>> -> memref<8x64xf32, #tpu.memory_space<vmem>>
        %dma_start3A_282 = arith.constant 0 : i32
        %dma_start3A_283 = tpu.memref_slice %arg8[%add3A_279, %dma_start3A_282] : memref<40000x64xf32, #tpu.memory_space<hbm>> -> memref<8x64xf32, #tpu.memory_space<hbm>>
        %dma_start3A_284 = arith.constant 0 : i32
        %dma_start3A_285 = tpu.memref_slice %arg8[%add3A_279, %dma_start3A_284] : memref<40000x64xf32, #tpu.memory_space<hbm>> -> memref<8x64xf32, #tpu.memory_space<hbm>>
        %dma_start3A_286 = arith.constant 0 : i32
        %dma_start3A_287 = arith.constant 0 : i32
        %dma_start3A_288 = tpu.memref_slice %arg17[%dma_start3A_286, %dma_start3A_287] : memref<312x64xf32, #tpu.memory_space<vmem>> -> memref<8x64xf32, #tpu.memory_space<vmem>>
        tpu.enqueue_dma source(%dma_start3A_288 : memref<8x64xf32, #tpu.memory_space<vmem>>) target(%dma_start3A_285 : memref<8x64xf32, #tpu.memory_space<hbm>>) target_semaphore(%run_scoped3A : memref<!tpu.dma_semaphore, #tpu.memory_space<semaphore_mem>>)
        %dma_wait3A = arith.constant 0 : i32
        %dma_wait3A_289 = arith.constant 0 : i32
        %dma_wait3A_290 = tpu.memref_slice %arg17[%dma_wait3A, %dma_wait3A_289] : memref<312x64xf32, #tpu.memory_space<vmem>> -> memref<8x64xf32, #tpu.memory_space<vmem>>
        %dma_wait3A_291 = arith.constant 0 : i32
        %dma_wait3A_292 = tpu.memref_slice %arg8[%add3A_279, %dma_wait3A_291] : memref<40000x64xf32, #tpu.memory_space<hbm>> -> memref<8x64xf32, #tpu.memory_space<hbm>>
        %dma_wait3A_293 = arith.constant 0 : i32
        %dma_wait3A_294 = tpu.memref_slice %arg8[%add3A_279, %dma_wait3A_293] : memref<40000x64xf32, #tpu.memory_space<hbm>> -> memref<8x64xf32, #tpu.memory_space<hbm>>
        %dma_wait3A_295 = arith.constant 0 : i32
        %dma_wait3A_296 = arith.constant 0 : i32
        %dma_wait3A_297 = tpu.memref_slice %arg17[%dma_wait3A_295, %dma_wait3A_296] : memref<312x64xf32, #tpu.memory_space<vmem>> -> memref<8x64xf32, #tpu.memory_space<vmem>>
        tpu.wait_dma2 semaphore(%run_scoped3A : memref<!tpu.dma_semaphore, #tpu.memory_space<semaphore_mem>>) src(%dma_wait3A_297 : memref<8x64xf32, #tpu.memory_space<vmem>>) dst(%dma_wait3A_294 : memref<8x64xf32, #tpu.memory_space<hbm>>)
        tpu.yield
      }) : () -> ()
    } else {
    }
    return
  }
}

module attributes {stable_mosaic.version = 14 : i64} {
  func.func @_ln_body(%arg0: i32, %arg1: memref<1000x256xf32, #tpu.memory_space<vmem>>, %arg2: memref<1x256xf32, #tpu.memory_space<vmem>>, %arg3: memref<1x256xf32, #tpu.memory_space<vmem>>, %arg4: memref<4x1000x64xf32, #tpu.memory_space<vmem>>) attributes {dimension_semantics = [#tpu.dimension_semantics<arbitrary>], iteration_bounds = array<i64: 10>, scalar_prefetch = 0 : i64, scratch_operands = 0 : i64, tpu.core_type = #tpu.core_type<tc>, window_params = [{transform_indices = @transform_0, window_bounds = array<i64: 1000, 256>}, {pipeline_mode = #tpu.pipeline_mode<synchronous>, transform_indices = @transform_1, window_bounds = array<i64: 1, 256>}, {pipeline_mode = #tpu.pipeline_mode<synchronous>, transform_indices = @transform_2, window_bounds = array<i64: 1, 256>}, {transform_indices = @transform_3, window_bounds = array<i64: 4, 1000, 64>}]} {
    %get3A = arith.constant 0 : index
    %get3A_0 = arith.constant 0 : index
    %get3A_1 = vector.load %arg1[%get3A, %get3A_0] : memref<1000x256xf32, #tpu.memory_space<vmem>>, vector<1000x256xf32>
    %reduce_sum3A = arith.constant dense<0.000000e+00> : vector<1000xf32>
    %reduce_sum3A_2 = vector.multi_reduction <add>, %get3A_1, %reduce_sum3A [1] : vector<1000x256xf32> to vector<1000xf32>
    %broadcast_in_dim3A = vector.shape_cast %reduce_sum3A_2 : vector<1000xf32> to vector<1000x1xf32>
    %div3A = arith.constant 2.560000e+02 : f32
    %div3A_3 = vector.broadcast %div3A : f32 to vector<1000x1xf32>
    %div3A_4 = arith.divf %broadcast_in_dim3A, %div3A_3 : vector<1000x1xf32>
    %sub3A = vector.broadcast %div3A_4 : vector<1000x1xf32> to vector<1000x256xf32>
    %sub3A_5 = arith.subf %get3A_1, %sub3A : vector<1000x256xf32>
    %mul3A = arith.mulf %sub3A_5, %sub3A_5 : vector<1000x256xf32>
    %reduce_sum3A_6 = arith.constant dense<0.000000e+00> : vector<1000xf32>
    %reduce_sum3A_7 = vector.multi_reduction <add>, %mul3A, %reduce_sum3A_6 [1] : vector<1000x256xf32> to vector<1000xf32>
    %broadcast_in_dim3A_8 = vector.shape_cast %reduce_sum3A_7 : vector<1000xf32> to vector<1000x1xf32>
    %div3A_9 = arith.constant 2.560000e+02 : f32
    %div3A_10 = vector.broadcast %div3A_9 : f32 to vector<1000x1xf32>
    %div3A_11 = arith.divf %broadcast_in_dim3A_8, %div3A_10 : vector<1000x1xf32>
    %add3A = arith.constant 9.99999974E-6 : f32
    %add3A_12 = vector.broadcast %add3A : f32 to vector<1000x1xf32>
    %add3A_13 = arith.addf %div3A_11, %add3A_12 : vector<1000x1xf32>
    %rsqrt3A = math.rsqrt %add3A_13 : vector<1000x1xf32>
    %mul3A_14 = vector.broadcast %rsqrt3A : vector<1000x1xf32> to vector<1000x256xf32>
    %mul3A_15 = arith.mulf %sub3A_5, %mul3A_14 : vector<1000x256xf32>
    %get3A_16 = arith.constant 0 : index
    %get3A_17 = arith.constant 0 : index
    %get3A_18 = vector.load %arg2[%get3A_16, %get3A_17] : memref<1x256xf32, #tpu.memory_space<vmem>>, vector<1x256xf32>
    %mul3A_19 = vector.broadcast %get3A_18 : vector<1x256xf32> to vector<1000x256xf32>
    %mul3A_20 = arith.mulf %mul3A_15, %mul3A_19 : vector<1000x256xf32>
    %get3A_21 = arith.constant 0 : index
    %get3A_22 = arith.constant 0 : index
    %get3A_23 = vector.load %arg3[%get3A_21, %get3A_22] : memref<1x256xf32, #tpu.memory_space<vmem>>, vector<1x256xf32>
    %add3A_24 = vector.broadcast %get3A_23 : vector<1x256xf32> to vector<1000x256xf32>
    %add3A_25 = arith.addf %mul3A_20, %add3A_24 : vector<1000x256xf32>
    %max3A = arith.constant 0.000000e+00 : f32
    %max3A_26 = vector.broadcast %max3A : f32 to vector<1000x256xf32>
    %max3A_27 = arith.maximumf %add3A_25, %max3A_26 : vector<1000x256xf32>
    %slice3A = vector.extract_strided_slice %max3A_27 {offsets = [0, 0], sizes = [1000, 64], strides = [1, 1]} : vector<1000x256xf32> to vector<1000x64xf32>
    %swap3A = arith.constant 0 : index
    %swap3A_28 = arith.constant 0 : index
    %swap3A_29 = arith.constant 0 : index
    %swap3A_30 = vector.load %arg4[%swap3A, %swap3A_28, %swap3A_29] : memref<4x1000x64xf32, #tpu.memory_space<vmem>>, vector<1x1000x64xf32>
    %swap3A_31 = vector.shape_cast %swap3A_30 : vector<1x1000x64xf32> to vector<1000x64xf32>
    %swap3A_32 = vector.shape_cast %slice3A : vector<1000x64xf32> to vector<1x1000x64xf32>
    tpu.vector_store %arg4[%swap3A, %swap3A_28, %swap3A_29], %swap3A_32 {strides = array<i32>} : memref<4x1000x64xf32, #tpu.memory_space<vmem>>, vector<1x1000x64xf32>,
    %slice3A_33 = vector.extract_strided_slice %max3A_27 {offsets = [0, 64], sizes = [1000, 64], strides = [1, 1]} : vector<1000x256xf32> to vector<1000x64xf32>
    %swap3A_34 = arith.constant 1 : index
    %swap3A_35 = arith.constant 0 : index
    %swap3A_36 = arith.constant 0 : index
    %swap3A_37 = vector.load %arg4[%swap3A_34, %swap3A_35, %swap3A_36] : memref<4x1000x64xf32, #tpu.memory_space<vmem>>, vector<1x1000x64xf32>
    %swap3A_38 = vector.shape_cast %swap3A_37 : vector<1x1000x64xf32> to vector<1000x64xf32>
    %swap3A_39 = vector.shape_cast %slice3A_33 : vector<1000x64xf32> to vector<1x1000x64xf32>
    tpu.vector_store %arg4[%swap3A_34, %swap3A_35, %swap3A_36], %swap3A_39 {strides = array<i32>} : memref<4x1000x64xf32, #tpu.memory_space<vmem>>, vector<1x1000x64xf32>,
    %slice3A_40 = vector.extract_strided_slice %max3A_27 {offsets = [0, 128], sizes = [1000, 64], strides = [1, 1]} : vector<1000x256xf32> to vector<1000x64xf32>
    %swap3A_41 = arith.constant 2 : index
    %swap3A_42 = arith.constant 0 : index
    %swap3A_43 = arith.constant 0 : index
    %swap3A_44 = vector.load %arg4[%swap3A_41, %swap3A_42, %swap3A_43] : memref<4x1000x64xf32, #tpu.memory_space<vmem>>, vector<1x1000x64xf32>
    %swap3A_45 = vector.shape_cast %swap3A_44 : vector<1x1000x64xf32> to vector<1000x64xf32>
    %swap3A_46 = vector.shape_cast %slice3A_40 : vector<1000x64xf32> to vector<1x1000x64xf32>
    tpu.vector_store %arg4[%swap3A_41, %swap3A_42, %swap3A_43], %swap3A_46 {strides = array<i32>} : memref<4x1000x64xf32, #tpu.memory_space<vmem>>, vector<1x1000x64xf32>,
    %slice3A_47 = vector.extract_strided_slice %max3A_27 {offsets = [0, 192], sizes = [1000, 64], strides = [1, 1]} : vector<1000x256xf32> to vector<1000x64xf32>
    %swap3A_48 = arith.constant 3 : index
    %swap3A_49 = arith.constant 0 : index
    %swap3A_50 = arith.constant 0 : index
    %swap3A_51 = vector.load %arg4[%swap3A_48, %swap3A_49, %swap3A_50] : memref<4x1000x64xf32, #tpu.memory_space<vmem>>, vector<1x1000x64xf32>
    %swap3A_52 = vector.shape_cast %swap3A_51 : vector<1x1000x64xf32> to vector<1000x64xf32>
    %swap3A_53 = vector.shape_cast %slice3A_47 : vector<1000x64xf32> to vector<1x1000x64xf32>
    tpu.vector_store %arg4[%swap3A_48, %swap3A_49, %swap3A_50], %swap3A_53 {strides = array<i32>} : memref<4x1000x64xf32, #tpu.memory_space<vmem>>, vector<1x1000x64xf32>,
    return
  }
  func.func @transform_0(%arg0: i32) -> (i32, i32) {
    %c0_i32 = arith.constant 0 : i32
    %c0_i32_0 = arith.constant 0 : i32
    return %arg0, %c0_i32 : i32, i32
  }
  func.func @transform_1(%arg0: i32) -> (i32, i32) {
    %c0_i32 = arith.constant 0 : i32
    %c0_i32_0 = arith.constant 0 : i32
    %c0_i32_1 = arith.constant 0 : i32
    return %c0_i32, %c0_i32_0 : i32, i32
  }
  func.func @transform_2(%arg0: i32) -> (i32, i32) {
    %c0_i32 = arith.constant 0 : i32
    %c0_i32_0 = arith.constant 0 : i32
    %c0_i32_1 = arith.constant 0 : i32
    return %c0_i32, %c0_i32_0 : i32, i32
  }
  func.func @transform_3(%arg0: i32) -> (i32, i32, i32) {
    %c0_i32 = arith.constant 0 : i32
    %c0_i32_0 = arith.constant 0 : i32
    %c0_i32_1 = arith.constant 0 : i32
    return %c0_i32, %arg0, %c0_i32_0 : i32, i32, i32
  }
}

module attributes {stable_mosaic.version = 14 : i64} {
  func.func @_out_body(%arg0: i32, %arg1: memref<1000x64xf32, #tpu.memory_space<vmem>>, %arg2: memref<1000x64xf32, #tpu.memory_space<vmem>>, %arg3: memref<1000x64xf32, #tpu.memory_space<vmem>>, %arg4: memref<1000x64xf32, #tpu.memory_space<vmem>>, %arg5: memref<1000x16xf32, #tpu.memory_space<vmem>>, %arg6: memref<1000x64xf32, #tpu.memory_space<vmem>>, %arg7: memref<1000x64xf32, #tpu.memory_space<vmem>>, %arg8: memref<1000x64xf32, #tpu.memory_space<vmem>>, %arg9: memref<1000x64xf32, #tpu.memory_space<vmem>>, %arg10: memref<256x256xf32, #tpu.memory_space<vmem>>, %arg11: memref<1x256xf32, #tpu.memory_space<vmem>>, %arg12: memref<256x256xf32, #tpu.memory_space<vmem>>, %arg13: memref<1000x256xf32, #tpu.memory_space<vmem>>) attributes {dimension_semantics = [#tpu.dimension_semantics<arbitrary>], iteration_bounds = array<i64: 10>, scalar_prefetch = 0 : i64, scratch_operands = 0 : i64, tpu.core_type = #tpu.core_type<tc>, window_params = [{transform_indices = @transform_0, window_bounds = array<i64: 1000, 64>}, {transform_indices = @transform_1, window_bounds = array<i64: 1000, 64>}, {transform_indices = @transform_2, window_bounds = array<i64: 1000, 64>}, {transform_indices = @transform_3, window_bounds = array<i64: 1000, 64>}, {transform_indices = @transform_4, window_bounds = array<i64: 1000, 16>}, {transform_indices = @transform_5, window_bounds = array<i64: 1000, 64>}, {transform_indices = @transform_6, window_bounds = array<i64: 1000, 64>}, {transform_indices = @transform_7, window_bounds = array<i64: 1000, 64>}, {transform_indices = @transform_8, window_bounds = array<i64: 1000, 64>}, {pipeline_mode = #tpu.pipeline_mode<synchronous>, transform_indices = @transform_9, window_bounds = array<i64: 256, 256>}, {pipeline_mode = #tpu.pipeline_mode<synchronous>, transform_indices = @transform_10, window_bounds = array<i64: 1, 256>}, {pipeline_mode = #tpu.pipeline_mode<synchronous>, transform_indices = @transform_11, window_bounds = array<i64: 256, 256>}, {transform_indices = @transform_12, window_bounds = array<i64: 1000, 256>}]} {
    %get3A = arith.constant 0 : index
    %get3A_0 = arith.constant 0 : index
    %get3A_1 = vector.load %arg5[%get3A, %get3A_0] : memref<1000x16xf32, #tpu.memory_space<vmem>>, vector<1000x1xf32>
    %max3A = arith.constant 1.000000e+00 : f32
    %max3A_2 = vector.broadcast %max3A : f32 to vector<1000x1xf32>
    %max3A_3 = arith.maximumf %get3A_1, %max3A_2 : vector<1000x1xf32>
    %div3A = arith.constant 1.000000e+00 : f32
    %div3A_4 = vector.broadcast %div3A : f32 to vector<1000x1xf32>
    %div3A_5 = arith.divf %div3A_4, %max3A_3 : vector<1000x1xf32>
    %get3A_6 = arith.constant 0 : index
    %get3A_7 = arith.constant 0 : index
    %get3A_8 = vector.load %arg11[%get3A_6, %get3A_7] : memref<1x256xf32, #tpu.memory_space<vmem>>, vector<1x256xf32>
    %broadcast_in_dim3A = arith.constant 0.000000e+00 : f32
    %broadcast_in_dim3A_9 = vector.broadcast %broadcast_in_dim3A : f32 to vector<1000x256xf32>
    %add3A = vector.broadcast %get3A_8 : vector<1x256xf32> to vector<1000x256xf32>
    %add3A_10 = arith.addf %add3A, %broadcast_in_dim3A_9 : vector<1000x256xf32>
    %get3A_11 = arith.constant 0 : index
    %get3A_12 = arith.constant 0 : index
    %get3A_13 = vector.load %arg1[%get3A_11, %get3A_12] : memref<1000x64xf32, #tpu.memory_space<vmem>>, vector<1000x64xf32>
    %mul3A = vector.broadcast %div3A_5 : vector<1000x1xf32> to vector<1000x64xf32>
    %mul3A_14 = arith.mulf %get3A_13, %mul3A : vector<1000x64xf32>
    %get3A_15 = arith.constant 0 : index
    %get3A_16 = arith.constant 0 : index
    %get3A_17 = vector.load %arg10[%get3A_15, %get3A_16] : memref<256x256xf32, #tpu.memory_space<vmem>>, vector<256x64xf32>
    %dot_general3A = arith.constant dense<0.000000e+00> : vector<1000x256xf32>
    %dot_general3A_18 = tpu.matmul %mul3A_14, %get3A_17, %dot_general3A {dimension_numbers = #tpu.dot_dimension_numbers<[1], [1], [0], [0], [0, 0, 1, 0], [], []>, transpose_lhs_hint = false} : vector<1000x64xf32>, vector<256x64xf32>, vector<1000x256xf32> -> vector<1000x256xf32>
    %add3A_19 = arith.addf %add3A_10, %dot_general3A_18 : vector<1000x256xf32>
    %get3A_20 = arith.constant 0 : index
    %get3A_21 = arith.constant 0 : index
    %get3A_22 = vector.load %arg6[%get3A_20, %get3A_21] : memref<1000x64xf32, #tpu.memory_space<vmem>>, vector<1000x64xf32>
    %get3A_23 = arith.constant 0 : index
    %get3A_24 = arith.constant 0 : index
    %get3A_25 = vector.load %arg12[%get3A_23, %get3A_24] : memref<256x256xf32, #tpu.memory_space<vmem>>, vector<256x64xf32>
    %dot_general3A_26 = arith.constant dense<0.000000e+00> : vector<1000x256xf32>
    %dot_general3A_27 = tpu.matmul %get3A_22, %get3A_25, %dot_general3A_26 {dimension_numbers = #tpu.dot_dimension_numbers<[1], [1], [0], [0], [0, 0, 1, 0], [], []>, transpose_lhs_hint = false} : vector<1000x64xf32>, vector<256x64xf32>, vector<1000x256xf32> -> vector<1000x256xf32>
    %add3A_28 = arith.addf %add3A_19, %dot_general3A_27 : vector<1000x256xf32>
    %get3A_29 = arith.constant 0 : index
    %get3A_30 = arith.constant 0 : index
    %get3A_31 = vector.load %arg2[%get3A_29, %get3A_30] : memref<1000x64xf32, #tpu.memory_space<vmem>>, vector<1000x64xf32>
    %mul3A_32 = vector.broadcast %div3A_5 : vector<1000x1xf32> to vector<1000x64xf32>
    %mul3A_33 = arith.mulf %get3A_31, %mul3A_32 : vector<1000x64xf32>
    %get3A_34 = arith.constant 0 : index
    %get3A_35 = arith.constant 64 : index
    %get3A_36 = vector.load %arg10[%get3A_34, %get3A_35] : memref<256x256xf32, #tpu.memory_space<vmem>>, vector<256x64xf32>
    %dot_general3A_37 = arith.constant dense<0.000000e+00> : vector<1000x256xf32>
    %dot_general3A_38 = tpu.matmul %mul3A_33, %get3A_36, %dot_general3A_37 {dimension_numbers = #tpu.dot_dimension_numbers<[1], [1], [0], [0], [0, 0, 1, 0], [], []>, transpose_lhs_hint = false} : vector<1000x64xf32>, vector<256x64xf32>, vector<1000x256xf32> -> vector<1000x256xf32>
    %add3A_39 = arith.addf %add3A_28, %dot_general3A_38 : vector<1000x256xf32>
    %get3A_40 = arith.constant 0 : index
    %get3A_41 = arith.constant 0 : index
    %get3A_42 = vector.load %arg7[%get3A_40, %get3A_41] : memref<1000x64xf32, #tpu.memory_space<vmem>>, vector<1000x64xf32>
    %get3A_43 = arith.constant 0 : index
    %get3A_44 = arith.constant 64 : index
    %get3A_45 = vector.load %arg12[%get3A_43, %get3A_44] : memref<256x256xf32, #tpu.memory_space<vmem>>, vector<256x64xf32>
    %dot_general3A_46 = arith.constant dense<0.000000e+00> : vector<1000x256xf32>
    %dot_general3A_47 = tpu.matmul %get3A_42, %get3A_45, %dot_general3A_46 {dimension_numbers = #tpu.dot_dimension_numbers<[1], [1], [0], [0], [0, 0, 1, 0], [], []>, transpose_lhs_hint = false} : vector<1000x64xf32>, vector<256x64xf32>, vector<1000x256xf32> -> vector<1000x256xf32>
    %add3A_48 = arith.addf %add3A_39, %dot_general3A_47 : vector<1000x256xf32>
    %get3A_49 = arith.constant 0 : index
    %get3A_50 = arith.constant 0 : index
    %get3A_51 = vector.load %arg3[%get3A_49, %get3A_50] : memref<1000x64xf32, #tpu.memory_space<vmem>>, vector<1000x64xf32>
    %mul3A_52 = vector.broadcast %div3A_5 : vector<1000x1xf32> to vector<1000x64xf32>
    %mul3A_53 = arith.mulf %get3A_51, %mul3A_52 : vector<1000x64xf32>
    %get3A_54 = arith.constant 0 : index
    %get3A_55 = arith.constant 128 : index
    %get3A_56 = vector.load %arg10[%get3A_54, %get3A_55] : memref<256x256xf32, #tpu.memory_space<vmem>>, vector<256x64xf32>
    %dot_general3A_57 = arith.constant dense<0.000000e+00> : vector<1000x256xf32>
    %dot_general3A_58 = tpu.matmul %mul3A_53, %get3A_56, %dot_general3A_57 {dimension_numbers = #tpu.dot_dimension_numbers<[1], [1], [0], [0], [0, 0, 1, 0], [], []>, transpose_lhs_hint = false} : vector<1000x64xf32>, vector<256x64xf32>, vector<1000x256xf32> -> vector<1000x256xf32>
    %add3A_59 = arith.addf %add3A_48, %dot_general3A_58 : vector<1000x256xf32>
    %get3A_60 = arith.constant 0 : index
    %get3A_61 = arith.constant 0 : index
    %get3A_62 = vector.load %arg8[%get3A_60, %get3A_61] : memref<1000x64xf32, #tpu.memory_space<vmem>>, vector<1000x64xf32>
    %get3A_63 = arith.constant 0 : index
    %get3A_64 = arith.constant 128 : index
    %get3A_65 = vector.load %arg12[%get3A_63, %get3A_64] : memref<256x256xf32, #tpu.memory_space<vmem>>, vector<256x64xf32>
    %dot_general3A_66 = arith.constant dense<0.000000e+00> : vector<1000x256xf32>
    %dot_general3A_67 = tpu.matmul %get3A_62, %get3A_65, %dot_general3A_66 {dimension_numbers = #tpu.dot_dimension_numbers<[1], [1], [0], [0], [0, 0, 1, 0], [], []>, transpose_lhs_hint = false} : vector<1000x64xf32>, vector<256x64xf32>, vector<1000x256xf32> -> vector<1000x256xf32>
    %add3A_68 = arith.addf %add3A_59, %dot_general3A_67 : vector<1000x256xf32>
    %get3A_69 = arith.constant 0 : index
    %get3A_70 = arith.constant 0 : index
    %get3A_71 = vector.load %arg4[%get3A_69, %get3A_70] : memref<1000x64xf32, #tpu.memory_space<vmem>>, vector<1000x64xf32>
    %mul3A_72 = vector.broadcast %div3A_5 : vector<1000x1xf32> to vector<1000x64xf32>
    %mul3A_73 = arith.mulf %get3A_71, %mul3A_72 : vector<1000x64xf32>
    %get3A_74 = arith.constant 0 : index
    %get3A_75 = arith.constant 192 : index
    %get3A_76 = vector.load %arg10[%get3A_74, %get3A_75] : memref<256x256xf32, #tpu.memory_space<vmem>>, vector<256x64xf32>
    %dot_general3A_77 = arith.constant dense<0.000000e+00> : vector<1000x256xf32>
    %dot_general3A_78 = tpu.matmul %mul3A_73, %get3A_76, %dot_general3A_77 {dimension_numbers = #tpu.dot_dimension_numbers<[1], [1], [0], [0], [0, 0, 1, 0], [], []>, transpose_lhs_hint = false} : vector<1000x64xf32>, vector<256x64xf32>, vector<1000x256xf32> -> vector<1000x256xf32>
    %add3A_79 = arith.addf %add3A_68, %dot_general3A_78 : vector<1000x256xf32>
    %get3A_80 = arith.constant 0 : index
    %get3A_81 = arith.constant 0 : index
    %get3A_82 = vector.load %arg9[%get3A_80, %get3A_81] : memref<1000x64xf32, #tpu.memory_space<vmem>>, vector<1000x64xf32>
    %get3A_83 = arith.constant 0 : index
    %get3A_84 = arith.constant 192 : index
    %get3A_85 = vector.load %arg12[%get3A_83, %get3A_84] : memref<256x256xf32, #tpu.memory_space<vmem>>, vector<256x64xf32>
    %dot_general3A_86 = arith.constant dense<0.000000e+00> : vector<1000x256xf32>
    %dot_general3A_87 = tpu.matmul %get3A_82, %get3A_85, %dot_general3A_86 {dimension_numbers = #tpu.dot_dimension_numbers<[1], [1], [0], [0], [0, 0, 1, 0], [], []>, transpose_lhs_hint = false} : vector<1000x64xf32>, vector<256x64xf32>, vector<1000x256xf32> -> vector<1000x256xf32>
    %add3A_88 = arith.addf %add3A_79, %dot_general3A_87 : vector<1000x256xf32>
    %swap3A = arith.constant 0 : index
    %swap3A_89 = arith.constant 0 : index
    %swap3A_90 = vector.load %arg13[%swap3A, %swap3A_89] : memref<1000x256xf32, #tpu.memory_space<vmem>>, vector<1000x256xf32>
    tpu.vector_store %arg13[%swap3A, %swap3A_89], %add3A_88 {strides = array<i32>} : memref<1000x256xf32, #tpu.memory_space<vmem>>, vector<1000x256xf32>,
    return
  }
  func.func @transform_0(%arg0: i32) -> (i32, i32) {
    %add3A = arith.constant 0 : i32
    %add3A_0 = arith.addi %add3A, %arg0 : i32
    %c0_i32 = arith.constant 0 : i32
    %c0_i32_1 = arith.constant 0 : i32
    return %add3A_0, %c0_i32 : i32, i32
  }
  func.func @transform_1(%arg0: i32) -> (i32, i32) {
    %add3A = arith.constant 10 : i32
    %add3A_0 = arith.addi %add3A, %arg0 : i32
    %c0_i32 = arith.constant 0 : i32
    %c0_i32_1 = arith.constant 0 : i32
    return %add3A_0, %c0_i32 : i32, i32
  }
  func.func @transform_2(%arg0: i32) -> (i32, i32) {
    %add3A = arith.constant 20 : i32
    %add3A_0 = arith.addi %add3A, %arg0 : i32
    %c0_i32 = arith.constant 0 : i32
    %c0_i32_1 = arith.constant 0 : i32
    return %add3A_0, %c0_i32 : i32, i32
  }
  func.func @transform_3(%arg0: i32) -> (i32, i32) {
    %add3A = arith.constant 30 : i32
    %add3A_0 = arith.addi %add3A, %arg0 : i32
    %c0_i32 = arith.constant 0 : i32
    %c0_i32_1 = arith.constant 0 : i32
    return %add3A_0, %c0_i32 : i32, i32
  }
  func.func @transform_4(%arg0: i32) -> (i32, i32) {
    %c0_i32 = arith.constant 0 : i32
    %c0_i32_0 = arith.constant 0 : i32
    return %arg0, %c0_i32 : i32, i32
  }
  func.func @transform_5(%arg0: i32) -> (i32, i32) {
    %add3A = arith.constant 0 : i32
    %add3A_0 = arith.addi %add3A, %arg0 : i32
    %c0_i32 = arith.constant 0 : i32
    %c0_i32_1 = arith.constant 0 : i32
    return %add3A_0, %c0_i32 : i32, i32
  }
  func.func @transform_6(%arg0: i32) -> (i32, i32) {
    %add3A = arith.constant 10 : i32
    %add3A_0 = arith.addi %add3A, %arg0 : i32
    %c0_i32 = arith.constant 0 : i32
    %c0_i32_1 = arith.constant 0 : i32
    return %add3A_0, %c0_i32 : i32, i32
  }
  func.func @transform_7(%arg0: i32) -> (i32, i32) {
    %add3A = arith.constant 20 : i32
    %add3A_0 = arith.addi %add3A, %arg0 : i32
    %c0_i32 = arith.constant 0 : i32
    %c0_i32_1 = arith.constant 0 : i32
    return %add3A_0, %c0_i32 : i32, i32
  }
  func.func @transform_8(%arg0: i32) -> (i32, i32) {
    %add3A = arith.constant 30 : i32
    %add3A_0 = arith.addi %add3A, %arg0 : i32
    %c0_i32 = arith.constant 0 : i32
    %c0_i32_1 = arith.constant 0 : i32
    return %add3A_0, %c0_i32 : i32, i32
  }
  func.func @transform_9(%arg0: i32) -> (i32, i32) {
    %c0_i32 = arith.constant 0 : i32
    %c0_i32_0 = arith.constant 0 : i32
    %c0_i32_1 = arith.constant 0 : i32
    return %c0_i32, %c0_i32_0 : i32, i32
  }
  func.func @transform_10(%arg0: i32) -> (i32, i32) {
    %c0_i32 = arith.constant 0 : i32
    %c0_i32_0 = arith.constant 0 : i32
    %c0_i32_1 = arith.constant 0 : i32
    return %c0_i32, %c0_i32_0 : i32, i32
  }
  func.func @transform_11(%arg0: i32) -> (i32, i32) {
    %c0_i32 = arith.constant 0 : i32
    %c0_i32_0 = arith.constant 0 : i32
    %c0_i32_1 = arith.constant 0 : i32
    return %c0_i32, %c0_i32_0 : i32, i32
  }
  func.func @transform_12(%arg0: i32) -> (i32, i32) {
    %c0_i32 = arith.constant 0 : i32
    %c0_i32_0 = arith.constant 0 : i32
    return %arg0, %c0_i32 : i32, i32
  }
}

</mosaic_0001>

<sc_bundles>
// kernel: kernel.5.cloned.1.call-start
scs
__scs_entry_jumppad:
0x0: {  	(pc) =	sbr.rel $0x88, $3  }
0x1: {  	(tag) =	ssettag $0x0;
	lr =	simm.s32 $0x1  }
0x2: {  	[smem:$0x3F9A] =	sst lr;
	_ =	strace $0xD0000000  }
0x3: {  	_ = 	snop  }
0x4: {  	_ = 	snop  }
0x5: {  	_ = 	snop  }
0x6: {  	_ = 	snop  }
0x7: {  	_ = 	snop  }
__scs_overlays_trampoline_lowered:
0x8: {  	[smem:$0x3FA9] =	sst s0  }
0x9: {  	[smem:$0x3FAA] =	sst s1  }
0xa: {  	[smem:$0x3FAB] =	sst s2  }
0xb: {  	[smem:$0x3FAC] =	sst s3  }
0xc: {  	[smem:$0x3FAD] =	sst s4  }
0xd: {  	[smem:$0x3FAE] =	sst s5  }
0xe: {  	[smem:$0x3FAF] =	sst s6  }
0xf: {  	[smem:$0x3FB0] =	sst s7  }
0x10: {  	[smem:$0x3FB1] =	sst s8  }
0x11: {  	[smem:$0x3FB2] =	sst s9;
	s0 =	simm.s32 @!p0 $0x0  }
0x12: {  	s1 =	sld [smem:$0x3F98];
	s0 =	simm.s32 @p0 $0x1  }
0x13: {  	[smem:$0x3FB3] =	sst s0;
	s0 =	simm.s32 @!p1 $0x0  }
0x14: {  	s2 =	sld [smem:$0x3F97];
	s0 =	simm.s32 @p1 $0x1  }
0x15: {  	[smem:$0x3FB4] =	sst s0;
	s0 =	simm.s32 @!p2 $0x0  }
0x16: {  	s3 =	sld [smem:$0x3FDB];
	s0 =	simm.s32 @p2 $0x1  }
0x17: {  	s4 =	simm.s32 $0x1BF5;
	[smem:$0x3FB6] =	sst s0  }
0x18: {  	s0 =	sld [smem:$0x3F99];
	_ =	swait.ge [sflag:s4], $0x0  }
0x19: {  	s7 =	sld [smem:$0x3F9A]  }
0x1a: {  	s8 =	sadd.s32 $0xFFFFE003, lr  }
0x1b: {  	s9 =	sadd.s32 $0xFFFFFEF7, lr;
	s5 =	simm.s32 $0xFFFFFFFF;
	p2 =	slt.u32 s8, $0xFFFFF086  }
0x1c: {  	p1 =	slt.u32 s9, $0xF7A;
	s5 =	simm.s32 @!p2 $0x0  }
0x1d: {  	s5 =	simm.s32 @p1 $0x1;
	p0 =	seq.s32 s7, s2  }
0x1e: {  	s7 =	smul.u32 @!p0 $0xF7A, s2;
	p2 =	seq.s32 @!p0 s5, $0x0  }
0x1f: {  	s9 =	smul.u32 $0xF7A, s1;
	s8 =	simm.s32 @!p0 $0x1BF5;
	p2 =	por !p2, p0  }
0x20: {  	[sflag:s8] =	ssyncset.s32 @!p0 $0xFFFFF086;
	s6 =	sadd.s32 @!p0 s3, s7;
	s7 =	simm.s32 @!p0 $0x108  }
0x21: {  	s3 =	sadd.s32 s3, s9;
	s6 =	sadd.s32 @!p0 $0x88, s6;
	s7 =	simm.s32 @p2 $0x1082  }
0x22: {  	[simem:s7], [sflag:s8] =	dma.local @!p0 [hbm:s6], $0xF7A  }
0x23: {  	s9 =	sor.u32 $0xD0000000, s2;
	s6 =	simm.s32 $0x108;
	_ =	swait.ge @!p0 [sflag:s8], $0x0  }
0x24: {  	s3 =	sadd.s32 $0x88, s3;
	s6 =	simm.s32 @!p1 $0x1082;
	[sflag:s4] =	ssyncset.s32 $0xFFFFF086  }
0x25: {  	[simem:s6], [sflag:s4] =	dma.local [hbm:s3], $0xF7A  }
0x26: {  	[smem:$0x3F9A] =	sst s1;
	(tag) =	ssettag s2;
	_ =	strace s9  }
0x27: {  	s1 =	sld [smem:$0x3FAA]  }
0x28: {  	s2 =	sld [smem:$0x3FAB]  }
0x29: {  	s4 =	sld [smem:$0x3FAD]  }
0x2a: {  	p0 =	seq.s32 s5, $0x0;
	s5 =	sld [smem:$0x3FAE]  }
0x2b: {  	s6 =	sld [smem:$0x3FAF]  }
0x2c: {  	s7 =	sld [smem:$0x3FB0]  }
0x2d: {  	s3 =	simm.s32 $0x108;
	s8 =	sld [smem:$0x3FB1]  }
0x2e: {  	s3 =	simm.s32 @!p0 $0x1082;
	s9 =	sld [smem:$0x3FB2]  }
0x2f: {  	lr =	sadd.s32 s0, s3;
	s0 =	sld [smem:$0x3FA9]  }
0x30: {  	s3 =	sld [smem:$0x3FAC]  }
0x31: {  	[smem:$0x3FB5] =	sst s10  }
0x32: {  	s10 =	sld [smem:$0x3FB3];
	_ =	sdelay $0x3  }
0x33: {  	p0 =	seq.s32 s10, $0x1;
	s10 =	sld [smem:$0x3FB5];
	_ =	sdelay $0x3  }
0x34: {  	[smem:$0x3FB5] =	sst s10  }
0x35: {  	s10 =	sld [smem:$0x3FB4];
	_ =	sdelay $0x3  }
0x36: {  	p1 =	seq.s32 s10, $0x1;
	s10 =	sld [smem:$0x3FB5];
	_ =	sdelay $0x3  }
0x37: {  	[smem:$0x3FB5] =	sst s10  }
0x38: {  	s10 =	sld [smem:$0x3FB6]  }
0x39: {  	_ = 	snop;
	(pc) =	sbr.ind lr, $3  }
0x3a: {  	_ = 	snop  }
0x3b: {  	_ = 	snop  }
0x3c: {  	p2 =	seq.s32 s10, $0x1;
	s10 =	sld [smem:$0x3FB5]  }
0x3d: {  	_ =	shalt  }
0x3e: {  	_ =	shalt  }
0x3f: {  	_ =	shalt  }
0x40: {  	_ =	shalt  }
0x41: {  	_ =	shalt  }
0x42: {  	_ =	shalt  }
0x43: {  	_ =	shalt  }
0x44: {  	_ =	shalt  }
0x45: {  	_ =	shalt  }
0x46: {  	_ =	shalt  }
0x47: {  	_ =	shalt  }
0x48: {  	_ =	shalt  }
0x49: {  	_ =	shalt  }
0x4a: {  	_ =	shalt  }
0x4b: {  	_ =	shalt  }
0x4c: {  	_ =	shalt  }
0x4d: {  	_ =	shalt  }
0x4e: {  	_ =	shalt  }
0x4f: {  	_ =	shalt  }
0x50: {  	_ =	shalt  }
0x51: {  	_ =	shalt  }
0x52: {  	_ =	shalt  }
0x53: {  	_ =	shalt  }
0x54: {  	_ =	shalt  }
0x55: {  	_ =	shalt  }
0x56: {  	_ =	shalt  }
0x57: {  	_ =	shalt  }
0x58: {  	_ =	shalt  }
0x59: {  	_ =	shalt  }
0x5a: {  	_ =	shalt  }
0x5b: {  	_ =	shalt  }
0x5c: {  	_ =	shalt  }
0x5d: {  	_ =	shalt  }
0x5e: {  	_ =	shalt  }
0x5f: {  	_ =	shalt  }
0x60: {  	_ =	shalt  }
0x61: {  	_ =	shalt  }
0x62: {  	_ =	shalt  }
0x63: {  	_ =	shalt  }
0x64: {  	_ =	shalt  }
0x65: {  	_ =	shalt  }
0x66: {  	_ =	shalt  }
0x67: {  	_ =	shalt  }
0x68: {  	_ =	shalt  }
0x69: {  	_ =	shalt  }
0x6a: {  	_ =	shalt  }
0x6b: {  	_ =	shalt  }
0x6c: {  	_ =	shalt  }
0x6d: {  	_ =	shalt  }
0x6e: {  	_ =	shalt  }
0x6f: {  	_ =	shalt  }
0x70: {  	_ =	shalt  }
0x71: {  	_ =	shalt  }
0x72: {  	_ =	shalt  }
0x73: {  	_ =	shalt  }
0x74: {  	_ =	shalt  }
0x75: {  	_ =	shalt  }
0x76: {  	_ =	shalt  }
0x77: {  	_ =	shalt  }
0x78: {  	_ =	shalt  }
0x79: {  	_ =	shalt  }
0x7a: {  	_ =	shalt  }
0x7b: {  	_ =	shalt  }
0x7c: {  	_ =	shalt  }
0x7d: {  	_ =	shalt  }
0x7e: {  	_ =	shalt  }
0x7f: {  	_ =	shalt  }
0x80: {  	_ =	shalt  }
0x81: {  	_ =	shalt  }
0x82: {  	_ =	shalt  }
0x83: {  	_ =	shalt  }
0x84: {  	_ =	shalt  }
0x85: {  	_ =	shalt  }
0x86: {  	_ =	shalt  }
0x87: {  	_ =	shalt  }
.Lfunc_end0:
.L_simem_size_0:
called_computation_lowered:
.L_overlay_start_0:
0x88: {  	s2 =	sld [smem:$0x3FD9]  }
0x89: {  	s3 =	sld [smem:$0x3FFE];
	_ =	sdelay $0x1  }
0x8a: {  	s1 =	srdreg.scid  }
0x8b: {  	s0 =	sand.u32 $0x1, s1  }
0x8c: {  	s17 =	sshll.u32 s0, $0xA;
	s2 =	sadd.s32 s3, s2  }
0x8d: {  	s2 =	sadd.s32 s2, s17  }
0x8e: {  	[smem:$0x3FC1] =	sst s2  }
0x8f: {  	_ = 	snop  }
0x90: {  	s2 =	sld [smem:$0x3FD0];
	(tm) =	ssettm $0x1  }
0x91: {  	s18 =	sld [smem:$0x3FFB];
	_ =	sdelay $0x3  }
0x92: {  	_ =	strace s18  }
0x93: {  	s3 =	sld [smem:$0x3FFC];
	_ =	sdelay $0x3  }
0x94: {  	_ =	strace s3  }
0x95: {  	s3 =	sld [smem:$0x3FFD];
	_ =	sdelay $0x3  }
0x96: {  	_ =	strace s3  }
0x97: {  	_ =	strace $0x8FFFFFFF  }
0x98: {  	s19 =	sld [smem:$0x3FDB];
	_ =	sdelay $0x1  }
0x99: {  	s4 =	simm.s32 $_scs_section_size  }
0x9a: {  	s5 =	simm.s32 $_size__tile_overlayer_lowered;
	s6 =	simm.s32 $_tile_overlayer_lowered  }
0x9b: {  	s22 =	simm.s32 $0x1BFF;
	s21 =	sshll.u32 s6, $0x1;
	s3 =	sadd.s32 s4, s19  }
0x9c: {  	s7 =	simm.s32 $0x0;
	s20 =	sshll.u32 s5, $0x1;
	s5 =	sadd.s32 s21, s3  }
0x9d: {  	[timem:s7], [sflag:s22] =	dma.local [hbm:s5], s20  }
0x9e: {  	_ =	swait.ge [sflag:s22], s20  }
0x9f: {  	s4 =	ssub.s32 $0x0, s20;
	[sflag:s22] =	ssyncset.done $0x0  }
0xa0: {  	[sflag:s22] =	ssyncadd.s32 s4;
	_ =	sdelay $0x1  }
0xa1: {  	s23 =	simm.s32 $0x1B8B  }
0xa2: {  	_ =	swait.ge [sflag:s23], $0x1  }
0xa3: {  	[sflag:s23] =	ssyncset.done $0x0  }
0xa4: {  	s25 =	simm.s32 $0x1B8E;
	s24 =	sld [smem:$0x3FFE];
	[sflag:s23] =	ssyncadd.s32 $0xFFFFFFFF  }
0xa5: {  	s26 =	simm.s32 $execute0_lowered;
	[smem:$0x3FD2] =	sst s25  }
0xa6: {  	s5 =	sshll.u32 s26, $0x1;
	_ =	strace $0x80000046;
	[dreg:$0x1] =	wrdreg $0xFFFFFFFF  }
0xa7: {  	s28 =	simm.s32 $_size_execute0_lowered;
	s3 =	sadd.s32 s3, s5;
	[dreg:$0x0] =	wrdreg $0x0  }
0xa8: {  	s5 =	sshll.u32 s28, $0x1;
	[dreg:$0x2] =	wrdreg s3  }
0xa9: {  	[dreg:$0x3] =	wrdreg s5  }
0xaa: {  	[dreg:$0x4] =	wrdreg $0xC0  }
0xab: {  	_ =	task [dreg:s7], $0x5FFFF  }
0xac: {  	[dreg:$0x1] =	wrdreg $0xFFFFFFFF  }
0xad: {  	[dreg:$0x0] =	wrdreg $0x60  }
0xae: {  	[dreg:$0x2] =	wrdreg s24  }
0xaf: {  	[dreg:$0x3] =	wrdreg s2  }
0xb0: {  	[dreg:$0x4] =	wrdreg $0x199900  }
0xb1: {  	[dreg:$0x5] =	wrdreg $0x1E7D00  }
0xb2: {  	[dreg:$0x6] =	wrdreg $0x9  }
0xb3: {  	_ =	task.clear_ibuf [dreg:s7], $0x7FFFF;
	_ =	strace $0x90000046  }
0xb4: {  	s29 =	simm.s32 $0x9;
	_ =	strace $0x80000048  }
0xb5: {  	_ =	swait.ge [sflag:s29], $0x1  }
0xb6: {  	[sflag:s29] =	ssyncadd.s32 $0xFFFFFFFF  }
0xb7: {  	_ =	strace $0x90000048  }
0xb8: {  	_ =	sfence  }
0xb9: {  	s30 =	sld [smem:$0x0];
	_ =	sdelay $0x2  }
0xba: {  	s31 =	sshll.u32 s1, $0xD;
	s1 =	sshrl.u32 s1, $0x2  }
0xbb: {  	s3 =	sand.u32 $0x4000, s31;
	s1 =	sadd.s32 s1, s30  }
0xbc: {  	s0 =	sor.u32 s3, s0;
	s1 =	sshll.u32 s1, $0x11  }
0xbd: {  	s0 =	sor.u32 s1, s0  }
0xbe: {  	s0 =	sadd.s32 $0x8F2B, s0  }
0xbf: {  	[sflag:s0] =	ssyncadd.remote.s32 $0x1  }
0xc0: {  	_ =	sfence.sel $0xFFFF  }
0xc1: {  	[dreg:$0x0] =	wrdreg $0xFFFFFFFF;
	(pc) =	sbr.abs _section_cstart, $3  }
0xc2: {  	[dreg:$0x1] =	wrdreg $0xFFFFFFFF  }
0xc3: {  	_ =	task.clear_ibuf [dreg:s7], $0x2FFFF;
	_ =	strace $0x9FFFFFFF  }
0xc4: {  	(tm) =	ssettm $0x7FFFFFFF  }
0xc5: {  	_ =	shalt  }
tec
execute0_lowered:
.L_overlay_start_1:
0x0: {  	(tag) =	ssettag $0x1  }
0x1: {  	s0 =	rddreg [dreg:$0x0]  }
0x2: {  	s1 =	rddreg [dreg:$0x1]  }
0x3: {  	s2 =	rddreg [dreg:$0x2]  }
0x4: {  	s3 =	rddreg [dreg:$0x3];
	s4 =	simm.s32 $0x0  }
0x5: {  	s5 =	stileid.u32;
	s20 =	srdreg.scid;
	s29 =	simm.s32 $0x7900  }
0x6: {  	s30 =	simm.s32 $0x5000;
	s31 =	simm.s32 $0x1;
	s28 =	simm.s32 $0x80  }
0x7: {  	[smem:$0x7FF] =	sst s4;
	s6 =	smul.u32 $0x500, s5;
	s7 =	sadd.s32 $0xA7600, s0  }
0x8: {  	s8 =	sadd.s32 $0xA7200, s0;
	s21 =	sadd.s32 $0xA7000, s0;
	s11 =	smul.u32 $0x13800, s5  }
0x9: {  	s12 =	smul.u32 $0x138, s5;
	_ =	strace $0x80000047;
	[dreg:$0x5] =	wrdreg s7  }
0xa: {  	s22 =	sadd.s32 $0xAD000, s0;
	s13 =	smul.u32 $0x4E00, s5;
	[dreg:$0x6] =	wrdreg s8  }
0xb: {  	s26 =	sadd.s32 $0x13800, s3;
	p0 =	sne.s32 s5, $0x0;
	[dreg:$0x7] =	wrdreg s21  }
0xc: {  	s5 =	simm.s32 $0xA210;
	s7 =	sand.u32 $0x1, s20;
	[dreg:$0xa] =	wrdreg s26  }
0xd: {  	s8 =	simm.s32 $0xC210;
	s6 =	sadd.s32 s6, s0;
	s9 =	ssub.s32 $0x2, s7  }
0xe: {  	s14 =	smul.u32 $0x1388, s7;
	s0 =	sadd.s32 $0xA8000, s0;
	s24 =	sshrl.u32 s11, $0x2  }
0xf: {  	s11 =	sadd.s32 $0x4E000, s2;
	s25 =	smul.u32 $0x4E200, s7;
	s13 =	sshrl.u32 s13, $0x2  }
0x10: {  	s7 =	smul.u32 $0x13880, s7;
	s10 =	sshrl.u32 s9, $0x1;
	s23 =	sadd.s32 $0xA2000, s6  }
0x11: {  	s6 =	sadd.s32 $0x9D000, s6;
	s9 =	ssub.s32 s9, s10;
	[dreg:$0x8] =	wrdreg s23  }
0x12: {  	[dreg:$0x9] =	wrdreg s6;
	s10 =	sadd.s32 s24, s2;
	s15 =	sadd.s32 s12, s14  }
0x13: {  	s12 =	sadd.s32 s13, s3;
	s6 =	sshrl.u32 s25, $0x3;
	s7 =	sshrl.u32 s7, $0x3  }
0x14: {  	s13 =	simm.s32 $0x13810;
	s6 =	sadd.s32 s22, s6;
	s26 =	smax.u32 s9, $0x1  }
0x15: {  	s17 =	sshll.u32 s15, $0x1;
	s18 =	sadd.s32 $0x9C00, s6;
	[dreg:$0x15] =	wrdreg s26  }
0x16: {  	s7 =	sadd.s32 s0, s7;
	s0 =	sadd.s32 s0, s17;
	[dreg:$0xc] =	wrdreg s18  }
0x17: {  	s16 =	sshll.u32 s15, $0x3;
	s19 =	sadd.s32 $0x2700, s7;
	[dreg:$0xd] =	wrdreg s0  }
0x18: {  	s15 =	simm.s32 $0x2;
	s21 =	sadd.s32 $0x1D480, s6;
	[dreg:$0xe] =	wrdreg s19  }
0x19: {  	s16 =	sadd.s32 s22, s16;
	s23 =	sadd.s32 $0x30D00, s6;
	[dreg:$0x10] =	wrdreg s21  }
0x1a: {  	s25 =	sadd.s32 $0x44580, s6;
	s26 =	simm.s32 $0x6;
	[dreg:$0x12] =	wrdreg s23  }
.Ltmp0:
0x1b: {  	s17 =	simm.s32 $0x4;
	[dreg:$0xb] =	wrdreg s16;
	(pc) =	sbr.rel .LBB2_1-.Ltmp0, $4  }
0x1c: {  	s20 =	sadd.s32 $0x13880, s16;
	s22 =	sadd.s32 $0x27100, s16;
	[dreg:$0x14] =	wrdreg s25  }
0x1d: {  	s24 =	sadd.s32 $0x3A980, s16;
	s25 =	simm.s32 $0xE210;
	[dreg:$0xf] =	wrdreg s20  }
0x1e: {  	v1 =	vimm.s32 $0x0;
	s16 =	simm.s32 $0x3;
	s18 =	simm.s32 $0x5;
	[dreg:$0x11] =	wrdreg s22  }
0x1f: {  	v2 =	vlaneseq.u32;
	v3 =	vimm.s32 $0x1388;
	v0 =	vmov s14;
	s19 =	simm.s32 $0xEA10;
	s21 =	simm.s32 $0x0;
	[dreg:$0x13] =	wrdreg s24  }
.LBB2_37:
0x20: {  	[sflag:s15] =	ssyncadd.s32 $0xFFFFE000;
	s13 =	simm.s32 $0x13810  }
0x21: {  	[spmem:s2] =	stream.indirect.scatter.add.f32 [tilespmem:s8], [sflag:$0x4], $0x40, s6, s28, $0xb8;
	[tilespmem:$0x1FB60] =	vst v63  }
.LBB2_38:
0x22: {  	_ =	swait.ge [sflag:s16], $0x2000  }
0x23: {  	[sflag:s16] =	ssyncset.done $0x0  }
0x24: {  	[sflag:s16] =	ssyncadd.s32 $0xFFFFE000  }
0x25: {  	_ =	swait.ge [sflag:s17], $0x2000  }
0x26: {  	[sflag:s17] =	ssyncset.done $0x0  }
0x27: {  	[sflag:s17] =	ssyncadd.s32 $0xFFFFE000  }
.LBB2_39:
0x28: {  	[bflag:$0x0] =	sbarrier.arrive $0xFFFF  }
0x29: {  	[tilespmem:s19], [sflag:$0x6] =	stream.linear.gather [spmem:s10], $0x4E00, $0x38;
	[tilespmem:$0x1FB60] =	vst v63  }
0x2a: {  	_ =	swait.ge [sflag:s26], $0x4E00  }
0x2b: {  	[sflag:s26] =	ssyncset.done $0x0  }
0x2c: {  	s0 =	rddreg [dreg:$0x13];
	[sflag:s26] =	ssyncadd.s32 $0xFFFFB200  }
0x2d: {  	[hbm4b:s0+s4] =	stream.linear.scatter [tilespmem:s19], [sflag:$0x6], $0x4E00, $0x38;
	[tilespmem:$0x1FB60] =	vst v63  }
0x2e: {  	_ =	swait.ge [sflag:s26], $0x4E00  }
0x2f: {  	[sflag:s26] =	ssyncset.done $0x0  }
0x30: {  	s0 =	simm.s32 @!p0 $0xEA10;
	[sflag:s26] =	ssyncadd.s32 $0xFFFFB200  }
0x31: {  	[tilespmem:s0], [sflag:$0x6] =	stream.linear.gather @!p0 [spmem:s11], $0x200, $0x38;
	[tilespmem:$0x1FB60] =	vst v63  }
0x32: {  	_ =	swait.ge @!p0 [sflag:s20], $0x200  }
0x33: {  	[sflag:s20] =	ssyncset.done @!p0 $0x0  }
0x34: {  	s6 =	simm.s32 @!p0 $0x0;
	s7 =	rddreg [dreg:$0x14];
	[sflag:s20] =	ssyncadd.s32 @!p0 $0xFFFFFE00  }
0x35: {  	[hbm4b:s7+s6] =	stream.linear.scatter @!p0 [tilespmem:s0], [sflag:$0x6], $0x200, $0x38;
	[tilespmem:$0x1FB60] =	vst v63  }
0x36: {  	_ =	swait.ge @!p0 [sflag:s20], $0x200  }
0x37: {  	s21 =	sadd.s32 $0x1, s21;
	s24 =	rddreg [dreg:$0x15]  }
0x38: {  	p1 =	sne.s32 s21, s24  }
.Ltmp1:
0x39: {  	_ = 	snop;
	(pc) =	sbr.rel @!p1 .LBB2_40-.Ltmp1, $3  }
0x3a: {  	_ =	sdelay $0x1  }
0x3b: {  	[sflag:s20] =	ssyncset.done @!p0 $0x0  }
0x3c: {  	[sflag:s20] =	ssyncadd.s32 @!p0 $0xFFFFFE00  }
.LBB2_1:
0x3d: {  	s0 =	rddreg [dreg:$0x7]  }
0x3e: {  	[tilespmem:s25], [sflag:$0x6] =	stream.linear.gather [hbm4b:s0+s4], $0x800, $0x38;
	[tilespmem:$0x1FB60] =	vst v63  }
0x3f: {  	_ =	swait.ge [sflag:s26], $0x800  }
0x40: {  	[sflag:s26] =	ssyncset.done $0x0  }
0x41: {  	s23 =	rddreg [dreg:$0x8];
	[sflag:s26] =	ssyncadd.s32 $0xFFFFF800  }
0x42: {  	[tilespmem:s4], [sflag:$0x6] =	stream.linear.gather [hbm4b:s23+s4], $0x2800, $0x38;
	[tilespmem:$0x1FB60] =	vst v63  }
0x43: {  	_ =	swait.ge [sflag:s26], $0x2800  }
0x44: {  	[sflag:s26] =	ssyncset.done $0x0  }
0x45: {  	s6 =	simm.s32 $0x2800;
	s24 =	rddreg [dreg:$0x9];
	[sflag:s26] =	ssyncadd.s32 $0xFFFFD800  }
0x46: {  	[tilespmem:s6], [sflag:$0x6] =	stream.linear.gather [hbm4b:s24+s4], $0x2800, $0x38;
	[tilespmem:$0x1FB60] =	vst v63  }
0x47: {  	_ =	swait.ge [sflag:s26], $0x2800  }
0x48: {  	[sflag:s26] =	ssyncset.done $0x0  }
0x49: {  	s20 =	simm.s32 $0x0;
	v4 =	vimm.s32 $0x0;
	[sflag:s26] =	ssyncadd.s32 $0xFFFFD800  }
.LBB2_2:
0x4a: {  	s22 =	sshra.s32 s20, $0x2  }
0x4b: {  	v5 =	vld [tilespmem:s22+$0x2800];
	_ =	sdelay $0x4  }
0x4c: {  	v5 =	vsub.s32 v5, v0  }
0x4d: {  	vm0 =	vlt.u32 v5, $0x1388  }
0x4e: {  	v6 =	vsel vm0, $0x1, v1  }
0x4f: {  	(xrf0) =	vadd.scan.msk.s32 $0xffff, v6;
	_ =	sdelay $0x5  }
0x50: {  	v6, _, _ =	vpop (xrf0)  }
0x51: {  	v6 =	vadd.s32 v6, v4  }
0x52: {  	v6 =	vadd.s32 $0xFFFFFFFF, v6;
	_ =	sdelay $0x4  }
0x53: {  	[tilespmem:v6+s29+$0x0] =	vst.idx.msk vm0, v5  }
0x54: {  	v5 =	vld [tilespmem:s22+$0x0];
	_ =	sdelay $0x4  }
0x55: {  	[tilespmem:v6+s30+$0x0] =	vst.idx.msk vm0, v5  }
0x56: {  	v5 =	vld [tilespmem:s22+$0x2810];
	_ =	sdelay $0x4  }
0x57: {  	v5 =	vsub.s32 v5, v0  }
0x58: {  	vm1 =	vlt.u32 v5, $0x1388  }
0x59: {  	v6 =	vsel vm1, $0x1, v1  }
0x5a: {  	(xrf0) =	vadd.scan.msk.s32 $0xffff, v6;
	_ =	sdelay $0x1  }
0x5b: {  	v6 =	vmpcnt.ones.xlane vm0;
	_ =	sdelay $0x3  }
0x5c: {  	v4 =	vadd.s32 v4, v6;
	v6, _, _ =	vpop (xrf0)  }
0x5d: {  	v6 =	vadd.s32 v6, v4  }
0x5e: {  	v6 =	vadd.s32 $0xFFFFFFFF, v6;
	_ =	sdelay $0x4  }
0x5f: {  	[tilespmem:v6+s29+$0x0] =	vst.idx.msk vm1, v5  }
0x60: {  	v5 =	vld [tilespmem:s22+$0x10];
	_ =	sdelay $0x4  }
0x61: {  	[tilespmem:v6+s30+$0x0] =	vst.idx.msk vm1, v5  }
0x62: {  	v5 =	vld [tilespmem:s22+$0x2820];
	_ =	sdelay $0x4  }
0x63: {  	v5 =	vsub.s32 v5, v0  }
0x64: {  	vm10 =	vlt.u32 v5, $0x1388  }
0x65: {  	v6 =	vsel vm10, $0x1, v1  }
0x66: {  	(xrf0) =	vadd.scan.msk.s32 $0xffff, v6;
	_ =	sdelay $0x1  }
0x67: {  	v6 =	vmpcnt.ones.xlane vm1;
	_ =	sdelay $0x3  }
0x68: {  	v4 =	vadd.s32 v4, v6;
	v6, _, _ =	vpop (xrf0)  }
0x69: {  	v6 =	vadd.s32 v6, v4  }
0x6a: {  	v6 =	vadd.s32 $0xFFFFFFFF, v6;
	_ =	sdelay $0x4  }
0x6b: {  	[tilespmem:v6+s29+$0x0] =	vst.idx.msk vm10, v5  }
0x6c: {  	v5 =	vld [tilespmem:s22+$0x20];
	_ =	sdelay $0x4  }
0x6d: {  	[tilespmem:v6+s30+$0x0] =	vst.idx.msk vm10, v5  }
0x6e: {  	v5 =	vld [tilespmem:s22+$0x2830];
	_ =	sdelay $0x4  }
0x6f: {  	v5 =	vsub.s32 v5, v0  }
0x70: {  	vm11 =	vlt.u32 v5, $0x1388  }
0x71: {  	v6 =	vsel vm11, $0x1, v1  }
0x72: {  	(xrf0) =	vadd.scan.msk.s32 $0xffff, v6;
	_ =	sdelay $0x1  }
0x73: {  	v6 =	vmpcnt.ones.xlane vm10;
	_ =	sdelay $0x3  }
0x74: {  	v4 =	vadd.s32 v4, v6;
	v6, _, _ =	vpop (xrf0)  }
0x75: {  	v6 =	vadd.s32 v6, v4  }
0x76: {  	v6 =	vadd.s32 $0xFFFFFFFF, v6;
	_ =	sdelay $0x4  }
0x77: {  	[tilespmem:v6+s29+$0x0] =	vst.idx.msk vm11, v5  }
0x78: {  	v5 =	vld [tilespmem:s22+$0x30];
	_ =	sdelay $0x4  }
0x79: {  	[tilespmem:v6+s30+$0x0] =	vst.idx.msk vm11, v5  }
0x7a: {  	v5 =	vld [tilespmem:s22+$0x2840];
	_ =	sdelay $0x4  }
0x7b: {  	v5 =	vsub.s32 v5, v0  }
0x7c: {  	vm12 =	vlt.u32 v5, $0x1388  }
0x7d: {  	v6 =	vsel vm12, $0x1, v1  }
0x7e: {  	(xrf0) =	vadd.scan.msk.s32 $0xffff, v6;
	_ =	sdelay $0x1  }
0x7f: {  	v6 =	vmpcnt.ones.xlane vm11;
	_ =	sdelay $0x3  }
0x80: {  	v4 =	vadd.s32 v4, v6;
	v6, _, _ =	vpop (xrf0)  }
0x81: {  	v6 =	vadd.s32 v6, v4  }
0x82: {  	v6 =	vadd.s32 $0xFFFFFFFF, v6;
	_ =	sdelay $0x4  }
0x83: {  	[tilespmem:v6+s29+$0x0] =	vst.idx.msk vm12, v5  }
0x84: {  	v5 =	vld [tilespmem:s22+$0x40];
	_ =	sdelay $0x4  }
0x85: {  	[tilespmem:v6+s30+$0x0] =	vst.idx.msk vm12, v5  }
0x86: {  	v5 =	vld [tilespmem:s22+$0x2850];
	_ =	sdelay $0x4  }
0x87: {  	v5 =	vsub.s32 v5, v0  }
0x88: {  	vm13 =	vlt.u32 v5, $0x1388  }
0x89: {  	v6 =	vsel vm13, $0x1, v1  }
0x8a: {  	(xrf0) =	vadd.scan.msk.s32 $0xffff, v6;
	_ =	sdelay $0x1  }
0x8b: {  	v6 =	vmpcnt.ones.xlane vm12;
	_ =	sdelay $0x3  }
0x8c: {  	v4 =	vadd.s32 v4, v6;
	v6, _, _ =	vpop (xrf0)  }
0x8d: {  	v6 =	vadd.s32 v6, v4  }
0x8e: {  	v6 =	vadd.s32 $0xFFFFFFFF, v6;
	_ =	sdelay $0x4  }
0x8f: {  	[tilespmem:v6+s29+$0x0] =	vst.idx.msk vm13, v5  }
0x90: {  	v5 =	vld [tilespmem:s22+$0x50];
	_ =	sdelay $0x4  }
0x91: {  	[tilespmem:v6+s30+$0x0] =	vst.idx.msk vm13, v5  }
0x92: {  	v5 =	vld [tilespmem:s22+$0x2860];
	_ =	sdelay $0x4  }
0x93: {  	v5 =	vsub.s32 v5, v0  }
0x94: {  	vm14 =	vlt.u32 v5, $0x1388  }
0x95: {  	v6 =	vsel vm14, $0x1, v1  }
0x96: {  	(xrf0) =	vadd.scan.msk.s32 $0xffff, v6;
	_ =	sdelay $0x1  }
0x97: {  	v6 =	vmpcnt.ones.xlane vm13;
	_ =	sdelay $0x3  }
0x98: {  	v4 =	vadd.s32 v4, v6;
	v6, _, _ =	vpop (xrf0)  }
0x99: {  	v6 =	vadd.s32 v6, v4  }
0x9a: {  	v6 =	vadd.s32 $0xFFFFFFFF, v6;
	_ =	sdelay $0x4  }
0x9b: {  	[tilespmem:v6+s29+$0x0] =	vst.idx.msk vm14, v5  }
0x9c: {  	v5 =	vld [tilespmem:s22+$0x60];
	_ =	sdelay $0x4  }
0x9d: {  	[tilespmem:v6+s30+$0x0] =	vst.idx.msk vm14, v5  }
0x9e: {  	v5 =	vld [tilespmem:s22+$0x2870];
	_ =	sdelay $0x4  }
0x9f: {  	v5 =	vsub.s32 v5, v0  }
0xa0: {  	vm15 =	vlt.u32 v5, $0x1388  }
0xa1: {  	v6 =	vsel vm15, $0x1, v1  }
0xa2: {  	(xrf0) =	vadd.scan.msk.s32 $0xffff, v6;
	_ =	sdelay $0x1  }
0xa3: {  	v6 =	vmpcnt.ones.xlane vm14;
	_ =	sdelay $0x3  }
0xa4: {  	v4 =	vadd.s32 v4, v6;
	v6, _, _ =	vpop (xrf0)  }
0xa5: {  	v6 =	vadd.s32 v6, v4  }
0xa6: {  	v6 =	vadd.s32 $0xFFFFFFFF, v6;
	_ =	sdelay $0x4  }
0xa7: {  	[tilespmem:v6+s29+$0x0] =	vst.idx.msk vm15, v5  }
0xa8: {  	p1 =	sne.s32 s20, $0x9E00;
	v5 =	vld [tilespmem:s22+$0x70]  }
.Ltmp2:
0xa9: {  	_ = 	snop;
	(pc) =	sbr.rel @p1 .LBB2_2-.Ltmp2, $3  }
0xaa: {  	_ = 	snop  }
0xab: {  	v7 =	vmpcnt.ones.xlane vm15;
	_ =	sdelay $0x1  }
0xac: {  	s20 =	sadd.s32 $0x200, s20;
	v4 =	vadd.s32 v4, v7;
	[tilespmem:v6+s30+$0x0] =	vst.idx.msk vm15, v5  }
0xad: {  	(v2sf) =	vpush v4, $0x0;
	_ =	sdelay $0xe  }
0xae: {  	s7 =	spop (v2sf)  }
0xaf: {  	s6 =	sadd.s32 $0xFF, s7  }
0xb0: {  	s9 =	sand.u32 $0xFF, s6  }
0xb1: {  	s22 =	sshra.s32 s6, $0x1F;
	p2 =	slt.s32 s6, $0x1;
	p1 =	sne.s32 s9, $0x0  }
0xb2: {  	s9 =	sshrl.u32 s22, $0x18;
	p1 =	por !p2, !p1  }
0xb3: {  	s6 =	sadd.s32 s9, s6;
	s9 =	simm.s32 $0x1;
	p1 =	por !p1, !p1  }
0xb4: {  	s6 =	sshrl.u32 s6, $0x8;
	s9 =	simm.s32 @!p1 $0x0  }
0xb5: {  	s6 =	ssub.s32 s6, s9  }
0xb6: {  	s23 =	sadd.s32 $0x0, s7;
	s24 =	sshll.u32 s6, $0x8  }
0xb7: {  	v5 =	vadd.s32 s23, v2;
	v6 =	vmov s24  }
0xb8: {  	vm0 =	vlt.s32 v5, v6  }
0xb9: {  	[tilespmem:$0xA200] =	vst v4;
	s9 =	simm.s32 $0x10;
	vm1 =	vmmov vm0  }
.LBB2_4:
0xba: {  	p1 =	sne.s32 s9, $0xF0  }
.Ltmp3:
0xbb: {  	_ = 	snop;
	(pc) =	sbr.rel @p1 .LBB2_4-.Ltmp3, $4  }
0xbc: {  	s6 =	sadd.s32 s9, s7  }
0xbd: {  	v4 =	vadd.s32 s6, v2  }
0xbe: {  	[tilespmem:v5+s29+$0x0] =	vst.idx.msk vm0, v3;
	vm0 =	vlt.s32 v4, v6  }
0xbf: {  	s9 =	sadd.s32 $0x10, s9;
	[tilespmem:v5+s30+$0x0] =	vst.idx.msk vm1, v1;
	v5 =	vmov v4;
	vm1 =	vmmov vm0  }
0xc0: {  	_ =	sdelay $0x4  }
0xc1: {  	[tilespmem:v5+s29+$0x0] =	vst.idx.msk vm0, v3  }
0xc2: {  	s0 =	rddreg [dreg:$0x5];
	[tilespmem:v5+s30+$0x0] =	vst.idx.msk vm1, v1  }
0xc3: {  	[tilespmem:s13], [sflag:$0x6] =	stream.linear.gather [hbm4b:s0+s4], $0x4E00, $0x38;
	[tilespmem:$0x1FB60] =	vst v63  }
0xc4: {  	_ =	swait.ge [sflag:s26], $0x4E00  }
0xc5: {  	[sflag:s26] =	ssyncset.done $0x0  }
0xc6: {  	[sflag:s26] =	ssyncadd.s32 $0xFFFFB200  }
0xc7: {  	[spmem:s10] =	stream.linear.scatter [tilespmem:s13], [sflag:$0x6], $0x4E00, $0x38;
	[tilespmem:$0x1FB60] =	vst v63  }
0xc8: {  	_ =	swait.ge [sflag:s26], $0x4E00  }
0xc9: {  	s6 =	simm.s32 @p0 $0x0;
	[sflag:s26] =	ssyncset.done $0x0  }
0xca: {  	s7 =	simm.s32 @p0 $0x18610;
	s0 =	rddreg [dreg:$0x6];
	[sflag:s26] =	ssyncadd.s32 $0xFFFFB200  }
0xcb: {  	[tilespmem:s7], [sflag:$0x6] =	stream.linear.gather @p0 [hbm4b:s0+s6], $0x1380, $0x38;
	[tilespmem:$0x1FB60] =	vst v63  }
0xcc: {  	s6 =	simm.s32 @p0 $0x6  }
0xcd: {  	_ =	swait.ge @p0 [sflag:s6], $0x1380  }
0xce: {  	[sflag:s6] =	ssyncset.done @p0 $0x0  }
0xcf: {  	[sflag:s6] =	ssyncadd.s32 @p0 $0xFFFFEC80  }
0xd0: {  	[spmem:s12] =	stream.linear.scatter @p0 [tilespmem:s7], [sflag:$0x6], $0x1380, $0x38;
	[tilespmem:$0x1FB60] =	vst v63  }
0xd1: {  	_ =	swait.ge @p0 [sflag:s6], $0x1380  }
0xd2: {  	[sflag:s6] =	ssyncset.done @p0 $0x0  }
0xd3: {  	[sflag:s6] =	ssyncadd.s32 @p0 $0xFFFFEC80;
	s6 =	simm.s32 @!p0 $0x13810  }
0xd4: {  	[spmem:s11] =	stream.linear.scatter @!p0 [tilespmem:s6], [sflag:$0x6], $0x200, $0x38;
	[tilespmem:$0x1FB60] =	vst v63  }
0xd5: {  	s6 =	simm.s32 @!p0 $0x6  }
0xd6: {  	_ =	swait.ge @!p0 [sflag:s6], $0x200  }
0xd7: {  	[sflag:s6] =	ssyncset.done @!p0 $0x0  }
0xd8: {  	s9 =	simm.s32 @!p0 $0x18610;
	s7 =	simm.s32 @!p0 $0x0;
	[sflag:s6] =	ssyncadd.s32 @!p0 $0xFFFFFE00  }
0xd9: {  	[tilespmem:s9], [sflag:$0x6] =	stream.linear.gather @!p0 [hbm4b:s0+s7], $0x1380, $0x38;
	[tilespmem:$0x1FB60] =	vst v63  }
0xda: {  	_ =	swait.ge @!p0 [sflag:s6], $0x1380  }
0xdb: {  	[sflag:s6] =	ssyncset.done @!p0 $0x0  }
0xdc: {  	[sflag:s6] =	ssyncadd.s32 @!p0 $0xFFFFEC80  }
0xdd: {  	[spmem:s12] =	stream.linear.scatter @!p0 [tilespmem:s9], [sflag:$0x6], $0x1380, $0x38;
	[tilespmem:$0x1FB60] =	vst v63  }
0xde: {  	_ =	swait.ge @!p0 [sflag:s6], $0x1380  }
0xdf: {  	s22 =	sshra.s32 s24, $0x8;
	[sflag:s6] =	ssyncset.done @!p0 $0x0  }
0xe0: {  	p1 =	slt.s32 s22, $0x1;
	s0 =	rddreg [dreg:$0xa];
	[sflag:s6] =	ssyncadd.s32 @!p0 $0xFFFFEC80  }
0xe1: {  	[spmem:s0] =	stream.linear.scatter @!p0 [tilespmem:s9], [sflag:$0x6], $0x80, $0x38;
	[tilespmem:$0x1FB60] =	vst v63  }
.Ltmp4:
0xe2: {  	_ =	swait.ge @!p0 [sflag:s6], $0x80;
	(pc) =	sbr.rel @p1 .LBB2_11-.Ltmp4, $4  }
0xe3: {  	[sflag:s6] =	ssyncset.done @!p0 $0x0  }
0xe4: {  	[sflag:s6] =	ssyncadd.s32 @!p0 $0xFFFFFF80  }
0xe5: {  	[bflag:$0x0] =	sbarrier.arrive $0xFFFF  }
0xe6: {  	s23 =	sadd.s32 $0xFFFFFFFF, s22  }
0xe7: {  	[tilespmem:s5], [sflag:$0x1] =	stream.indirect.gather [hbm4b:s1+s28], $0x40, s30, s28, $0xb8;
	[tilespmem:$0x1FB60] =	vst v63  }
0xe8: {  	s0 =	simm.s32 $0x5080  }
0xe9: {  	[tilespmem:s8], [sflag:$0x2] =	stream.indirect.gather [hbm4b:s1+s28], $0x40, s0, s28, $0xb8;
	[tilespmem:$0x1FB60] =	vst v63  }
0xea: {  	_ =	swait.ge [sflag:s31], $0x2000  }
0xeb: {  	[sflag:s31] =	ssyncset.done $0x0  }
0xec: {  	[sflag:s31] =	ssyncadd.s32 $0xFFFFE000  }
0xed: {  	[spmem:s2] =	stream.indirect.scatter.add.f32 [tilespmem:s5], [sflag:$0x3], $0x40, s29, s28, $0xb8;
	[tilespmem:$0x1FB60] =	vst v63  }
0xee: {  	p2 =	seq.s32 s24, $0x100  }
0xef: {  	[spmem:s3] =	stream.indirect.scatter.add.f32 [tilespmem:s25], [sflag:$0x5], $0x10, s29, s28, $0xb8;
	[tilespmem:$0x1FB60] =	vst v63  }
0xf0: {  	s20 =	simm.s32 $0x7980;
	s6 =	simm.s32 @!p2 $0x3  }
0xf1: {  	[spmem:s3] =	stream.indirect.scatter.add.f32 [tilespmem:s25], [sflag:$0x5], $0x10, s20, s28, $0xb8;
	[tilespmem:$0x1FB60] =	vst v63  }
0xf2: {  	_ =	swait.ge @!p2 [sflag:s6], $0x2000  }
0xf3: {  	s7 =	simm.s32 @!p2 $0x5100;
	[sflag:s6] =	ssyncset.done @!p2 $0x0  }
0xf4: {  	s9 =	simm.s32 @!p2 $0xA210;
	[sflag:s6] =	ssyncadd.s32 @!p2 $0xFFFFE000;
	s6 =	simm.s32 @!p2 $0x80  }
0xf5: {  	[tilespmem:s9], [sflag:$0x1] =	stream.indirect.gather @!p2 [hbm4b:s1+s6], $0x40, s7, s6, $0xb8;
	[tilespmem:$0x1FB60] =	vst v63  }
.Ltmp5:
0xf6: {  	_ = 	snop;
	(pc) =	sbr.rel @p2 .LBB2_10-.Ltmp5, $4  }
0xf7: {  	_ =	swait.ge [sflag:s15], $0x2000  }
0xf8: {  	[sflag:s15] =	ssyncset.done $0x0  }
0xf9: {  	[sflag:s15] =	ssyncadd.s32 $0xFFFFE000  }
0xfa: {  	[spmem:s2] =	stream.indirect.scatter.add.f32 [tilespmem:s8], [sflag:$0x4], $0x40, s20, s28, $0xb8;
	[tilespmem:$0x1FB60] =	vst v63  }
0xfb: {  	_ =	swait.ge [sflag:s17], $0x2000  }
0xfc: {  	[sflag:s17] =	ssyncset.done $0x0  }
0xfd: {  	s6 =	simm.s32 $0x5180;
	[sflag:s17] =	ssyncadd.s32 $0xFFFFE000  }
0xfe: {  	[tilespmem:s8], [sflag:$0x2] =	stream.indirect.gather [hbm4b:s1+s28], $0x40, s6, s28, $0xb8;
	[tilespmem:$0x1FB60] =	vst v63  }
0xff: {  	_ =	swait.ge [sflag:s31], $0x2000  }
0x100: {  	p2 =	por $0x1, $0x1;
	[sflag:s31] =	ssyncset.done $0x0  }
0x101: {  	s20 =	simm.s32 $0x7A00;
	s7 =	simm.s32 @!p2 $0x5;
	[sflag:s31] =	ssyncadd.s32 $0xFFFFE000  }
0x102: {  	[spmem:s2] =	stream.indirect.scatter.add.f32 [tilespmem:s5], [sflag:$0x3], $0x40, s20, s28, $0xb8;
	[tilespmem:$0x1FB60] =	vst v63  }
0x103: {  	_ =	swait.ge @!p2 [sflag:s7], $0x800  }
0x104: {  	[sflag:s7] =	ssyncset.done @!p2 $0x0  }
0x105: {  	[sflag:s7] =	ssyncadd.s32 @!p2 $0xFFFFF800  }
0x106: {  	_ =	swait.ge @!p2 [sflag:s7], $0x800  }
0x107: {  	[sflag:s7] =	ssyncset.done @!p2 $0x0  }
0x108: {  	[sflag:s7] =	ssyncadd.s32 @!p2 $0xFFFFF800;
	p2 =	sle.s32 s23, $0x1  }
0x109: {  	[spmem:s3] =	stream.indirect.scatter.add.f32 [tilespmem:s25], [sflag:$0x5], $0x10, s20, s28, $0xb8;
	[tilespmem:$0x1FB60] =	vst v63  }
0x10a: {  	s9 =	simm.s32 $0x7A80;
	s6 =	simm.s32 @!p2 $0x3  }
0x10b: {  	[spmem:s3] =	stream.indirect.scatter.add.f32 [tilespmem:s25], [sflag:$0x5], $0x10, s9, s28, $0xb8;
	[tilespmem:$0x1FB60] =	vst v63  }
0x10c: {  	_ =	swait.ge @!p2 [sflag:s6], $0x2000  }
0x10d: {  	s20 =	simm.s32 $0x5200;
	[sflag:s6] =	ssyncset.done @!p2 $0x0  }
0x10e: {  	s7 =	simm.s32 @!p2 $0xA210;
	s14 =	simm.s32 @!p2 $0x80;
	[sflag:s6] =	ssyncadd.s32 @!p2 $0xFFFFE000  }
0x10f: {  	[tilespmem:s7], [sflag:$0x1] =	stream.indirect.gather @!p2 [hbm4b:s1+s14], $0x40, s20, s14, $0xb8;
	[tilespmem:$0x1FB60] =	vst v63  }
0x110: {  	p2 =	sne.s32 s22, $0x2  }
.Ltmp6:
0x111: {  	_ = 	snop;
	(pc) =	sbr.rel @!p2 .LBB2_9-.Ltmp6, $3  }
0x112: {  	_ =	sdelay $0x1  }
0x113: {  	_ =	swait.ge [sflag:s15], $0x2000  }
0x114: {  	s14 =	simm.s32 $0x2;
	s7 =	simm.s32 $0x7B00;
	[sflag:s15] =	ssyncset.done $0x0  }
.LBB2_8:
0x115: {  	[sflag:s15] =	ssyncadd.s32 $0xFFFFE000  }
0x116: {  	s20 =	sadd.s32 $0x100, s20;
	s6 =	smov.u32 s14;
	s14 =	sadd.s32 $0x1, s14  }
0x117: {  	[spmem:s2] =	stream.indirect.scatter.add.f32 [tilespmem:s8], [sflag:$0x4], $0x40, s9, s28, $0xb8;
	[tilespmem:$0x1FB60] =	vst v63  }
0x118: {  	p2 =	sne.s32 s22, s14;
	_ =	swait.ge [sflag:s17], $0x2000  }
0x119: {  	s9 =	sadd.s32 $0xFFFFFF80, s20;
	[sflag:s17] =	ssyncset.done $0x0  }
0x11a: {  	[sflag:s17] =	ssyncadd.s32 $0xFFFFE000  }
0x11b: {  	[tilespmem:s8], [sflag:$0x2] =	stream.indirect.gather [hbm4b:s1+s28], $0x40, s9, s28, $0xb8;
	[tilespmem:$0x1FB60] =	vst v63  }
0x11c: {  	_ =	swait.ge [sflag:s31], $0x2000  }
0x11d: {  	p3 =	slt.u32 s6, $0x4;
	[sflag:s31] =	ssyncset.done $0x0  }
0x11e: {  	s9 =	simm.s32 @!p3 $0x5;
	[sflag:s31] =	ssyncadd.s32 $0xFFFFE000  }
0x11f: {  	[spmem:s2] =	stream.indirect.scatter.add.f32 [tilespmem:s5], [sflag:$0x3], $0x40, s7, s28, $0xb8;
	[tilespmem:$0x1FB60] =	vst v63  }
0x120: {  	_ =	swait.ge @!p3 [sflag:s9], $0x800  }
0x121: {  	[sflag:s9] =	ssyncset.done @!p3 $0x0  }
0x122: {  	[sflag:s9] =	ssyncadd.s32 @!p3 $0xFFFFF800  }
0x123: {  	_ =	swait.ge @!p3 [sflag:s9], $0x800  }
0x124: {  	[sflag:s9] =	ssyncset.done @!p3 $0x0  }
0x125: {  	[sflag:s9] =	ssyncadd.s32 @!p3 $0xFFFFF800;
	s9 =	sadd.s32 $0x80, s7;
	p3 =	sge.s32 s6, s23  }
0x126: {  	[spmem:s3] =	stream.indirect.scatter.add.f32 [tilespmem:s25], [sflag:$0x5], $0x10, s7, s28, $0xb8;
	[tilespmem:$0x1FB60] =	vst v63  }
0x127: {  	s6 =	simm.s32 @!p3 $0x3  }
0x128: {  	[spmem:s3] =	stream.indirect.scatter.add.f32 [tilespmem:s25], [sflag:$0x5], $0x10, s9, s28, $0xb8;
	[tilespmem:$0x1FB60] =	vst v63  }
0x129: {  	s13 =	simm.s32 @!p3 $0xA210;
	_ =	swait.ge @!p3 [sflag:s6], $0x2000  }
.Ltmp7:
0x12a: {  	s0 =	simm.s32 @!p3 $0x80;
	[sflag:s6] =	ssyncset.done @!p3 $0x0;
	(pc) =	sbr.rel @p2 .LBB2_8-.Ltmp7, $4  }
0x12b: {  	[sflag:s6] =	ssyncadd.s32 @!p3 $0xFFFFE000  }
0x12c: {  	[tilespmem:s13], [sflag:$0x1] =	stream.indirect.gather @!p3 [hbm4b:s1+s0], $0x40, s20, s0, $0xb8;
	[tilespmem:$0x1FB60] =	vst v63  }
0x12d: {  	_ =	swait.ge [sflag:s15], $0x2000  }
0x12e: {  	s7 =	sadd.s32 $0x100, s7;
	[sflag:s15] =	ssyncset.done $0x0  }
.LBB2_9:
0x12f: {  	[sflag:s15] =	ssyncadd.s32 $0xFFFFE000;
	s13 =	simm.s32 $0x13810  }
0x130: {  	[spmem:s2] =	stream.indirect.scatter.add.f32 [tilespmem:s8], [sflag:$0x4], $0x40, s9, s28, $0xb8;
	[tilespmem:$0x1FB60] =	vst v63  }
.LBB2_10:
0x131: {  	_ =	swait.ge [sflag:s16], $0x2000  }
0x132: {  	[sflag:s16] =	ssyncset.done $0x0  }
0x133: {  	[sflag:s16] =	ssyncadd.s32 $0xFFFFE000  }
0x134: {  	_ =	swait.ge [sflag:s17], $0x2000  }
0x135: {  	[sflag:s17] =	ssyncset.done $0x0  }
0x136: {  	[sflag:s17] =	ssyncadd.s32 $0xFFFFE000  }
.LBB2_11:
0x137: {  	s6 =	sshra.s32 s24, $0x7  }
0x138: {  	p2 =	sgt.s32 s6, $0x8;
	s7 =	smov.u32 s6  }
0x139: {  	s7 =	simm.s32 @!p2 $0x8  }
0x13a: {  	s0 =	sadd.s32 $0xFFFFFFF8, s7  }
0x13b: {  	p2 =	sge.s32 s0, s6  }
.Ltmp8:
0x13c: {  	_ = 	snop;
	(pc) =	sbr.rel @p2 .LBB2_15-.Ltmp8, $1  }
0x13d: {  	_ =	sdelay $0x3  }
0x13e: {  	s0 =	ssub.s32 s7, s6  }
0x13f: {  	s0 =	sadd.s32 $0xFFFFFFF8, s0  }
0x140: {  	s7 =	sadd.s32 $0x1, s0  }
0x141: {  	p2 =	seq.s32 s7, $0x0  }
.Ltmp9:
0x142: {  	_ = 	snop;
	(pc) =	sbr.rel @p2 .LBB2_14-.Ltmp9, $3  }
0x143: {  	_ =	sdelay $0x1  }
0x144: {  	_ =	swait.ge [sflag:s18], $0x800  }
0x145: {  	[sflag:s18] =	ssyncset.done $0x0  }
.LBB2_13:
0x146: {  	s7 =	sadd.s32 $0x1, s7  }
0x147: {  	[sflag:s18] =	ssyncadd.s32 $0xFFFFF800;
	p2 =	seq.s32 s7, $0x0  }
.Ltmp10:
0x148: {  	(pc) =	sbr.rel @!p2 .LBB2_13-.Ltmp10, $3  }
0x149: {  	_ =	sdelay $0x1  }
0x14a: {  	_ =	swait.ge [sflag:s18], $0x800  }
0x14b: {  	[sflag:s18] =	ssyncset.done $0x0  }
.LBB2_14:
0x14c: {  	[sflag:s18] =	ssyncadd.s32 $0xFFFFF800  }
.LBB2_15:
0x14d: {  	[bflag:$0x0] =	sbarrier.arrive $0xFFFF  }
0x14e: {  	[tilespmem:s19], [sflag:$0x6] =	stream.linear.gather [spmem:s10], $0x4E00, $0x38;
	[tilespmem:$0x1FB60] =	vst v63  }
0x14f: {  	_ =	swait.ge [sflag:s26], $0x4E00  }
0x150: {  	[sflag:s26] =	ssyncset.done $0x0  }
0x151: {  	s0 =	rddreg [dreg:$0xb];
	[sflag:s26] =	ssyncadd.s32 $0xFFFFB200  }
0x152: {  	[hbm4b:s0+s4] =	stream.linear.scatter [tilespmem:s19], [sflag:$0x6], $0x4E00, $0x38;
	[tilespmem:$0x1FB60] =	vst v63  }
0x153: {  	_ =	swait.ge [sflag:s26], $0x4E00  }
0x154: {  	[sflag:s26] =	ssyncset.done $0x0  }
0x155: {  	s6 =	simm.s32 @!p0 $0x6;
	s0 =	simm.s32 @!p0 $0xEA10;
	[sflag:s26] =	ssyncadd.s32 $0xFFFFB200  }
0x156: {  	[tilespmem:s0], [sflag:$0x6] =	stream.linear.gather @!p0 [spmem:s11], $0x200, $0x38;
	[tilespmem:$0x1FB60] =	vst v63  }
0x157: {  	_ =	swait.ge @!p0 [sflag:s6], $0x200  }
0x158: {  	[sflag:s6] =	ssyncset.done @!p0 $0x0  }
0x159: {  	s7 =	simm.s32 @!p0 $0x0;
	s9 =	rddreg [dreg:$0xc];
	[sflag:s6] =	ssyncadd.s32 @!p0 $0xFFFFFE00  }
0x15a: {  	[hbm4b:s9+s7] =	stream.linear.scatter @!p0 [tilespmem:s0], [sflag:$0x6], $0x200, $0x38;
	[tilespmem:$0x1FB60] =	vst v63  }
0x15b: {  	_ =	swait.ge @!p0 [sflag:s6], $0x200  }
0x15c: {  	[sflag:s6] =	ssyncset.done @!p0 $0x0  }
0x15d: {  	s14 =	simm.s32 $0x18610;
	[sflag:s6] =	ssyncadd.s32 @!p0 $0xFFFFFE00  }
0x15e: {  	[tilespmem:s14], [sflag:$0x6] =	stream.linear.gather [spmem:s12], $0x1380, $0x38;
	[tilespmem:$0x1FB60] =	vst v63  }
0x15f: {  	_ =	swait.ge [sflag:s26], $0x1380  }
0x160: {  	[sflag:s26] =	ssyncset.done $0x0  }
0x161: {  	s20 =	rddreg [dreg:$0xd];
	[sflag:s26] =	ssyncadd.s32 $0xFFFFEC80  }
0x162: {  	[hbm4b:s20+s4] =	stream.linear.scatter [tilespmem:s14], [sflag:$0x6], $0x1380, $0x38;
	[tilespmem:$0x1FB60] =	vst v63  }
0x163: {  	_ =	swait.ge [sflag:s26], $0x1380  }
0x164: {  	[sflag:s26] =	ssyncset.done $0x0  }
0x165: {  	s0 =	simm.s32 @!p0 $0x18610;
	s9 =	rddreg [dreg:$0xa];
	[sflag:s26] =	ssyncadd.s32 $0xFFFFEC80  }
0x166: {  	[tilespmem:s0], [sflag:$0x6] =	stream.linear.gather @!p0 [spmem:s9], $0x80, $0x38;
	[tilespmem:$0x1FB60] =	vst v63  }
0x167: {  	_ =	swait.ge @!p0 [sflag:s6], $0x80  }
0x168: {  	[sflag:s6] =	ssyncset.done @!p0 $0x0  }
0x169: {  	s9 =	rddreg [dreg:$0xe];
	[sflag:s6] =	ssyncadd.s32 @!p0 $0xFFFFFF80  }
0x16a: {  	[hbm4b:s9+s7] =	stream.linear.scatter @!p0 [tilespmem:s0], [sflag:$0x6], $0x80, $0x38;
	[tilespmem:$0x1FB60] =	vst v63  }
0x16b: {  	_ =	swait.ge @!p0 [sflag:s6], $0x80  }
0x16c: {  	[sflag:s6] =	ssyncset.done @!p0 $0x0  }
0x16d: {  	s7 =	simm.s32 $0x0;
	[sflag:s6] =	ssyncadd.s32 @!p0 $0xFFFFFF80;
	s6 =	simm.s32 $0x40  }
.LBB2_16:
0x16e: {  	p2 =	sne.s32 s6, $0xA3C0;
	v4 =	vld [tilespmem:s7+$0x5000];
	_ =	sdelay $0x1  }
.Ltmp11:
0x16f: {  	(pc) =	sbr.rel @p2 .LBB2_16-.Ltmp11, $3  }
0x170: {  	_ =	sdelay $0x1  }
0x171: {  	v4 =	vadd.s32 $0x2710, v4  }
0x172: {  	[tilespmem:s7+$0x5000] =	vst v4;
	s7 =	sshra.s32 s6, $0x2;
	s6 =	sadd.s32 $0x40, s6  }
0x173: {  	v4 =	vld [tilespmem:s7+$0x5000];
	_ =	sdelay $0x4  }
0x174: {  	v4 =	vadd.s32 $0x2710, v4  }
0x175: {  	[tilespmem:s7+$0x5000] =	vst v4  }
0x176: {  	[spmem:s10] =	stream.linear.scatter [tilespmem:s13], [sflag:$0x6], $0x4E00, $0x38;
	[tilespmem:$0x1FB60] =	vst v63  }
0x177: {  	_ =	swait.ge [sflag:s26], $0x4E00  }
0x178: {  	[sflag:s26] =	ssyncset.done $0x0  }
0x179: {  	s0 =	simm.s32 @!p0 $0x13810;
	s20 =	simm.s32 @!p0 $0x6;
	[sflag:s26] =	ssyncadd.s32 $0xFFFFB200  }
0x17a: {  	[spmem:s11] =	stream.linear.scatter @!p0 [tilespmem:s0], [sflag:$0x6], $0x200, $0x38;
	[tilespmem:$0x1FB60] =	vst v63  }
.Ltmp12:
0x17b: {  	_ =	swait.ge @!p0 [sflag:s20], $0x200;
	(pc) =	sbr.rel @p1 .LBB2_23-.Ltmp12, $3  }
0x17c: {  	[sflag:s20] =	ssyncset.done @!p0 $0x0  }
0x17d: {  	[sflag:s20] =	ssyncadd.s32 @!p0 $0xFFFFFE00  }
0x17e: {  	[bflag:$0x0] =	sbarrier.arrive $0xFFFF;
	_ =	sdelay $0x1  }
0x17f: {  	[tilespmem:s5], [sflag:$0x1] =	stream.indirect.gather [hbm4b:s1+s28], $0x40, s30, s28, $0xb8;
	[tilespmem:$0x1FB60] =	vst v63  }
0x180: {  	s0 =	simm.s32 $0x5080  }
0x181: {  	[tilespmem:s8], [sflag:$0x2] =	stream.indirect.gather [hbm4b:s1+s28], $0x40, s0, s28, $0xb8;
	[tilespmem:$0x1FB60] =	vst v63  }
0x182: {  	_ =	swait.ge [sflag:s31], $0x2000  }
0x183: {  	p2 =	seq.s32 s24, $0x100;
	[sflag:s31] =	ssyncset.done $0x0  }
0x184: {  	s0 =	simm.s32 @!p2 $0x3;
	[sflag:s31] =	ssyncadd.s32 $0xFFFFE000  }
0x185: {  	[spmem:s2] =	stream.indirect.scatter.add.f32 [tilespmem:s5], [sflag:$0x3], $0x40, s29, s28, $0xb8;
	[tilespmem:$0x1FB60] =	vst v63  }
0x186: {  	_ =	swait.ge @!p2 [sflag:s0], $0x2000  }
0x187: {  	s6 =	simm.s32 @!p2 $0x5100;
	[sflag:s0] =	ssyncset.done @!p2 $0x0  }
0x188: {  	s7 =	simm.s32 @!p2 $0xA210;
	[sflag:s0] =	ssyncadd.s32 @!p2 $0xFFFFE000;
	s0 =	simm.s32 @!p2 $0x80  }
0x189: {  	[tilespmem:s7], [sflag:$0x1] =	stream.indirect.gather @!p2 [hbm4b:s1+s0], $0x40, s6, s0, $0xb8;
	[tilespmem:$0x1FB60] =	vst v63  }
.Ltmp13:
0x18a: {  	_ = 	snop;
	(pc) =	sbr.rel @p2 .LBB2_22-.Ltmp13, $4  }
0x18b: {  	_ =	swait.ge [sflag:s15], $0x2000  }
0x18c: {  	[sflag:s15] =	ssyncset.done $0x0  }
0x18d: {  	s14 =	simm.s32 $0x7980;
	[sflag:s15] =	ssyncadd.s32 $0xFFFFE000  }
0x18e: {  	[spmem:s2] =	stream.indirect.scatter.add.f32 [tilespmem:s8], [sflag:$0x4], $0x40, s14, s28, $0xb8;
	[tilespmem:$0x1FB60] =	vst v63  }
0x18f: {  	_ =	swait.ge [sflag:s17], $0x2000  }
0x190: {  	[sflag:s17] =	ssyncset.done $0x0  }
0x191: {  	s0 =	simm.s32 $0x5180;
	[sflag:s17] =	ssyncadd.s32 $0xFFFFE000  }
0x192: {  	[tilespmem:s8], [sflag:$0x2] =	stream.indirect.gather [hbm4b:s1+s28], $0x40, s0, s28, $0xb8;
	[tilespmem:$0x1FB60] =	vst v63  }
0x193: {  	_ =	swait.ge [sflag:s31], $0x2000  }
0x194: {  	p2 =	sle.s32 s23, $0x1;
	[sflag:s31] =	ssyncset.done $0x0  }
0x195: {  	s14 =	simm.s32 $0x7A00;
	s6 =	simm.s32 @!p2 $0x3;
	[sflag:s31] =	ssyncadd.s32 $0xFFFFE000  }
0x196: {  	[spmem:s2] =	stream.indirect.scatter.add.f32 [tilespmem:s5], [sflag:$0x3], $0x40, s14, s28, $0xb8;
	[tilespmem:$0x1FB60] =	vst v63  }
0x197: {  	_ =	swait.ge @!p2 [sflag:s6], $0x2000  }
0x198: {  	s7 =	simm.s32 $0x5200;
	[sflag:s6] =	ssyncset.done @!p2 $0x0  }
0x199: {  	s9 =	simm.s32 @!p2 $0x80;
	s0 =	simm.s32 @!p2 $0xA210;
	[sflag:s6] =	ssyncadd.s32 @!p2 $0xFFFFE000  }
0x19a: {  	[tilespmem:s0], [sflag:$0x1] =	stream.indirect.gather @!p2 [hbm4b:s1+s9], $0x40, s7, s9, $0xb8;
	[tilespmem:$0x1FB60] =	vst v63  }
0x19b: {  	p2 =	sne.s32 s22, $0x2  }
.Ltmp14:
0x19c: {  	_ = 	snop;
	(pc) =	sbr.rel @!p2 .LBB2_21-.Ltmp14, $3  }
0x19d: {  	_ =	sdelay $0x1  }
0x19e: {  	s14 =	simm.s32 $0x2;
	_ =	swait.ge [sflag:s15], $0x2000  }
0x19f: {  	s6 =	simm.s32 $0x7A80;
	s9 =	simm.s32 $0x7B00;
	[sflag:s15] =	ssyncset.done $0x0  }
.LBB2_20:
0x1a0: {  	[sflag:s15] =	ssyncadd.s32 $0xFFFFE000  }
0x1a1: {  	s7 =	sadd.s32 $0x100, s7;
	s0 =	smov.u32 s14;
	s14 =	sadd.s32 $0x1, s14  }
0x1a2: {  	[spmem:s2] =	stream.indirect.scatter.add.f32 [tilespmem:s8], [sflag:$0x4], $0x40, s6, s28, $0xb8;
	[tilespmem:$0x1FB60] =	vst v63  }
0x1a3: {  	p2 =	sne.s32 s22, s14;
	_ =	swait.ge [sflag:s17], $0x2000  }
0x1a4: {  	s6 =	sadd.s32 $0xFFFFFF80, s7;
	[sflag:s17] =	ssyncset.done $0x0  }
0x1a5: {  	[sflag:s17] =	ssyncadd.s32 $0xFFFFE000  }
0x1a6: {  	[tilespmem:s8], [sflag:$0x2] =	stream.indirect.gather [hbm4b:s1+s28], $0x40, s6, s28, $0xb8;
	[tilespmem:$0x1FB60] =	vst v63  }
0x1a7: {  	_ =	swait.ge [sflag:s31], $0x2000  }
0x1a8: {  	p3 =	sge.s32 s0, s23;
	[sflag:s31] =	ssyncset.done $0x0  }
0x1a9: {  	s0 =	simm.s32 @!p3 $0x3;
	[sflag:s31] =	ssyncadd.s32 $0xFFFFE000  }
0x1aa: {  	[spmem:s2] =	stream.indirect.scatter.add.f32 [tilespmem:s5], [sflag:$0x3], $0x40, s9, s28, $0xb8;
	[tilespmem:$0x1FB60] =	vst v63  }
0x1ab: {  	s6 =	simm.s32 @!p3 $0xA210;
	_ =	swait.ge @!p3 [sflag:s0], $0x2000  }
.Ltmp15:
0x1ac: {  	s13 =	simm.s32 @!p3 $0x80;
	[sflag:s0] =	ssyncset.done @!p3 $0x0;
	(pc) =	sbr.rel @p2 .LBB2_20-.Ltmp15, $4  }
0x1ad: {  	[sflag:s0] =	ssyncadd.s32 @!p3 $0xFFFFE000  }
0x1ae: {  	[tilespmem:s6], [sflag:$0x1] =	stream.indirect.gather @!p3 [hbm4b:s1+s13], $0x40, s7, s13, $0xb8;
	[tilespmem:$0x1FB60] =	vst v63  }
0x1af: {  	_ =	swait.ge [sflag:s15], $0x2000  }
0x1b0: {  	s6 =	sadd.s32 $0x80, s9;
	s9 =	sadd.s32 $0x100, s9;
	[sflag:s15] =	ssyncset.done $0x0  }
.LBB2_21:
0x1b1: {  	[sflag:s15] =	ssyncadd.s32 $0xFFFFE000;
	s13 =	simm.s32 $0x13810  }
0x1b2: {  	[spmem:s2] =	stream.indirect.scatter.add.f32 [tilespmem:s8], [sflag:$0x4], $0x40, s6, s28, $0xb8;
	[tilespmem:$0x1FB60] =	vst v63  }
.LBB2_22:
0x1b3: {  	_ =	swait.ge [sflag:s16], $0x2000  }
0x1b4: {  	[sflag:s16] =	ssyncset.done $0x0  }
0x1b5: {  	[sflag:s16] =	ssyncadd.s32 $0xFFFFE000  }
0x1b6: {  	_ =	swait.ge [sflag:s17], $0x2000  }
0x1b7: {  	[sflag:s17] =	ssyncset.done $0x0  }
0x1b8: {  	[sflag:s17] =	ssyncadd.s32 $0xFFFFE000  }
.LBB2_23:
0x1b9: {  	[bflag:$0x0] =	sbarrier.arrive $0xFFFF  }
0x1ba: {  	[tilespmem:s19], [sflag:$0x6] =	stream.linear.gather [spmem:s10], $0x4E00, $0x38;
	[tilespmem:$0x1FB60] =	vst v63  }
0x1bb: {  	_ =	swait.ge [sflag:s26], $0x4E00  }
0x1bc: {  	[sflag:s26] =	ssyncset.done $0x0  }
0x1bd: {  	s0 =	rddreg [dreg:$0xf];
	[sflag:s26] =	ssyncadd.s32 $0xFFFFB200  }
0x1be: {  	[hbm4b:s0+s4] =	stream.linear.scatter [tilespmem:s19], [sflag:$0x6], $0x4E00, $0x38;
	[tilespmem:$0x1FB60] =	vst v63  }
0x1bf: {  	_ =	swait.ge [sflag:s26], $0x4E00  }
0x1c0: {  	[sflag:s26] =	ssyncset.done $0x0  }
0x1c1: {  	s0 =	simm.s32 @!p0 $0xEA10;
	[sflag:s26] =	ssyncadd.s32 $0xFFFFB200  }
0x1c2: {  	[tilespmem:s0], [sflag:$0x6] =	stream.linear.gather @!p0 [spmem:s11], $0x200, $0x38;
	[tilespmem:$0x1FB60] =	vst v63  }
0x1c3: {  	_ =	swait.ge @!p0 [sflag:s20], $0x200  }
0x1c4: {  	[sflag:s20] =	ssyncset.done @!p0 $0x0  }
0x1c5: {  	s6 =	simm.s32 @!p0 $0x0;
	s7 =	rddreg [dreg:$0x10];
	[sflag:s20] =	ssyncadd.s32 @!p0 $0xFFFFFE00  }
0x1c6: {  	[hbm4b:s7+s6] =	stream.linear.scatter @!p0 [tilespmem:s0], [sflag:$0x6], $0x200, $0x38;
	[tilespmem:$0x1FB60] =	vst v63  }
0x1c7: {  	_ =	swait.ge @!p0 [sflag:s20], $0x200  }
0x1c8: {  	[sflag:s20] =	ssyncset.done @!p0 $0x0  }
0x1c9: {  	s7 =	simm.s32 $0x0;
	s6 =	simm.s32 $0x40;
	[sflag:s20] =	ssyncadd.s32 @!p0 $0xFFFFFE00  }
.LBB2_24:
0x1ca: {  	p2 =	sne.s32 s6, $0xA3C0;
	v4 =	vld [tilespmem:s7+$0x5000];
	_ =	sdelay $0x1  }
.Ltmp16:
0x1cb: {  	(pc) =	sbr.rel @p2 .LBB2_24-.Ltmp16, $3  }
0x1cc: {  	_ =	sdelay $0x1  }
0x1cd: {  	v4 =	vadd.s32 $0x2710, v4  }
0x1ce: {  	[tilespmem:s7+$0x5000] =	vst v4;
	s7 =	sshra.s32 s6, $0x2;
	s6 =	sadd.s32 $0x40, s6  }
0x1cf: {  	v4 =	vld [tilespmem:s7+$0x5000];
	_ =	sdelay $0x4  }
0x1d0: {  	v4 =	vadd.s32 $0x2710, v4  }
0x1d1: {  	[tilespmem:s7+$0x5000] =	vst v4  }
0x1d2: {  	[spmem:s10] =	stream.linear.scatter [tilespmem:s13], [sflag:$0x6], $0x4E00, $0x38;
	[tilespmem:$0x1FB60] =	vst v63  }
0x1d3: {  	_ =	swait.ge [sflag:s26], $0x4E00  }
0x1d4: {  	[sflag:s26] =	ssyncset.done $0x0  }
0x1d5: {  	s0 =	simm.s32 @!p0 $0x13810;
	s20 =	simm.s32 @!p0 $0x6;
	[sflag:s26] =	ssyncadd.s32 $0xFFFFB200  }
0x1d6: {  	[spmem:s11] =	stream.linear.scatter @!p0 [tilespmem:s0], [sflag:$0x6], $0x200, $0x38;
	[tilespmem:$0x1FB60] =	vst v63  }
.Ltmp17:
0x1d7: {  	_ =	swait.ge @!p0 [sflag:s20], $0x200;
	(pc) =	sbr.rel @p1 .LBB2_31-.Ltmp17, $3  }
0x1d8: {  	[sflag:s20] =	ssyncset.done @!p0 $0x0  }
0x1d9: {  	[sflag:s20] =	ssyncadd.s32 @!p0 $0xFFFFFE00  }
0x1da: {  	[bflag:$0x0] =	sbarrier.arrive $0xFFFF;
	_ =	sdelay $0x1  }
0x1db: {  	[tilespmem:s5], [sflag:$0x1] =	stream.indirect.gather [hbm4b:s1+s28], $0x40, s30, s28, $0xb8;
	[tilespmem:$0x1FB60] =	vst v63  }
0x1dc: {  	s0 =	simm.s32 $0x5080  }
0x1dd: {  	[tilespmem:s8], [sflag:$0x2] =	stream.indirect.gather [hbm4b:s1+s28], $0x40, s0, s28, $0xb8;
	[tilespmem:$0x1FB60] =	vst v63  }
0x1de: {  	_ =	swait.ge [sflag:s31], $0x2000  }
0x1df: {  	p2 =	seq.s32 s24, $0x100;
	[sflag:s31] =	ssyncset.done $0x0  }
0x1e0: {  	s0 =	simm.s32 @!p2 $0x3;
	[sflag:s31] =	ssyncadd.s32 $0xFFFFE000  }
0x1e1: {  	[spmem:s2] =	stream.indirect.scatter.add.f32 [tilespmem:s5], [sflag:$0x3], $0x40, s29, s28, $0xb8;
	[tilespmem:$0x1FB60] =	vst v63  }
0x1e2: {  	_ =	swait.ge @!p2 [sflag:s0], $0x2000  }
0x1e3: {  	s6 =	simm.s32 @!p2 $0x5100;
	[sflag:s0] =	ssyncset.done @!p2 $0x0  }
0x1e4: {  	s7 =	simm.s32 @!p2 $0xA210;
	[sflag:s0] =	ssyncadd.s32 @!p2 $0xFFFFE000;
	s0 =	simm.s32 @!p2 $0x80  }
0x1e5: {  	[tilespmem:s7], [sflag:$0x1] =	stream.indirect.gather @!p2 [hbm4b:s1+s0], $0x40, s6, s0, $0xb8;
	[tilespmem:$0x1FB60] =	vst v63  }
.Ltmp18:
0x1e6: {  	_ = 	snop;
	(pc) =	sbr.rel @p2 .LBB2_30-.Ltmp18, $4  }
0x1e7: {  	_ =	swait.ge [sflag:s15], $0x2000  }
0x1e8: {  	[sflag:s15] =	ssyncset.done $0x0  }
0x1e9: {  	s14 =	simm.s32 $0x7980;
	[sflag:s15] =	ssyncadd.s32 $0xFFFFE000  }
0x1ea: {  	[spmem:s2] =	stream.indirect.scatter.add.f32 [tilespmem:s8], [sflag:$0x4], $0x40, s14, s28, $0xb8;
	[tilespmem:$0x1FB60] =	vst v63  }
0x1eb: {  	_ =	swait.ge [sflag:s17], $0x2000  }
0x1ec: {  	[sflag:s17] =	ssyncset.done $0x0  }
0x1ed: {  	s0 =	simm.s32 $0x5180;
	[sflag:s17] =	ssyncadd.s32 $0xFFFFE000  }
0x1ee: {  	[tilespmem:s8], [sflag:$0x2] =	stream.indirect.gather [hbm4b:s1+s28], $0x40, s0, s28, $0xb8;
	[tilespmem:$0x1FB60] =	vst v63  }
0x1ef: {  	_ =	swait.ge [sflag:s31], $0x2000  }
0x1f0: {  	p2 =	sle.s32 s23, $0x1;
	[sflag:s31] =	ssyncset.done $0x0  }
0x1f1: {  	s14 =	simm.s32 $0x7A00;
	s6 =	simm.s32 @!p2 $0x3;
	[sflag:s31] =	ssyncadd.s32 $0xFFFFE000  }
0x1f2: {  	[spmem:s2] =	stream.indirect.scatter.add.f32 [tilespmem:s5], [sflag:$0x3], $0x40, s14, s28, $0xb8;
	[tilespmem:$0x1FB60] =	vst v63  }
0x1f3: {  	_ =	swait.ge @!p2 [sflag:s6], $0x2000  }
0x1f4: {  	s7 =	simm.s32 $0x5200;
	[sflag:s6] =	ssyncset.done @!p2 $0x0  }
0x1f5: {  	s9 =	simm.s32 @!p2 $0x80;
	s0 =	simm.s32 @!p2 $0xA210;
	[sflag:s6] =	ssyncadd.s32 @!p2 $0xFFFFE000  }
0x1f6: {  	[tilespmem:s0], [sflag:$0x1] =	stream.indirect.gather @!p2 [hbm4b:s1+s9], $0x40, s7, s9, $0xb8;
	[tilespmem:$0x1FB60] =	vst v63  }
0x1f7: {  	p2 =	sne.s32 s22, $0x2  }
.Ltmp19:
0x1f8: {  	_ = 	snop;
	(pc) =	sbr.rel @!p2 .LBB2_29-.Ltmp19, $3  }
0x1f9: {  	_ =	sdelay $0x1  }
0x1fa: {  	s14 =	simm.s32 $0x2;
	_ =	swait.ge [sflag:s15], $0x2000  }
0x1fb: {  	s6 =	simm.s32 $0x7A80;
	s9 =	simm.s32 $0x7B00;
	[sflag:s15] =	ssyncset.done $0x0  }
.LBB2_28:
0x1fc: {  	[sflag:s15] =	ssyncadd.s32 $0xFFFFE000  }
0x1fd: {  	s7 =	sadd.s32 $0x100, s7;
	s0 =	smov.u32 s14;
	s14 =	sadd.s32 $0x1, s14  }
0x1fe: {  	[spmem:s2] =	stream.indirect.scatter.add.f32 [tilespmem:s8], [sflag:$0x4], $0x40, s6, s28, $0xb8;
	[tilespmem:$0x1FB60] =	vst v63  }
0x1ff: {  	p2 =	sne.s32 s22, s14;
	_ =	swait.ge [sflag:s17], $0x2000  }
0x200: {  	s6 =	sadd.s32 $0xFFFFFF80, s7;
	[sflag:s17] =	ssyncset.done $0x0  }
0x201: {  	[sflag:s17] =	ssyncadd.s32 $0xFFFFE000  }
0x202: {  	[tilespmem:s8], [sflag:$0x2] =	stream.indirect.gather [hbm4b:s1+s28], $0x40, s6, s28, $0xb8;
	[tilespmem:$0x1FB60] =	vst v63  }
0x203: {  	_ =	swait.ge [sflag:s31], $0x2000  }
0x204: {  	p3 =	sge.s32 s0, s23;
	[sflag:s31] =	ssyncset.done $0x0  }
0x205: {  	s0 =	simm.s32 @!p3 $0x3;
	[sflag:s31] =	ssyncadd.s32 $0xFFFFE000  }
0x206: {  	[spmem:s2] =	stream.indirect.scatter.add.f32 [tilespmem:s5], [sflag:$0x3], $0x40, s9, s28, $0xb8;
	[tilespmem:$0x1FB60] =	vst v63  }
0x207: {  	s6 =	simm.s32 @!p3 $0xA210;
	_ =	swait.ge @!p3 [sflag:s0], $0x2000  }
.Ltmp20:
0x208: {  	s13 =	simm.s32 @!p3 $0x80;
	[sflag:s0] =	ssyncset.done @!p3 $0x0;
	(pc) =	sbr.rel @p2 .LBB2_28-.Ltmp20, $4  }
0x209: {  	[sflag:s0] =	ssyncadd.s32 @!p3 $0xFFFFE000  }
0x20a: {  	[tilespmem:s6], [sflag:$0x1] =	stream.indirect.gather @!p3 [hbm4b:s1+s13], $0x40, s7, s13, $0xb8;
	[tilespmem:$0x1FB60] =	vst v63  }
0x20b: {  	_ =	swait.ge [sflag:s15], $0x2000  }
0x20c: {  	s6 =	sadd.s32 $0x80, s9;
	s9 =	sadd.s32 $0x100, s9;
	[sflag:s15] =	ssyncset.done $0x0  }
.LBB2_29:
0x20d: {  	[sflag:s15] =	ssyncadd.s32 $0xFFFFE000;
	s13 =	simm.s32 $0x13810  }
0x20e: {  	[spmem:s2] =	stream.indirect.scatter.add.f32 [tilespmem:s8], [sflag:$0x4], $0x40, s6, s28, $0xb8;
	[tilespmem:$0x1FB60] =	vst v63  }
.LBB2_30:
0x20f: {  	_ =	swait.ge [sflag:s16], $0x2000  }
0x210: {  	[sflag:s16] =	ssyncset.done $0x0  }
0x211: {  	[sflag:s16] =	ssyncadd.s32 $0xFFFFE000  }
0x212: {  	_ =	swait.ge [sflag:s17], $0x2000  }
0x213: {  	[sflag:s17] =	ssyncset.done $0x0  }
0x214: {  	[sflag:s17] =	ssyncadd.s32 $0xFFFFE000  }
.LBB2_31:
0x215: {  	[bflag:$0x0] =	sbarrier.arrive $0xFFFF  }
0x216: {  	[tilespmem:s19], [sflag:$0x6] =	stream.linear.gather [spmem:s10], $0x4E00, $0x38;
	[tilespmem:$0x1FB60] =	vst v63  }
0x217: {  	_ =	swait.ge [sflag:s26], $0x4E00  }
0x218: {  	[sflag:s26] =	ssyncset.done $0x0  }
0x219: {  	s0 =	rddreg [dreg:$0x11];
	[sflag:s26] =	ssyncadd.s32 $0xFFFFB200  }
0x21a: {  	[hbm4b:s0+s4] =	stream.linear.scatter [tilespmem:s19], [sflag:$0x6], $0x4E00, $0x38;
	[tilespmem:$0x1FB60] =	vst v63  }
0x21b: {  	_ =	swait.ge [sflag:s26], $0x4E00  }
0x21c: {  	[sflag:s26] =	ssyncset.done $0x0  }
0x21d: {  	s0 =	simm.s32 @!p0 $0xEA10;
	[sflag:s26] =	ssyncadd.s32 $0xFFFFB200  }
0x21e: {  	[tilespmem:s0], [sflag:$0x6] =	stream.linear.gather @!p0 [spmem:s11], $0x200, $0x38;
	[tilespmem:$0x1FB60] =	vst v63  }
0x21f: {  	_ =	swait.ge @!p0 [sflag:s20], $0x200  }
0x220: {  	[sflag:s20] =	ssyncset.done @!p0 $0x0  }
0x221: {  	s6 =	simm.s32 @!p0 $0x0;
	s7 =	rddreg [dreg:$0x12];
	[sflag:s20] =	ssyncadd.s32 @!p0 $0xFFFFFE00  }
0x222: {  	[hbm4b:s7+s6] =	stream.linear.scatter @!p0 [tilespmem:s0], [sflag:$0x6], $0x200, $0x38;
	[tilespmem:$0x1FB60] =	vst v63  }
0x223: {  	_ =	swait.ge @!p0 [sflag:s20], $0x200  }
0x224: {  	[sflag:s20] =	ssyncset.done @!p0 $0x0  }
0x225: {  	s7 =	simm.s32 $0x0;
	s6 =	simm.s32 $0x40;
	[sflag:s20] =	ssyncadd.s32 @!p0 $0xFFFFFE00  }
.LBB2_32:
0x226: {  	p2 =	sne.s32 s6, $0xA3C0;
	v4 =	vld [tilespmem:s7+$0x5000];
	_ =	sdelay $0x1  }
.Ltmp21:
0x227: {  	(pc) =	sbr.rel @p2 .LBB2_32-.Ltmp21, $3  }
0x228: {  	_ =	sdelay $0x1  }
0x229: {  	v4 =	vadd.s32 $0x2710, v4  }
0x22a: {  	[tilespmem:s7+$0x5000] =	vst v4;
	s7 =	sshra.s32 s6, $0x2;
	s6 =	sadd.s32 $0x40, s6  }
0x22b: {  	v4 =	vld [tilespmem:s7+$0x5000];
	_ =	sdelay $0x4  }
0x22c: {  	v4 =	vadd.s32 $0x2710, v4  }
0x22d: {  	[tilespmem:s7+$0x5000] =	vst v4  }
0x22e: {  	[spmem:s10] =	stream.linear.scatter [tilespmem:s13], [sflag:$0x6], $0x4E00, $0x38;
	[tilespmem:$0x1FB60] =	vst v63  }
0x22f: {  	_ =	swait.ge [sflag:s26], $0x4E00  }
0x230: {  	[sflag:s26] =	ssyncset.done $0x0  }
0x231: {  	s0 =	simm.s32 @!p0 $0x13810;
	s20 =	simm.s32 @!p0 $0x6;
	[sflag:s26] =	ssyncadd.s32 $0xFFFFB200  }
0x232: {  	[spmem:s11] =	stream.linear.scatter @!p0 [tilespmem:s0], [sflag:$0x6], $0x200, $0x38;
	[tilespmem:$0x1FB60] =	vst v63  }
.Ltmp22:
0x233: {  	_ =	swait.ge @!p0 [sflag:s20], $0x200;
	(pc) =	sbr.rel @p1 .LBB2_39-.Ltmp22, $3  }
0x234: {  	[sflag:s20] =	ssyncset.done @!p0 $0x0  }
0x235: {  	[sflag:s20] =	ssyncadd.s32 @!p0 $0xFFFFFE00  }
0x236: {  	[bflag:$0x0] =	sbarrier.arrive $0xFFFF;
	_ =	sdelay $0x1  }
0x237: {  	[tilespmem:s5], [sflag:$0x1] =	stream.indirect.gather [hbm4b:s1+s28], $0x40, s30, s28, $0xb8;
	[tilespmem:$0x1FB60] =	vst v63  }
0x238: {  	s0 =	simm.s32 $0x5080  }
0x239: {  	[tilespmem:s8], [sflag:$0x2] =	stream.indirect.gather [hbm4b:s1+s28], $0x40, s0, s28, $0xb8;
	[tilespmem:$0x1FB60] =	vst v63  }
0x23a: {  	_ =	swait.ge [sflag:s31], $0x2000  }
0x23b: {  	p1 =	seq.s32 s24, $0x100;
	[sflag:s31] =	ssyncset.done $0x0  }
0x23c: {  	s0 =	simm.s32 @!p1 $0x3;
	[sflag:s31] =	ssyncadd.s32 $0xFFFFE000  }
0x23d: {  	[spmem:s2] =	stream.indirect.scatter.add.f32 [tilespmem:s5], [sflag:$0x3], $0x40, s29, s28, $0xb8;
	[tilespmem:$0x1FB60] =	vst v63  }
0x23e: {  	_ =	swait.ge @!p1 [sflag:s0], $0x2000  }
0x23f: {  	s6 =	simm.s32 @!p1 $0x5100;
	[sflag:s0] =	ssyncset.done @!p1 $0x0  }
0x240: {  	s7 =	simm.s32 @!p1 $0xA210;
	[sflag:s0] =	ssyncadd.s32 @!p1 $0xFFFFE000;
	s0 =	simm.s32 @!p1 $0x80  }
0x241: {  	[tilespmem:s7], [sflag:$0x1] =	stream.indirect.gather @!p1 [hbm4b:s1+s0], $0x40, s6, s0, $0xb8;
	[tilespmem:$0x1FB60] =	vst v63  }
.Ltmp23:
0x242: {  	_ = 	snop;
	(pc) =	sbr.rel @p1 .LBB2_38-.Ltmp23, $4  }
0x243: {  	_ =	swait.ge [sflag:s15], $0x2000  }
0x244: {  	[sflag:s15] =	ssyncset.done $0x0  }
0x245: {  	s24 =	simm.s32 $0x7980;
	[sflag:s15] =	ssyncadd.s32 $0xFFFFE000  }
0x246: {  	[spmem:s2] =	stream.indirect.scatter.add.f32 [tilespmem:s8], [sflag:$0x4], $0x40, s24, s28, $0xb8;
	[tilespmem:$0x1FB60] =	vst v63  }
0x247: {  	_ =	swait.ge [sflag:s17], $0x2000  }
0x248: {  	[sflag:s17] =	ssyncset.done $0x0  }
0x249: {  	s0 =	simm.s32 $0x5180;
	[sflag:s17] =	ssyncadd.s32 $0xFFFFE000  }
0x24a: {  	[tilespmem:s8], [sflag:$0x2] =	stream.indirect.gather [hbm4b:s1+s28], $0x40, s0, s28, $0xb8;
	[tilespmem:$0x1FB60] =	vst v63  }
0x24b: {  	_ =	swait.ge [sflag:s31], $0x2000  }
0x24c: {  	p1 =	sle.s32 s23, $0x1;
	[sflag:s31] =	ssyncset.done $0x0  }
0x24d: {  	s24 =	simm.s32 $0x7A00;
	s6 =	simm.s32 @!p1 $0x3;
	[sflag:s31] =	ssyncadd.s32 $0xFFFFE000  }
0x24e: {  	[spmem:s2] =	stream.indirect.scatter.add.f32 [tilespmem:s5], [sflag:$0x3], $0x40, s24, s28, $0xb8;
	[tilespmem:$0x1FB60] =	vst v63  }
0x24f: {  	_ =	swait.ge @!p1 [sflag:s6], $0x2000  }
0x250: {  	s7 =	simm.s32 $0x5200;
	[sflag:s6] =	ssyncset.done @!p1 $0x0  }
0x251: {  	s9 =	simm.s32 @!p1 $0x80;
	s0 =	simm.s32 @!p1 $0xA210;
	[sflag:s6] =	ssyncadd.s32 @!p1 $0xFFFFE000  }
0x252: {  	[tilespmem:s0], [sflag:$0x1] =	stream.indirect.gather @!p1 [hbm4b:s1+s9], $0x40, s7, s9, $0xb8;
	[tilespmem:$0x1FB60] =	vst v63  }
0x253: {  	p1 =	sne.s32 s22, $0x2  }
.Ltmp24:
0x254: {  	_ = 	snop;
	(pc) =	sbr.rel @!p1 .LBB2_37-.Ltmp24, $3  }
0x255: {  	_ =	sdelay $0x1  }
0x256: {  	s14 =	simm.s32 $0x2;
	_ =	swait.ge [sflag:s15], $0x2000  }
0x257: {  	s6 =	simm.s32 $0x7A80;
	s9 =	simm.s32 $0x7B00;
	[sflag:s15] =	ssyncset.done $0x0  }
.LBB2_36:
0x258: {  	[sflag:s15] =	ssyncadd.s32 $0xFFFFE000  }
0x259: {  	s7 =	sadd.s32 $0x100, s7;
	s0 =	smov.u32 s14;
	s14 =	sadd.s32 $0x1, s14  }
0x25a: {  	[spmem:s2] =	stream.indirect.scatter.add.f32 [tilespmem:s8], [sflag:$0x4], $0x40, s6, s28, $0xb8;
	[tilespmem:$0x1FB60] =	vst v63  }
0x25b: {  	p1 =	sne.s32 s22, s14;
	_ =	swait.ge [sflag:s17], $0x2000  }
0x25c: {  	s6 =	sadd.s32 $0xFFFFFF80, s7;
	[sflag:s17] =	ssyncset.done $0x0  }
0x25d: {  	[sflag:s17] =	ssyncadd.s32 $0xFFFFE000  }
0x25e: {  	[tilespmem:s8], [sflag:$0x2] =	stream.indirect.gather [hbm4b:s1+s28], $0x40, s6, s28, $0xb8;
	[tilespmem:$0x1FB60] =	vst v63  }
0x25f: {  	_ =	swait.ge [sflag:s31], $0x2000  }
0x260: {  	p2 =	sge.s32 s0, s23;
	[sflag:s31] =	ssyncset.done $0x0  }
0x261: {  	s0 =	simm.s32 @!p2 $0x3;
	[sflag:s31] =	ssyncadd.s32 $0xFFFFE000  }
0x262: {  	[spmem:s2] =	stream.indirect.scatter.add.f32 [tilespmem:s5], [sflag:$0x3], $0x40, s9, s28, $0xb8;
	[tilespmem:$0x1FB60] =	vst v63  }
0x263: {  	s6 =	simm.s32 @!p2 $0xA210;
	_ =	swait.ge @!p2 [sflag:s0], $0x2000  }
.Ltmp25:
0x264: {  	s13 =	simm.s32 @!p2 $0x80;
	[sflag:s0] =	ssyncset.done @!p2 $0x0;
	(pc) =	sbr.rel @p1 .LBB2_36-.Ltmp25, $4  }
0x265: {  	[sflag:s0] =	ssyncadd.s32 @!p2 $0xFFFFE000  }
0x266: {  	[tilespmem:s6], [sflag:$0x1] =	stream.indirect.gather @!p2 [hbm4b:s1+s13], $0x40, s7, s13, $0xb8;
	[tilespmem:$0x1FB60] =	vst v63  }
0x267: {  	_ =	swait.ge [sflag:s15], $0x2000  }
0x268: {  	s6 =	sadd.s32 $0x80, s9;
	s9 =	sadd.s32 $0x100, s9;
	[sflag:s15] =	ssyncset.done $0x0  }
.Ltmp26:
0x269: {  	_ = 	snop;
	(pc) =	sbr.rel .LBB2_37-.Ltmp26, $1  }
0x26a: {  	_ =	sdelay $0x3  }
.LBB2_40:
0x26b: {  	_ =	sfence.sel $0x180000  }
0x26c: {  	[bflag:$0x0] =	sbarrier.arrive $0xFFFF  }
0x26d: {  	_ =	strace $0x90000047  }
0x26e: {  	[bflag:$0x2] =	sbarrier.arrive $0xFFFF  }
0x26f: {  	s0 =	rddreg [dreg:$0x4]  }
0x270: {  	s0 =	sadd.s32 @!p0 $0x100000, s0  }
0x271: {  	[sflag:s0] =	ssyncadd.tile.s32 @!p0 $0x1;
	_ =	shalt  }
.Lfunc_end2:
_tile_overlayer_lowered:
.L_overlay_start_2:
0x272: {  	(tag) =	ssettag $0x2  }
0x273: {  	s0 =	rddreg [dreg:$0x0];
	s2 =	stileid.u32  }
0x274: {  	s1 =	rddreg [dreg:$0x1];
	p0 =	sne.s32 s2, $0x0  }
0x275: {  	s3 =	rddreg [dreg:$0x2];
	[bflag:$0x3] =	sbarrier.arrive $0xFFFF;
	s2 =	simm.s32 @!p0 $0x1C06  }
0x276: {  	[timem:s3], [sflag:s2] =	dma.local @!p0 [hbm:s0], s1  }
0x277: {  	s0 =	simm.s32 @!p0 $0x6  }
0x278: {  	_ =	swait.ge @!p0 [sflag:s0], s1  }
0x279: {  	s1 =	ssub.s32 @!p0 $0x0, s1;
	[sflag:s0] =	ssyncset.done @!p0 $0x0  }
0x27a: {  	[sflag:s0] =	ssyncadd.s32 @!p0 s1  }
0x27b: {  	[bflag:$0x3] =	sbarrier.arrive $0xFFFF  }
0x27c: {  	_ =	shalt  }

</sc_bundles>
